<compile_context>
chip_gen: v7x
topology: tpu7x:2x2x1
jax: 0.10.2.dev20260603
libtpu: 0.0.44.dev20260713+nightly
codegen_flags: <defaults>
</compile_context>

<pallas_src>
import functools

import jax
import jax.numpy as jnp
from jax import lax
from jax.experimental import pallas as pl
from jax.experimental.pallas import tpu as pltpu
from jax.experimental.pallas import tpu_sc as plsc

N = 50000
E = 1600000
D = 3
H = 32
BN_EPS = 1e-5

CH = 128
NCH = E // CH
NW = 32
BASE_T = NCH // NW
EXTRA_T = NCH % NW
NT2 = (BASE_T + 1) // 2 + 2
NPAD = 51200
PB = NPAD // 16

_G16 = CH // 16


def _psi(v):
    return jnp.sign(v) * jnp.log(jnp.abs(v) + 1.0)


def _sc_a_body(x0, x1, x2, i_hbm, j_hbm, nrm_o, dot_o, dx_o, dy_o, dz_o, *sc):
    wid = lax.axis_index("s") * 2 + lax.axis_index("c")
    nt = BASE_T + jnp.where(wid < EXTRA_T, 1, 0)
    ii = sc[0:2]
    jj = sc[2:4]
    gi = (sc[4:7], sc[7:10])
    gj = (sc[10:13], sc[13:16])
    st = (sc[16:21], sc[21:26])
    s_idx = sc[26:28]
    s_gat = sc[28:30]
    s_out = sc[30:32]
    tabs = (x0, x1, x2)
    outs = (nrm_o, dot_o, dx_o, dy_o, dz_o)

    def issue_gat(s):
        for k in range(3):
            pltpu.async_copy(tabs[k].at[ii[s]], gi[s][k], s_gat[s])
            pltpu.async_copy(tabs[k].at[jj[s]], gj[s][k], s_gat[s])

    def drain_gat(s):
        for k in range(3):
            pltpu.make_async_copy(x0.at[pl.ds(0, CH)], gi[s][k], s_gat[s]).wait()
            pltpu.make_async_copy(x0.at[pl.ds(0, CH)], gj[s][k], s_gat[s]).wait()

    def drain_out(s):
        for k in range(5):
            pltpu.make_async_copy(st[s][k], outs[k].at[pl.ds(0, CH)],
                                  s_out[s]).wait()

    def compute(s, off):
        for g in range(_G16):
            sl = pl.ds(g * 16, 16)
            a0, a1, a2 = gi[s][0][sl], gi[s][1][sl], gi[s][2][sl]
            b0, b1, b2 = gj[s][0][sl], gj[s][1][sl], gj[s][2][sl]
            dx = a0 - b0
            dy = a1 - b1
            dz = a2 - b2
            st[s][2][sl] = dx
            st[s][3][sl] = dy
            st[s][4][sl] = dz
            st[s][0][sl] = dx * dx + dy * dy + dz * dz
            st[s][1][sl] = a0 * b0 + a1 * b1 + a2 * b2
        for k in range(5):
            pltpu.async_copy(st[s][k], outs[k].at[pl.ds(off, CH)], s_out[s])

    off0 = wid * CH
    pltpu.sync_copy(i_hbm.at[pl.ds(off0, CH)], ii[0])
    pltpu.sync_copy(j_hbm.at[pl.ds(off0, CH)], jj[0])
    issue_gat(0)
    off1 = (wid + NW) * CH
    pltpu.async_copy(i_hbm.at[pl.ds(off1, CH)], ii[1], s_idx[1])
    pltpu.async_copy(j_hbm.at[pl.ds(off1, CH)], jj[1], s_idx[1])

    def it(t2, carry):
        for b in (0, 1):
            t = t2 * 2 + b

            @pl.when(t < nt)
            def _():
                drain_gat(b)

            @pl.when(jnp.logical_and(t >= 2, t - 2 < nt))
            def _():
                drain_out(b)

            @pl.when(t + 1 < nt)
            def _():
                pltpu.make_async_copy(i_hbm.at[pl.ds(0, CH)], ii[1 - b],
                                      s_idx[1 - b]).wait()
                pltpu.make_async_copy(i_hbm.at[pl.ds(0, CH)], jj[1 - b],
                                      s_idx[1 - b]).wait()
                issue_gat(1 - b)

            @pl.when(t + 2 < nt)
            def _():
                offn = (wid + (t + 2) * NW) * CH
                pltpu.async_copy(i_hbm.at[pl.ds(offn, CH)], ii[b], s_idx[b])
                pltpu.async_copy(j_hbm.at[pl.ds(offn, CH)], jj[b], s_idx[b])

            @pl.when(t < nt)
            def _():
                compute(b, (wid + t * NW) * CH)
        return carry

    lax.fori_loop(0, NT2, it, 0)


def _sc_a(x0, x1, x2, i_idx, j_idx):
    f32 = jnp.float32
    out = jax.ShapeDtypeStruct((E,), f32)
    mesh = plsc.VectorSubcoreMesh(core_axis_name="c", subcore_axis_name="s")
    return pl.kernel(
        _sc_a_body,
        out_type=[out] * 5,
        mesh=mesh,
        scratch_types=(
            [pltpu.VMEM((CH,), jnp.int32)] * 4
            + [pltpu.VMEM((CH,), f32)] * 22
            + [pltpu.SemaphoreType.DMA] * 6
        ),
    )(x0, x1, x2, i_idx, j_idx)


def _tc1_body(nr_ref, dr_ref, n_out, d_out, s_out):
    b = pl.program_id(0)
    rows = jnp.minimum(E - b * _T1B, _T1B) // 128
    msk = jax.lax.broadcasted_iota(jnp.int32, (_T1B // 128, 128), 0) < rows
    nr = jnp.where(msk, nr_ref[...].reshape(_T1B // 128, 128), 0.0)
    dr = jnp.where(msk, dr_ref[...].reshape(_T1B // 128, 128), 0.0)
    n = jnp.log(nr + 1.0)
    d = _psi(dr)
    n_out[...] = n.reshape(_T1B)
    d_out[...] = d.reshape(_T1B)

    @pl.when(b == 0)
    def _():
        for k in range(8):
            s_out[k] = 0.0

    s_out[0] += jnp.sum(n)
    s_out[1] += jnp.sum(d)
    s_out[2] += jnp.sum(n * n)
    s_out[3] += jnp.sum(d * d)
    s_out[4] += jnp.sum(n * d)


_T1B = 32768


def _tc1(nrm, dot):
    f32 = jnp.float32
    grid = ((E + _T1B - 1) // _T1B,)
    blk = pl.BlockSpec((_T1B,), lambda b: (b,))
    return pl.pallas_call(
        _tc1_body,
        grid=grid,
        in_specs=[blk, blk],
        out_specs=[blk, blk,
                   pl.BlockSpec(memory_space=pltpu.SMEM)],
        out_shape=[jax.ShapeDtypeStruct((E,), f32),
                   jax.ShapeDtypeStruct((E,), f32),
                   jax.ShapeDtypeStruct((8,), f32)],
    )(nrm, dot)


_RB = 512


def _tc2_body(n1_ref, d1_ref, mats_ref, cols_ref, r4_ref, vecs_ref,
              a512_ref, c128_ref, m2_ref, phi4_ref):
    f32 = jnp.float32
    b = pl.program_id(0)
    vcnt = jnp.minimum(E - b * 4 * _RB, 4 * _RB)
    vmsk = (jax.lax.broadcasted_iota(jnp.int32, (16, 128), 0) * 128 +
            jax.lax.broadcasted_iota(jnp.int32, (16, 128), 1)) < vcnt
    r512 = (jax.lax.broadcasted_iota(jnp.int32, (_RB, 16), 0) // 32 ==
            jax.lax.broadcasted_iota(jnp.int32, (_RB, 16), 1)).astype(f32)
    a512 = a512_ref[...]
    c128 = c128_ref[...]

    def rep(v1d):
        v16 = jnp.where(vmsk, v1d.reshape(16, 128), 0.0)
        vr = jnp.dot(r512, v16, preferred_element_type=f32)
        return jnp.dot(a512 * vr, c128, preferred_element_type=f32)

    nr = rep(n1_ref[...])
    dr = rep(d1_ref[...])
    r4 = r4_ref[...]
    u = vecs_ref[0:1, :]
    v = vecs_ref[1:2, :]
    w = vecs_ref[2:3, :]
    h = jnp.maximum(nr * u + dr * v + w, 0.0)
    m1 = jnp.dot(h, mats_ref[0:128, :], preferred_element_type=f32)
    m1 = jnp.maximum(m1 + vecs_ref[3:4, :], 0.0)
    g4 = jnp.dot(m1 * vecs_ref[6:7, :], cols_ref[:, 4:8],
                 preferred_element_type=f32)
    g4 = 1.0 / (1.0 + jnp.exp(-(g4 + vecs_ref[5:6, 0:4])))
    gate = jnp.dot(g4, r4, preferred_element_type=f32)
    mij = m1 * gate
    t = jnp.dot(mij, mats_ref[128:256, :], preferred_element_type=f32)
    t = jnp.maximum(t + vecs_ref[4:5, :], 0.0)
    phi4 = jnp.dot(t, cols_ref[:, 0:4], preferred_element_type=f32)
    m2_ref[...] = mij
    phi4_ref[...] = phi4


def _tc2(n1, d1, mats, cols, r4, vecs, a512, c128):
    f32 = jnp.float32
    E4 = E // 4
    grid = ((E4 + _RB - 1) // _RB,)
    full = lambda shp: pl.BlockSpec(shp, lambda b: tuple(0 for _ in shp))
    return pl.pallas_call(
        _tc2_body,
        grid=grid,
        in_specs=[pl.BlockSpec((4 * _RB,), lambda b: (b,)),
                  pl.BlockSpec((4 * _RB,), lambda b: (b,)),
                  full((256, 128)), full((128, 8)), full((4, 128)),
                  full((8, 128)), full((_RB, 128)), full((128, 128))],
        out_specs=[pl.BlockSpec((_RB, 128), lambda b: (b, 0)),
                   pl.BlockSpec((_RB, 4), lambda b: (b, 0))],
        out_shape=[jax.ShapeDtypeStruct((E4, 128), f32),
                   jax.ShapeDtypeStruct((E4, 4), f32)],
    )(n1, d1, mats, cols, r4, vecs, a512, c128)


def _sc_b_body(dx_p, dy_p, dz_p, phi_p, i_hbm,
               p0x, p0y, p0z, p0c, p1x, p1y, p1z, p1c, *sc):
    cid = lax.axis_index("c")
    sid = lax.axis_index("s")
    wid = sid * 2 + cid
    nt = BASE_T + jnp.where(wid < EXTRA_T, 1, 0)
    f32 = jnp.float32
    ld = (sc[0:5], sc[5:10])
    on_b = sc[10]
    zbuf = sc[11]
    accs = sc[12:16]
    s_ld = sc[16:18]
    srcs = (i_hbm, dx_p, dy_p, dz_p, phi_p)
    pls = ((p0x, p0y, p0z, p0c), (p1x, p1y, p1z, p1c))

    for g in range(_G16):
        on_b[pl.ds(g * 16, 16)] = jnp.ones((16,), f32)

    def zst(k, c):
        zbuf[pl.ds(k * 16, 16)] = jnp.zeros((16,), f32)
        return c

    lax.fori_loop(0, PB // 16, zst, 0)

    for a in accs:
        pltpu.sync_copy(zbuf, a.at[pl.ds(sid * PB, PB)])

    plsc.subcore_barrier()

    for sref, dbuf in zip(srcs, ld[0]):
        pltpu.sync_copy(sref.at[pl.ds(wid * CH, CH)], dbuf)
    for sref, dbuf in zip(srcs, ld[1]):
        pltpu.async_copy(sref.at[pl.ds((wid + NW) * CH, CH)], dbuf, s_ld[1])

    def it(t2, carry):
        for b in (0, 1):
            t = t2 * 2 + b

            @pl.when(jnp.logical_and(t >= 1, t < nt))
            def _():
                for sref, dbuf in zip(srcs, ld[b]):
                    pltpu.make_async_copy(sref.at[pl.ds(0, CH)], dbuf,
                                          s_ld[b]).wait()

            @pl.when(t < nt)
            def _():
                iv, bx, by, bz, bp = ld[b]
                for g in range(_G16):
                    sl = pl.ds(g * 16, 16)
                    ph = bp[sl]
                    bx[sl] = jnp.clip(bx[sl] * ph, -100.0, 100.0)
                    by[sl] = jnp.clip(by[sl] * ph, -100.0, 100.0)
                    bz[sl] = jnp.clip(bz[sl] * ph, -100.0, 100.0)
                pltpu.sync_copy(bx, accs[0].at[iv], add=True)
                pltpu.sync_copy(by, accs[1].at[iv], add=True)
                pltpu.sync_copy(bz, accs[2].at[iv], add=True)
                pltpu.sync_copy(on_b, accs[3].at[iv], add=True)

            @pl.when(t + 2 < nt)
            def _():
                offn = (wid + (t + 2) * NW) * CH
                for sref, dbuf in zip(srcs, ld[b]):
                    pltpu.async_copy(sref.at[pl.ds(offn, CH)], dbuf, s_ld[b])
        return carry

    lax.fori_loop(0, NT2, it, 0)
    plsc.subcore_barrier()

    for ci in (0, 1):
        @pl.when(cid == ci)
        def _(ci=ci):
            for a, p in zip(accs, pls[ci]):
                pltpu.sync_copy(a.at[pl.ds(sid * PB, PB)],
                                p.at[pl.ds(sid * PB, PB)])


def _sc_b(dx_p, dy_p, dz_p, phi_p, i_idx):
    f32 = jnp.float32
    mesh = plsc.VectorSubcoreMesh(core_axis_name="c", subcore_axis_name="s")
    return pl.kernel(
        _sc_b_body,
        out_type=[jax.ShapeDtypeStruct((NPAD,), f32)] * 8,
        mesh=mesh,
        scratch_types=(
            ([pltpu.VMEM((CH,), jnp.int32)] + [pltpu.VMEM((CH,), f32)] * 4) * 2
            + [pltpu.VMEM((CH,), f32)]
            + [pltpu.VMEM((PB,), f32)]
            + [pltpu.VMEM_SHARED((NPAD,), f32)] * 4
            + [pltpu.SemaphoreType.DMA] * 2
        ),
    )(dx_p, dy_p, dz_p, phi_p, i_idx)


_NB3 = 2048


def _tc3_body(x0r, x1r, x2r, p0x, p0y, p0z, p0c, p1x, p1y, p1z, p1c,
              o0, o1, o2):
    R = _NB3 // 128
    cnt = jnp.maximum(p0c[...].reshape(R, 128) + p1c[...].reshape(R, 128),
                      1.0)
    sx = (p0x[...].reshape(R, 128) + p1x[...].reshape(R, 128)) / cnt
    sy = (p0y[...].reshape(R, 128) + p1y[...].reshape(R, 128)) / cnt
    sz = (p0z[...].reshape(R, 128) + p1z[...].reshape(R, 128)) / cnt
    o0[...] = (x0r[...].reshape(R, 128) + sx).reshape(_NB3)
    o1[...] = (x1r[...].reshape(R, 128) + sy).reshape(_NB3)
    o2[...] = (x2r[...].reshape(R, 128) + sz).reshape(_NB3)


def _tc3(xt, planes):
    f32 = jnp.float32
    grid = (NPAD // _NB3,)
    nblk = pl.BlockSpec((_NB3,), lambda b: (b,))
    return pl.pallas_call(
        _tc3_body,
        grid=grid,
        in_specs=[nblk] * 3 + [nblk] * 8,
        out_specs=[nblk] * 3,
        out_shape=[jax.ShapeDtypeStruct((NPAD,), f32)] * 3,
    )(xt[0], xt[1], xt[2], *planes)


def kernel(x, edge_index, W1, bn_gamma, bn_beta, W2, b2, Wx1, bx1, Wx2, Wm, bm):
    f32 = jnp.float32
    i_idx = edge_index[0]
    j_idx = edge_index[1]
    xt = x.T
    nrm_raw, dot_raw, dxp, dyp, dzp = _sc_a(xt[0], xt[1], xt[2], i_idx, j_idx)

    n_psi, d_psi, sums = _tc1(nrm_raw, dot_raw)

    En, Ed, En2, Ed2, End = (sums[k] / E for k in range(5))
    a = W1[:, 0]
    b_ = W1[:, 1]
    mu = a * En + b_ * Ed
    eh2 = a * a * En2 + 2.0 * a * b_ * End + b_ * b_ * Ed2
    var = eh2 - mu * mu
    sc = bn_gamma * lax.rsqrt(var + BN_EPS)
    u = a * sc
    v = b_ * sc
    w0 = bn_beta - mu * sc

    eye4 = jnp.eye(4, dtype=f32)
    la = jnp.arange(128)
    a512 = (la[None, :] // 4 ==
            (jnp.arange(_RB) % 32)[:, None]).astype(f32)
    c128 = (la[:, None] % 4 == la[None, :] // 32).astype(f32)
    ones32r = jnp.ones((1, 32), f32)
    tile4 = lambda vec: jnp.tile(vec.reshape(1, H), (1, 4)).reshape(1, 128)
    vecs = jnp.concatenate([
        tile4(u), tile4(v), tile4(w0), tile4(b2), tile4(bx1),
        jnp.full((1, 128), bm[0], f32), tile4(Wm[0]),
        jnp.zeros((1, 128), f32),
    ], axis=0)
    mats = jnp.concatenate([
        jnp.kron(eye4, W2.T), jnp.kron(eye4, Wx1.T)], axis=0)
    e0 = jnp.zeros((H, 1), f32).at[0, 0].set(1.0)
    cols = jnp.concatenate([
        jnp.kron(eye4, Wx2.T),
        jnp.kron(eye4, jnp.ones((H, 1), f32)),
    ], axis=1)
    del e0
    r4 = jnp.kron(eye4, ones32r)

    m2, phi4 = _tc2(n_psi, d_psi, mats, cols, r4, vecs, a512, c128)
    m_ij = m2.reshape(E, H)
    phi = phi4.reshape(E)

    planes = _sc_b(dxp, dyp, dzp, phi, i_idx)

    xtp = jnp.pad(xt, ((0, 0), (0, NPAD - N)))
    o0, o1, o2 = _tc3(xtp, planes)
    x_tilde = jnp.stack([o0[:N], o1[:N], o2[:N]], axis=1)
    return (x_tilde, m_ij)

# --- scband reference (transcript-rebuilt; emitter-appended) ---
"""Pipeline reference for scband-eb-936302870591 (READ-ONLY COPY).

The authoritative reference and input builder live on the scoring server;
editing this copy changes nothing except your own understanding.
"""

import jax, jax.numpy as jnp
import numpy as np

N = 50000
E = 1600000
D = 3
H = 32
C_WEIGHT = 1.0
BN_EPS = 1e-5


def psi(v):
    return jnp.sign(v) * jnp.log(jnp.abs(v) + 1.0)


def setup_inputs(seed: int = 0) -> dict:
    key = jax.random.key(seed)
    ks = jax.random.split(key, 12)
    x = jax.random.normal(ks[0], (N, D), dtype=jnp.float32)
    edge_index = jax.random.randint(ks[1], (2, E), 0, N)
    W1 = jax.random.normal(ks[2], (H, 2), dtype=jnp.float32) / np.sqrt(2.0)
    bn_gamma = jnp.ones((H,), dtype=jnp.float32)
    bn_beta = jnp.zeros((H,), dtype=jnp.float32)
    W2 = jax.random.normal(ks[3], (H, H), dtype=jnp.float32) / np.sqrt(H)
    b2 = jnp.zeros((H,), dtype=jnp.float32)
    Wx1 = jax.random.normal(ks[4], (H, H), dtype=jnp.float32) / np.sqrt(H)
    bx1 = jnp.zeros((H,), dtype=jnp.float32)
    Wx2 = jax.random.normal(ks[5], (1, H), dtype=jnp.float32) * (0.001 / np.sqrt(H))
    Wm = jax.random.normal(ks[6], (1, H), dtype=jnp.float32) / np.sqrt(H)
    bm = jnp.zeros((1,), dtype=jnp.float32)
    return {"x": x, "edge_index": edge_index, "W1": W1, "bn_gamma": bn_gamma,
            "bn_beta": bn_beta, "W2": W2, "b2": b2, "Wx1": Wx1, "bx1": bx1,
            "Wx2": Wx2, "Wm": Wm, "bm": bm}


def reference(x, edge_index, W1, bn_gamma, bn_beta, W2, b2, Wx1, bx1, Wx2, Wm, bm):
    i = edge_index[0]
    j = edge_index[1]
    # euclidean_feats: gather endpoints, pairwise diff, psi-compressed norms/dots
    xi = jnp.take(x, i, axis=0)
    xj = jnp.take(x, j, axis=0)
    x_diff = xi - xj
    norms = psi(jnp.sum(x_diff * x_diff, axis=1, keepdims=True))
    dots = psi(jnp.sum(xi * xj, axis=1, keepdims=True))
    # message: phi_e = Linear(2->H, no bias) -> BatchNorm1d(train stats) -> ReLU -> Linear(H->H) -> ReLU
    m_in = jnp.concatenate([norms, dots], axis=1)
    h = m_in @ W1.T
    mu = jnp.mean(h, axis=0)
    var = jnp.mean((h - mu) ** 2, axis=0)
    h = (h - mu) / jnp.sqrt(var + BN_EPS) * bn_gamma + bn_beta
    h = jax.nn.relu(h)
    m_ij = jax.nn.relu(h @ W2.T + b2)
    # phi_m gating
    w = jax.nn.sigmoid(m_ij @ Wm.T + bm)
    m_ij = m_ij * w
    # x_model: phi_x scalar per edge, clamp, unsorted_segment_mean over dst i
    phi_x_out = jax.nn.relu(m_ij @ Wx1.T + bx1) @ Wx2.T
    update_val = jnp.clip(x_diff * phi_x_out, -100.0, 100.0)
    seg_sum = jnp.zeros((x.shape[0], x.shape[1]), dtype=x.dtype).at[i].add(update_val)
    count = jnp.zeros((x.shape[0],), dtype=x.dtype).at[i].add(1.0)
    x_agg = seg_sum / jnp.clip(count, 1.0, None)[:, None]
    x_tilde = x + x_agg * C_WEIGHT
    return (x_tilde, m_ij)

if __name__ == "__main__":
    import jax
    _d = setup_inputs()
    print(jax.jit(kernel)(*tuple(_d.values())))

</pallas_src>

<mosaic_0001>
#map = affine_map<(d0, d1) -> (0)>
module attributes {stable_mosaic.version = 14 : i64} {
  func.func @_sc_a_body(%arg0: i32, %arg1: i32, %arg2: memref<50000xf32, #tpu.memory_space<hbm>>, %arg3: memref<50000xf32, #tpu.memory_space<hbm>>, %arg4: memref<50000xf32, #tpu.memory_space<hbm>>, %arg5: memref<1600000xi32, #tpu.memory_space<hbm>>, %arg6: memref<1600000xi32, #tpu.memory_space<hbm>>, %arg7: memref<1600000xf32, #tpu.memory_space<hbm>>, %arg8: memref<1600000xf32, #tpu.memory_space<hbm>>, %arg9: memref<1600000xf32, #tpu.memory_space<hbm>>, %arg10: memref<1600000xf32, #tpu.memory_space<hbm>>, %arg11: memref<1600000xf32, #tpu.memory_space<hbm>>, %arg12: memref<128xi32, #tpu.memory_space<vmem>>, %arg13: memref<128xi32, #tpu.memory_space<vmem>>, %arg14: memref<128xi32, #tpu.memory_space<vmem>>, %arg15: memref<128xi32, #tpu.memory_space<vmem>>, %arg16: memref<128xf32, #tpu.memory_space<vmem>>, %arg17: memref<128xf32, #tpu.memory_space<vmem>>, %arg18: memref<128xf32, #tpu.memory_space<vmem>>, %arg19: memref<128xf32, #tpu.memory_space<vmem>>, %arg20: memref<128xf32, #tpu.memory_space<vmem>>, %arg21: memref<128xf32, #tpu.memory_space<vmem>>, %arg22: memref<128xf32, #tpu.memory_space<vmem>>, %arg23: memref<128xf32, #tpu.memory_space<vmem>>, %arg24: memref<128xf32, #tpu.memory_space<vmem>>, %arg25: memref<128xf32, #tpu.memory_space<vmem>>, %arg26: memref<128xf32, #tpu.memory_space<vmem>>, %arg27: memref<128xf32, #tpu.memory_space<vmem>>, %arg28: memref<128xf32, #tpu.memory_space<vmem>>, %arg29: memref<128xf32, #tpu.memory_space<vmem>>, %arg30: memref<128xf32, #tpu.memory_space<vmem>>, %arg31: memref<128xf32, #tpu.memory_space<vmem>>, %arg32: memref<128xf32, #tpu.memory_space<vmem>>, %arg33: memref<128xf32, #tpu.memory_space<vmem>>, %arg34: memref<128xf32, #tpu.memory_space<vmem>>, %arg35: memref<128xf32, #tpu.memory_space<vmem>>, %arg36: memref<128xf32, #tpu.memory_space<vmem>>, %arg37: memref<128xf32, #tpu.memory_space<vmem>>, %arg38: memref<!tpu.dma_semaphore, #tpu.memory_space<semaphore_mem>>, %arg39: memref<!tpu.dma_semaphore, #tpu.memory_space<semaphore_mem>>, %arg40: memref<!tpu.dma_semaphore, #tpu.memory_space<semaphore_mem>>, %arg41: memref<!tpu.dma_semaphore, #tpu.memory_space<semaphore_mem>>, %arg42: memref<!tpu.dma_semaphore, #tpu.memory_space<semaphore_mem>>, %arg43: memref<!tpu.dma_semaphore, #tpu.memory_space<semaphore_mem>>) attributes {dimension_semantics = [#tpu.dimension_semantics<core_parallel>, #tpu.dimension_semantics<subcore_parallel>], iteration_bounds = array<i64: 2, 16>, scalar_prefetch = 0 : i64, scratch_operands = 32 : i64, tpu.core_type = #tpu.core_type<sc_vector_subcore>, window_params = [{transform_indices = #map}, {transform_indices = #map}, {transform_indices = #map}, {transform_indices = #map}, {transform_indices = #map}, {transform_indices = #map}, {transform_indices = #map}, {transform_indices = #map}, {transform_indices = #map}, {transform_indices = #map}]} {
    %mul3A = arith.constant 2 : i32
    %mul3A_0 = arith.muli %arg1, %mul3A : i32
    %add3A = arith.addi %mul3A_0, %arg0 : i32
    %lt3A = arith.constant 20 : i32
    %lt3A_1 = arith.cmpi slt, %add3A, %lt3A : i32
    %jit3A = arith.constant 1 : i32
    %jit3A_2 = arith.constant 0 : i32
    %select_n3A = arith.select %lt3A_1, %jit3A, %jit3A_2 : i32
    %add3A_3 = arith.constant 390 : i32
    %add3A_4 = arith.addi %add3A_3, %select_n3A : i32
    %mul3A_5 = arith.constant 128 : i32
    %mul3A_6 = arith.muli %add3A, %mul3A_5 : i32
    "tpu.region"() ({
      %run_scoped3A = tpu.sem_alloc : memref<!tpu.dma_semaphore, #tpu.memory_space<semaphore_mem>>
      %dma_start3A_31 = tpu.memref_slice %arg5[%mul3A_6] : memref<1600000xi32, #tpu.memory_space<hbm>> -> memref<128xi32, #tpu.memory_space<hbm>>
      %dma_start3A_32 = tpu.memref_slice %arg5[%mul3A_6] : memref<1600000xi32, #tpu.memory_space<hbm>> -> memref<128xi32, #tpu.memory_space<hbm>>
      tpu.enqueue_dma source(%dma_start3A_32 : memref<128xi32, #tpu.memory_space<hbm>>) target(%arg12 : memref<128xi32, #tpu.memory_space<vmem>>) target_semaphore(%run_scoped3A : memref<!tpu.dma_semaphore, #tpu.memory_space<semaphore_mem>>)
      %dma_wait3A = tpu.memref_slice %arg5[%mul3A_6] : memref<1600000xi32, #tpu.memory_space<hbm>> -> memref<128xi32, #tpu.memory_space<hbm>>
      %dma_wait3A_33 = tpu.memref_slice %arg5[%mul3A_6] : memref<1600000xi32, #tpu.memory_space<hbm>> -> memref<128xi32, #tpu.memory_space<hbm>>
      tpu.wait_dma2 semaphore(%run_scoped3A : memref<!tpu.dma_semaphore, #tpu.memory_space<semaphore_mem>>) src(%dma_wait3A_33 : memref<128xi32, #tpu.memory_space<hbm>>) dst(%arg12 : memref<128xi32, #tpu.memory_space<vmem>>)
      tpu.yield
    }) : () -> ()
    "tpu.region"() ({
      %run_scoped3A = tpu.sem_alloc : memref<!tpu.dma_semaphore, #tpu.memory_space<semaphore_mem>>
      %dma_start3A_31 = tpu.memref_slice %arg6[%mul3A_6] : memref<1600000xi32, #tpu.memory_space<hbm>> -> memref<128xi32, #tpu.memory_space<hbm>>
      %dma_start3A_32 = tpu.memref_slice %arg6[%mul3A_6] : memref<1600000xi32, #tpu.memory_space<hbm>> -> memref<128xi32, #tpu.memory_space<hbm>>
      tpu.enqueue_dma source(%dma_start3A_32 : memref<128xi32, #tpu.memory_space<hbm>>) target(%arg14 : memref<128xi32, #tpu.memory_space<vmem>>) target_semaphore(%run_scoped3A : memref<!tpu.dma_semaphore, #tpu.memory_space<semaphore_mem>>)
      %dma_wait3A = tpu.memref_slice %arg6[%mul3A_6] : memref<1600000xi32, #tpu.memory_space<hbm>> -> memref<128xi32, #tpu.memory_space<hbm>>
      %dma_wait3A_33 = tpu.memref_slice %arg6[%mul3A_6] : memref<1600000xi32, #tpu.memory_space<hbm>> -> memref<128xi32, #tpu.memory_space<hbm>>
      tpu.wait_dma2 semaphore(%run_scoped3A : memref<!tpu.dma_semaphore, #tpu.memory_space<semaphore_mem>>) src(%dma_wait3A_33 : memref<128xi32, #tpu.memory_space<hbm>>) dst(%arg14 : memref<128xi32, #tpu.memory_space<vmem>>)
      tpu.yield
    }) : () -> ()
    %dma_start3A = arith.constant 0 : i32
    %dma_start3A_7 = tpu.memref_slice %arg2[%dma_start3A] : memref<50000xf32, #tpu.memory_space<hbm>> -> memref<50000xf32, #tpu.memory_space<hbm>>
    tpu.enqueue_indirect_dma source(%dma_start3A_7 : memref<50000xf32, #tpu.memory_space<hbm>>) target(%arg16 : memref<128xf32, #tpu.memory_space<vmem>>) offsets(%arg12 : memref<128xi32, #tpu.memory_space<vmem>>) semaphore(%arg40 : memref<!tpu.dma_semaphore, #tpu.memory_space<semaphore_mem>>)
    %dma_start3A_8 = arith.constant 0 : i32
    %dma_start3A_9 = tpu.memref_slice %arg2[%dma_start3A_8] : memref<50000xf32, #tpu.memory_space<hbm>> -> memref<50000xf32, #tpu.memory_space<hbm>>
    tpu.enqueue_indirect_dma source(%dma_start3A_9 : memref<50000xf32, #tpu.memory_space<hbm>>) target(%arg22 : memref<128xf32, #tpu.memory_space<vmem>>) offsets(%arg14 : memref<128xi32, #tpu.memory_space<vmem>>) semaphore(%arg40 : memref<!tpu.dma_semaphore, #tpu.memory_space<semaphore_mem>>)
    %dma_start3A_10 = arith.constant 0 : i32
    %dma_start3A_11 = tpu.memref_slice %arg3[%dma_start3A_10] : memref<50000xf32, #tpu.memory_space<hbm>> -> memref<50000xf32, #tpu.memory_space<hbm>>
    tpu.enqueue_indirect_dma source(%dma_start3A_11 : memref<50000xf32, #tpu.memory_space<hbm>>) target(%arg17 : memref<128xf32, #tpu.memory_space<vmem>>) offsets(%arg12 : memref<128xi32, #tpu.memory_space<vmem>>) semaphore(%arg40 : memref<!tpu.dma_semaphore, #tpu.memory_space<semaphore_mem>>)
    %dma_start3A_12 = arith.constant 0 : i32
    %dma_start3A_13 = tpu.memref_slice %arg3[%dma_start3A_12] : memref<50000xf32, #tpu.memory_space<hbm>> -> memref<50000xf32, #tpu.memory_space<hbm>>
    tpu.enqueue_indirect_dma source(%dma_start3A_13 : memref<50000xf32, #tpu.memory_space<hbm>>) target(%arg23 : memref<128xf32, #tpu.memory_space<vmem>>) offsets(%arg14 : memref<128xi32, #tpu.memory_space<vmem>>) semaphore(%arg40 : memref<!tpu.dma_semaphore, #tpu.memory_space<semaphore_mem>>)
    %dma_start3A_14 = arith.constant 0 : i32
    %dma_start3A_15 = tpu.memref_slice %arg4[%dma_start3A_14] : memref<50000xf32, #tpu.memory_space<hbm>> -> memref<50000xf32, #tpu.memory_space<hbm>>
    tpu.enqueue_indirect_dma source(%dma_start3A_15 : memref<50000xf32, #tpu.memory_space<hbm>>) target(%arg18 : memref<128xf32, #tpu.memory_space<vmem>>) offsets(%arg12 : memref<128xi32, #tpu.memory_space<vmem>>) semaphore(%arg40 : memref<!tpu.dma_semaphore, #tpu.memory_space<semaphore_mem>>)
    %dma_start3A_16 = arith.constant 0 : i32
    %dma_start3A_17 = tpu.memref_slice %arg4[%dma_start3A_16] : memref<50000xf32, #tpu.memory_space<hbm>> -> memref<50000xf32, #tpu.memory_space<hbm>>
    tpu.enqueue_indirect_dma source(%dma_start3A_17 : memref<50000xf32, #tpu.memory_space<hbm>>) target(%arg24 : memref<128xf32, #tpu.memory_space<vmem>>) offsets(%arg14 : memref<128xi32, #tpu.memory_space<vmem>>) semaphore(%arg40 : memref<!tpu.dma_semaphore, #tpu.memory_space<semaphore_mem>>)
    %add3A_18 = arith.constant 32 : i32
    %add3A_19 = arith.addi %add3A, %add3A_18 : i32
    %mul3A_20 = arith.constant 128 : i32
    %mul3A_21 = arith.muli %add3A_19, %mul3A_20 : i32
    %dma_start3A_22 = tpu.memref_slice %arg5[%mul3A_21] : memref<1600000xi32, #tpu.memory_space<hbm>> -> memref<128xi32, #tpu.memory_space<hbm>>
    %dma_start3A_23 = tpu.memref_slice %arg5[%mul3A_21] : memref<1600000xi32, #tpu.memory_space<hbm>> -> memref<128xi32, #tpu.memory_space<hbm>>
    tpu.enqueue_dma source(%dma_start3A_23 : memref<128xi32, #tpu.memory_space<hbm>>) target(%arg13 : memref<128xi32, #tpu.memory_space<vmem>>) target_semaphore(%arg39 : memref<!tpu.dma_semaphore, #tpu.memory_space<semaphore_mem>>)
    %dma_start3A_24 = tpu.memref_slice %arg6[%mul3A_21] : memref<1600000xi32, #tpu.memory_space<hbm>> -> memref<128xi32, #tpu.memory_space<hbm>>
    %dma_start3A_25 = tpu.memref_slice %arg6[%mul3A_21] : memref<1600000xi32, #tpu.memory_space<hbm>> -> memref<128xi32, #tpu.memory_space<hbm>>
    tpu.enqueue_dma source(%dma_start3A_25 : memref<128xi32, #tpu.memory_space<hbm>>) target(%arg15 : memref<128xi32, #tpu.memory_space<vmem>>) target_semaphore(%arg39 : memref<!tpu.dma_semaphore, #tpu.memory_space<semaphore_mem>>)
    %scan3A = arith.constant 0 : i32
    %scan3A_26 = arith.constant 0 : i32
    %scan3A_27 = arith.constant 197 : i32
    %scan3A_28 = arith.addi %scan3A_26, %scan3A_27 : i32
    %scan3A_29 = arith.constant 1 : i32
    scf.for %scan3A_31 = %scan3A_26 to %scan3A_28 step %scan3A_29  : i32 {
      %mul3A_32 = arith.constant 2 : i32
      %mul3A_33 = arith.muli %scan3A_31, %mul3A_32 : i32
      %add3A_34 = arith.constant 0 : i32
      %add3A_35 = arith.addi %mul3A_33, %add3A_34 : i32
      %lt3A_36 = arith.cmpi slt, %add3A_35, %add3A_4 : i32
      %convert_element_type3A = arith.extui %lt3A_36 : i1 to i32
      %cond3A = arith.constant 0 : i32
      %cond3A_37 = arith.cmpi ne, %convert_element_type3A, %cond3A : i32
      scf.if %cond3A_37 {
        %dma_wait3A = arith.constant 0 : i32
        %dma_wait3A_93 = tpu.memref_slice %arg2[%dma_wait3A] : memref<50000xf32, #tpu.memory_space<hbm>> -> memref<128xf32, #tpu.memory_space<hbm>>
        %dma_wait3A_94 = arith.constant 0 : i32
        %dma_wait3A_95 = tpu.memref_slice %arg2[%dma_wait3A_94] : memref<50000xf32, #tpu.memory_space<hbm>> -> memref<128xf32, #tpu.memory_space<hbm>>
        tpu.wait_dma2 semaphore(%arg40 : memref<!tpu.dma_semaphore, #tpu.memory_space<semaphore_mem>>) src(%dma_wait3A_95 : memref<128xf32, #tpu.memory_space<hbm>>) dst(%arg16 : memref<128xf32, #tpu.memory_space<vmem>>)
        %dma_wait3A_96 = arith.constant 0 : i32
        %dma_wait3A_97 = tpu.memref_slice %arg2[%dma_wait3A_96] : memref<50000xf32, #tpu.memory_space<hbm>> -> memref<128xf32, #tpu.memory_space<hbm>>
        %dma_wait3A_98 = arith.constant 0 : i32
        %dma_wait3A_99 = tpu.memref_slice %arg2[%dma_wait3A_98] : memref<50000xf32, #tpu.memory_space<hbm>> -> memref<128xf32, #tpu.memory_space<hbm>>
        tpu.wait_dma2 semaphore(%arg40 : memref<!tpu.dma_semaphore, #tpu.memory_space<semaphore_mem>>) src(%dma_wait3A_99 : memref<128xf32, #tpu.memory_space<hbm>>) dst(%arg22 : memref<128xf32, #tpu.memory_space<vmem>>)
        %dma_wait3A_100 = arith.constant 0 : i32
        %dma_wait3A_101 = tpu.memref_slice %arg2[%dma_wait3A_100] : memref<50000xf32, #tpu.memory_space<hbm>> -> memref<128xf32, #tpu.memory_space<hbm>>
        %dma_wait3A_102 = arith.constant 0 : i32
        %dma_wait3A_103 = tpu.memref_slice %arg2[%dma_wait3A_102] : memref<50000xf32, #tpu.memory_space<hbm>> -> memref<128xf32, #tpu.memory_space<hbm>>
        tpu.wait_dma2 semaphore(%arg40 : memref<!tpu.dma_semaphore, #tpu.memory_space<semaphore_mem>>) src(%dma_wait3A_103 : memref<128xf32, #tpu.memory_space<hbm>>) dst(%arg17 : memref<128xf32, #tpu.memory_space<vmem>>)
        %dma_wait3A_104 = arith.constant 0 : i32
        %dma_wait3A_105 = tpu.memref_slice %arg2[%dma_wait3A_104] : memref<50000xf32, #tpu.memory_space<hbm>> -> memref<128xf32, #tpu.memory_space<hbm>>
        %dma_wait3A_106 = arith.constant 0 : i32
        %dma_wait3A_107 = tpu.memref_slice %arg2[%dma_wait3A_106] : memref<50000xf32, #tpu.memory_space<hbm>> -> memref<128xf32, #tpu.memory_space<hbm>>
        tpu.wait_dma2 semaphore(%arg40 : memref<!tpu.dma_semaphore, #tpu.memory_space<semaphore_mem>>) src(%dma_wait3A_107 : memref<128xf32, #tpu.memory_space<hbm>>) dst(%arg23 : memref<128xf32, #tpu.memory_space<vmem>>)
        %dma_wait3A_108 = arith.constant 0 : i32
        %dma_wait3A_109 = tpu.memref_slice %arg2[%dma_wait3A_108] : memref<50000xf32, #tpu.memory_space<hbm>> -> memref<128xf32, #tpu.memory_space<hbm>>
        %dma_wait3A_110 = arith.constant 0 : i32
        %dma_wait3A_111 = tpu.memref_slice %arg2[%dma_wait3A_110] : memref<50000xf32, #tpu.memory_space<hbm>> -> memref<128xf32, #tpu.memory_space<hbm>>
        tpu.wait_dma2 semaphore(%arg40 : memref<!tpu.dma_semaphore, #tpu.memory_space<semaphore_mem>>) src(%dma_wait3A_111 : memref<128xf32, #tpu.memory_space<hbm>>) dst(%arg18 : memref<128xf32, #tpu.memory_space<vmem>>)
        %dma_wait3A_112 = arith.constant 0 : i32
        %dma_wait3A_113 = tpu.memref_slice %arg2[%dma_wait3A_112] : memref<50000xf32, #tpu.memory_space<hbm>> -> memref<128xf32, #tpu.memory_space<hbm>>
        %dma_wait3A_114 = arith.constant 0 : i32
        %dma_wait3A_115 = tpu.memref_slice %arg2[%dma_wait3A_114] : memref<50000xf32, #tpu.memory_space<hbm>> -> memref<128xf32, #tpu.memory_space<hbm>>
        tpu.wait_dma2 semaphore(%arg40 : memref<!tpu.dma_semaphore, #tpu.memory_space<semaphore_mem>>) src(%dma_wait3A_115 : memref<128xf32, #tpu.memory_space<hbm>>) dst(%arg24 : memref<128xf32, #tpu.memory_space<vmem>>)
      } else {
      }
      %ge3A = arith.constant 2 : i32
      %ge3A_38 = arith.cmpi sge, %add3A_35, %ge3A : i32
      %sub3A = arith.constant 2 : i32
      %sub3A_39 = arith.subi %add3A_35, %sub3A : i32
      %lt3A_40 = arith.cmpi slt, %sub3A_39, %add3A_4 : i32
      %and3A = arith.andi %ge3A_38, %lt3A_40 : i1
      %convert_element_type3A_41 = arith.extui %and3A : i1 to i32
      %cond3A_42 = arith.constant 0 : i32
      %cond3A_43 = arith.cmpi ne, %convert_element_type3A_41, %cond3A_42 : i32
      scf.if %cond3A_43 {
        %dma_wait3A = arith.constant 0 : i32
        %dma_wait3A_93 = tpu.memref_slice %arg7[%dma_wait3A] : memref<1600000xf32, #tpu.memory_space<hbm>> -> memref<128xf32, #tpu.memory_space<hbm>>
        %dma_wait3A_94 = arith.constant 0 : i32
        %dma_wait3A_95 = tpu.memref_slice %arg7[%dma_wait3A_94] : memref<1600000xf32, #tpu.memory_space<hbm>> -> memref<128xf32, #tpu.memory_space<hbm>>
        tpu.wait_dma2 semaphore(%arg42 : memref<!tpu.dma_semaphore, #tpu.memory_space<semaphore_mem>>) src(%arg28 : memref<128xf32, #tpu.memory_space<vmem>>) dst(%dma_wait3A_95 : memref<128xf32, #tpu.memory_space<hbm>>)
        %dma_wait3A_96 = arith.constant 0 : i32
        %dma_wait3A_97 = tpu.memref_slice %arg8[%dma_wait3A_96] : memref<1600000xf32, #tpu.memory_space<hbm>> -> memref<128xf32, #tpu.memory_space<hbm>>
        %dma_wait3A_98 = arith.constant 0 : i32
        %dma_wait3A_99 = tpu.memref_slice %arg8[%dma_wait3A_98] : memref<1600000xf32, #tpu.memory_space<hbm>> -> memref<128xf32, #tpu.memory_space<hbm>>
        tpu.wait_dma2 semaphore(%arg42 : memref<!tpu.dma_semaphore, #tpu.memory_space<semaphore_mem>>) src(%arg29 : memref<128xf32, #tpu.memory_space<vmem>>) dst(%dma_wait3A_99 : memref<128xf32, #tpu.memory_space<hbm>>)
        %dma_wait3A_100 = arith.constant 0 : i32
        %dma_wait3A_101 = tpu.memref_slice %arg9[%dma_wait3A_100] : memref<1600000xf32, #tpu.memory_space<hbm>> -> memref<128xf32, #tpu.memory_space<hbm>>
        %dma_wait3A_102 = arith.constant 0 : i32
        %dma_wait3A_103 = tpu.memref_slice %arg9[%dma_wait3A_102] : memref<1600000xf32, #tpu.memory_space<hbm>> -> memref<128xf32, #tpu.memory_space<hbm>>
        tpu.wait_dma2 semaphore(%arg42 : memref<!tpu.dma_semaphore, #tpu.memory_space<semaphore_mem>>) src(%arg30 : memref<128xf32, #tpu.memory_space<vmem>>) dst(%dma_wait3A_103 : memref<128xf32, #tpu.memory_space<hbm>>)
        %dma_wait3A_104 = arith.constant 0 : i32
        %dma_wait3A_105 = tpu.memref_slice %arg10[%dma_wait3A_104] : memref<1600000xf32, #tpu.memory_space<hbm>> -> memref<128xf32, #tpu.memory_space<hbm>>
        %dma_wait3A_106 = arith.constant 0 : i32
        %dma_wait3A_107 = tpu.memref_slice %arg10[%dma_wait3A_106] : memref<1600000xf32, #tpu.memory_space<hbm>> -> memref<128xf32, #tpu.memory_space<hbm>>
        tpu.wait_dma2 semaphore(%arg42 : memref<!tpu.dma_semaphore, #tpu.memory_space<semaphore_mem>>) src(%arg31 : memref<128xf32, #tpu.memory_space<vmem>>) dst(%dma_wait3A_107 : memref<128xf32, #tpu.memory_space<hbm>>)
        %dma_wait3A_108 = arith.constant 0 : i32
        %dma_wait3A_109 = tpu.memref_slice %arg11[%dma_wait3A_108] : memref<1600000xf32, #tpu.memory_space<hbm>> -> memref<128xf32, #tpu.memory_space<hbm>>
        %dma_wait3A_110 = arith.constant 0 : i32
        %dma_wait3A_111 = tpu.memref_slice %arg11[%dma_wait3A_110] : memref<1600000xf32, #tpu.memory_space<hbm>> -> memref<128xf32, #tpu.memory_space<hbm>>
        tpu.wait_dma2 semaphore(%arg42 : memref<!tpu.dma_semaphore, #tpu.memory_space<semaphore_mem>>) src(%arg32 : memref<128xf32, #tpu.memory_space<vmem>>) dst(%dma_wait3A_111 : memref<128xf32, #tpu.memory_space<hbm>>)
      } else {
      }
      %add3A_44 = arith.constant 1 : i32
      %add3A_45 = arith.addi %add3A_35, %add3A_44 : i32
      %lt3A_46 = arith.cmpi slt, %add3A_45, %add3A_4 : i32
      %convert_element_type3A_47 = arith.extui %lt3A_46 : i1 to i32
      %cond3A_48 = arith.constant 0 : i32
      %cond3A_49 = arith.cmpi ne, %convert_element_type3A_47, %cond3A_48 : i32
      scf.if %cond3A_49 {
        %dma_wait3A = arith.constant 0 : i32
        %dma_wait3A_93 = tpu.memref_slice %arg5[%dma_wait3A] : memref<1600000xi32, #tpu.memory_space<hbm>> -> memref<128xi32, #tpu.memory_space<hbm>>
        %dma_wait3A_94 = arith.constant 0 : i32
        %dma_wait3A_95 = tpu.memref_slice %arg5[%dma_wait3A_94] : memref<1600000xi32, #tpu.memory_space<hbm>> -> memref<128xi32, #tpu.memory_space<hbm>>
        tpu.wait_dma2 semaphore(%arg39 : memref<!tpu.dma_semaphore, #tpu.memory_space<semaphore_mem>>) src(%dma_wait3A_95 : memref<128xi32, #tpu.memory_space<hbm>>) dst(%arg13 : memref<128xi32, #tpu.memory_space<vmem>>)
        %dma_wait3A_96 = arith.constant 0 : i32
        %dma_wait3A_97 = tpu.memref_slice %arg5[%dma_wait3A_96] : memref<1600000xi32, #tpu.memory_space<hbm>> -> memref<128xi32, #tpu.memory_space<hbm>>
        %dma_wait3A_98 = arith.constant 0 : i32
        %dma_wait3A_99 = tpu.memref_slice %arg5[%dma_wait3A_98] : memref<1600000xi32, #tpu.memory_space<hbm>> -> memref<128xi32, #tpu.memory_space<hbm>>
        tpu.wait_dma2 semaphore(%arg39 : memref<!tpu.dma_semaphore, #tpu.memory_space<semaphore_mem>>) src(%dma_wait3A_99 : memref<128xi32, #tpu.memory_space<hbm>>) dst(%arg15 : memref<128xi32, #tpu.memory_space<vmem>>)
        %dma_start3A_100 = arith.constant 0 : i32
        %dma_start3A_101 = tpu.memref_slice %arg2[%dma_start3A_100] : memref<50000xf32, #tpu.memory_space<hbm>> -> memref<50000xf32, #tpu.memory_space<hbm>>
        tpu.enqueue_indirect_dma source(%dma_start3A_101 : memref<50000xf32, #tpu.memory_space<hbm>>) target(%arg19 : memref<128xf32, #tpu.memory_space<vmem>>) offsets(%arg13 : memref<128xi32, #tpu.memory_space<vmem>>) semaphore(%arg41 : memref<!tpu.dma_semaphore, #tpu.memory_space<semaphore_mem>>)
        %dma_start3A_102 = arith.constant 0 : i32
        %dma_start3A_103 = tpu.memref_slice %arg2[%dma_start3A_102] : memref<50000xf32, #tpu.memory_space<hbm>> -> memref<50000xf32, #tpu.memory_space<hbm>>
        tpu.enqueue_indirect_dma source(%dma_start3A_103 : memref<50000xf32, #tpu.memory_space<hbm>>) target(%arg25 : memref<128xf32, #tpu.memory_space<vmem>>) offsets(%arg15 : memref<128xi32, #tpu.memory_space<vmem>>) semaphore(%arg41 : memref<!tpu.dma_semaphore, #tpu.memory_space<semaphore_mem>>)
        %dma_start3A_104 = arith.constant 0 : i32
        %dma_start3A_105 = tpu.memref_slice %arg3[%dma_start3A_104] : memref<50000xf32, #tpu.memory_space<hbm>> -> memref<50000xf32, #tpu.memory_space<hbm>>
        tpu.enqueue_indirect_dma source(%dma_start3A_105 : memref<50000xf32, #tpu.memory_space<hbm>>) target(%arg20 : memref<128xf32, #tpu.memory_space<vmem>>) offsets(%arg13 : memref<128xi32, #tpu.memory_space<vmem>>) semaphore(%arg41 : memref<!tpu.dma_semaphore, #tpu.memory_space<semaphore_mem>>)
        %dma_start3A_106 = arith.constant 0 : i32
        %dma_start3A_107 = tpu.memref_slice %arg3[%dma_start3A_106] : memref<50000xf32, #tpu.memory_space<hbm>> -> memref<50000xf32, #tpu.memory_space<hbm>>
        tpu.enqueue_indirect_dma source(%dma_start3A_107 : memref<50000xf32, #tpu.memory_space<hbm>>) target(%arg26 : memref<128xf32, #tpu.memory_space<vmem>>) offsets(%arg15 : memref<128xi32, #tpu.memory_space<vmem>>) semaphore(%arg41 : memref<!tpu.dma_semaphore, #tpu.memory_space<semaphore_mem>>)
        %dma_start3A_108 = arith.constant 0 : i32
        %dma_start3A_109 = tpu.memref_slice %arg4[%dma_start3A_108] : memref<50000xf32, #tpu.memory_space<hbm>> -> memref<50000xf32, #tpu.memory_space<hbm>>
        tpu.enqueue_indirect_dma source(%dma_start3A_109 : memref<50000xf32, #tpu.memory_space<hbm>>) target(%arg21 : memref<128xf32, #tpu.memory_space<vmem>>) offsets(%arg13 : memref<128xi32, #tpu.memory_space<vmem>>) semaphore(%arg41 : memref<!tpu.dma_semaphore, #tpu.memory_space<semaphore_mem>>)
        %dma_start3A_110 = arith.constant 0 : i32
        %dma_start3A_111 = tpu.memref_slice %arg4[%dma_start3A_110] : memref<50000xf32, #tpu.memory_space<hbm>> -> memref<50000xf32, #tpu.memory_space<hbm>>
        tpu.enqueue_indirect_dma source(%dma_start3A_111 : memref<50000xf32, #tpu.memory_space<hbm>>) target(%arg27 : memref<128xf32, #tpu.memory_space<vmem>>) offsets(%arg15 : memref<128xi32, #tpu.memory_space<vmem>>) semaphore(%arg41 : memref<!tpu.dma_semaphore, #tpu.memory_space<semaphore_mem>>)
      } else {
      }
      %add3A_50 = arith.constant 2 : i32
      %add3A_51 = arith.addi %add3A_35, %add3A_50 : i32
      %lt3A_52 = arith.cmpi slt, %add3A_51, %add3A_4 : i32
      %convert_element_type3A_53 = arith.extui %lt3A_52 : i1 to i32
      %cond3A_54 = arith.constant 0 : i32
      %cond3A_55 = arith.cmpi ne, %convert_element_type3A_53, %cond3A_54 : i32
      scf.if %cond3A_55 {
        %add3A_93 = arith.constant 2 : i32
        %add3A_94 = arith.addi %add3A_35, %add3A_93 : i32
        %mul3A_95 = arith.constant 32 : i32
        %mul3A_96 = arith.muli %add3A_94, %mul3A_95 : i32
        %add3A_97 = arith.addi %add3A, %mul3A_96 : i32
        %mul3A_98 = arith.constant 128 : i32
        %mul3A_99 = arith.muli %add3A_97, %mul3A_98 : i32
        %dma_start3A_100 = tpu.memref_slice %arg5[%mul3A_99] : memref<1600000xi32, #tpu.memory_space<hbm>> -> memref<128xi32, #tpu.memory_space<hbm>>
        %dma_start3A_101 = tpu.memref_slice %arg5[%mul3A_99] : memref<1600000xi32, #tpu.memory_space<hbm>> -> memref<128xi32, #tpu.memory_space<hbm>>
        tpu.enqueue_dma source(%dma_start3A_101 : memref<128xi32, #tpu.memory_space<hbm>>) target(%arg12 : memref<128xi32, #tpu.memory_space<vmem>>) target_semaphore(%arg38 : memref<!tpu.dma_semaphore, #tpu.memory_space<semaphore_mem>>)
        %dma_start3A_102 = tpu.memref_slice %arg6[%mul3A_99] : memref<1600000xi32, #tpu.memory_space<hbm>> -> memref<128xi32, #tpu.memory_space<hbm>>
        %dma_start3A_103 = tpu.memref_slice %arg6[%mul3A_99] : memref<1600000xi32, #tpu.memory_space<hbm>> -> memref<128xi32, #tpu.memory_space<hbm>>
        tpu.enqueue_dma source(%dma_start3A_103 : memref<128xi32, #tpu.memory_space<hbm>>) target(%arg14 : memref<128xi32, #tpu.memory_space<vmem>>) target_semaphore(%arg38 : memref<!tpu.dma_semaphore, #tpu.memory_space<semaphore_mem>>)
      } else {
      }
      %lt3A_56 = arith.cmpi slt, %add3A_35, %add3A_4 : i32
      %convert_element_type3A_57 = arith.extui %lt3A_56 : i1 to i32
      %cond3A_58 = arith.constant 0 : i32
      %cond3A_59 = arith.cmpi ne, %convert_element_type3A_57, %cond3A_58 : i32
      scf.if %cond3A_59 {
        %mul3A_93 = arith.constant 32 : i32
        %mul3A_94 = arith.muli %add3A_35, %mul3A_93 : i32
        %add3A_95 = arith.addi %add3A, %mul3A_94 : i32
        %mul3A_96 = arith.constant 128 : i32
        %mul3A_97 = arith.muli %add3A_95, %mul3A_96 : i32
        %get3A = arith.constant 0 : index
        %get3A_98 = tpu.vector_load %arg16[%get3A] {strides = array<i32>} : memref<128xf32, #tpu.memory_space<vmem>>, vector<16xf32>,
        %get3A_99 = vector.shape_cast %get3A_98 : vector<16xf32> to vector<16xf32>
        %get3A_100 = arith.constant 0 : index
        %get3A_101 = tpu.vector_load %arg17[%get3A_100] {strides = array<i32>} : memref<128xf32, #tpu.memory_space<vmem>>, vector<16xf32>,
        %get3A_102 = vector.shape_cast %get3A_101 : vector<16xf32> to vector<16xf32>
        %get3A_103 = arith.constant 0 : index
        %get3A_104 = tpu.vector_load %arg18[%get3A_103] {strides = array<i32>} : memref<128xf32, #tpu.memory_space<vmem>>, vector<16xf32>,
        %get3A_105 = vector.shape_cast %get3A_104 : vector<16xf32> to vector<16xf32>
        %get3A_106 = arith.constant 0 : index
        %get3A_107 = tpu.vector_load %arg22[%get3A_106] {strides = array<i32>} : memref<128xf32, #tpu.memory_space<vmem>>, vector<16xf32>,
        %get3A_108 = vector.shape_cast %get3A_107 : vector<16xf32> to vector<16xf32>
        %get3A_109 = arith.constant 0 : index
        %get3A_110 = tpu.vector_load %arg23[%get3A_109] {strides = array<i32>} : memref<128xf32, #tpu.memory_space<vmem>>, vector<16xf32>,
        %get3A_111 = vector.shape_cast %get3A_110 : vector<16xf32> to vector<16xf32>
        %get3A_112 = arith.constant 0 : index
        %get3A_113 = tpu.vector_load %arg24[%get3A_112] {strides = array<i32>} : memref<128xf32, #tpu.memory_space<vmem>>, vector<16xf32>,
        %get3A_114 = vector.shape_cast %get3A_113 : vector<16xf32> to vector<16xf32>
        %sub3A_115 = arith.subf %get3A_99, %get3A_108 : vector<16xf32>
        %sub3A_116 = arith.subf %get3A_102, %get3A_111 : vector<16xf32>
        %sub3A_117 = arith.subf %get3A_105, %get3A_114 : vector<16xf32>
        %swap3A = arith.constant 0 : index
        %swap3A_118 = tpu.vector_load %arg30[%swap3A] {strides = array<i32>} : memref<128xf32, #tpu.memory_space<vmem>>, vector<16xf32>,
        %swap3A_119 = vector.shape_cast %swap3A_118 : vector<16xf32> to vector<16xf32>
        %swap3A_120 = vector.shape_cast %sub3A_115 : vector<16xf32> to vector<16xf32>
        tpu.vector_store %arg30[%swap3A], %swap3A_120 {strides = array<i32>} : memref<128xf32, #tpu.memory_space<vmem>>, vector<16xf32>,
        %swap3A_121 = arith.constant 0 : index
        %swap3A_122 = tpu.vector_load %arg31[%swap3A_121] {strides = array<i32>} : memref<128xf32, #tpu.memory_space<vmem>>, vector<16xf32>,
        %swap3A_123 = vector.shape_cast %swap3A_122 : vector<16xf32> to vector<16xf32>
        %swap3A_124 = vector.shape_cast %sub3A_116 : vector<16xf32> to vector<16xf32>
        tpu.vector_store %arg31[%swap3A_121], %swap3A_124 {strides = array<i32>} : memref<128xf32, #tpu.memory_space<vmem>>, vector<16xf32>,
        %swap3A_125 = arith.constant 0 : index
        %swap3A_126 = tpu.vector_load %arg32[%swap3A_125] {strides = array<i32>} : memref<128xf32, #tpu.memory_space<vmem>>, vector<16xf32>,
        %swap3A_127 = vector.shape_cast %swap3A_126 : vector<16xf32> to vector<16xf32>
        %swap3A_128 = vector.shape_cast %sub3A_117 : vector<16xf32> to vector<16xf32>
        tpu.vector_store %arg32[%swap3A_125], %swap3A_128 {strides = array<i32>} : memref<128xf32, #tpu.memory_space<vmem>>, vector<16xf32>,
        %mul3A_129 = arith.mulf %sub3A_115, %sub3A_115 : vector<16xf32>
        %mul3A_130 = arith.mulf %sub3A_116, %sub3A_116 : vector<16xf32>
        %add3A_131 = arith.addf %mul3A_129, %mul3A_130 : vector<16xf32>
        %mul3A_132 = arith.mulf %sub3A_117, %sub3A_117 : vector<16xf32>
        %add3A_133 = arith.addf %add3A_131, %mul3A_132 : vector<16xf32>
        %swap3A_134 = arith.constant 0 : index
        %swap3A_135 = tpu.vector_load %arg28[%swap3A_134] {strides = array<i32>} : memref<128xf32, #tpu.memory_space<vmem>>, vector<16xf32>,
        %swap3A_136 = vector.shape_cast %swap3A_135 : vector<16xf32> to vector<16xf32>
        %swap3A_137 = vector.shape_cast %add3A_133 : vector<16xf32> to vector<16xf32>
        tpu.vector_store %arg28[%swap3A_134], %swap3A_137 {strides = array<i32>} : memref<128xf32, #tpu.memory_space<vmem>>, vector<16xf32>,
        %mul3A_138 = arith.mulf %get3A_99, %get3A_108 : vector<16xf32>
        %mul3A_139 = arith.mulf %get3A_102, %get3A_111 : vector<16xf32>
        %add3A_140 = arith.addf %mul3A_138, %mul3A_139 : vector<16xf32>
        %mul3A_141 = arith.mulf %get3A_105, %get3A_114 : vector<16xf32>
        %add3A_142 = arith.addf %add3A_140, %mul3A_141 : vector<16xf32>
        %swap3A_143 = arith.constant 0 : index
        %swap3A_144 = tpu.vector_load %arg29[%swap3A_143] {strides = array<i32>} : memref<128xf32, #tpu.memory_space<vmem>>, vector<16xf32>,
        %swap3A_145 = vector.shape_cast %swap3A_144 : vector<16xf32> to vector<16xf32>
        %swap3A_146 = vector.shape_cast %add3A_142 : vector<16xf32> to vector<16xf32>
        tpu.vector_store %arg29[%swap3A_143], %swap3A_146 {strides = array<i32>} : memref<128xf32, #tpu.memory_space<vmem>>, vector<16xf32>,
        %get3A_147 = arith.constant 16 : index
        %get3A_148 = tpu.vector_load %arg16[%get3A_147] {strides = array<i32>} : memref<128xf32, #tpu.memory_space<vmem>>, vector<16xf32>,
        %get3A_149 = vector.shape_cast %get3A_148 : vector<16xf32> to vector<16xf32>
        %get3A_150 = arith.constant 16 : index
        %get3A_151 = tpu.vector_load %arg17[%get3A_150] {strides = array<i32>} : memref<128xf32, #tpu.memory_space<vmem>>, vector<16xf32>,
        %get3A_152 = vector.shape_cast %get3A_151 : vector<16xf32> to vector<16xf32>
        %get3A_153 = arith.constant 16 : index
        %get3A_154 = tpu.vector_load %arg18[%get3A_153] {strides = array<i32>} : memref<128xf32, #tpu.memory_space<vmem>>, vector<16xf32>,
        %get3A_155 = vector.shape_cast %get3A_154 : vector<16xf32> to vector<16xf32>
        %get3A_156 = arith.constant 16 : index
        %get3A_157 = tpu.vector_load %arg22[%get3A_156] {strides = array<i32>} : memref<128xf32, #tpu.memory_space<vmem>>, vector<16xf32>,
        %get3A_158 = vector.shape_cast %get3A_157 : vector<16xf32> to vector<16xf32>
        %get3A_159 = arith.constant 16 : index
        %get3A_160 = tpu.vector_load %arg23[%get3A_159] {strides = array<i32>} : memref<128xf32, #tpu.memory_space<vmem>>, vector<16xf32>,
        %get3A_161 = vector.shape_cast %get3A_160 : vector<16xf32> to vector<16xf32>
        %get3A_162 = arith.constant 16 : index
        %get3A_163 = tpu.vector_load %arg24[%get3A_162] {strides = array<i32>} : memref<128xf32, #tpu.memory_space<vmem>>, vector<16xf32>,
        %get3A_164 = vector.shape_cast %get3A_163 : vector<16xf32> to vector<16xf32>
        %sub3A_165 = arith.subf %get3A_149, %get3A_158 : vector<16xf32>
        %sub3A_166 = arith.subf %get3A_152, %get3A_161 : vector<16xf32>
        %sub3A_167 = arith.subf %get3A_155, %get3A_164 : vector<16xf32>
        %swap3A_168 = arith.constant 16 : index
        %swap3A_169 = tpu.vector_load %arg30[%swap3A_168] {strides = array<i32>} : memref<128xf32, #tpu.memory_space<vmem>>, vector<16xf32>,
        %swap3A_170 = vector.shape_cast %swap3A_169 : vector<16xf32> to vector<16xf32>
        %swap3A_171 = vector.shape_cast %sub3A_165 : vector<16xf32> to vector<16xf32>
        tpu.vector_store %arg30[%swap3A_168], %swap3A_171 {strides = array<i32>} : memref<128xf32, #tpu.memory_space<vmem>>, vector<16xf32>,
        %swap3A_172 = arith.constant 16 : index
        %swap3A_173 = tpu.vector_load %arg31[%swap3A_172] {strides = array<i32>} : memref<128xf32, #tpu.memory_space<vmem>>, vector<16xf32>,
        %swap3A_174 = vector.shape_cast %swap3A_173 : vector<16xf32> to vector<16xf32>
        %swap3A_175 = vector.shape_cast %sub3A_166 : vector<16xf32> to vector<16xf32>
        tpu.vector_store %arg31[%swap3A_172], %swap3A_175 {strides = array<i32>} : memref<128xf32, #tpu.memory_space<vmem>>, vector<16xf32>,
        %swap3A_176 = arith.constant 16 : index
        %swap3A_177 = tpu.vector_load %arg32[%swap3A_176] {strides = array<i32>} : memref<128xf32, #tpu.memory_space<vmem>>, vector<16xf32>,
        %swap3A_178 = vector.shape_cast %swap3A_177 : vector<16xf32> to vector<16xf32>
        %swap3A_179 = vector.shape_cast %sub3A_167 : vector<16xf32> to vector<16xf32>
        tpu.vector_store %arg32[%swap3A_176], %swap3A_179 {strides = array<i32>} : memref<128xf32, #tpu.memory_space<vmem>>, vector<16xf32>,
        %mul3A_180 = arith.mulf %sub3A_165, %sub3A_165 : vector<16xf32>
        %mul3A_181 = arith.mulf %sub3A_166, %sub3A_166 : vector<16xf32>
        %add3A_182 = arith.addf %mul3A_180, %mul3A_181 : vector<16xf32>
        %mul3A_183 = arith.mulf %sub3A_167, %sub3A_167 : vector<16xf32>
        %add3A_184 = arith.addf %add3A_182, %mul3A_183 : vector<16xf32>
        %swap3A_185 = arith.constant 16 : index
        %swap3A_186 = tpu.vector_load %arg28[%swap3A_185] {strides = array<i32>} : memref<128xf32, #tpu.memory_space<vmem>>, vector<16xf32>,
        %swap3A_187 = vector.shape_cast %swap3A_186 : vector<16xf32> to vector<16xf32>
        %swap3A_188 = vector.shape_cast %add3A_184 : vector<16xf32> to vector<16xf32>
        tpu.vector_store %arg28[%swap3A_185], %swap3A_188 {strides = array<i32>} : memref<128xf32, #tpu.memory_space<vmem>>, vector<16xf32>,
        %mul3A_189 = arith.mulf %get3A_149, %get3A_158 : vector<16xf32>
        %mul3A_190 = arith.mulf %get3A_152, %get3A_161 : vector<16xf32>
        %add3A_191 = arith.addf %mul3A_189, %mul3A_190 : vector<16xf32>
        %mul3A_192 = arith.mulf %get3A_155, %get3A_164 : vector<16xf32>
        %add3A_193 = arith.addf %add3A_191, %mul3A_192 : vector<16xf32>
        %swap3A_194 = arith.constant 16 : index
        %swap3A_195 = tpu.vector_load %arg29[%swap3A_194] {strides = array<i32>} : memref<128xf32, #tpu.memory_space<vmem>>, vector<16xf32>,
        %swap3A_196 = vector.shape_cast %swap3A_195 : vector<16xf32> to vector<16xf32>
        %swap3A_197 = vector.shape_cast %add3A_193 : vector<16xf32> to vector<16xf32>
        tpu.vector_store %arg29[%swap3A_194], %swap3A_197 {strides = array<i32>} : memref<128xf32, #tpu.memory_space<vmem>>, vector<16xf32>,
        %get3A_198 = arith.constant 32 : index
        %get3A_199 = tpu.vector_load %arg16[%get3A_198] {strides = array<i32>} : memref<128xf32, #tpu.memory_space<vmem>>, vector<16xf32>,
        %get3A_200 = vector.shape_cast %get3A_199 : vector<16xf32> to vector<16xf32>
        %get3A_201 = arith.constant 32 : index
        %get3A_202 = tpu.vector_load %arg17[%get3A_201] {strides = array<i32>} : memref<128xf32, #tpu.memory_space<vmem>>, vector<16xf32>,
        %get3A_203 = vector.shape_cast %get3A_202 : vector<16xf32> to vector<16xf32>
        %get3A_204 = arith.constant 32 : index
        %get3A_205 = tpu.vector_load %arg18[%get3A_204] {strides = array<i32>} : memref<128xf32, #tpu.memory_space<vmem>>, vector<16xf32>,
        %get3A_206 = vector.shape_cast %get3A_205 : vector<16xf32> to vector<16xf32>
        %get3A_207 = arith.constant 32 : index
        %get3A_208 = tpu.vector_load %arg22[%get3A_207] {strides = array<i32>} : memref<128xf32, #tpu.memory_space<vmem>>, vector<16xf32>,
        %get3A_209 = vector.shape_cast %get3A_208 : vector<16xf32> to vector<16xf32>
        %get3A_210 = arith.constant 32 : index
        %get3A_211 = tpu.vector_load %arg23[%get3A_210] {strides = array<i32>} : memref<128xf32, #tpu.memory_space<vmem>>, vector<16xf32>,
        %get3A_212 = vector.shape_cast %get3A_211 : vector<16xf32> to vector<16xf32>
        %get3A_213 = arith.constant 32 : index
        %get3A_214 = tpu.vector_load %arg24[%get3A_213] {strides = array<i32>} : memref<128xf32, #tpu.memory_space<vmem>>, vector<16xf32>,
        %get3A_215 = vector.shape_cast %get3A_214 : vector<16xf32> to vector<16xf32>
        %sub3A_216 = arith.subf %get3A_200, %get3A_209 : vector<16xf32>
        %sub3A_217 = arith.subf %get3A_203, %get3A_212 : vector<16xf32>
        %sub3A_218 = arith.subf %get3A_206, %get3A_215 : vector<16xf32>
        %swap3A_219 = arith.constant 32 : index
        %swap3A_220 = tpu.vector_load %arg30[%swap3A_219] {strides = array<i32>} : memref<128xf32, #tpu.memory_space<vmem>>, vector<16xf32>,
        %swap3A_221 = vector.shape_cast %swap3A_220 : vector<16xf32> to vector<16xf32>
        %swap3A_222 = vector.shape_cast %sub3A_216 : vector<16xf32> to vector<16xf32>
        tpu.vector_store %arg30[%swap3A_219], %swap3A_222 {strides = array<i32>} : memref<128xf32, #tpu.memory_space<vmem>>, vector<16xf32>,
        %swap3A_223 = arith.constant 32 : index
        %swap3A_224 = tpu.vector_load %arg31[%swap3A_223] {strides = array<i32>} : memref<128xf32, #tpu.memory_space<vmem>>, vector<16xf32>,
        %swap3A_225 = vector.shape_cast %swap3A_224 : vector<16xf32> to vector<16xf32>
        %swap3A_226 = vector.shape_cast %sub3A_217 : vector<16xf32> to vector<16xf32>
        tpu.vector_store %arg31[%swap3A_223], %swap3A_226 {strides = array<i32>} : memref<128xf32, #tpu.memory_space<vmem>>, vector<16xf32>,
        %swap3A_227 = arith.constant 32 : index
        %swap3A_228 = tpu.vector_load %arg32[%swap3A_227] {strides = array<i32>} : memref<128xf32, #tpu.memory_space<vmem>>, vector<16xf32>,
        %swap3A_229 = vector.shape_cast %swap3A_228 : vector<16xf32> to vector<16xf32>
        %swap3A_230 = vector.shape_cast %sub3A_218 : vector<16xf32> to vector<16xf32>
        tpu.vector_store %arg32[%swap3A_227], %swap3A_230 {strides = array<i32>} : memref<128xf32, #tpu.memory_space<vmem>>, vector<16xf32>,
        %mul3A_231 = arith.mulf %sub3A_216, %sub3A_216 : vector<16xf32>
        %mul3A_232 = arith.mulf %sub3A_217, %sub3A_217 : vector<16xf32>
        %add3A_233 = arith.addf %mul3A_231, %mul3A_232 : vector<16xf32>
        %mul3A_234 = arith.mulf %sub3A_218, %sub3A_218 : vector<16xf32>
        %add3A_235 = arith.addf %add3A_233, %mul3A_234 : vector<16xf32>
        %swap3A_236 = arith.constant 32 : index
        %swap3A_237 = tpu.vector_load %arg28[%swap3A_236] {strides = array<i32>} : memref<128xf32, #tpu.memory_space<vmem>>, vector<16xf32>,
        %swap3A_238 = vector.shape_cast %swap3A_237 : vector<16xf32> to vector<16xf32>
        %swap3A_239 = vector.shape_cast %add3A_235 : vector<16xf32> to vector<16xf32>
        tpu.vector_store %arg28[%swap3A_236], %swap3A_239 {strides = array<i32>} : memref<128xf32, #tpu.memory_space<vmem>>, vector<16xf32>,
        %mul3A_240 = arith.mulf %get3A_200, %get3A_209 : vector<16xf32>
        %mul3A_241 = arith.mulf %get3A_203, %get3A_212 : vector<16xf32>
        %add3A_242 = arith.addf %mul3A_240, %mul3A_241 : vector<16xf32>
        %mul3A_243 = arith.mulf %get3A_206, %get3A_215 : vector<16xf32>
        %add3A_244 = arith.addf %add3A_242, %mul3A_243 : vector<16xf32>
        %swap3A_245 = arith.constant 32 : index
        %swap3A_246 = tpu.vector_load %arg29[%swap3A_245] {strides = array<i32>} : memref<128xf32, #tpu.memory_space<vmem>>, vector<16xf32>,
        %swap3A_247 = vector.shape_cast %swap3A_246 : vector<16xf32> to vector<16xf32>
        %swap3A_248 = vector.shape_cast %add3A_244 : vector<16xf32> to vector<16xf32>
        tpu.vector_store %arg29[%swap3A_245], %swap3A_248 {strides = array<i32>} : memref<128xf32, #tpu.memory_space<vmem>>, vector<16xf32>,
        %get3A_249 = arith.constant 48 : index
        %get3A_250 = tpu.vector_load %arg16[%get3A_249] {strides = array<i32>} : memref<128xf32, #tpu.memory_space<vmem>>, vector<16xf32>,
        %get3A_251 = vector.shape_cast %get3A_250 : vector<16xf32> to vector<16xf32>
        %get3A_252 = arith.constant 48 : index
        %get3A_253 = tpu.vector_load %arg17[%get3A_252] {strides = array<i32>} : memref<128xf32, #tpu.memory_space<vmem>>, vector<16xf32>,
        %get3A_254 = vector.shape_cast %get3A_253 : vector<16xf32> to vector<16xf32>
        %get3A_255 = arith.constant 48 : index
        %get3A_256 = tpu.vector_load %arg18[%get3A_255] {strides = array<i32>} : memref<128xf32, #tpu.memory_space<vmem>>, vector<16xf32>,
        %get3A_257 = vector.shape_cast %get3A_256 : vector<16xf32> to vector<16xf32>
        %get3A_258 = arith.constant 48 : index
        %get3A_259 = tpu.vector_load %arg22[%get3A_258] {strides = array<i32>} : memref<128xf32, #tpu.memory_space<vmem>>, vector<16xf32>,
        %get3A_260 = vector.shape_cast %get3A_259 : vector<16xf32> to vector<16xf32>
        %get3A_261 = arith.constant 48 : index
        %get3A_262 = tpu.vector_load %arg23[%get3A_261] {strides = array<i32>} : memref<128xf32, #tpu.memory_space<vmem>>, vector<16xf32>,
        %get3A_263 = vector.shape_cast %get3A_262 : vector<16xf32> to vector<16xf32>
        %get3A_264 = arith.constant 48 : index
        %get3A_265 = tpu.vector_load %arg24[%get3A_264] {strides = array<i32>} : memref<128xf32, #tpu.memory_space<vmem>>, vector<16xf32>,
        %get3A_266 = vector.shape_cast %get3A_265 : vector<16xf32> to vector<16xf32>
        %sub3A_267 = arith.subf %get3A_251, %get3A_260 : vector<16xf32>
        %sub3A_268 = arith.subf %get3A_254, %get3A_263 : vector<16xf32>
        %sub3A_269 = arith.subf %get3A_257, %get3A_266 : vector<16xf32>
        %swap3A_270 = arith.constant 48 : index
        %swap3A_271 = tpu.vector_load %arg30[%swap3A_270] {strides = array<i32>} : memref<128xf32, #tpu.memory_space<vmem>>, vector<16xf32>,
        %swap3A_272 = vector.shape_cast %swap3A_271 : vector<16xf32> to vector<16xf32>
        %swap3A_273 = vector.shape_cast %sub3A_267 : vector<16xf32> to vector<16xf32>
        tpu.vector_store %arg30[%swap3A_270], %swap3A_273 {strides = array<i32>} : memref<128xf32, #tpu.memory_space<vmem>>, vector<16xf32>,
        %swap3A_274 = arith.constant 48 : index
        %swap3A_275 = tpu.vector_load %arg31[%swap3A_274] {strides = array<i32>} : memref<128xf32, #tpu.memory_space<vmem>>, vector<16xf32>,
        %swap3A_276 = vector.shape_cast %swap3A_275 : vector<16xf32> to vector<16xf32>
        %swap3A_277 = vector.shape_cast %sub3A_268 : vector<16xf32> to vector<16xf32>
        tpu.vector_store %arg31[%swap3A_274], %swap3A_277 {strides = array<i32>} : memref<128xf32, #tpu.memory_space<vmem>>, vector<16xf32>,
        %swap3A_278 = arith.constant 48 : index
        %swap3A_279 = tpu.vector_load %arg32[%swap3A_278] {strides = array<i32>} : memref<128xf32, #tpu.memory_space<vmem>>, vector<16xf32>,
        %swap3A_280 = vector.shape_cast %swap3A_279 : vector<16xf32> to vector<16xf32>
        %swap3A_281 = vector.shape_cast %sub3A_269 : vector<16xf32> to vector<16xf32>
        tpu.vector_store %arg32[%swap3A_278], %swap3A_281 {strides = array<i32>} : memref<128xf32, #tpu.memory_space<vmem>>, vector<16xf32>,
        %mul3A_282 = arith.mulf %sub3A_267, %sub3A_267 : vector<16xf32>
        %mul3A_283 = arith.mulf %sub3A_268, %sub3A_268 : vector<16xf32>
        %add3A_284 = arith.addf %mul3A_282, %mul3A_283 : vector<16xf32>
        %mul3A_285 = arith.mulf %sub3A_269, %sub3A_269 : vector<16xf32>
        %add3A_286 = arith.addf %add3A_284, %mul3A_285 : vector<16xf32>
        %swap3A_287 = arith.constant 48 : index
        %swap3A_288 = tpu.vector_load %arg28[%swap3A_287] {strides = array<i32>} : memref<128xf32, #tpu.memory_space<vmem>>, vector<16xf32>,
        %swap3A_289 = vector.shape_cast %swap3A_288 : vector<16xf32> to vector<16xf32>
        %swap3A_290 = vector.shape_cast %add3A_286 : vector<16xf32> to vector<16xf32>
        tpu.vector_store %arg28[%swap3A_287], %swap3A_290 {strides = array<i32>} : memref<128xf32, #tpu.memory_space<vmem>>, vector<16xf32>,
        %mul3A_291 = arith.mulf %get3A_251, %get3A_260 : vector<16xf32>
        %mul3A_292 = arith.mulf %get3A_254, %get3A_263 : vector<16xf32>
        %add3A_293 = arith.addf %mul3A_291, %mul3A_292 : vector<16xf32>
        %mul3A_294 = arith.mulf %get3A_257, %get3A_266 : vector<16xf32>
        %add3A_295 = arith.addf %add3A_293, %mul3A_294 : vector<16xf32>
        %swap3A_296 = arith.constant 48 : index
        %swap3A_297 = tpu.vector_load %arg29[%swap3A_296] {strides = array<i32>} : memref<128xf32, #tpu.memory_space<vmem>>, vector<16xf32>,
        %swap3A_298 = vector.shape_cast %swap3A_297 : vector<16xf32> to vector<16xf32>
        %swap3A_299 = vector.shape_cast %add3A_295 : vector<16xf32> to vector<16xf32>
        tpu.vector_store %arg29[%swap3A_296], %swap3A_299 {strides = array<i32>} : memref<128xf32, #tpu.memory_space<vmem>>, vector<16xf32>,
        %get3A_300 = arith.constant 64 : index
        %get3A_301 = tpu.vector_load %arg16[%get3A_300] {strides = array<i32>} : memref<128xf32, #tpu.memory_space<vmem>>, vector<16xf32>,
        %get3A_302 = vector.shape_cast %get3A_301 : vector<16xf32> to vector<16xf32>
        %get3A_303 = arith.constant 64 : index
        %get3A_304 = tpu.vector_load %arg17[%get3A_303] {strides = array<i32>} : memref<128xf32, #tpu.memory_space<vmem>>, vector<16xf32>,
        %get3A_305 = vector.shape_cast %get3A_304 : vector<16xf32> to vector<16xf32>
        %get3A_306 = arith.constant 64 : index
        %get3A_307 = tpu.vector_load %arg18[%get3A_306] {strides = array<i32>} : memref<128xf32, #tpu.memory_space<vmem>>, vector<16xf32>,
        %get3A_308 = vector.shape_cast %get3A_307 : vector<16xf32> to vector<16xf32>
        %get3A_309 = arith.constant 64 : index
        %get3A_310 = tpu.vector_load %arg22[%get3A_309] {strides = array<i32>} : memref<128xf32, #tpu.memory_space<vmem>>, vector<16xf32>,
        %get3A_311 = vector.shape_cast %get3A_310 : vector<16xf32> to vector<16xf32>
        %get3A_312 = arith.constant 64 : index
        %get3A_313 = tpu.vector_load %arg23[%get3A_312] {strides = array<i32>} : memref<128xf32, #tpu.memory_space<vmem>>, vector<16xf32>,
        %get3A_314 = vector.shape_cast %get3A_313 : vector<16xf32> to vector<16xf32>
        %get3A_315 = arith.constant 64 : index
        %get3A_316 = tpu.vector_load %arg24[%get3A_315] {strides = array<i32>} : memref<128xf32, #tpu.memory_space<vmem>>, vector<16xf32>,
        %get3A_317 = vector.shape_cast %get3A_316 : vector<16xf32> to vector<16xf32>
        %sub3A_318 = arith.subf %get3A_302, %get3A_311 : vector<16xf32>
        %sub3A_319 = arith.subf %get3A_305, %get3A_314 : vector<16xf32>
        %sub3A_320 = arith.subf %get3A_308, %get3A_317 : vector<16xf32>
        %swap3A_321 = arith.constant 64 : index
        %swap3A_322 = tpu.vector_load %arg30[%swap3A_321] {strides = array<i32>} : memref<128xf32, #tpu.memory_space<vmem>>, vector<16xf32>,
        %swap3A_323 = vector.shape_cast %swap3A_322 : vector<16xf32> to vector<16xf32>
        %swap3A_324 = vector.shape_cast %sub3A_318 : vector<16xf32> to vector<16xf32>
        tpu.vector_store %arg30[%swap3A_321], %swap3A_324 {strides = array<i32>} : memref<128xf32, #tpu.memory_space<vmem>>, vector<16xf32>,
        %swap3A_325 = arith.constant 64 : index
        %swap3A_326 = tpu.vector_load %arg31[%swap3A_325] {strides = array<i32>} : memref<128xf32, #tpu.memory_space<vmem>>, vector<16xf32>,
        %swap3A_327 = vector.shape_cast %swap3A_326 : vector<16xf32> to vector<16xf32>
        %swap3A_328 = vector.shape_cast %sub3A_319 : vector<16xf32> to vector<16xf32>
        tpu.vector_store %arg31[%swap3A_325], %swap3A_328 {strides = array<i32>} : memref<128xf32, #tpu.memory_space<vmem>>, vector<16xf32>,
        %swap3A_329 = arith.constant 64 : index
        %swap3A_330 = tpu.vector_load %arg32[%swap3A_329] {strides = array<i32>} : memref<128xf32, #tpu.memory_space<vmem>>, vector<16xf32>,
        %swap3A_331 = vector.shape_cast %swap3A_330 : vector<16xf32> to vector<16xf32>
        %swap3A_332 = vector.shape_cast %sub3A_320 : vector<16xf32> to vector<16xf32>
        tpu.vector_store %arg32[%swap3A_329], %swap3A_332 {strides = array<i32>} : memref<128xf32, #tpu.memory_space<vmem>>, vector<16xf32>,
        %mul3A_333 = arith.mulf %sub3A_318, %sub3A_318 : vector<16xf32>
        %mul3A_334 = arith.mulf %sub3A_319, %sub3A_319 : vector<16xf32>
        %add3A_335 = arith.addf %mul3A_333, %mul3A_334 : vector<16xf32>
        %mul3A_336 = arith.mulf %sub3A_320, %sub3A_320 : vector<16xf32>
        %add3A_337 = arith.addf %add3A_335, %mul3A_336 : vector<16xf32>
        %swap3A_338 = arith.constant 64 : index
        %swap3A_339 = tpu.vector_load %arg28[%swap3A_338] {strides = array<i32>} : memref<128xf32, #tpu.memory_space<vmem>>, vector<16xf32>,
        %swap3A_340 = vector.shape_cast %swap3A_339 : vector<16xf32> to vector<16xf32>
        %swap3A_341 = vector.shape_cast %add3A_337 : vector<16xf32> to vector<16xf32>
        tpu.vector_store %arg28[%swap3A_338], %swap3A_341 {strides = array<i32>} : memref<128xf32, #tpu.memory_space<vmem>>, vector<16xf32>,
        %mul3A_342 = arith.mulf %get3A_302, %get3A_311 : vector<16xf32>
        %mul3A_343 = arith.mulf %get3A_305, %get3A_314 : vector<16xf32>
        %add3A_344 = arith.addf %mul3A_342, %mul3A_343 : vector<16xf32>
        %mul3A_345 = arith.mulf %get3A_308, %get3A_317 : vector<16xf32>
        %add3A_346 = arith.addf %add3A_344, %mul3A_345 : vector<16xf32>
        %swap3A_347 = arith.constant 64 : index
        %swap3A_348 = tpu.vector_load %arg29[%swap3A_347] {strides = array<i32>} : memref<128xf32, #tpu.memory_space<vmem>>, vector<16xf32>,
        %swap3A_349 = vector.shape_cast %swap3A_348 : vector<16xf32> to vector<16xf32>
        %swap3A_350 = vector.shape_cast %add3A_346 : vector<16xf32> to vector<16xf32>
        tpu.vector_store %arg29[%swap3A_347], %swap3A_350 {strides = array<i32>} : memref<128xf32, #tpu.memory_space<vmem>>, vector<16xf32>,
        %get3A_351 = arith.constant 80 : index
        %get3A_352 = tpu.vector_load %arg16[%get3A_351] {strides = array<i32>} : memref<128xf32, #tpu.memory_space<vmem>>, vector<16xf32>,
        %get3A_353 = vector.shape_cast %get3A_352 : vector<16xf32> to vector<16xf32>
        %get3A_354 = arith.constant 80 : index
        %get3A_355 = tpu.vector_load %arg17[%get3A_354] {strides = array<i32>} : memref<128xf32, #tpu.memory_space<vmem>>, vector<16xf32>,
        %get3A_356 = vector.shape_cast %get3A_355 : vector<16xf32> to vector<16xf32>
        %get3A_357 = arith.constant 80 : index
        %get3A_358 = tpu.vector_load %arg18[%get3A_357] {strides = array<i32>} : memref<128xf32, #tpu.memory_space<vmem>>, vector<16xf32>,
        %get3A_359 = vector.shape_cast %get3A_358 : vector<16xf32> to vector<16xf32>
        %get3A_360 = arith.constant 80 : index
        %get3A_361 = tpu.vector_load %arg22[%get3A_360] {strides = array<i32>} : memref<128xf32, #tpu.memory_space<vmem>>, vector<16xf32>,
        %get3A_362 = vector.shape_cast %get3A_361 : vector<16xf32> to vector<16xf32>
        %get3A_363 = arith.constant 80 : index
        %get3A_364 = tpu.vector_load %arg23[%get3A_363] {strides = array<i32>} : memref<128xf32, #tpu.memory_space<vmem>>, vector<16xf32>,
        %get3A_365 = vector.shape_cast %get3A_364 : vector<16xf32> to vector<16xf32>
        %get3A_366 = arith.constant 80 : index
        %get3A_367 = tpu.vector_load %arg24[%get3A_366] {strides = array<i32>} : memref<128xf32, #tpu.memory_space<vmem>>, vector<16xf32>,
        %get3A_368 = vector.shape_cast %get3A_367 : vector<16xf32> to vector<16xf32>
        %sub3A_369 = arith.subf %get3A_353, %get3A_362 : vector<16xf32>
        %sub3A_370 = arith.subf %get3A_356, %get3A_365 : vector<16xf32>
        %sub3A_371 = arith.subf %get3A_359, %get3A_368 : vector<16xf32>
        %swap3A_372 = arith.constant 80 : index
        %swap3A_373 = tpu.vector_load %arg30[%swap3A_372] {strides = array<i32>} : memref<128xf32, #tpu.memory_space<vmem>>, vector<16xf32>,
        %swap3A_374 = vector.shape_cast %swap3A_373 : vector<16xf32> to vector<16xf32>
        %swap3A_375 = vector.shape_cast %sub3A_369 : vector<16xf32> to vector<16xf32>
        tpu.vector_store %arg30[%swap3A_372], %swap3A_375 {strides = array<i32>} : memref<128xf32, #tpu.memory_space<vmem>>, vector<16xf32>,
        %swap3A_376 = arith.constant 80 : index
        %swap3A_377 = tpu.vector_load %arg31[%swap3A_376] {strides = array<i32>} : memref<128xf32, #tpu.memory_space<vmem>>, vector<16xf32>,
        %swap3A_378 = vector.shape_cast %swap3A_377 : vector<16xf32> to vector<16xf32>
        %swap3A_379 = vector.shape_cast %sub3A_370 : vector<16xf32> to vector<16xf32>
        tpu.vector_store %arg31[%swap3A_376], %swap3A_379 {strides = array<i32>} : memref<128xf32, #tpu.memory_space<vmem>>, vector<16xf32>,
        %swap3A_380 = arith.constant 80 : index
        %swap3A_381 = tpu.vector_load %arg32[%swap3A_380] {strides = array<i32>} : memref<128xf32, #tpu.memory_space<vmem>>, vector<16xf32>,
        %swap3A_382 = vector.shape_cast %swap3A_381 : vector<16xf32> to vector<16xf32>
        %swap3A_383 = vector.shape_cast %sub3A_371 : vector<16xf32> to vector<16xf32>
        tpu.vector_store %arg32[%swap3A_380], %swap3A_383 {strides = array<i32>} : memref<128xf32, #tpu.memory_space<vmem>>, vector<16xf32>,
        %mul3A_384 = arith.mulf %sub3A_369, %sub3A_369 : vector<16xf32>
        %mul3A_385 = arith.mulf %sub3A_370, %sub3A_370 : vector<16xf32>
        %add3A_386 = arith.addf %mul3A_384, %mul3A_385 : vector<16xf32>
        %mul3A_387 = arith.mulf %sub3A_371, %sub3A_371 : vector<16xf32>
        %add3A_388 = arith.addf %add3A_386, %mul3A_387 : vector<16xf32>
        %swap3A_389 = arith.constant 80 : index
        %swap3A_390 = tpu.vector_load %arg28[%swap3A_389] {strides = array<i32>} : memref<128xf32, #tpu.memory_space<vmem>>, vector<16xf32>,
        %swap3A_391 = vector.shape_cast %swap3A_390 : vector<16xf32> to vector<16xf32>
        %swap3A_392 = vector.shape_cast %add3A_388 : vector<16xf32> to vector<16xf32>
        tpu.vector_store %arg28[%swap3A_389], %swap3A_392 {strides = array<i32>} : memref<128xf32, #tpu.memory_space<vmem>>, vector<16xf32>,
        %mul3A_393 = arith.mulf %get3A_353, %get3A_362 : vector<16xf32>
        %mul3A_394 = arith.mulf %get3A_356, %get3A_365 : vector<16xf32>
        %add3A_395 = arith.addf %mul3A_393, %mul3A_394 : vector<16xf32>
        %mul3A_396 = arith.mulf %get3A_359, %get3A_368 : vector<16xf32>
        %add3A_397 = arith.addf %add3A_395, %mul3A_396 : vector<16xf32>
        %swap3A_398 = arith.constant 80 : index
        %swap3A_399 = tpu.vector_load %arg29[%swap3A_398] {strides = array<i32>} : memref<128xf32, #tpu.memory_space<vmem>>, vector<16xf32>,
        %swap3A_400 = vector.shape_cast %swap3A_399 : vector<16xf32> to vector<16xf32>
        %swap3A_401 = vector.shape_cast %add3A_397 : vector<16xf32> to vector<16xf32>
        tpu.vector_store %arg29[%swap3A_398], %swap3A_401 {strides = array<i32>} : memref<128xf32, #tpu.memory_space<vmem>>, vector<16xf32>,
        %get3A_402 = arith.constant 96 : index
        %get3A_403 = tpu.vector_load %arg16[%get3A_402] {strides = array<i32>} : memref<128xf32, #tpu.memory_space<vmem>>, vector<16xf32>,
        %get3A_404 = vector.shape_cast %get3A_403 : vector<16xf32> to vector<16xf32>
        %get3A_405 = arith.constant 96 : index
        %get3A_406 = tpu.vector_load %arg17[%get3A_405] {strides = array<i32>} : memref<128xf32, #tpu.memory_space<vmem>>, vector<16xf32>,
        %get3A_407 = vector.shape_cast %get3A_406 : vector<16xf32> to vector<16xf32>
        %get3A_408 = arith.constant 96 : index
        %get3A_409 = tpu.vector_load %arg18[%get3A_408] {strides = array<i32>} : memref<128xf32, #tpu.memory_space<vmem>>, vector<16xf32>,
        %get3A_410 = vector.shape_cast %get3A_409 : vector<16xf32> to vector<16xf32>
        %get3A_411 = arith.constant 96 : index
        %get3A_412 = tpu.vector_load %arg22[%get3A_411] {strides = array<i32>} : memref<128xf32, #tpu.memory_space<vmem>>, vector<16xf32>,
        %get3A_413 = vector.shape_cast %get3A_412 : vector<16xf32> to vector<16xf32>
        %get3A_414 = arith.constant 96 : index
        %get3A_415 = tpu.vector_load %arg23[%get3A_414] {strides = array<i32>} : memref<128xf32, #tpu.memory_space<vmem>>, vector<16xf32>,
        %get3A_416 = vector.shape_cast %get3A_415 : vector<16xf32> to vector<16xf32>
        %get3A_417 = arith.constant 96 : index
        %get3A_418 = tpu.vector_load %arg24[%get3A_417] {strides = array<i32>} : memref<128xf32, #tpu.memory_space<vmem>>, vector<16xf32>,
        %get3A_419 = vector.shape_cast %get3A_418 : vector<16xf32> to vector<16xf32>
        %sub3A_420 = arith.subf %get3A_404, %get3A_413 : vector<16xf32>
        %sub3A_421 = arith.subf %get3A_407, %get3A_416 : vector<16xf32>
        %sub3A_422 = arith.subf %get3A_410, %get3A_419 : vector<16xf32>
        %swap3A_423 = arith.constant 96 : index
        %swap3A_424 = tpu.vector_load %arg30[%swap3A_423] {strides = array<i32>} : memref<128xf32, #tpu.memory_space<vmem>>, vector<16xf32>,
        %swap3A_425 = vector.shape_cast %swap3A_424 : vector<16xf32> to vector<16xf32>
        %swap3A_426 = vector.shape_cast %sub3A_420 : vector<16xf32> to vector<16xf32>
        tpu.vector_store %arg30[%swap3A_423], %swap3A_426 {strides = array<i32>} : memref<128xf32, #tpu.memory_space<vmem>>, vector<16xf32>,
        %swap3A_427 = arith.constant 96 : index
        %swap3A_428 = tpu.vector_load %arg31[%swap3A_427] {strides = array<i32>} : memref<128xf32, #tpu.memory_space<vmem>>, vector<16xf32>,
        %swap3A_429 = vector.shape_cast %swap3A_428 : vector<16xf32> to vector<16xf32>
        %swap3A_430 = vector.shape_cast %sub3A_421 : vector<16xf32> to vector<16xf32>
        tpu.vector_store %arg31[%swap3A_427], %swap3A_430 {strides = array<i32>} : memref<128xf32, #tpu.memory_space<vmem>>, vector<16xf32>,
        %swap3A_431 = arith.constant 96 : index
        %swap3A_432 = tpu.vector_load %arg32[%swap3A_431] {strides = array<i32>} : memref<128xf32, #tpu.memory_space<vmem>>, vector<16xf32>,
        %swap3A_433 = vector.shape_cast %swap3A_432 : vector<16xf32> to vector<16xf32>
        %swap3A_434 = vector.shape_cast %sub3A_422 : vector<16xf32> to vector<16xf32>
        tpu.vector_store %arg32[%swap3A_431], %swap3A_434 {strides = array<i32>} : memref<128xf32, #tpu.memory_space<vmem>>, vector<16xf32>,
        %mul3A_435 = arith.mulf %sub3A_420, %sub3A_420 : vector<16xf32>
        %mul3A_436 = arith.mulf %sub3A_421, %sub3A_421 : vector<16xf32>
        %add3A_437 = arith.addf %mul3A_435, %mul3A_436 : vector<16xf32>
        %mul3A_438 = arith.mulf %sub3A_422, %sub3A_422 : vector<16xf32>
        %add3A_439 = arith.addf %add3A_437, %mul3A_438 : vector<16xf32>
        %swap3A_440 = arith.constant 96 : index
        %swap3A_441 = tpu.vector_load %arg28[%swap3A_440] {strides = array<i32>} : memref<128xf32, #tpu.memory_space<vmem>>, vector<16xf32>,
        %swap3A_442 = vector.shape_cast %swap3A_441 : vector<16xf32> to vector<16xf32>
        %swap3A_443 = vector.shape_cast %add3A_439 : vector<16xf32> to vector<16xf32>
        tpu.vector_store %arg28[%swap3A_440], %swap3A_443 {strides = array<i32>} : memref<128xf32, #tpu.memory_space<vmem>>, vector<16xf32>,
        %mul3A_444 = arith.mulf %get3A_404, %get3A_413 : vector<16xf32>
        %mul3A_445 = arith.mulf %get3A_407, %get3A_416 : vector<16xf32>
        %add3A_446 = arith.addf %mul3A_444, %mul3A_445 : vector<16xf32>
        %mul3A_447 = arith.mulf %get3A_410, %get3A_419 : vector<16xf32>
        %add3A_448 = arith.addf %add3A_446, %mul3A_447 : vector<16xf32>
        %swap3A_449 = arith.constant 96 : index
        %swap3A_450 = tpu.vector_load %arg29[%swap3A_449] {strides = array<i32>} : memref<128xf32, #tpu.memory_space<vmem>>, vector<16xf32>,
        %swap3A_451 = vector.shape_cast %swap3A_450 : vector<16xf32> to vector<16xf32>
        %swap3A_452 = vector.shape_cast %add3A_448 : vector<16xf32> to vector<16xf32>
        tpu.vector_store %arg29[%swap3A_449], %swap3A_452 {strides = array<i32>} : memref<128xf32, #tpu.memory_space<vmem>>, vector<16xf32>,
        %get3A_453 = arith.constant 112 : index
        %get3A_454 = tpu.vector_load %arg16[%get3A_453] {strides = array<i32>} : memref<128xf32, #tpu.memory_space<vmem>>, vector<16xf32>,
        %get3A_455 = vector.shape_cast %get3A_454 : vector<16xf32> to vector<16xf32>
        %get3A_456 = arith.constant 112 : index
        %get3A_457 = tpu.vector_load %arg17[%get3A_456] {strides = array<i32>} : memref<128xf32, #tpu.memory_space<vmem>>, vector<16xf32>,
        %get3A_458 = vector.shape_cast %get3A_457 : vector<16xf32> to vector<16xf32>
        %get3A_459 = arith.constant 112 : index
        %get3A_460 = tpu.vector_load %arg18[%get3A_459] {strides = array<i32>} : memref<128xf32, #tpu.memory_space<vmem>>, vector<16xf32>,
        %get3A_461 = vector.shape_cast %get3A_460 : vector<16xf32> to vector<16xf32>
        %get3A_462 = arith.constant 112 : index
        %get3A_463 = tpu.vector_load %arg22[%get3A_462] {strides = array<i32>} : memref<128xf32, #tpu.memory_space<vmem>>, vector<16xf32>,
        %get3A_464 = vector.shape_cast %get3A_463 : vector<16xf32> to vector<16xf32>
        %get3A_465 = arith.constant 112 : index
        %get3A_466 = tpu.vector_load %arg23[%get3A_465] {strides = array<i32>} : memref<128xf32, #tpu.memory_space<vmem>>, vector<16xf32>,
        %get3A_467 = vector.shape_cast %get3A_466 : vector<16xf32> to vector<16xf32>
        %get3A_468 = arith.constant 112 : index
        %get3A_469 = tpu.vector_load %arg24[%get3A_468] {strides = array<i32>} : memref<128xf32, #tpu.memory_space<vmem>>, vector<16xf32>,
        %get3A_470 = vector.shape_cast %get3A_469 : vector<16xf32> to vector<16xf32>
        %sub3A_471 = arith.subf %get3A_455, %get3A_464 : vector<16xf32>
        %sub3A_472 = arith.subf %get3A_458, %get3A_467 : vector<16xf32>
        %sub3A_473 = arith.subf %get3A_461, %get3A_470 : vector<16xf32>
        %swap3A_474 = arith.constant 112 : index
        %swap3A_475 = tpu.vector_load %arg30[%swap3A_474] {strides = array<i32>} : memref<128xf32, #tpu.memory_space<vmem>>, vector<16xf32>,
        %swap3A_476 = vector.shape_cast %swap3A_475 : vector<16xf32> to vector<16xf32>
        %swap3A_477 = vector.shape_cast %sub3A_471 : vector<16xf32> to vector<16xf32>
        tpu.vector_store %arg30[%swap3A_474], %swap3A_477 {strides = array<i32>} : memref<128xf32, #tpu.memory_space<vmem>>, vector<16xf32>,
        %swap3A_478 = arith.constant 112 : index
        %swap3A_479 = tpu.vector_load %arg31[%swap3A_478] {strides = array<i32>} : memref<128xf32, #tpu.memory_space<vmem>>, vector<16xf32>,
        %swap3A_480 = vector.shape_cast %swap3A_479 : vector<16xf32> to vector<16xf32>
        %swap3A_481 = vector.shape_cast %sub3A_472 : vector<16xf32> to vector<16xf32>
        tpu.vector_store %arg31[%swap3A_478], %swap3A_481 {strides = array<i32>} : memref<128xf32, #tpu.memory_space<vmem>>, vector<16xf32>,
        %swap3A_482 = arith.constant 112 : index
        %swap3A_483 = tpu.vector_load %arg32[%swap3A_482] {strides = array<i32>} : memref<128xf32, #tpu.memory_space<vmem>>, vector<16xf32>,
        %swap3A_484 = vector.shape_cast %swap3A_483 : vector<16xf32> to vector<16xf32>
        %swap3A_485 = vector.shape_cast %sub3A_473 : vector<16xf32> to vector<16xf32>
        tpu.vector_store %arg32[%swap3A_482], %swap3A_485 {strides = array<i32>} : memref<128xf32, #tpu.memory_space<vmem>>, vector<16xf32>,
        %mul3A_486 = arith.mulf %sub3A_471, %sub3A_471 : vector<16xf32>
        %mul3A_487 = arith.mulf %sub3A_472, %sub3A_472 : vector<16xf32>
        %add3A_488 = arith.addf %mul3A_486, %mul3A_487 : vector<16xf32>
        %mul3A_489 = arith.mulf %sub3A_473, %sub3A_473 : vector<16xf32>
        %add3A_490 = arith.addf %add3A_488, %mul3A_489 : vector<16xf32>
        %swap3A_491 = arith.constant 112 : index
        %swap3A_492 = tpu.vector_load %arg28[%swap3A_491] {strides = array<i32>} : memref<128xf32, #tpu.memory_space<vmem>>, vector<16xf32>,
        %swap3A_493 = vector.shape_cast %swap3A_492 : vector<16xf32> to vector<16xf32>
        %swap3A_494 = vector.shape_cast %add3A_490 : vector<16xf32> to vector<16xf32>
        tpu.vector_store %arg28[%swap3A_491], %swap3A_494 {strides = array<i32>} : memref<128xf32, #tpu.memory_space<vmem>>, vector<16xf32>,
        %mul3A_495 = arith.mulf %get3A_455, %get3A_464 : vector<16xf32>
        %mul3A_496 = arith.mulf %get3A_458, %get3A_467 : vector<16xf32>
        %add3A_497 = arith.addf %mul3A_495, %mul3A_496 : vector<16xf32>
        %mul3A_498 = arith.mulf %get3A_461, %get3A_470 : vector<16xf32>
        %add3A_499 = arith.addf %add3A_497, %mul3A_498 : vector<16xf32>
        %swap3A_500 = arith.constant 112 : index
        %swap3A_501 = tpu.vector_load %arg29[%swap3A_500] {strides = array<i32>} : memref<128xf32, #tpu.memory_space<vmem>>, vector<16xf32>,
        %swap3A_502 = vector.shape_cast %swap3A_501 : vector<16xf32> to vector<16xf32>
        %swap3A_503 = vector.shape_cast %add3A_499 : vector<16xf32> to vector<16xf32>
        tpu.vector_store %arg29[%swap3A_500], %swap3A_503 {strides = array<i32>} : memref<128xf32, #tpu.memory_space<vmem>>, vector<16xf32>,
        %dma_start3A_504 = tpu.memref_slice %arg7[%mul3A_97] : memref<1600000xf32, #tpu.memory_space<hbm>> -> memref<128xf32, #tpu.memory_space<hbm>>
        %dma_start3A_505 = tpu.memref_slice %arg7[%mul3A_97] : memref<1600000xf32, #tpu.memory_space<hbm>> -> memref<128xf32, #tpu.memory_space<hbm>>
        tpu.enqueue_dma source(%arg28 : memref<128xf32, #tpu.memory_space<vmem>>) target(%dma_start3A_505 : memref<128xf32, #tpu.memory_space<hbm>>) target_semaphore(%arg42 : memref<!tpu.dma_semaphore, #tpu.memory_space<semaphore_mem>>)
        %dma_start3A_506 = tpu.memref_slice %arg8[%mul3A_97] : memref<1600000xf32, #tpu.memory_space<hbm>> -> memref<128xf32, #tpu.memory_space<hbm>>
        %dma_start3A_507 = tpu.memref_slice %arg8[%mul3A_97] : memref<1600000xf32, #tpu.memory_space<hbm>> -> memref<128xf32, #tpu.memory_space<hbm>>
        tpu.enqueue_dma source(%arg29 : memref<128xf32, #tpu.memory_space<vmem>>) target(%dma_start3A_507 : memref<128xf32, #tpu.memory_space<hbm>>) target_semaphore(%arg42 : memref<!tpu.dma_semaphore, #tpu.memory_space<semaphore_mem>>)
        %dma_start3A_508 = tpu.memref_slice %arg9[%mul3A_97] : memref<1600000xf32, #tpu.memory_space<hbm>> -> memref<128xf32, #tpu.memory_space<hbm>>
        %dma_start3A_509 = tpu.memref_slice %arg9[%mul3A_97] : memref<1600000xf32, #tpu.memory_space<hbm>> -> memref<128xf32, #tpu.memory_space<hbm>>
        tpu.enqueue_dma source(%arg30 : memref<128xf32, #tpu.memory_space<vmem>>) target(%dma_start3A_509 : memref<128xf32, #tpu.memory_space<hbm>>) target_semaphore(%arg42 : memref<!tpu.dma_semaphore, #tpu.memory_space<semaphore_mem>>)
        %dma_start3A_510 = tpu.memref_slice %arg10[%mul3A_97] : memref<1600000xf32, #tpu.memory_space<hbm>> -> memref<128xf32, #tpu.memory_space<hbm>>
        %dma_start3A_511 = tpu.memref_slice %arg10[%mul3A_97] : memref<1600000xf32, #tpu.memory_space<hbm>> -> memref<128xf32, #tpu.memory_space<hbm>>
        tpu.enqueue_dma source(%arg31 : memref<128xf32, #tpu.memory_space<vmem>>) target(%dma_start3A_511 : memref<128xf32, #tpu.memory_space<hbm>>) target_semaphore(%arg42 : memref<!tpu.dma_semaphore, #tpu.memory_space<semaphore_mem>>)
        %dma_start3A_512 = tpu.memref_slice %arg11[%mul3A_97] : memref<1600000xf32, #tpu.memory_space<hbm>> -> memref<128xf32, #tpu.memory_space<hbm>>
        %dma_start3A_513 = tpu.memref_slice %arg11[%mul3A_97] : memref<1600000xf32, #tpu.memory_space<hbm>> -> memref<128xf32, #tpu.memory_space<hbm>>
        tpu.enqueue_dma source(%arg32 : memref<128xf32, #tpu.memory_space<vmem>>) target(%dma_start3A_513 : memref<128xf32, #tpu.memory_space<hbm>>) target_semaphore(%arg42 : memref<!tpu.dma_semaphore, #tpu.memory_space<semaphore_mem>>)
      } else {
      }
      %mul3A_60 = arith.constant 2 : i32
      %mul3A_61 = arith.muli %scan3A_31, %mul3A_60 : i32
      %add3A_62 = arith.constant 1 : i32
      %add3A_63 = arith.addi %mul3A_61, %add3A_62 : i32
      %lt3A_64 = arith.cmpi slt, %add3A_63, %add3A_4 : i32
      %convert_element_type3A_65 = arith.extui %lt3A_64 : i1 to i32
      %cond3A_66 = arith.constant 0 : i32
      %cond3A_67 = arith.cmpi ne, %convert_element_type3A_65, %cond3A_66 : i32
      scf.if %cond3A_67 {
        %dma_wait3A = arith.constant 0 : i32
        %dma_wait3A_93 = tpu.memref_slice %arg2[%dma_wait3A] : memref<50000xf32, #tpu.memory_space<hbm>> -> memref<128xf32, #tpu.memory_space<hbm>>
        %dma_wait3A_94 = arith.constant 0 : i32
        %dma_wait3A_95 = tpu.memref_slice %arg2[%dma_wait3A_94] : memref<50000xf32, #tpu.memory_space<hbm>> -> memref<128xf32, #tpu.memory_space<hbm>>
        tpu.wait_dma2 semaphore(%arg41 : memref<!tpu.dma_semaphore, #tpu.memory_space<semaphore_mem>>) src(%dma_wait3A_95 : memref<128xf32, #tpu.memory_space<hbm>>) dst(%arg19 : memref<128xf32, #tpu.memory_space<vmem>>)
        %dma_wait3A_96 = arith.constant 0 : i32
        %dma_wait3A_97 = tpu.memref_slice %arg2[%dma_wait3A_96] : memref<50000xf32, #tpu.memory_space<hbm>> -> memref<128xf32, #tpu.memory_space<hbm>>
        %dma_wait3A_98 = arith.constant 0 : i32
        %dma_wait3A_99 = tpu.memref_slice %arg2[%dma_wait3A_98] : memref<50000xf32, #tpu.memory_space<hbm>> -> memref<128xf32, #tpu.memory_space<hbm>>
        tpu.wait_dma2 semaphore(%arg41 : memref<!tpu.dma_semaphore, #tpu.memory_space<semaphore_mem>>) src(%dma_wait3A_99 : memref<128xf32, #tpu.memory_space<hbm>>) dst(%arg25 : memref<128xf32, #tpu.memory_space<vmem>>)
        %dma_wait3A_100 = arith.constant 0 : i32
        %dma_wait3A_101 = tpu.memref_slice %arg2[%dma_wait3A_100] : memref<50000xf32, #tpu.memory_space<hbm>> -> memref<128xf32, #tpu.memory_space<hbm>>
        %dma_wait3A_102 = arith.constant 0 : i32
        %dma_wait3A_103 = tpu.memref_slice %arg2[%dma_wait3A_102] : memref<50000xf32, #tpu.memory_space<hbm>> -> memref<128xf32, #tpu.memory_space<hbm>>
        tpu.wait_dma2 semaphore(%arg41 : memref<!tpu.dma_semaphore, #tpu.memory_space<semaphore_mem>>) src(%dma_wait3A_103 : memref<128xf32, #tpu.memory_space<hbm>>) dst(%arg20 : memref<128xf32, #tpu.memory_space<vmem>>)
        %dma_wait3A_104 = arith.constant 0 : i32
        %dma_wait3A_105 = tpu.memref_slice %arg2[%dma_wait3A_104] : memref<50000xf32, #tpu.memory_space<hbm>> -> memref<128xf32, #tpu.memory_space<hbm>>
        %dma_wait3A_106 = arith.constant 0 : i32
        %dma_wait3A_107 = tpu.memref_slice %arg2[%dma_wait3A_106] : memref<50000xf32, #tpu.memory_space<hbm>> -> memref<128xf32, #tpu.memory_space<hbm>>
        tpu.wait_dma2 semaphore(%arg41 : memref<!tpu.dma_semaphore, #tpu.memory_space<semaphore_mem>>) src(%dma_wait3A_107 : memref<128xf32, #tpu.memory_space<hbm>>) dst(%arg26 : memref<128xf32, #tpu.memory_space<vmem>>)
        %dma_wait3A_108 = arith.constant 0 : i32
        %dma_wait3A_109 = tpu.memref_slice %arg2[%dma_wait3A_108] : memref<50000xf32, #tpu.memory_space<hbm>> -> memref<128xf32, #tpu.memory_space<hbm>>
        %dma_wait3A_110 = arith.constant 0 : i32
        %dma_wait3A_111 = tpu.memref_slice %arg2[%dma_wait3A_110] : memref<50000xf32, #tpu.memory_space<hbm>> -> memref<128xf32, #tpu.memory_space<hbm>>
        tpu.wait_dma2 semaphore(%arg41 : memref<!tpu.dma_semaphore, #tpu.memory_space<semaphore_mem>>) src(%dma_wait3A_111 : memref<128xf32, #tpu.memory_space<hbm>>) dst(%arg21 : memref<128xf32, #tpu.memory_space<vmem>>)
        %dma_wait3A_112 = arith.constant 0 : i32
        %dma_wait3A_113 = tpu.memref_slice %arg2[%dma_wait3A_112] : memref<50000xf32, #tpu.memory_space<hbm>> -> memref<128xf32, #tpu.memory_space<hbm>>
        %dma_wait3A_114 = arith.constant 0 : i32
        %dma_wait3A_115 = tpu.memref_slice %arg2[%dma_wait3A_114] : memref<50000xf32, #tpu.memory_space<hbm>> -> memref<128xf32, #tpu.memory_space<hbm>>
        tpu.wait_dma2 semaphore(%arg41 : memref<!tpu.dma_semaphore, #tpu.memory_space<semaphore_mem>>) src(%dma_wait3A_115 : memref<128xf32, #tpu.memory_space<hbm>>) dst(%arg27 : memref<128xf32, #tpu.memory_space<vmem>>)
      } else {
      }
      %ge3A_68 = arith.constant 2 : i32
      %ge3A_69 = arith.cmpi sge, %add3A_63, %ge3A_68 : i32
      %sub3A_70 = arith.constant 2 : i32
      %sub3A_71 = arith.subi %add3A_63, %sub3A_70 : i32
      %lt3A_72 = arith.cmpi slt, %sub3A_71, %add3A_4 : i32
      %and3A_73 = arith.andi %ge3A_69, %lt3A_72 : i1
      %convert_element_type3A_74 = arith.extui %and3A_73 : i1 to i32
      %cond3A_75 = arith.constant 0 : i32
      %cond3A_76 = arith.cmpi ne, %convert_element_type3A_74, %cond3A_75 : i32
      scf.if %cond3A_76 {
        %dma_wait3A = arith.constant 0 : i32
        %dma_wait3A_93 = tpu.memref_slice %arg7[%dma_wait3A] : memref<1600000xf32, #tpu.memory_space<hbm>> -> memref<128xf32, #tpu.memory_space<hbm>>
        %dma_wait3A_94 = arith.constant 0 : i32
        %dma_wait3A_95 = tpu.memref_slice %arg7[%dma_wait3A_94] : memref<1600000xf32, #tpu.memory_space<hbm>> -> memref<128xf32, #tpu.memory_space<hbm>>
        tpu.wait_dma2 semaphore(%arg43 : memref<!tpu.dma_semaphore, #tpu.memory_space<semaphore_mem>>) src(%arg33 : memref<128xf32, #tpu.memory_space<vmem>>) dst(%dma_wait3A_95 : memref<128xf32, #tpu.memory_space<hbm>>)
        %dma_wait3A_96 = arith.constant 0 : i32
        %dma_wait3A_97 = tpu.memref_slice %arg8[%dma_wait3A_96] : memref<1600000xf32, #tpu.memory_space<hbm>> -> memref<128xf32, #tpu.memory_space<hbm>>
        %dma_wait3A_98 = arith.constant 0 : i32
        %dma_wait3A_99 = tpu.memref_slice %arg8[%dma_wait3A_98] : memref<1600000xf32, #tpu.memory_space<hbm>> -> memref<128xf32, #tpu.memory_space<hbm>>
        tpu.wait_dma2 semaphore(%arg43 : memref<!tpu.dma_semaphore, #tpu.memory_space<semaphore_mem>>) src(%arg34 : memref<128xf32, #tpu.memory_space<vmem>>) dst(%dma_wait3A_99 : memref<128xf32, #tpu.memory_space<hbm>>)
        %dma_wait3A_100 = arith.constant 0 : i32
        %dma_wait3A_101 = tpu.memref_slice %arg9[%dma_wait3A_100] : memref<1600000xf32, #tpu.memory_space<hbm>> -> memref<128xf32, #tpu.memory_space<hbm>>
        %dma_wait3A_102 = arith.constant 0 : i32
        %dma_wait3A_103 = tpu.memref_slice %arg9[%dma_wait3A_102] : memref<1600000xf32, #tpu.memory_space<hbm>> -> memref<128xf32, #tpu.memory_space<hbm>>
        tpu.wait_dma2 semaphore(%arg43 : memref<!tpu.dma_semaphore, #tpu.memory_space<semaphore_mem>>) src(%arg35 : memref<128xf32, #tpu.memory_space<vmem>>) dst(%dma_wait3A_103 : memref<128xf32, #tpu.memory_space<hbm>>)
        %dma_wait3A_104 = arith.constant 0 : i32
        %dma_wait3A_105 = tpu.memref_slice %arg10[%dma_wait3A_104] : memref<1600000xf32, #tpu.memory_space<hbm>> -> memref<128xf32, #tpu.memory_space<hbm>>
        %dma_wait3A_106 = arith.constant 0 : i32
        %dma_wait3A_107 = tpu.memref_slice %arg10[%dma_wait3A_106] : memref<1600000xf32, #tpu.memory_space<hbm>> -> memref<128xf32, #tpu.memory_space<hbm>>
        tpu.wait_dma2 semaphore(%arg43 : memref<!tpu.dma_semaphore, #tpu.memory_space<semaphore_mem>>) src(%arg36 : memref<128xf32, #tpu.memory_space<vmem>>) dst(%dma_wait3A_107 : memref<128xf32, #tpu.memory_space<hbm>>)
        %dma_wait3A_108 = arith.constant 0 : i32
        %dma_wait3A_109 = tpu.memref_slice %arg11[%dma_wait3A_108] : memref<1600000xf32, #tpu.memory_space<hbm>> -> memref<128xf32, #tpu.memory_space<hbm>>
        %dma_wait3A_110 = arith.constant 0 : i32
        %dma_wait3A_111 = tpu.memref_slice %arg11[%dma_wait3A_110] : memref<1600000xf32, #tpu.memory_space<hbm>> -> memref<128xf32, #tpu.memory_space<hbm>>
        tpu.wait_dma2 semaphore(%arg43 : memref<!tpu.dma_semaphore, #tpu.memory_space<semaphore_mem>>) src(%arg37 : memref<128xf32, #tpu.memory_space<vmem>>) dst(%dma_wait3A_111 : memref<128xf32, #tpu.memory_space<hbm>>)
      } else {
      }
      %add3A_77 = arith.constant 1 : i32
      %add3A_78 = arith.addi %add3A_63, %add3A_77 : i32
      %lt3A_79 = arith.cmpi slt, %add3A_78, %add3A_4 : i32
      %convert_element_type3A_80 = arith.extui %lt3A_79 : i1 to i32
      %cond3A_81 = arith.constant 0 : i32
      %cond3A_82 = arith.cmpi ne, %convert_element_type3A_80, %cond3A_81 : i32
      scf.if %cond3A_82 {
        %dma_wait3A = arith.constant 0 : i32
        %dma_wait3A_93 = tpu.memref_slice %arg5[%dma_wait3A] : memref<1600000xi32, #tpu.memory_space<hbm>> -> memref<128xi32, #tpu.memory_space<hbm>>
        %dma_wait3A_94 = arith.constant 0 : i32
        %dma_wait3A_95 = tpu.memref_slice %arg5[%dma_wait3A_94] : memref<1600000xi32, #tpu.memory_space<hbm>> -> memref<128xi32, #tpu.memory_space<hbm>>
        tpu.wait_dma2 semaphore(%arg38 : memref<!tpu.dma_semaphore, #tpu.memory_space<semaphore_mem>>) src(%dma_wait3A_95 : memref<128xi32, #tpu.memory_space<hbm>>) dst(%arg12 : memref<128xi32, #tpu.memory_space<vmem>>)
        %dma_wait3A_96 = arith.constant 0 : i32
        %dma_wait3A_97 = tpu.memref_slice %arg5[%dma_wait3A_96] : memref<1600000xi32, #tpu.memory_space<hbm>> -> memref<128xi32, #tpu.memory_space<hbm>>
        %dma_wait3A_98 = arith.constant 0 : i32
        %dma_wait3A_99 = tpu.memref_slice %arg5[%dma_wait3A_98] : memref<1600000xi32, #tpu.memory_space<hbm>> -> memref<128xi32, #tpu.memory_space<hbm>>
        tpu.wait_dma2 semaphore(%arg38 : memref<!tpu.dma_semaphore, #tpu.memory_space<semaphore_mem>>) src(%dma_wait3A_99 : memref<128xi32, #tpu.memory_space<hbm>>) dst(%arg14 : memref<128xi32, #tpu.memory_space<vmem>>)
        %dma_start3A_100 = arith.constant 0 : i32
        %dma_start3A_101 = tpu.memref_slice %arg2[%dma_start3A_100] : memref<50000xf32, #tpu.memory_space<hbm>> -> memref<50000xf32, #tpu.memory_space<hbm>>
        tpu.enqueue_indirect_dma source(%dma_start3A_101 : memref<50000xf32, #tpu.memory_space<hbm>>) target(%arg16 : memref<128xf32, #tpu.memory_space<vmem>>) offsets(%arg12 : memref<128xi32, #tpu.memory_space<vmem>>) semaphore(%arg40 : memref<!tpu.dma_semaphore, #tpu.memory_space<semaphore_mem>>)
        %dma_start3A_102 = arith.constant 0 : i32
        %dma_start3A_103 = tpu.memref_slice %arg2[%dma_start3A_102] : memref<50000xf32, #tpu.memory_space<hbm>> -> memref<50000xf32, #tpu.memory_space<hbm>>
        tpu.enqueue_indirect_dma source(%dma_start3A_103 : memref<50000xf32, #tpu.memory_space<hbm>>) target(%arg22 : memref<128xf32, #tpu.memory_space<vmem>>) offsets(%arg14 : memref<128xi32, #tpu.memory_space<vmem>>) semaphore(%arg40 : memref<!tpu.dma_semaphore, #tpu.memory_space<semaphore_mem>>)
        %dma_start3A_104 = arith.constant 0 : i32
        %dma_start3A_105 = tpu.memref_slice %arg3[%dma_start3A_104] : memref<50000xf32, #tpu.memory_space<hbm>> -> memref<50000xf32, #tpu.memory_space<hbm>>
        tpu.enqueue_indirect_dma source(%dma_start3A_105 : memref<50000xf32, #tpu.memory_space<hbm>>) target(%arg17 : memref<128xf32, #tpu.memory_space<vmem>>) offsets(%arg12 : memref<128xi32, #tpu.memory_space<vmem>>) semaphore(%arg40 : memref<!tpu.dma_semaphore, #tpu.memory_space<semaphore_mem>>)
        %dma_start3A_106 = arith.constant 0 : i32
        %dma_start3A_107 = tpu.memref_slice %arg3[%dma_start3A_106] : memref<50000xf32, #tpu.memory_space<hbm>> -> memref<50000xf32, #tpu.memory_space<hbm>>
        tpu.enqueue_indirect_dma source(%dma_start3A_107 : memref<50000xf32, #tpu.memory_space<hbm>>) target(%arg23 : memref<128xf32, #tpu.memory_space<vmem>>) offsets(%arg14 : memref<128xi32, #tpu.memory_space<vmem>>) semaphore(%arg40 : memref<!tpu.dma_semaphore, #tpu.memory_space<semaphore_mem>>)
        %dma_start3A_108 = arith.constant 0 : i32
        %dma_start3A_109 = tpu.memref_slice %arg4[%dma_start3A_108] : memref<50000xf32, #tpu.memory_space<hbm>> -> memref<50000xf32, #tpu.memory_space<hbm>>
        tpu.enqueue_indirect_dma source(%dma_start3A_109 : memref<50000xf32, #tpu.memory_space<hbm>>) target(%arg18 : memref<128xf32, #tpu.memory_space<vmem>>) offsets(%arg12 : memref<128xi32, #tpu.memory_space<vmem>>) semaphore(%arg40 : memref<!tpu.dma_semaphore, #tpu.memory_space<semaphore_mem>>)
        %dma_start3A_110 = arith.constant 0 : i32
        %dma_start3A_111 = tpu.memref_slice %arg4[%dma_start3A_110] : memref<50000xf32, #tpu.memory_space<hbm>> -> memref<50000xf32, #tpu.memory_space<hbm>>
        tpu.enqueue_indirect_dma source(%dma_start3A_111 : memref<50000xf32, #tpu.memory_space<hbm>>) target(%arg24 : memref<128xf32, #tpu.memory_space<vmem>>) offsets(%arg14 : memref<128xi32, #tpu.memory_space<vmem>>) semaphore(%arg40 : memref<!tpu.dma_semaphore, #tpu.memory_space<semaphore_mem>>)
      } else {
      }
      %add3A_83 = arith.constant 2 : i32
      %add3A_84 = arith.addi %add3A_63, %add3A_83 : i32
      %lt3A_85 = arith.cmpi slt, %add3A_84, %add3A_4 : i32
      %convert_element_type3A_86 = arith.extui %lt3A_85 : i1 to i32
      %cond3A_87 = arith.constant 0 : i32
      %cond3A_88 = arith.cmpi ne, %convert_element_type3A_86, %cond3A_87 : i32
      scf.if %cond3A_88 {
        %add3A_93 = arith.constant 2 : i32
        %add3A_94 = arith.addi %add3A_63, %add3A_93 : i32
        %mul3A_95 = arith.constant 32 : i32
        %mul3A_96 = arith.muli %add3A_94, %mul3A_95 : i32
        %add3A_97 = arith.addi %add3A, %mul3A_96 : i32
        %mul3A_98 = arith.constant 128 : i32
        %mul3A_99 = arith.muli %add3A_97, %mul3A_98 : i32
        %dma_start3A_100 = tpu.memref_slice %arg5[%mul3A_99] : memref<1600000xi32, #tpu.memory_space<hbm>> -> memref<128xi32, #tpu.memory_space<hbm>>
        %dma_start3A_101 = tpu.memref_slice %arg5[%mul3A_99] : memref<1600000xi32, #tpu.memory_space<hbm>> -> memref<128xi32, #tpu.memory_space<hbm>>
        tpu.enqueue_dma source(%dma_start3A_101 : memref<128xi32, #tpu.memory_space<hbm>>) target(%arg13 : memref<128xi32, #tpu.memory_space<vmem>>) target_semaphore(%arg39 : memref<!tpu.dma_semaphore, #tpu.memory_space<semaphore_mem>>)
        %dma_start3A_102 = tpu.memref_slice %arg6[%mul3A_99] : memref<1600000xi32, #tpu.memory_space<hbm>> -> memref<128xi32, #tpu.memory_space<hbm>>
        %dma_start3A_103 = tpu.memref_slice %arg6[%mul3A_99] : memref<1600000xi32, #tpu.memory_space<hbm>> -> memref<128xi32, #tpu.memory_space<hbm>>
        tpu.enqueue_dma source(%dma_start3A_103 : memref<128xi32, #tpu.memory_space<hbm>>) target(%arg15 : memref<128xi32, #tpu.memory_space<vmem>>) target_semaphore(%arg39 : memref<!tpu.dma_semaphore, #tpu.memory_space<semaphore_mem>>)
      } else {
      }
      %lt3A_89 = arith.cmpi slt, %add3A_63, %add3A_4 : i32
      %convert_element_type3A_90 = arith.extui %lt3A_89 : i1 to i32
      %cond3A_91 = arith.constant 0 : i32
      %cond3A_92 = arith.cmpi ne, %convert_element_type3A_90, %cond3A_91 : i32
      scf.if %cond3A_92 {
        %mul3A_93 = arith.constant 32 : i32
        %mul3A_94 = arith.muli %add3A_63, %mul3A_93 : i32
        %add3A_95 = arith.addi %add3A, %mul3A_94 : i32
        %mul3A_96 = arith.constant 128 : i32
        %mul3A_97 = arith.muli %add3A_95, %mul3A_96 : i32
        %get3A = arith.constant 0 : index
        %get3A_98 = tpu.vector_load %arg19[%get3A] {strides = array<i32>} : memref<128xf32, #tpu.memory_space<vmem>>, vector<16xf32>,
        %get3A_99 = vector.shape_cast %get3A_98 : vector<16xf32> to vector<16xf32>
        %get3A_100 = arith.constant 0 : index
        %get3A_101 = tpu.vector_load %arg20[%get3A_100] {strides = array<i32>} : memref<128xf32, #tpu.memory_space<vmem>>, vector<16xf32>,
        %get3A_102 = vector.shape_cast %get3A_101 : vector<16xf32> to vector<16xf32>
        %get3A_103 = arith.constant 0 : index
        %get3A_104 = tpu.vector_load %arg21[%get3A_103] {strides = array<i32>} : memref<128xf32, #tpu.memory_space<vmem>>, vector<16xf32>,
        %get3A_105 = vector.shape_cast %get3A_104 : vector<16xf32> to vector<16xf32>
        %get3A_106 = arith.constant 0 : index
        %get3A_107 = tpu.vector_load %arg25[%get3A_106] {strides = array<i32>} : memref<128xf32, #tpu.memory_space<vmem>>, vector<16xf32>,
        %get3A_108 = vector.shape_cast %get3A_107 : vector<16xf32> to vector<16xf32>
        %get3A_109 = arith.constant 0 : index
        %get3A_110 = tpu.vector_load %arg26[%get3A_109] {strides = array<i32>} : memref<128xf32, #tpu.memory_space<vmem>>, vector<16xf32>,
        %get3A_111 = vector.shape_cast %get3A_110 : vector<16xf32> to vector<16xf32>
        %get3A_112 = arith.constant 0 : index
        %get3A_113 = tpu.vector_load %arg27[%get3A_112] {strides = array<i32>} : memref<128xf32, #tpu.memory_space<vmem>>, vector<16xf32>,
        %get3A_114 = vector.shape_cast %get3A_113 : vector<16xf32> to vector<16xf32>
        %sub3A_115 = arith.subf %get3A_99, %get3A_108 : vector<16xf32>
        %sub3A_116 = arith.subf %get3A_102, %get3A_111 : vector<16xf32>
        %sub3A_117 = arith.subf %get3A_105, %get3A_114 : vector<16xf32>
        %swap3A = arith.constant 0 : index
        %swap3A_118 = tpu.vector_load %arg35[%swap3A] {strides = array<i32>} : memref<128xf32, #tpu.memory_space<vmem>>, vector<16xf32>,
        %swap3A_119 = vector.shape_cast %swap3A_118 : vector<16xf32> to vector<16xf32>
        %swap3A_120 = vector.shape_cast %sub3A_115 : vector<16xf32> to vector<16xf32>
        tpu.vector_store %arg35[%swap3A], %swap3A_120 {strides = array<i32>} : memref<128xf32, #tpu.memory_space<vmem>>, vector<16xf32>,
        %swap3A_121 = arith.constant 0 : index
        %swap3A_122 = tpu.vector_load %arg36[%swap3A_121] {strides = array<i32>} : memref<128xf32, #tpu.memory_space<vmem>>, vector<16xf32>,
        %swap3A_123 = vector.shape_cast %swap3A_122 : vector<16xf32> to vector<16xf32>
        %swap3A_124 = vector.shape_cast %sub3A_116 : vector<16xf32> to vector<16xf32>
        tpu.vector_store %arg36[%swap3A_121], %swap3A_124 {strides = array<i32>} : memref<128xf32, #tpu.memory_space<vmem>>, vector<16xf32>,
        %swap3A_125 = arith.constant 0 : index
        %swap3A_126 = tpu.vector_load %arg37[%swap3A_125] {strides = array<i32>} : memref<128xf32, #tpu.memory_space<vmem>>, vector<16xf32>,
        %swap3A_127 = vector.shape_cast %swap3A_126 : vector<16xf32> to vector<16xf32>
        %swap3A_128 = vector.shape_cast %sub3A_117 : vector<16xf32> to vector<16xf32>
        tpu.vector_store %arg37[%swap3A_125], %swap3A_128 {strides = array<i32>} : memref<128xf32, #tpu.memory_space<vmem>>, vector<16xf32>,
        %mul3A_129 = arith.mulf %sub3A_115, %sub3A_115 : vector<16xf32>
        %mul3A_130 = arith.mulf %sub3A_116, %sub3A_116 : vector<16xf32>
        %add3A_131 = arith.addf %mul3A_129, %mul3A_130 : vector<16xf32>
        %mul3A_132 = arith.mulf %sub3A_117, %sub3A_117 : vector<16xf32>
        %add3A_133 = arith.addf %add3A_131, %mul3A_132 : vector<16xf32>
        %swap3A_134 = arith.constant 0 : index
        %swap3A_135 = tpu.vector_load %arg33[%swap3A_134] {strides = array<i32>} : memref<128xf32, #tpu.memory_space<vmem>>, vector<16xf32>,
        %swap3A_136 = vector.shape_cast %swap3A_135 : vector<16xf32> to vector<16xf32>
        %swap3A_137 = vector.shape_cast %add3A_133 : vector<16xf32> to vector<16xf32>
        tpu.vector_store %arg33[%swap3A_134], %swap3A_137 {strides = array<i32>} : memref<128xf32, #tpu.memory_space<vmem>>, vector<16xf32>,
        %mul3A_138 = arith.mulf %get3A_99, %get3A_108 : vector<16xf32>
        %mul3A_139 = arith.mulf %get3A_102, %get3A_111 : vector<16xf32>
        %add3A_140 = arith.addf %mul3A_138, %mul3A_139 : vector<16xf32>
        %mul3A_141 = arith.mulf %get3A_105, %get3A_114 : vector<16xf32>
        %add3A_142 = arith.addf %add3A_140, %mul3A_141 : vector<16xf32>
        %swap3A_143 = arith.constant 0 : index
        %swap3A_144 = tpu.vector_load %arg34[%swap3A_143] {strides = array<i32>} : memref<128xf32, #tpu.memory_space<vmem>>, vector<16xf32>,
        %swap3A_145 = vector.shape_cast %swap3A_144 : vector<16xf32> to vector<16xf32>
        %swap3A_146 = vector.shape_cast %add3A_142 : vector<16xf32> to vector<16xf32>
        tpu.vector_store %arg34[%swap3A_143], %swap3A_146 {strides = array<i32>} : memref<128xf32, #tpu.memory_space<vmem>>, vector<16xf32>,
        %get3A_147 = arith.constant 16 : index
        %get3A_148 = tpu.vector_load %arg19[%get3A_147] {strides = array<i32>} : memref<128xf32, #tpu.memory_space<vmem>>, vector<16xf32>,
        %get3A_149 = vector.shape_cast %get3A_148 : vector<16xf32> to vector<16xf32>
        %get3A_150 = arith.constant 16 : index
        %get3A_151 = tpu.vector_load %arg20[%get3A_150] {strides = array<i32>} : memref<128xf32, #tpu.memory_space<vmem>>, vector<16xf32>,
        %get3A_152 = vector.shape_cast %get3A_151 : vector<16xf32> to vector<16xf32>
        %get3A_153 = arith.constant 16 : index
        %get3A_154 = tpu.vector_load %arg21[%get3A_153] {strides = array<i32>} : memref<128xf32, #tpu.memory_space<vmem>>, vector<16xf32>,
        %get3A_155 = vector.shape_cast %get3A_154 : vector<16xf32> to vector<16xf32>
        %get3A_156 = arith.constant 16 : index
        %get3A_157 = tpu.vector_load %arg25[%get3A_156] {strides = array<i32>} : memref<128xf32, #tpu.memory_space<vmem>>, vector<16xf32>,
        %get3A_158 = vector.shape_cast %get3A_157 : vector<16xf32> to vector<16xf32>
        %get3A_159 = arith.constant 16 : index
        %get3A_160 = tpu.vector_load %arg26[%get3A_159] {strides = array<i32>} : memref<128xf32, #tpu.memory_space<vmem>>, vector<16xf32>,
        %get3A_161 = vector.shape_cast %get3A_160 : vector<16xf32> to vector<16xf32>
        %get3A_162 = arith.constant 16 : index
        %get3A_163 = tpu.vector_load %arg27[%get3A_162] {strides = array<i32>} : memref<128xf32, #tpu.memory_space<vmem>>, vector<16xf32>,
        %get3A_164 = vector.shape_cast %get3A_163 : vector<16xf32> to vector<16xf32>
        %sub3A_165 = arith.subf %get3A_149, %get3A_158 : vector<16xf32>
        %sub3A_166 = arith.subf %get3A_152, %get3A_161 : vector<16xf32>
        %sub3A_167 = arith.subf %get3A_155, %get3A_164 : vector<16xf32>
        %swap3A_168 = arith.constant 16 : index
        %swap3A_169 = tpu.vector_load %arg35[%swap3A_168] {strides = array<i32>} : memref<128xf32, #tpu.memory_space<vmem>>, vector<16xf32>,
        %swap3A_170 = vector.shape_cast %swap3A_169 : vector<16xf32> to vector<16xf32>
        %swap3A_171 = vector.shape_cast %sub3A_165 : vector<16xf32> to vector<16xf32>
        tpu.vector_store %arg35[%swap3A_168], %swap3A_171 {strides = array<i32>} : memref<128xf32, #tpu.memory_space<vmem>>, vector<16xf32>,
        %swap3A_172 = arith.constant 16 : index
        %swap3A_173 = tpu.vector_load %arg36[%swap3A_172] {strides = array<i32>} : memref<128xf32, #tpu.memory_space<vmem>>, vector<16xf32>,
        %swap3A_174 = vector.shape_cast %swap3A_173 : vector<16xf32> to vector<16xf32>
        %swap3A_175 = vector.shape_cast %sub3A_166 : vector<16xf32> to vector<16xf32>
        tpu.vector_store %arg36[%swap3A_172], %swap3A_175 {strides = array<i32>} : memref<128xf32, #tpu.memory_space<vmem>>, vector<16xf32>,
        %swap3A_176 = arith.constant 16 : index
        %swap3A_177 = tpu.vector_load %arg37[%swap3A_176] {strides = array<i32>} : memref<128xf32, #tpu.memory_space<vmem>>, vector<16xf32>,
        %swap3A_178 = vector.shape_cast %swap3A_177 : vector<16xf32> to vector<16xf32>
        %swap3A_179 = vector.shape_cast %sub3A_167 : vector<16xf32> to vector<16xf32>
        tpu.vector_store %arg37[%swap3A_176], %swap3A_179 {strides = array<i32>} : memref<128xf32, #tpu.memory_space<vmem>>, vector<16xf32>,
        %mul3A_180 = arith.mulf %sub3A_165, %sub3A_165 : vector<16xf32>
        %mul3A_181 = arith.mulf %sub3A_166, %sub3A_166 : vector<16xf32>
        %add3A_182 = arith.addf %mul3A_180, %mul3A_181 : vector<16xf32>
        %mul3A_183 = arith.mulf %sub3A_167, %sub3A_167 : vector<16xf32>
        %add3A_184 = arith.addf %add3A_182, %mul3A_183 : vector<16xf32>
        %swap3A_185 = arith.constant 16 : index
        %swap3A_186 = tpu.vector_load %arg33[%swap3A_185] {strides = array<i32>} : memref<128xf32, #tpu.memory_space<vmem>>, vector<16xf32>,
        %swap3A_187 = vector.shape_cast %swap3A_186 : vector<16xf32> to vector<16xf32>
        %swap3A_188 = vector.shape_cast %add3A_184 : vector<16xf32> to vector<16xf32>
        tpu.vector_store %arg33[%swap3A_185], %swap3A_188 {strides = array<i32>} : memref<128xf32, #tpu.memory_space<vmem>>, vector<16xf32>,
        %mul3A_189 = arith.mulf %get3A_149, %get3A_158 : vector<16xf32>
        %mul3A_190 = arith.mulf %get3A_152, %get3A_161 : vector<16xf32>
        %add3A_191 = arith.addf %mul3A_189, %mul3A_190 : vector<16xf32>
        %mul3A_192 = arith.mulf %get3A_155, %get3A_164 : vector<16xf32>
        %add3A_193 = arith.addf %add3A_191, %mul3A_192 : vector<16xf32>
        %swap3A_194 = arith.constant 16 : index
        %swap3A_195 = tpu.vector_load %arg34[%swap3A_194] {strides = array<i32>} : memref<128xf32, #tpu.memory_space<vmem>>, vector<16xf32>,
        %swap3A_196 = vector.shape_cast %swap3A_195 : vector<16xf32> to vector<16xf32>
        %swap3A_197 = vector.shape_cast %add3A_193 : vector<16xf32> to vector<16xf32>
        tpu.vector_store %arg34[%swap3A_194], %swap3A_197 {strides = array<i32>} : memref<128xf32, #tpu.memory_space<vmem>>, vector<16xf32>,
        %get3A_198 = arith.constant 32 : index
        %get3A_199 = tpu.vector_load %arg19[%get3A_198] {strides = array<i32>} : memref<128xf32, #tpu.memory_space<vmem>>, vector<16xf32>,
        %get3A_200 = vector.shape_cast %get3A_199 : vector<16xf32> to vector<16xf32>
        %get3A_201 = arith.constant 32 : index
        %get3A_202 = tpu.vector_load %arg20[%get3A_201] {strides = array<i32>} : memref<128xf32, #tpu.memory_space<vmem>>, vector<16xf32>,
        %get3A_203 = vector.shape_cast %get3A_202 : vector<16xf32> to vector<16xf32>
        %get3A_204 = arith.constant 32 : index
        %get3A_205 = tpu.vector_load %arg21[%get3A_204] {strides = array<i32>} : memref<128xf32, #tpu.memory_space<vmem>>, vector<16xf32>,
        %get3A_206 = vector.shape_cast %get3A_205 : vector<16xf32> to vector<16xf32>
        %get3A_207 = arith.constant 32 : index
        %get3A_208 = tpu.vector_load %arg25[%get3A_207] {strides = array<i32>} : memref<128xf32, #tpu.memory_space<vmem>>, vector<16xf32>,
        %get3A_209 = vector.shape_cast %get3A_208 : vector<16xf32> to vector<16xf32>
        %get3A_210 = arith.constant 32 : index
        %get3A_211 = tpu.vector_load %arg26[%get3A_210] {strides = array<i32>} : memref<128xf32, #tpu.memory_space<vmem>>, vector<16xf32>,
        %get3A_212 = vector.shape_cast %get3A_211 : vector<16xf32> to vector<16xf32>
        %get3A_213 = arith.constant 32 : index
        %get3A_214 = tpu.vector_load %arg27[%get3A_213] {strides = array<i32>} : memref<128xf32, #tpu.memory_space<vmem>>, vector<16xf32>,
        %get3A_215 = vector.shape_cast %get3A_214 : vector<16xf32> to vector<16xf32>
        %sub3A_216 = arith.subf %get3A_200, %get3A_209 : vector<16xf32>
        %sub3A_217 = arith.subf %get3A_203, %get3A_212 : vector<16xf32>
        %sub3A_218 = arith.subf %get3A_206, %get3A_215 : vector<16xf32>
        %swap3A_219 = arith.constant 32 : index
        %swap3A_220 = tpu.vector_load %arg35[%swap3A_219] {strides = array<i32>} : memref<128xf32, #tpu.memory_space<vmem>>, vector<16xf32>,
        %swap3A_221 = vector.shape_cast %swap3A_220 : vector<16xf32> to vector<16xf32>
        %swap3A_222 = vector.shape_cast %sub3A_216 : vector<16xf32> to vector<16xf32>
        tpu.vector_store %arg35[%swap3A_219], %swap3A_222 {strides = array<i32>} : memref<128xf32, #tpu.memory_space<vmem>>, vector<16xf32>,
        %swap3A_223 = arith.constant 32 : index
        %swap3A_224 = tpu.vector_load %arg36[%swap3A_223] {strides = array<i32>} : memref<128xf32, #tpu.memory_space<vmem>>, vector<16xf32>,
        %swap3A_225 = vector.shape_cast %swap3A_224 : vector<16xf32> to vector<16xf32>
        %swap3A_226 = vector.shape_cast %sub3A_217 : vector<16xf32> to vector<16xf32>
        tpu.vector_store %arg36[%swap3A_223], %swap3A_226 {strides = array<i32>} : memref<128xf32, #tpu.memory_space<vmem>>, vector<16xf32>,
        %swap3A_227 = arith.constant 32 : index
        %swap3A_228 = tpu.vector_load %arg37[%swap3A_227] {strides = array<i32>} : memref<128xf32, #tpu.memory_space<vmem>>, vector<16xf32>,
        %swap3A_229 = vector.shape_cast %swap3A_228 : vector<16xf32> to vector<16xf32>
        %swap3A_230 = vector.shape_cast %sub3A_218 : vector<16xf32> to vector<16xf32>
        tpu.vector_store %arg37[%swap3A_227], %swap3A_230 {strides = array<i32>} : memref<128xf32, #tpu.memory_space<vmem>>, vector<16xf32>,
        %mul3A_231 = arith.mulf %sub3A_216, %sub3A_216 : vector<16xf32>
        %mul3A_232 = arith.mulf %sub3A_217, %sub3A_217 : vector<16xf32>
        %add3A_233 = arith.addf %mul3A_231, %mul3A_232 : vector<16xf32>
        %mul3A_234 = arith.mulf %sub3A_218, %sub3A_218 : vector<16xf32>
        %add3A_235 = arith.addf %add3A_233, %mul3A_234 : vector<16xf32>
        %swap3A_236 = arith.constant 32 : index
        %swap3A_237 = tpu.vector_load %arg33[%swap3A_236] {strides = array<i32>} : memref<128xf32, #tpu.memory_space<vmem>>, vector<16xf32>,
        %swap3A_238 = vector.shape_cast %swap3A_237 : vector<16xf32> to vector<16xf32>
        %swap3A_239 = vector.shape_cast %add3A_235 : vector<16xf32> to vector<16xf32>
        tpu.vector_store %arg33[%swap3A_236], %swap3A_239 {strides = array<i32>} : memref<128xf32, #tpu.memory_space<vmem>>, vector<16xf32>,
        %mul3A_240 = arith.mulf %get3A_200, %get3A_209 : vector<16xf32>
        %mul3A_241 = arith.mulf %get3A_203, %get3A_212 : vector<16xf32>
        %add3A_242 = arith.addf %mul3A_240, %mul3A_241 : vector<16xf32>
        %mul3A_243 = arith.mulf %get3A_206, %get3A_215 : vector<16xf32>
        %add3A_244 = arith.addf %add3A_242, %mul3A_243 : vector<16xf32>
        %swap3A_245 = arith.constant 32 : index
        %swap3A_246 = tpu.vector_load %arg34[%swap3A_245] {strides = array<i32>} : memref<128xf32, #tpu.memory_space<vmem>>, vector<16xf32>,
        %swap3A_247 = vector.shape_cast %swap3A_246 : vector<16xf32> to vector<16xf32>
        %swap3A_248 = vector.shape_cast %add3A_244 : vector<16xf32> to vector<16xf32>
        tpu.vector_store %arg34[%swap3A_245], %swap3A_248 {strides = array<i32>} : memref<128xf32, #tpu.memory_space<vmem>>, vector<16xf32>,
        %get3A_249 = arith.constant 48 : index
        %get3A_250 = tpu.vector_load %arg19[%get3A_249] {strides = array<i32>} : memref<128xf32, #tpu.memory_space<vmem>>, vector<16xf32>,
        %get3A_251 = vector.shape_cast %get3A_250 : vector<16xf32> to vector<16xf32>
        %get3A_252 = arith.constant 48 : index
        %get3A_253 = tpu.vector_load %arg20[%get3A_252] {strides = array<i32>} : memref<128xf32, #tpu.memory_space<vmem>>, vector<16xf32>,
        %get3A_254 = vector.shape_cast %get3A_253 : vector<16xf32> to vector<16xf32>
        %get3A_255 = arith.constant 48 : index
        %get3A_256 = tpu.vector_load %arg21[%get3A_255] {strides = array<i32>} : memref<128xf32, #tpu.memory_space<vmem>>, vector<16xf32>,
        %get3A_257 = vector.shape_cast %get3A_256 : vector<16xf32> to vector<16xf32>
        %get3A_258 = arith.constant 48 : index
        %get3A_259 = tpu.vector_load %arg25[%get3A_258] {strides = array<i32>} : memref<128xf32, #tpu.memory_space<vmem>>, vector<16xf32>,
        %get3A_260 = vector.shape_cast %get3A_259 : vector<16xf32> to vector<16xf32>
        %get3A_261 = arith.constant 48 : index
        %get3A_262 = tpu.vector_load %arg26[%get3A_261] {strides = array<i32>} : memref<128xf32, #tpu.memory_space<vmem>>, vector<16xf32>,
        %get3A_263 = vector.shape_cast %get3A_262 : vector<16xf32> to vector<16xf32>
        %get3A_264 = arith.constant 48 : index
        %get3A_265 = tpu.vector_load %arg27[%get3A_264] {strides = array<i32>} : memref<128xf32, #tpu.memory_space<vmem>>, vector<16xf32>,
        %get3A_266 = vector.shape_cast %get3A_265 : vector<16xf32> to vector<16xf32>
        %sub3A_267 = arith.subf %get3A_251, %get3A_260 : vector<16xf32>
        %sub3A_268 = arith.subf %get3A_254, %get3A_263 : vector<16xf32>
        %sub3A_269 = arith.subf %get3A_257, %get3A_266 : vector<16xf32>
        %swap3A_270 = arith.constant 48 : index
        %swap3A_271 = tpu.vector_load %arg35[%swap3A_270] {strides = array<i32>} : memref<128xf32, #tpu.memory_space<vmem>>, vector<16xf32>,
        %swap3A_272 = vector.shape_cast %swap3A_271 : vector<16xf32> to vector<16xf32>
        %swap3A_273 = vector.shape_cast %sub3A_267 : vector<16xf32> to vector<16xf32>
        tpu.vector_store %arg35[%swap3A_270], %swap3A_273 {strides = array<i32>} : memref<128xf32, #tpu.memory_space<vmem>>, vector<16xf32>,
        %swap3A_274 = arith.constant 48 : index
        %swap3A_275 = tpu.vector_load %arg36[%swap3A_274] {strides = array<i32>} : memref<128xf32, #tpu.memory_space<vmem>>, vector<16xf32>,
        %swap3A_276 = vector.shape_cast %swap3A_275 : vector<16xf32> to vector<16xf32>
        %swap3A_277 = vector.shape_cast %sub3A_268 : vector<16xf32> to vector<16xf32>
        tpu.vector_store %arg36[%swap3A_274], %swap3A_277 {strides = array<i32>} : memref<128xf32, #tpu.memory_space<vmem>>, vector<16xf32>,
        %swap3A_278 = arith.constant 48 : index
        %swap3A_279 = tpu.vector_load %arg37[%swap3A_278] {strides = array<i32>} : memref<128xf32, #tpu.memory_space<vmem>>, vector<16xf32>,
        %swap3A_280 = vector.shape_cast %swap3A_279 : vector<16xf32> to vector<16xf32>
        %swap3A_281 = vector.shape_cast %sub3A_269 : vector<16xf32> to vector<16xf32>
        tpu.vector_store %arg37[%swap3A_278], %swap3A_281 {strides = array<i32>} : memref<128xf32, #tpu.memory_space<vmem>>, vector<16xf32>,
        %mul3A_282 = arith.mulf %sub3A_267, %sub3A_267 : vector<16xf32>
        %mul3A_283 = arith.mulf %sub3A_268, %sub3A_268 : vector<16xf32>
        %add3A_284 = arith.addf %mul3A_282, %mul3A_283 : vector<16xf32>
        %mul3A_285 = arith.mulf %sub3A_269, %sub3A_269 : vector<16xf32>
        %add3A_286 = arith.addf %add3A_284, %mul3A_285 : vector<16xf32>
        %swap3A_287 = arith.constant 48 : index
        %swap3A_288 = tpu.vector_load %arg33[%swap3A_287] {strides = array<i32>} : memref<128xf32, #tpu.memory_space<vmem>>, vector<16xf32>,
        %swap3A_289 = vector.shape_cast %swap3A_288 : vector<16xf32> to vector<16xf32>
        %swap3A_290 = vector.shape_cast %add3A_286 : vector<16xf32> to vector<16xf32>
        tpu.vector_store %arg33[%swap3A_287], %swap3A_290 {strides = array<i32>} : memref<128xf32, #tpu.memory_space<vmem>>, vector<16xf32>,
        %mul3A_291 = arith.mulf %get3A_251, %get3A_260 : vector<16xf32>
        %mul3A_292 = arith.mulf %get3A_254, %get3A_263 : vector<16xf32>
        %add3A_293 = arith.addf %mul3A_291, %mul3A_292 : vector<16xf32>
        %mul3A_294 = arith.mulf %get3A_257, %get3A_266 : vector<16xf32>
        %add3A_295 = arith.addf %add3A_293, %mul3A_294 : vector<16xf32>
        %swap3A_296 = arith.constant 48 : index
        %swap3A_297 = tpu.vector_load %arg34[%swap3A_296] {strides = array<i32>} : memref<128xf32, #tpu.memory_space<vmem>>, vector<16xf32>,
        %swap3A_298 = vector.shape_cast %swap3A_297 : vector<16xf32> to vector<16xf32>
        %swap3A_299 = vector.shape_cast %add3A_295 : vector<16xf32> to vector<16xf32>
        tpu.vector_store %arg34[%swap3A_296], %swap3A_299 {strides = array<i32>} : memref<128xf32, #tpu.memory_space<vmem>>, vector<16xf32>,
        %get3A_300 = arith.constant 64 : index
        %get3A_301 = tpu.vector_load %arg19[%get3A_300] {strides = array<i32>} : memref<128xf32, #tpu.memory_space<vmem>>, vector<16xf32>,
        %get3A_302 = vector.shape_cast %get3A_301 : vector<16xf32> to vector<16xf32>
        %get3A_303 = arith.constant 64 : index
        %get3A_304 = tpu.vector_load %arg20[%get3A_303] {strides = array<i32>} : memref<128xf32, #tpu.memory_space<vmem>>, vector<16xf32>,
        %get3A_305 = vector.shape_cast %get3A_304 : vector<16xf32> to vector<16xf32>
        %get3A_306 = arith.constant 64 : index
        %get3A_307 = tpu.vector_load %arg21[%get3A_306] {strides = array<i32>} : memref<128xf32, #tpu.memory_space<vmem>>, vector<16xf32>,
        %get3A_308 = vector.shape_cast %get3A_307 : vector<16xf32> to vector<16xf32>
        %get3A_309 = arith.constant 64 : index
        %get3A_310 = tpu.vector_load %arg25[%get3A_309] {strides = array<i32>} : memref<128xf32, #tpu.memory_space<vmem>>, vector<16xf32>,
        %get3A_311 = vector.shape_cast %get3A_310 : vector<16xf32> to vector<16xf32>
        %get3A_312 = arith.constant 64 : index
        %get3A_313 = tpu.vector_load %arg26[%get3A_312] {strides = array<i32>} : memref<128xf32, #tpu.memory_space<vmem>>, vector<16xf32>,
        %get3A_314 = vector.shape_cast %get3A_313 : vector<16xf32> to vector<16xf32>
        %get3A_315 = arith.constant 64 : index
        %get3A_316 = tpu.vector_load %arg27[%get3A_315] {strides = array<i32>} : memref<128xf32, #tpu.memory_space<vmem>>, vector<16xf32>,
        %get3A_317 = vector.shape_cast %get3A_316 : vector<16xf32> to vector<16xf32>
        %sub3A_318 = arith.subf %get3A_302, %get3A_311 : vector<16xf32>
        %sub3A_319 = arith.subf %get3A_305, %get3A_314 : vector<16xf32>
        %sub3A_320 = arith.subf %get3A_308, %get3A_317 : vector<16xf32>
        %swap3A_321 = arith.constant 64 : index
        %swap3A_322 = tpu.vector_load %arg35[%swap3A_321] {strides = array<i32>} : memref<128xf32, #tpu.memory_space<vmem>>, vector<16xf32>,
        %swap3A_323 = vector.shape_cast %swap3A_322 : vector<16xf32> to vector<16xf32>
        %swap3A_324 = vector.shape_cast %sub3A_318 : vector<16xf32> to vector<16xf32>
        tpu.vector_store %arg35[%swap3A_321], %swap3A_324 {strides = array<i32>} : memref<128xf32, #tpu.memory_space<vmem>>, vector<16xf32>,
        %swap3A_325 = arith.constant 64 : index
        %swap3A_326 = tpu.vector_load %arg36[%swap3A_325] {strides = array<i32>} : memref<128xf32, #tpu.memory_space<vmem>>, vector<16xf32>,
        %swap3A_327 = vector.shape_cast %swap3A_326 : vector<16xf32> to vector<16xf32>
        %swap3A_328 = vector.shape_cast %sub3A_319 : vector<16xf32> to vector<16xf32>
        tpu.vector_store %arg36[%swap3A_325], %swap3A_328 {strides = array<i32>} : memref<128xf32, #tpu.memory_space<vmem>>, vector<16xf32>,
        %swap3A_329 = arith.constant 64 : index
        %swap3A_330 = tpu.vector_load %arg37[%swap3A_329] {strides = array<i32>} : memref<128xf32, #tpu.memory_space<vmem>>, vector<16xf32>,
        %swap3A_331 = vector.shape_cast %swap3A_330 : vector<16xf32> to vector<16xf32>
        %swap3A_332 = vector.shape_cast %sub3A_320 : vector<16xf32> to vector<16xf32>
        tpu.vector_store %arg37[%swap3A_329], %swap3A_332 {strides = array<i32>} : memref<128xf32, #tpu.memory_space<vmem>>, vector<16xf32>,
        %mul3A_333 = arith.mulf %sub3A_318, %sub3A_318 : vector<16xf32>
        %mul3A_334 = arith.mulf %sub3A_319, %sub3A_319 : vector<16xf32>
        %add3A_335 = arith.addf %mul3A_333, %mul3A_334 : vector<16xf32>
        %mul3A_336 = arith.mulf %sub3A_320, %sub3A_320 : vector<16xf32>
        %add3A_337 = arith.addf %add3A_335, %mul3A_336 : vector<16xf32>
        %swap3A_338 = arith.constant 64 : index
        %swap3A_339 = tpu.vector_load %arg33[%swap3A_338] {strides = array<i32>} : memref<128xf32, #tpu.memory_space<vmem>>, vector<16xf32>,
        %swap3A_340 = vector.shape_cast %swap3A_339 : vector<16xf32> to vector<16xf32>
        %swap3A_341 = vector.shape_cast %add3A_337 : vector<16xf32> to vector<16xf32>
        tpu.vector_store %arg33[%swap3A_338], %swap3A_341 {strides = array<i32>} : memref<128xf32, #tpu.memory_space<vmem>>, vector<16xf32>,
        %mul3A_342 = arith.mulf %get3A_302, %get3A_311 : vector<16xf32>
        %mul3A_343 = arith.mulf %get3A_305, %get3A_314 : vector<16xf32>
        %add3A_344 = arith.addf %mul3A_342, %mul3A_343 : vector<16xf32>
        %mul3A_345 = arith.mulf %get3A_308, %get3A_317 : vector<16xf32>
        %add3A_346 = arith.addf %add3A_344, %mul3A_345 : vector<16xf32>
        %swap3A_347 = arith.constant 64 : index
        %swap3A_348 = tpu.vector_load %arg34[%swap3A_347] {strides = array<i32>} : memref<128xf32, #tpu.memory_space<vmem>>, vector<16xf32>,
        %swap3A_349 = vector.shape_cast %swap3A_348 : vector<16xf32> to vector<16xf32>
        %swap3A_350 = vector.shape_cast %add3A_346 : vector<16xf32> to vector<16xf32>
        tpu.vector_store %arg34[%swap3A_347], %swap3A_350 {strides = array<i32>} : memref<128xf32, #tpu.memory_space<vmem>>, vector<16xf32>,
        %get3A_351 = arith.constant 80 : index
        %get3A_352 = tpu.vector_load %arg19[%get3A_351] {strides = array<i32>} : memref<128xf32, #tpu.memory_space<vmem>>, vector<16xf32>,
        %get3A_353 = vector.shape_cast %get3A_352 : vector<16xf32> to vector<16xf32>
        %get3A_354 = arith.constant 80 : index
        %get3A_355 = tpu.vector_load %arg20[%get3A_354] {strides = array<i32>} : memref<128xf32, #tpu.memory_space<vmem>>, vector<16xf32>,
        %get3A_356 = vector.shape_cast %get3A_355 : vector<16xf32> to vector<16xf32>
        %get3A_357 = arith.constant 80 : index
        %get3A_358 = tpu.vector_load %arg21[%get3A_357] {strides = array<i32>} : memref<128xf32, #tpu.memory_space<vmem>>, vector<16xf32>,
        %get3A_359 = vector.shape_cast %get3A_358 : vector<16xf32> to vector<16xf32>
        %get3A_360 = arith.constant 80 : index
        %get3A_361 = tpu.vector_load %arg25[%get3A_360] {strides = array<i32>} : memref<128xf32, #tpu.memory_space<vmem>>, vector<16xf32>,
        %get3A_362 = vector.shape_cast %get3A_361 : vector<16xf32> to vector<16xf32>
        %get3A_363 = arith.constant 80 : index
        %get3A_364 = tpu.vector_load %arg26[%get3A_363] {strides = array<i32>} : memref<128xf32, #tpu.memory_space<vmem>>, vector<16xf32>,
        %get3A_365 = vector.shape_cast %get3A_364 : vector<16xf32> to vector<16xf32>
        %get3A_366 = arith.constant 80 : index
        %get3A_367 = tpu.vector_load %arg27[%get3A_366] {strides = array<i32>} : memref<128xf32, #tpu.memory_space<vmem>>, vector<16xf32>,
        %get3A_368 = vector.shape_cast %get3A_367 : vector<16xf32> to vector<16xf32>
        %sub3A_369 = arith.subf %get3A_353, %get3A_362 : vector<16xf32>
        %sub3A_370 = arith.subf %get3A_356, %get3A_365 : vector<16xf32>
        %sub3A_371 = arith.subf %get3A_359, %get3A_368 : vector<16xf32>
        %swap3A_372 = arith.constant 80 : index
        %swap3A_373 = tpu.vector_load %arg35[%swap3A_372] {strides = array<i32>} : memref<128xf32, #tpu.memory_space<vmem>>, vector<16xf32>,
        %swap3A_374 = vector.shape_cast %swap3A_373 : vector<16xf32> to vector<16xf32>
        %swap3A_375 = vector.shape_cast %sub3A_369 : vector<16xf32> to vector<16xf32>
        tpu.vector_store %arg35[%swap3A_372], %swap3A_375 {strides = array<i32>} : memref<128xf32, #tpu.memory_space<vmem>>, vector<16xf32>,
        %swap3A_376 = arith.constant 80 : index
        %swap3A_377 = tpu.vector_load %arg36[%swap3A_376] {strides = array<i32>} : memref<128xf32, #tpu.memory_space<vmem>>, vector<16xf32>,
        %swap3A_378 = vector.shape_cast %swap3A_377 : vector<16xf32> to vector<16xf32>
        %swap3A_379 = vector.shape_cast %sub3A_370 : vector<16xf32> to vector<16xf32>
        tpu.vector_store %arg36[%swap3A_376], %swap3A_379 {strides = array<i32>} : memref<128xf32, #tpu.memory_space<vmem>>, vector<16xf32>,
        %swap3A_380 = arith.constant 80 : index
        %swap3A_381 = tpu.vector_load %arg37[%swap3A_380] {strides = array<i32>} : memref<128xf32, #tpu.memory_space<vmem>>, vector<16xf32>,
        %swap3A_382 = vector.shape_cast %swap3A_381 : vector<16xf32> to vector<16xf32>
        %swap3A_383 = vector.shape_cast %sub3A_371 : vector<16xf32> to vector<16xf32>
        tpu.vector_store %arg37[%swap3A_380], %swap3A_383 {strides = array<i32>} : memref<128xf32, #tpu.memory_space<vmem>>, vector<16xf32>,
        %mul3A_384 = arith.mulf %sub3A_369, %sub3A_369 : vector<16xf32>
        %mul3A_385 = arith.mulf %sub3A_370, %sub3A_370 : vector<16xf32>
        %add3A_386 = arith.addf %mul3A_384, %mul3A_385 : vector<16xf32>
        %mul3A_387 = arith.mulf %sub3A_371, %sub3A_371 : vector<16xf32>
        %add3A_388 = arith.addf %add3A_386, %mul3A_387 : vector<16xf32>
        %swap3A_389 = arith.constant 80 : index
        %swap3A_390 = tpu.vector_load %arg33[%swap3A_389] {strides = array<i32>} : memref<128xf32, #tpu.memory_space<vmem>>, vector<16xf32>,
        %swap3A_391 = vector.shape_cast %swap3A_390 : vector<16xf32> to vector<16xf32>
        %swap3A_392 = vector.shape_cast %add3A_388 : vector<16xf32> to vector<16xf32>
        tpu.vector_store %arg33[%swap3A_389], %swap3A_392 {strides = array<i32>} : memref<128xf32, #tpu.memory_space<vmem>>, vector<16xf32>,
        %mul3A_393 = arith.mulf %get3A_353, %get3A_362 : vector<16xf32>
        %mul3A_394 = arith.mulf %get3A_356, %get3A_365 : vector<16xf32>
        %add3A_395 = arith.addf %mul3A_393, %mul3A_394 : vector<16xf32>
        %mul3A_396 = arith.mulf %get3A_359, %get3A_368 : vector<16xf32>
        %add3A_397 = arith.addf %add3A_395, %mul3A_396 : vector<16xf32>
        %swap3A_398 = arith.constant 80 : index
        %swap3A_399 = tpu.vector_load %arg34[%swap3A_398] {strides = array<i32>} : memref<128xf32, #tpu.memory_space<vmem>>, vector<16xf32>,
        %swap3A_400 = vector.shape_cast %swap3A_399 : vector<16xf32> to vector<16xf32>
        %swap3A_401 = vector.shape_cast %add3A_397 : vector<16xf32> to vector<16xf32>
        tpu.vector_store %arg34[%swap3A_398], %swap3A_401 {strides = array<i32>} : memref<128xf32, #tpu.memory_space<vmem>>, vector<16xf32>,
        %get3A_402 = arith.constant 96 : index
        %get3A_403 = tpu.vector_load %arg19[%get3A_402] {strides = array<i32>} : memref<128xf32, #tpu.memory_space<vmem>>, vector<16xf32>,
        %get3A_404 = vector.shape_cast %get3A_403 : vector<16xf32> to vector<16xf32>
        %get3A_405 = arith.constant 96 : index
        %get3A_406 = tpu.vector_load %arg20[%get3A_405] {strides = array<i32>} : memref<128xf32, #tpu.memory_space<vmem>>, vector<16xf32>,
        %get3A_407 = vector.shape_cast %get3A_406 : vector<16xf32> to vector<16xf32>
        %get3A_408 = arith.constant 96 : index
        %get3A_409 = tpu.vector_load %arg21[%get3A_408] {strides = array<i32>} : memref<128xf32, #tpu.memory_space<vmem>>, vector<16xf32>,
        %get3A_410 = vector.shape_cast %get3A_409 : vector<16xf32> to vector<16xf32>
        %get3A_411 = arith.constant 96 : index
        %get3A_412 = tpu.vector_load %arg25[%get3A_411] {strides = array<i32>} : memref<128xf32, #tpu.memory_space<vmem>>, vector<16xf32>,
        %get3A_413 = vector.shape_cast %get3A_412 : vector<16xf32> to vector<16xf32>
        %get3A_414 = arith.constant 96 : index
        %get3A_415 = tpu.vector_load %arg26[%get3A_414] {strides = array<i32>} : memref<128xf32, #tpu.memory_space<vmem>>, vector<16xf32>,
        %get3A_416 = vector.shape_cast %get3A_415 : vector<16xf32> to vector<16xf32>
        %get3A_417 = arith.constant 96 : index
        %get3A_418 = tpu.vector_load %arg27[%get3A_417] {strides = array<i32>} : memref<128xf32, #tpu.memory_space<vmem>>, vector<16xf32>,
        %get3A_419 = vector.shape_cast %get3A_418 : vector<16xf32> to vector<16xf32>
        %sub3A_420 = arith.subf %get3A_404, %get3A_413 : vector<16xf32>
        %sub3A_421 = arith.subf %get3A_407, %get3A_416 : vector<16xf32>
        %sub3A_422 = arith.subf %get3A_410, %get3A_419 : vector<16xf32>
        %swap3A_423 = arith.constant 96 : index
        %swap3A_424 = tpu.vector_load %arg35[%swap3A_423] {strides = array<i32>} : memref<128xf32, #tpu.memory_space<vmem>>, vector<16xf32>,
        %swap3A_425 = vector.shape_cast %swap3A_424 : vector<16xf32> to vector<16xf32>
        %swap3A_426 = vector.shape_cast %sub3A_420 : vector<16xf32> to vector<16xf32>
        tpu.vector_store %arg35[%swap3A_423], %swap3A_426 {strides = array<i32>} : memref<128xf32, #tpu.memory_space<vmem>>, vector<16xf32>,
        %swap3A_427 = arith.constant 96 : index
        %swap3A_428 = tpu.vector_load %arg36[%swap3A_427] {strides = array<i32>} : memref<128xf32, #tpu.memory_space<vmem>>, vector<16xf32>,
        %swap3A_429 = vector.shape_cast %swap3A_428 : vector<16xf32> to vector<16xf32>
        %swap3A_430 = vector.shape_cast %sub3A_421 : vector<16xf32> to vector<16xf32>
        tpu.vector_store %arg36[%swap3A_427], %swap3A_430 {strides = array<i32>} : memref<128xf32, #tpu.memory_space<vmem>>, vector<16xf32>,
        %swap3A_431 = arith.constant 96 : index
        %swap3A_432 = tpu.vector_load %arg37[%swap3A_431] {strides = array<i32>} : memref<128xf32, #tpu.memory_space<vmem>>, vector<16xf32>,
        %swap3A_433 = vector.shape_cast %swap3A_432 : vector<16xf32> to vector<16xf32>
        %swap3A_434 = vector.shape_cast %sub3A_422 : vector<16xf32> to vector<16xf32>
        tpu.vector_store %arg37[%swap3A_431], %swap3A_434 {strides = array<i32>} : memref<128xf32, #tpu.memory_space<vmem>>, vector<16xf32>,
        %mul3A_435 = arith.mulf %sub3A_420, %sub3A_420 : vector<16xf32>
        %mul3A_436 = arith.mulf %sub3A_421, %sub3A_421 : vector<16xf32>
        %add3A_437 = arith.addf %mul3A_435, %mul3A_436 : vector<16xf32>
        %mul3A_438 = arith.mulf %sub3A_422, %sub3A_422 : vector<16xf32>
        %add3A_439 = arith.addf %add3A_437, %mul3A_438 : vector<16xf32>
        %swap3A_440 = arith.constant 96 : index
        %swap3A_441 = tpu.vector_load %arg33[%swap3A_440] {strides = array<i32>} : memref<128xf32, #tpu.memory_space<vmem>>, vector<16xf32>,
        %swap3A_442 = vector.shape_cast %swap3A_441 : vector<16xf32> to vector<16xf32>
        %swap3A_443 = vector.shape_cast %add3A_439 : vector<16xf32> to vector<16xf32>
        tpu.vector_store %arg33[%swap3A_440], %swap3A_443 {strides = array<i32>} : memref<128xf32, #tpu.memory_space<vmem>>, vector<16xf32>,
        %mul3A_444 = arith.mulf %get3A_404, %get3A_413 : vector<16xf32>
        %mul3A_445 = arith.mulf %get3A_407, %get3A_416 : vector<16xf32>
        %add3A_446 = arith.addf %mul3A_444, %mul3A_445 : vector<16xf32>
        %mul3A_447 = arith.mulf %get3A_410, %get3A_419 : vector<16xf32>
        %add3A_448 = arith.addf %add3A_446, %mul3A_447 : vector<16xf32>
        %swap3A_449 = arith.constant 96 : index
        %swap3A_450 = tpu.vector_load %arg34[%swap3A_449] {strides = array<i32>} : memref<128xf32, #tpu.memory_space<vmem>>, vector<16xf32>,
        %swap3A_451 = vector.shape_cast %swap3A_450 : vector<16xf32> to vector<16xf32>
        %swap3A_452 = vector.shape_cast %add3A_448 : vector<16xf32> to vector<16xf32>
        tpu.vector_store %arg34[%swap3A_449], %swap3A_452 {strides = array<i32>} : memref<128xf32, #tpu.memory_space<vmem>>, vector<16xf32>,
        %get3A_453 = arith.constant 112 : index
        %get3A_454 = tpu.vector_load %arg19[%get3A_453] {strides = array<i32>} : memref<128xf32, #tpu.memory_space<vmem>>, vector<16xf32>,
        %get3A_455 = vector.shape_cast %get3A_454 : vector<16xf32> to vector<16xf32>
        %get3A_456 = arith.constant 112 : index
        %get3A_457 = tpu.vector_load %arg20[%get3A_456] {strides = array<i32>} : memref<128xf32, #tpu.memory_space<vmem>>, vector<16xf32>,
        %get3A_458 = vector.shape_cast %get3A_457 : vector<16xf32> to vector<16xf32>
        %get3A_459 = arith.constant 112 : index
        %get3A_460 = tpu.vector_load %arg21[%get3A_459] {strides = array<i32>} : memref<128xf32, #tpu.memory_space<vmem>>, vector<16xf32>,
        %get3A_461 = vector.shape_cast %get3A_460 : vector<16xf32> to vector<16xf32>
        %get3A_462 = arith.constant 112 : index
        %get3A_463 = tpu.vector_load %arg25[%get3A_462] {strides = array<i32>} : memref<128xf32, #tpu.memory_space<vmem>>, vector<16xf32>,
        %get3A_464 = vector.shape_cast %get3A_463 : vector<16xf32> to vector<16xf32>
        %get3A_465 = arith.constant 112 : index
        %get3A_466 = tpu.vector_load %arg26[%get3A_465] {strides = array<i32>} : memref<128xf32, #tpu.memory_space<vmem>>, vector<16xf32>,
        %get3A_467 = vector.shape_cast %get3A_466 : vector<16xf32> to vector<16xf32>
        %get3A_468 = arith.constant 112 : index
        %get3A_469 = tpu.vector_load %arg27[%get3A_468] {strides = array<i32>} : memref<128xf32, #tpu.memory_space<vmem>>, vector<16xf32>,
        %get3A_470 = vector.shape_cast %get3A_469 : vector<16xf32> to vector<16xf32>
        %sub3A_471 = arith.subf %get3A_455, %get3A_464 : vector<16xf32>
        %sub3A_472 = arith.subf %get3A_458, %get3A_467 : vector<16xf32>
        %sub3A_473 = arith.subf %get3A_461, %get3A_470 : vector<16xf32>
        %swap3A_474 = arith.constant 112 : index
        %swap3A_475 = tpu.vector_load %arg35[%swap3A_474] {strides = array<i32>} : memref<128xf32, #tpu.memory_space<vmem>>, vector<16xf32>,
        %swap3A_476 = vector.shape_cast %swap3A_475 : vector<16xf32> to vector<16xf32>
        %swap3A_477 = vector.shape_cast %sub3A_471 : vector<16xf32> to vector<16xf32>
        tpu.vector_store %arg35[%swap3A_474], %swap3A_477 {strides = array<i32>} : memref<128xf32, #tpu.memory_space<vmem>>, vector<16xf32>,
        %swap3A_478 = arith.constant 112 : index
        %swap3A_479 = tpu.vector_load %arg36[%swap3A_478] {strides = array<i32>} : memref<128xf32, #tpu.memory_space<vmem>>, vector<16xf32>,
        %swap3A_480 = vector.shape_cast %swap3A_479 : vector<16xf32> to vector<16xf32>
        %swap3A_481 = vector.shape_cast %sub3A_472 : vector<16xf32> to vector<16xf32>
        tpu.vector_store %arg36[%swap3A_478], %swap3A_481 {strides = array<i32>} : memref<128xf32, #tpu.memory_space<vmem>>, vector<16xf32>,
        %swap3A_482 = arith.constant 112 : index
        %swap3A_483 = tpu.vector_load %arg37[%swap3A_482] {strides = array<i32>} : memref<128xf32, #tpu.memory_space<vmem>>, vector<16xf32>,
        %swap3A_484 = vector.shape_cast %swap3A_483 : vector<16xf32> to vector<16xf32>
        %swap3A_485 = vector.shape_cast %sub3A_473 : vector<16xf32> to vector<16xf32>
        tpu.vector_store %arg37[%swap3A_482], %swap3A_485 {strides = array<i32>} : memref<128xf32, #tpu.memory_space<vmem>>, vector<16xf32>,
        %mul3A_486 = arith.mulf %sub3A_471, %sub3A_471 : vector<16xf32>
        %mul3A_487 = arith.mulf %sub3A_472, %sub3A_472 : vector<16xf32>
        %add3A_488 = arith.addf %mul3A_486, %mul3A_487 : vector<16xf32>
        %mul3A_489 = arith.mulf %sub3A_473, %sub3A_473 : vector<16xf32>
        %add3A_490 = arith.addf %add3A_488, %mul3A_489 : vector<16xf32>
        %swap3A_491 = arith.constant 112 : index
        %swap3A_492 = tpu.vector_load %arg33[%swap3A_491] {strides = array<i32>} : memref<128xf32, #tpu.memory_space<vmem>>, vector<16xf32>,
        %swap3A_493 = vector.shape_cast %swap3A_492 : vector<16xf32> to vector<16xf32>
        %swap3A_494 = vector.shape_cast %add3A_490 : vector<16xf32> to vector<16xf32>
        tpu.vector_store %arg33[%swap3A_491], %swap3A_494 {strides = array<i32>} : memref<128xf32, #tpu.memory_space<vmem>>, vector<16xf32>,
        %mul3A_495 = arith.mulf %get3A_455, %get3A_464 : vector<16xf32>
        %mul3A_496 = arith.mulf %get3A_458, %get3A_467 : vector<16xf32>
        %add3A_497 = arith.addf %mul3A_495, %mul3A_496 : vector<16xf32>
        %mul3A_498 = arith.mulf %get3A_461, %get3A_470 : vector<16xf32>
        %add3A_499 = arith.addf %add3A_497, %mul3A_498 : vector<16xf32>
        %swap3A_500 = arith.constant 112 : index
        %swap3A_501 = tpu.vector_load %arg34[%swap3A_500] {strides = array<i32>} : memref<128xf32, #tpu.memory_space<vmem>>, vector<16xf32>,
        %swap3A_502 = vector.shape_cast %swap3A_501 : vector<16xf32> to vector<16xf32>
        %swap3A_503 = vector.shape_cast %add3A_499 : vector<16xf32> to vector<16xf32>
        tpu.vector_store %arg34[%swap3A_500], %swap3A_503 {strides = array<i32>} : memref<128xf32, #tpu.memory_space<vmem>>, vector<16xf32>,
        %dma_start3A_504 = tpu.memref_slice %arg7[%mul3A_97] : memref<1600000xf32, #tpu.memory_space<hbm>> -> memref<128xf32, #tpu.memory_space<hbm>>
        %dma_start3A_505 = tpu.memref_slice %arg7[%mul3A_97] : memref<1600000xf32, #tpu.memory_space<hbm>> -> memref<128xf32, #tpu.memory_space<hbm>>
        tpu.enqueue_dma source(%arg33 : memref<128xf32, #tpu.memory_space<vmem>>) target(%dma_start3A_505 : memref<128xf32, #tpu.memory_space<hbm>>) target_semaphore(%arg43 : memref<!tpu.dma_semaphore, #tpu.memory_space<semaphore_mem>>)
        %dma_start3A_506 = tpu.memref_slice %arg8[%mul3A_97] : memref<1600000xf32, #tpu.memory_space<hbm>> -> memref<128xf32, #tpu.memory_space<hbm>>
        %dma_start3A_507 = tpu.memref_slice %arg8[%mul3A_97] : memref<1600000xf32, #tpu.memory_space<hbm>> -> memref<128xf32, #tpu.memory_space<hbm>>
        tpu.enqueue_dma source(%arg34 : memref<128xf32, #tpu.memory_space<vmem>>) target(%dma_start3A_507 : memref<128xf32, #tpu.memory_space<hbm>>) target_semaphore(%arg43 : memref<!tpu.dma_semaphore, #tpu.memory_space<semaphore_mem>>)
        %dma_start3A_508 = tpu.memref_slice %arg9[%mul3A_97] : memref<1600000xf32, #tpu.memory_space<hbm>> -> memref<128xf32, #tpu.memory_space<hbm>>
        %dma_start3A_509 = tpu.memref_slice %arg9[%mul3A_97] : memref<1600000xf32, #tpu.memory_space<hbm>> -> memref<128xf32, #tpu.memory_space<hbm>>
        tpu.enqueue_dma source(%arg35 : memref<128xf32, #tpu.memory_space<vmem>>) target(%dma_start3A_509 : memref<128xf32, #tpu.memory_space<hbm>>) target_semaphore(%arg43 : memref<!tpu.dma_semaphore, #tpu.memory_space<semaphore_mem>>)
        %dma_start3A_510 = tpu.memref_slice %arg10[%mul3A_97] : memref<1600000xf32, #tpu.memory_space<hbm>> -> memref<128xf32, #tpu.memory_space<hbm>>
        %dma_start3A_511 = tpu.memref_slice %arg10[%mul3A_97] : memref<1600000xf32, #tpu.memory_space<hbm>> -> memref<128xf32, #tpu.memory_space<hbm>>
        tpu.enqueue_dma source(%arg36 : memref<128xf32, #tpu.memory_space<vmem>>) target(%dma_start3A_511 : memref<128xf32, #tpu.memory_space<hbm>>) target_semaphore(%arg43 : memref<!tpu.dma_semaphore, #tpu.memory_space<semaphore_mem>>)
        %dma_start3A_512 = tpu.memref_slice %arg11[%mul3A_97] : memref<1600000xf32, #tpu.memory_space<hbm>> -> memref<128xf32, #tpu.memory_space<hbm>>
        %dma_start3A_513 = tpu.memref_slice %arg11[%mul3A_97] : memref<1600000xf32, #tpu.memory_space<hbm>> -> memref<128xf32, #tpu.memory_space<hbm>>
        tpu.enqueue_dma source(%arg37 : memref<128xf32, #tpu.memory_space<vmem>>) target(%dma_start3A_513 : memref<128xf32, #tpu.memory_space<hbm>>) target_semaphore(%arg43 : memref<!tpu.dma_semaphore, #tpu.memory_space<semaphore_mem>>)
      } else {
      }
    }
    %scan3A_30 = arith.constant 197 : i32
    return
  }
}

#map = affine_map<(d0, d1) -> (0)>
module attributes {stable_mosaic.version = 14 : i64} {
  func.func @_sc_b_body(%arg0: i32, %arg1: i32, %arg2: memref<1600000xf32, #tpu.memory_space<hbm>>, %arg3: memref<1600000xf32, #tpu.memory_space<hbm>>, %arg4: memref<1600000xf32, #tpu.memory_space<hbm>>, %arg5: memref<1600000xf32, #tpu.memory_space<hbm>>, %arg6: memref<1600000xi32, #tpu.memory_space<hbm>>, %arg7: memref<51200xf32, #tpu.memory_space<hbm>>, %arg8: memref<51200xf32, #tpu.memory_space<hbm>>, %arg9: memref<51200xf32, #tpu.memory_space<hbm>>, %arg10: memref<51200xf32, #tpu.memory_space<hbm>>, %arg11: memref<51200xf32, #tpu.memory_space<hbm>>, %arg12: memref<51200xf32, #tpu.memory_space<hbm>>, %arg13: memref<51200xf32, #tpu.memory_space<hbm>>, %arg14: memref<51200xf32, #tpu.memory_space<hbm>>, %arg15: memref<128xi32, #tpu.memory_space<vmem>>, %arg16: memref<128xf32, #tpu.memory_space<vmem>>, %arg17: memref<128xf32, #tpu.memory_space<vmem>>, %arg18: memref<128xf32, #tpu.memory_space<vmem>>, %arg19: memref<128xf32, #tpu.memory_space<vmem>>, %arg20: memref<128xi32, #tpu.memory_space<vmem>>, %arg21: memref<128xf32, #tpu.memory_space<vmem>>, %arg22: memref<128xf32, #tpu.memory_space<vmem>>, %arg23: memref<128xf32, #tpu.memory_space<vmem>>, %arg24: memref<128xf32, #tpu.memory_space<vmem>>, %arg25: memref<128xf32, #tpu.memory_space<vmem>>, %arg26: memref<3200xf32, #tpu.memory_space<vmem>>, %arg27: memref<51200xf32, #tpu.memory_space<vmem_shared>>, %arg28: memref<51200xf32, #tpu.memory_space<vmem_shared>>, %arg29: memref<51200xf32, #tpu.memory_space<vmem_shared>>, %arg30: memref<51200xf32, #tpu.memory_space<vmem_shared>>, %arg31: memref<!tpu.dma_semaphore, #tpu.memory_space<semaphore_mem>>, %arg32: memref<!tpu.dma_semaphore, #tpu.memory_space<semaphore_mem>>) attributes {dimension_semantics = [#tpu.dimension_semantics<core_parallel>, #tpu.dimension_semantics<subcore_parallel>], iteration_bounds = array<i64: 2, 16>, scalar_prefetch = 0 : i64, scratch_operands = 18 : i64, tpu.core_type = #tpu.core_type<sc_vector_subcore>, window_params = [{transform_indices = #map}, {transform_indices = #map}, {transform_indices = #map}, {transform_indices = #map}, {transform_indices = #map}, {transform_indices = #map}, {transform_indices = #map}, {transform_indices = #map}, {transform_indices = #map}, {transform_indices = #map}, {transform_indices = #map}, {transform_indices = #map}, {transform_indices = #map}]} {
    %mul3A = arith.constant 2 : i32
    %mul3A_0 = arith.muli %arg1, %mul3A : i32
    %add3A = arith.addi %mul3A_0, %arg0 : i32
    %lt3A = arith.constant 20 : i32
    %lt3A_1 = arith.cmpi slt, %add3A, %lt3A : i32
    %jit3A = arith.constant 1 : i32
    %jit3A_2 = arith.constant 0 : i32
    %select_n3A = arith.select %lt3A_1, %jit3A, %jit3A_2 : i32
    %add3A_3 = arith.constant 390 : i32
    %add3A_4 = arith.addi %add3A_3, %select_n3A : i32
    %broadcast_in_dim3A = arith.constant 1.000000e+00 : f32
    %broadcast_in_dim3A_5 = vector.broadcast %broadcast_in_dim3A : f32 to vector<16xf32>
    %swap3A = arith.constant 0 : index
    %swap3A_6 = tpu.vector_load %arg25[%swap3A] {strides = array<i32>} : memref<128xf32, #tpu.memory_space<vmem>>, vector<16xf32>,
    %swap3A_7 = vector.shape_cast %swap3A_6 : vector<16xf32> to vector<16xf32>
    %swap3A_8 = vector.shape_cast %broadcast_in_dim3A_5 : vector<16xf32> to vector<16xf32>
    tpu.vector_store %arg25[%swap3A], %swap3A_8 {strides = array<i32>} : memref<128xf32, #tpu.memory_space<vmem>>, vector<16xf32>,
    %broadcast_in_dim3A_9 = arith.constant 1.000000e+00 : f32
    %broadcast_in_dim3A_10 = vector.broadcast %broadcast_in_dim3A_9 : f32 to vector<16xf32>
    %swap3A_11 = arith.constant 16 : index
    %swap3A_12 = tpu.vector_load %arg25[%swap3A_11] {strides = array<i32>} : memref<128xf32, #tpu.memory_space<vmem>>, vector<16xf32>,
    %swap3A_13 = vector.shape_cast %swap3A_12 : vector<16xf32> to vector<16xf32>
    %swap3A_14 = vector.shape_cast %broadcast_in_dim3A_10 : vector<16xf32> to vector<16xf32>
    tpu.vector_store %arg25[%swap3A_11], %swap3A_14 {strides = array<i32>} : memref<128xf32, #tpu.memory_space<vmem>>, vector<16xf32>,
    %broadcast_in_dim3A_15 = arith.constant 1.000000e+00 : f32
    %broadcast_in_dim3A_16 = vector.broadcast %broadcast_in_dim3A_15 : f32 to vector<16xf32>
    %swap3A_17 = arith.constant 32 : index
    %swap3A_18 = tpu.vector_load %arg25[%swap3A_17] {strides = array<i32>} : memref<128xf32, #tpu.memory_space<vmem>>, vector<16xf32>,
    %swap3A_19 = vector.shape_cast %swap3A_18 : vector<16xf32> to vector<16xf32>
    %swap3A_20 = vector.shape_cast %broadcast_in_dim3A_16 : vector<16xf32> to vector<16xf32>
    tpu.vector_store %arg25[%swap3A_17], %swap3A_20 {strides = array<i32>} : memref<128xf32, #tpu.memory_space<vmem>>, vector<16xf32>,
    %broadcast_in_dim3A_21 = arith.constant 1.000000e+00 : f32
    %broadcast_in_dim3A_22 = vector.broadcast %broadcast_in_dim3A_21 : f32 to vector<16xf32>
    %swap3A_23 = arith.constant 48 : index
    %swap3A_24 = tpu.vector_load %arg25[%swap3A_23] {strides = array<i32>} : memref<128xf32, #tpu.memory_space<vmem>>, vector<16xf32>,
    %swap3A_25 = vector.shape_cast %swap3A_24 : vector<16xf32> to vector<16xf32>
    %swap3A_26 = vector.shape_cast %broadcast_in_dim3A_22 : vector<16xf32> to vector<16xf32>
    tpu.vector_store %arg25[%swap3A_23], %swap3A_26 {strides = array<i32>} : memref<128xf32, #tpu.memory_space<vmem>>, vector<16xf32>,
    %broadcast_in_dim3A_27 = arith.constant 1.000000e+00 : f32
    %broadcast_in_dim3A_28 = vector.broadcast %broadcast_in_dim3A_27 : f32 to vector<16xf32>
    %swap3A_29 = arith.constant 64 : index
    %swap3A_30 = tpu.vector_load %arg25[%swap3A_29] {strides = array<i32>} : memref<128xf32, #tpu.memory_space<vmem>>, vector<16xf32>,
    %swap3A_31 = vector.shape_cast %swap3A_30 : vector<16xf32> to vector<16xf32>
    %swap3A_32 = vector.shape_cast %broadcast_in_dim3A_28 : vector<16xf32> to vector<16xf32>
    tpu.vector_store %arg25[%swap3A_29], %swap3A_32 {strides = array<i32>} : memref<128xf32, #tpu.memory_space<vmem>>, vector<16xf32>,
    %broadcast_in_dim3A_33 = arith.constant 1.000000e+00 : f32
    %broadcast_in_dim3A_34 = vector.broadcast %broadcast_in_dim3A_33 : f32 to vector<16xf32>
    %swap3A_35 = arith.constant 80 : index
    %swap3A_36 = tpu.vector_load %arg25[%swap3A_35] {strides = array<i32>} : memref<128xf32, #tpu.memory_space<vmem>>, vector<16xf32>,
    %swap3A_37 = vector.shape_cast %swap3A_36 : vector<16xf32> to vector<16xf32>
    %swap3A_38 = vector.shape_cast %broadcast_in_dim3A_34 : vector<16xf32> to vector<16xf32>
    tpu.vector_store %arg25[%swap3A_35], %swap3A_38 {strides = array<i32>} : memref<128xf32, #tpu.memory_space<vmem>>, vector<16xf32>,
    %broadcast_in_dim3A_39 = arith.constant 1.000000e+00 : f32
    %broadcast_in_dim3A_40 = vector.broadcast %broadcast_in_dim3A_39 : f32 to vector<16xf32>
    %swap3A_41 = arith.constant 96 : index
    %swap3A_42 = tpu.vector_load %arg25[%swap3A_41] {strides = array<i32>} : memref<128xf32, #tpu.memory_space<vmem>>, vector<16xf32>,
    %swap3A_43 = vector.shape_cast %swap3A_42 : vector<16xf32> to vector<16xf32>
    %swap3A_44 = vector.shape_cast %broadcast_in_dim3A_40 : vector<16xf32> to vector<16xf32>
    tpu.vector_store %arg25[%swap3A_41], %swap3A_44 {strides = array<i32>} : memref<128xf32, #tpu.memory_space<vmem>>, vector<16xf32>,
    %broadcast_in_dim3A_45 = arith.constant 1.000000e+00 : f32
    %broadcast_in_dim3A_46 = vector.broadcast %broadcast_in_dim3A_45 : f32 to vector<16xf32>
    %swap3A_47 = arith.constant 112 : index
    %swap3A_48 = tpu.vector_load %arg25[%swap3A_47] {strides = array<i32>} : memref<128xf32, #tpu.memory_space<vmem>>, vector<16xf32>,
    %swap3A_49 = vector.shape_cast %swap3A_48 : vector<16xf32> to vector<16xf32>
    %swap3A_50 = vector.shape_cast %broadcast_in_dim3A_46 : vector<16xf32> to vector<16xf32>
    tpu.vector_store %arg25[%swap3A_47], %swap3A_50 {strides = array<i32>} : memref<128xf32, #tpu.memory_space<vmem>>, vector<16xf32>,
    %scan3A = arith.constant 0 : i32
    %scan3A_51 = arith.constant 0 : i32
    %scan3A_52 = arith.constant 200 : i32
    %scan3A_53 = arith.addi %scan3A_51, %scan3A_52 : i32
    %scan3A_54 = arith.constant 1 : i32
    scf.for %scan3A_117 = %scan3A_51 to %scan3A_53 step %scan3A_54  : i32 {
      %broadcast_in_dim3A_118 = arith.constant 0.000000e+00 : f32
      %broadcast_in_dim3A_119 = vector.broadcast %broadcast_in_dim3A_118 : f32 to vector<16xf32>
      %mul3A_120 = arith.constant 16 : i32
      %mul3A_121 = arith.muli %scan3A_117, %mul3A_120 : i32
      %swap3A_122 = arith.index_cast %mul3A_121 : i32 to index
      %swap3A_123 = tpu.vector_load %arg26[%swap3A_122] {strides = array<i32>} : memref<3200xf32, #tpu.memory_space<vmem>>, vector<16xf32>,
      %swap3A_124 = vector.shape_cast %swap3A_123 : vector<16xf32> to vector<16xf32>
      %swap3A_125 = vector.shape_cast %broadcast_in_dim3A_119 : vector<16xf32> to vector<16xf32>
      tpu.vector_store %arg26[%swap3A_122], %swap3A_125 {strides = array<i32>} : memref<3200xf32, #tpu.memory_space<vmem>>, vector<16xf32>,
    }
    %scan3A_55 = arith.constant 200 : i32
    %mul3A_56 = arith.constant 3200 : i32
    %mul3A_57 = arith.muli %arg1, %mul3A_56 : i32
    "tpu.region"() ({
      %run_scoped3A = tpu.sem_alloc : memref<!tpu.dma_semaphore, #tpu.memory_space<semaphore_mem>>
      %dma_start3A_117 = tpu.memref_slice %arg27[%mul3A_57] : memref<51200xf32, #tpu.memory_space<vmem_shared>> -> memref<3200xf32, #tpu.memory_space<vmem_shared>>
      %dma_start3A_118 = tpu.memref_slice %arg27[%mul3A_57] : memref<51200xf32, #tpu.memory_space<vmem_shared>> -> memref<3200xf32, #tpu.memory_space<vmem_shared>>
      tpu.enqueue_dma source(%arg26 : memref<3200xf32, #tpu.memory_space<vmem>>) target(%dma_start3A_118 : memref<3200xf32, #tpu.memory_space<vmem_shared>>) target_semaphore(%run_scoped3A : memref<!tpu.dma_semaphore, #tpu.memory_space<semaphore_mem>>)
      %dma_wait3A = tpu.memref_slice %arg27[%mul3A_57] : memref<51200xf32, #tpu.memory_space<vmem_shared>> -> memref<3200xf32, #tpu.memory_space<vmem_shared>>
      %dma_wait3A_119 = tpu.memref_slice %arg27[%mul3A_57] : memref<51200xf32, #tpu.memory_space<vmem_shared>> -> memref<3200xf32, #tpu.memory_space<vmem_shared>>
      tpu.wait_dma2 semaphore(%run_scoped3A : memref<!tpu.dma_semaphore, #tpu.memory_space<semaphore_mem>>) src(%arg26 : memref<3200xf32, #tpu.memory_space<vmem>>) dst(%dma_wait3A_119 : memref<3200xf32, #tpu.memory_space<vmem_shared>>)
      tpu.yield
    }) : () -> ()
    %mul3A_58 = arith.constant 3200 : i32
    %mul3A_59 = arith.muli %arg1, %mul3A_58 : i32
    "tpu.region"() ({
      %run_scoped3A = tpu.sem_alloc : memref<!tpu.dma_semaphore, #tpu.memory_space<semaphore_mem>>
      %dma_start3A_117 = tpu.memref_slice %arg28[%mul3A_59] : memref<51200xf32, #tpu.memory_space<vmem_shared>> -> memref<3200xf32, #tpu.memory_space<vmem_shared>>
      %dma_start3A_118 = tpu.memref_slice %arg28[%mul3A_59] : memref<51200xf32, #tpu.memory_space<vmem_shared>> -> memref<3200xf32, #tpu.memory_space<vmem_shared>>
      tpu.enqueue_dma source(%arg26 : memref<3200xf32, #tpu.memory_space<vmem>>) target(%dma_start3A_118 : memref<3200xf32, #tpu.memory_space<vmem_shared>>) target_semaphore(%run_scoped3A : memref<!tpu.dma_semaphore, #tpu.memory_space<semaphore_mem>>)
      %dma_wait3A = tpu.memref_slice %arg28[%mul3A_59] : memref<51200xf32, #tpu.memory_space<vmem_shared>> -> memref<3200xf32, #tpu.memory_space<vmem_shared>>
      %dma_wait3A_119 = tpu.memref_slice %arg28[%mul3A_59] : memref<51200xf32, #tpu.memory_space<vmem_shared>> -> memref<3200xf32, #tpu.memory_space<vmem_shared>>
      tpu.wait_dma2 semaphore(%run_scoped3A : memref<!tpu.dma_semaphore, #tpu.memory_space<semaphore_mem>>) src(%arg26 : memref<3200xf32, #tpu.memory_space<vmem>>) dst(%dma_wait3A_119 : memref<3200xf32, #tpu.memory_space<vmem_shared>>)
      tpu.yield
    }) : () -> ()
    %mul3A_60 = arith.constant 3200 : i32
    %mul3A_61 = arith.muli %arg1, %mul3A_60 : i32
    "tpu.region"() ({
      %run_scoped3A = tpu.sem_alloc : memref<!tpu.dma_semaphore, #tpu.memory_space<semaphore_mem>>
      %dma_start3A_117 = tpu.memref_slice %arg29[%mul3A_61] : memref<51200xf32, #tpu.memory_space<vmem_shared>> -> memref<3200xf32, #tpu.memory_space<vmem_shared>>
      %dma_start3A_118 = tpu.memref_slice %arg29[%mul3A_61] : memref<51200xf32, #tpu.memory_space<vmem_shared>> -> memref<3200xf32, #tpu.memory_space<vmem_shared>>
      tpu.enqueue_dma source(%arg26 : memref<3200xf32, #tpu.memory_space<vmem>>) target(%dma_start3A_118 : memref<3200xf32, #tpu.memory_space<vmem_shared>>) target_semaphore(%run_scoped3A : memref<!tpu.dma_semaphore, #tpu.memory_space<semaphore_mem>>)
      %dma_wait3A = tpu.memref_slice %arg29[%mul3A_61] : memref<51200xf32, #tpu.memory_space<vmem_shared>> -> memref<3200xf32, #tpu.memory_space<vmem_shared>>
      %dma_wait3A_119 = tpu.memref_slice %arg29[%mul3A_61] : memref<51200xf32, #tpu.memory_space<vmem_shared>> -> memref<3200xf32, #tpu.memory_space<vmem_shared>>
      tpu.wait_dma2 semaphore(%run_scoped3A : memref<!tpu.dma_semaphore, #tpu.memory_space<semaphore_mem>>) src(%arg26 : memref<3200xf32, #tpu.memory_space<vmem>>) dst(%dma_wait3A_119 : memref<3200xf32, #tpu.memory_space<vmem_shared>>)
      tpu.yield
    }) : () -> ()
    %mul3A_62 = arith.constant 3200 : i32
    %mul3A_63 = arith.muli %arg1, %mul3A_62 : i32
    "tpu.region"() ({
      %run_scoped3A = tpu.sem_alloc : memref<!tpu.dma_semaphore, #tpu.memory_space<semaphore_mem>>
      %dma_start3A_117 = tpu.memref_slice %arg30[%mul3A_63] : memref<51200xf32, #tpu.memory_space<vmem_shared>> -> memref<3200xf32, #tpu.memory_space<vmem_shared>>
      %dma_start3A_118 = tpu.memref_slice %arg30[%mul3A_63] : memref<51200xf32, #tpu.memory_space<vmem_shared>> -> memref<3200xf32, #tpu.memory_space<vmem_shared>>
      tpu.enqueue_dma source(%arg26 : memref<3200xf32, #tpu.memory_space<vmem>>) target(%dma_start3A_118 : memref<3200xf32, #tpu.memory_space<vmem_shared>>) target_semaphore(%run_scoped3A : memref<!tpu.dma_semaphore, #tpu.memory_space<semaphore_mem>>)
      %dma_wait3A = tpu.memref_slice %arg30[%mul3A_63] : memref<51200xf32, #tpu.memory_space<vmem_shared>> -> memref<3200xf32, #tpu.memory_space<vmem_shared>>
      %dma_wait3A_119 = tpu.memref_slice %arg30[%mul3A_63] : memref<51200xf32, #tpu.memory_space<vmem_shared>> -> memref<3200xf32, #tpu.memory_space<vmem_shared>>
      tpu.wait_dma2 semaphore(%run_scoped3A : memref<!tpu.dma_semaphore, #tpu.memory_space<semaphore_mem>>) src(%arg26 : memref<3200xf32, #tpu.memory_space<vmem>>) dst(%dma_wait3A_119 : memref<3200xf32, #tpu.memory_space<vmem_shared>>)
      tpu.yield
    }) : () -> ()
    %barrier3A = arith.constant 0 : index
    tpu.barrier barrier_id(%barrier3A)
    %mul3A_64 = arith.constant 128 : i32
    %mul3A_65 = arith.muli %add3A, %mul3A_64 : i32
    "tpu.region"() ({
      %run_scoped3A = tpu.sem_alloc : memref<!tpu.dma_semaphore, #tpu.memory_space<semaphore_mem>>
      %dma_start3A_117 = tpu.memref_slice %arg6[%mul3A_65] : memref<1600000xi32, #tpu.memory_space<hbm>> -> memref<128xi32, #tpu.memory_space<hbm>>
      %dma_start3A_118 = tpu.memref_slice %arg6[%mul3A_65] : memref<1600000xi32, #tpu.memory_space<hbm>> -> memref<128xi32, #tpu.memory_space<hbm>>
      tpu.enqueue_dma source(%dma_start3A_118 : memref<128xi32, #tpu.memory_space<hbm>>) target(%arg15 : memref<128xi32, #tpu.memory_space<vmem>>) target_semaphore(%run_scoped3A : memref<!tpu.dma_semaphore, #tpu.memory_space<semaphore_mem>>)
      %dma_wait3A = tpu.memref_slice %arg6[%mul3A_65] : memref<1600000xi32, #tpu.memory_space<hbm>> -> memref<128xi32, #tpu.memory_space<hbm>>
      %dma_wait3A_119 = tpu.memref_slice %arg6[%mul3A_65] : memref<1600000xi32, #tpu.memory_space<hbm>> -> memref<128xi32, #tpu.memory_space<hbm>>
      tpu.wait_dma2 semaphore(%run_scoped3A : memref<!tpu.dma_semaphore, #tpu.memory_space<semaphore_mem>>) src(%dma_wait3A_119 : memref<128xi32, #tpu.memory_space<hbm>>) dst(%arg15 : memref<128xi32, #tpu.memory_space<vmem>>)
      tpu.yield
    }) : () -> ()
    %mul3A_66 = arith.constant 128 : i32
    %mul3A_67 = arith.muli %add3A, %mul3A_66 : i32
    "tpu.region"() ({
      %run_scoped3A = tpu.sem_alloc : memref<!tpu.dma_semaphore, #tpu.memory_space<semaphore_mem>>
      %dma_start3A_117 = tpu.memref_slice %arg2[%mul3A_67] : memref<1600000xf32, #tpu.memory_space<hbm>> -> memref<128xf32, #tpu.memory_space<hbm>>
      %dma_start3A_118 = tpu.memref_slice %arg2[%mul3A_67] : memref<1600000xf32, #tpu.memory_space<hbm>> -> memref<128xf32, #tpu.memory_space<hbm>>
      tpu.enqueue_dma source(%dma_start3A_118 : memref<128xf32, #tpu.memory_space<hbm>>) target(%arg16 : memref<128xf32, #tpu.memory_space<vmem>>) target_semaphore(%run_scoped3A : memref<!tpu.dma_semaphore, #tpu.memory_space<semaphore_mem>>)
      %dma_wait3A = tpu.memref_slice %arg2[%mul3A_67] : memref<1600000xf32, #tpu.memory_space<hbm>> -> memref<128xf32, #tpu.memory_space<hbm>>
      %dma_wait3A_119 = tpu.memref_slice %arg2[%mul3A_67] : memref<1600000xf32, #tpu.memory_space<hbm>> -> memref<128xf32, #tpu.memory_space<hbm>>
      tpu.wait_dma2 semaphore(%run_scoped3A : memref<!tpu.dma_semaphore, #tpu.memory_space<semaphore_mem>>) src(%dma_wait3A_119 : memref<128xf32, #tpu.memory_space<hbm>>) dst(%arg16 : memref<128xf32, #tpu.memory_space<vmem>>)
      tpu.yield
    }) : () -> ()
    %mul3A_68 = arith.constant 128 : i32
    %mul3A_69 = arith.muli %add3A, %mul3A_68 : i32
    "tpu.region"() ({
      %run_scoped3A = tpu.sem_alloc : memref<!tpu.dma_semaphore, #tpu.memory_space<semaphore_mem>>
      %dma_start3A_117 = tpu.memref_slice %arg3[%mul3A_69] : memref<1600000xf32, #tpu.memory_space<hbm>> -> memref<128xf32, #tpu.memory_space<hbm>>
      %dma_start3A_118 = tpu.memref_slice %arg3[%mul3A_69] : memref<1600000xf32, #tpu.memory_space<hbm>> -> memref<128xf32, #tpu.memory_space<hbm>>
      tpu.enqueue_dma source(%dma_start3A_118 : memref<128xf32, #tpu.memory_space<hbm>>) target(%arg17 : memref<128xf32, #tpu.memory_space<vmem>>) target_semaphore(%run_scoped3A : memref<!tpu.dma_semaphore, #tpu.memory_space<semaphore_mem>>)
      %dma_wait3A = tpu.memref_slice %arg3[%mul3A_69] : memref<1600000xf32, #tpu.memory_space<hbm>> -> memref<128xf32, #tpu.memory_space<hbm>>
      %dma_wait3A_119 = tpu.memref_slice %arg3[%mul3A_69] : memref<1600000xf32, #tpu.memory_space<hbm>> -> memref<128xf32, #tpu.memory_space<hbm>>
      tpu.wait_dma2 semaphore(%run_scoped3A : memref<!tpu.dma_semaphore, #tpu.memory_space<semaphore_mem>>) src(%dma_wait3A_119 : memref<128xf32, #tpu.memory_space<hbm>>) dst(%arg17 : memref<128xf32, #tpu.memory_space<vmem>>)
      tpu.yield
    }) : () -> ()
    %mul3A_70 = arith.constant 128 : i32
    %mul3A_71 = arith.muli %add3A, %mul3A_70 : i32
    "tpu.region"() ({
      %run_scoped3A = tpu.sem_alloc : memref<!tpu.dma_semaphore, #tpu.memory_space<semaphore_mem>>
      %dma_start3A_117 = tpu.memref_slice %arg4[%mul3A_71] : memref<1600000xf32, #tpu.memory_space<hbm>> -> memref<128xf32, #tpu.memory_space<hbm>>
      %dma_start3A_118 = tpu.memref_slice %arg4[%mul3A_71] : memref<1600000xf32, #tpu.memory_space<hbm>> -> memref<128xf32, #tpu.memory_space<hbm>>
      tpu.enqueue_dma source(%dma_start3A_118 : memref<128xf32, #tpu.memory_space<hbm>>) target(%arg18 : memref<128xf32, #tpu.memory_space<vmem>>) target_semaphore(%run_scoped3A : memref<!tpu.dma_semaphore, #tpu.memory_space<semaphore_mem>>)
      %dma_wait3A = tpu.memref_slice %arg4[%mul3A_71] : memref<1600000xf32, #tpu.memory_space<hbm>> -> memref<128xf32, #tpu.memory_space<hbm>>
      %dma_wait3A_119 = tpu.memref_slice %arg4[%mul3A_71] : memref<1600000xf32, #tpu.memory_space<hbm>> -> memref<128xf32, #tpu.memory_space<hbm>>
      tpu.wait_dma2 semaphore(%run_scoped3A : memref<!tpu.dma_semaphore, #tpu.memory_space<semaphore_mem>>) src(%dma_wait3A_119 : memref<128xf32, #tpu.memory_space<hbm>>) dst(%arg18 : memref<128xf32, #tpu.memory_space<vmem>>)
      tpu.yield
    }) : () -> ()
    %mul3A_72 = arith.constant 128 : i32
    %mul3A_73 = arith.muli %add3A, %mul3A_72 : i32
    "tpu.region"() ({
      %run_scoped3A = tpu.sem_alloc : memref<!tpu.dma_semaphore, #tpu.memory_space<semaphore_mem>>
      %dma_start3A_117 = tpu.memref_slice %arg5[%mul3A_73] : memref<1600000xf32, #tpu.memory_space<hbm>> -> memref<128xf32, #tpu.memory_space<hbm>>
      %dma_start3A_118 = tpu.memref_slice %arg5[%mul3A_73] : memref<1600000xf32, #tpu.memory_space<hbm>> -> memref<128xf32, #tpu.memory_space<hbm>>
      tpu.enqueue_dma source(%dma_start3A_118 : memref<128xf32, #tpu.memory_space<hbm>>) target(%arg19 : memref<128xf32, #tpu.memory_space<vmem>>) target_semaphore(%run_scoped3A : memref<!tpu.dma_semaphore, #tpu.memory_space<semaphore_mem>>)
      %dma_wait3A = tpu.memref_slice %arg5[%mul3A_73] : memref<1600000xf32, #tpu.memory_space<hbm>> -> memref<128xf32, #tpu.memory_space<hbm>>
      %dma_wait3A_119 = tpu.memref_slice %arg5[%mul3A_73] : memref<1600000xf32, #tpu.memory_space<hbm>> -> memref<128xf32, #tpu.memory_space<hbm>>
      tpu.wait_dma2 semaphore(%run_scoped3A : memref<!tpu.dma_semaphore, #tpu.memory_space<semaphore_mem>>) src(%dma_wait3A_119 : memref<128xf32, #tpu.memory_space<hbm>>) dst(%arg19 : memref<128xf32, #tpu.memory_space<vmem>>)
      tpu.yield
    }) : () -> ()
    %add3A_74 = arith.constant 32 : i32
    %add3A_75 = arith.addi %add3A, %add3A_74 : i32
    %mul3A_76 = arith.constant 128 : i32
    %mul3A_77 = arith.muli %add3A_75, %mul3A_76 : i32
    %dma_start3A = tpu.memref_slice %arg6[%mul3A_77] : memref<1600000xi32, #tpu.memory_space<hbm>> -> memref<128xi32, #tpu.memory_space<hbm>>
    %dma_start3A_78 = tpu.memref_slice %arg6[%mul3A_77] : memref<1600000xi32, #tpu.memory_space<hbm>> -> memref<128xi32, #tpu.memory_space<hbm>>
    tpu.enqueue_dma source(%dma_start3A_78 : memref<128xi32, #tpu.memory_space<hbm>>) target(%arg20 : memref<128xi32, #tpu.memory_space<vmem>>) target_semaphore(%arg32 : memref<!tpu.dma_semaphore, #tpu.memory_space<semaphore_mem>>)
    %add3A_79 = arith.constant 32 : i32
    %add3A_80 = arith.addi %add3A, %add3A_79 : i32
    %mul3A_81 = arith.constant 128 : i32
    %mul3A_82 = arith.muli %add3A_80, %mul3A_81 : i32
    %dma_start3A_83 = tpu.memref_slice %arg2[%mul3A_82] : memref<1600000xf32, #tpu.memory_space<hbm>> -> memref<128xf32, #tpu.memory_space<hbm>>
    %dma_start3A_84 = tpu.memref_slice %arg2[%mul3A_82] : memref<1600000xf32, #tpu.memory_space<hbm>> -> memref<128xf32, #tpu.memory_space<hbm>>
    tpu.enqueue_dma source(%dma_start3A_84 : memref<128xf32, #tpu.memory_space<hbm>>) target(%arg21 : memref<128xf32, #tpu.memory_space<vmem>>) target_semaphore(%arg32 : memref<!tpu.dma_semaphore, #tpu.memory_space<semaphore_mem>>)
    %add3A_85 = arith.constant 32 : i32
    %add3A_86 = arith.addi %add3A, %add3A_85 : i32
    %mul3A_87 = arith.constant 128 : i32
    %mul3A_88 = arith.muli %add3A_86, %mul3A_87 : i32
    %dma_start3A_89 = tpu.memref_slice %arg3[%mul3A_88] : memref<1600000xf32, #tpu.memory_space<hbm>> -> memref<128xf32, #tpu.memory_space<hbm>>
    %dma_start3A_90 = tpu.memref_slice %arg3[%mul3A_88] : memref<1600000xf32, #tpu.memory_space<hbm>> -> memref<128xf32, #tpu.memory_space<hbm>>
    tpu.enqueue_dma source(%dma_start3A_90 : memref<128xf32, #tpu.memory_space<hbm>>) target(%arg22 : memref<128xf32, #tpu.memory_space<vmem>>) target_semaphore(%arg32 : memref<!tpu.dma_semaphore, #tpu.memory_space<semaphore_mem>>)
    %add3A_91 = arith.constant 32 : i32
    %add3A_92 = arith.addi %add3A, %add3A_91 : i32
    %mul3A_93 = arith.constant 128 : i32
    %mul3A_94 = arith.muli %add3A_92, %mul3A_93 : i32
    %dma_start3A_95 = tpu.memref_slice %arg4[%mul3A_94] : memref<1600000xf32, #tpu.memory_space<hbm>> -> memref<128xf32, #tpu.memory_space<hbm>>
    %dma_start3A_96 = tpu.memref_slice %arg4[%mul3A_94] : memref<1600000xf32, #tpu.memory_space<hbm>> -> memref<128xf32, #tpu.memory_space<hbm>>
    tpu.enqueue_dma source(%dma_start3A_96 : memref<128xf32, #tpu.memory_space<hbm>>) target(%arg23 : memref<128xf32, #tpu.memory_space<vmem>>) target_semaphore(%arg32 : memref<!tpu.dma_semaphore, #tpu.memory_space<semaphore_mem>>)
    %add3A_97 = arith.constant 32 : i32
    %add3A_98 = arith.addi %add3A, %add3A_97 : i32
    %mul3A_99 = arith.constant 128 : i32
    %mul3A_100 = arith.muli %add3A_98, %mul3A_99 : i32
    %dma_start3A_101 = tpu.memref_slice %arg5[%mul3A_100] : memref<1600000xf32, #tpu.memory_space<hbm>> -> memref<128xf32, #tpu.memory_space<hbm>>
    %dma_start3A_102 = tpu.memref_slice %arg5[%mul3A_100] : memref<1600000xf32, #tpu.memory_space<hbm>> -> memref<128xf32, #tpu.memory_space<hbm>>
    tpu.enqueue_dma source(%dma_start3A_102 : memref<128xf32, #tpu.memory_space<hbm>>) target(%arg24 : memref<128xf32, #tpu.memory_space<vmem>>) target_semaphore(%arg32 : memref<!tpu.dma_semaphore, #tpu.memory_space<semaphore_mem>>)
    %scan3A_103 = arith.constant 0 : i32
    %scan3A_104 = arith.constant 0 : i32
    %scan3A_105 = arith.constant 197 : i32
    %scan3A_106 = arith.addi %scan3A_104, %scan3A_105 : i32
    %scan3A_107 = arith.constant 1 : i32
    scf.for %scan3A_117 = %scan3A_104 to %scan3A_106 step %scan3A_107  : i32 {
      %mul3A_118 = arith.constant 2 : i32
      %mul3A_119 = arith.muli %scan3A_117, %mul3A_118 : i32
      %add3A_120 = arith.constant 0 : i32
      %add3A_121 = arith.addi %mul3A_119, %add3A_120 : i32
      %ge3A = arith.constant 1 : i32
      %ge3A_122 = arith.cmpi sge, %add3A_121, %ge3A : i32
      %lt3A_123 = arith.cmpi slt, %add3A_121, %add3A_4 : i32
      %and3A = arith.andi %ge3A_122, %lt3A_123 : i1
      %convert_element_type3A_124 = arith.extui %and3A : i1 to i32
      %cond3A_125 = arith.constant 0 : i32
      %cond3A_126 = arith.cmpi ne, %convert_element_type3A_124, %cond3A_125 : i32
      scf.if %cond3A_126 {
        %dma_wait3A = arith.constant 0 : i32
        %dma_wait3A_158 = tpu.memref_slice %arg6[%dma_wait3A] : memref<1600000xi32, #tpu.memory_space<hbm>> -> memref<128xi32, #tpu.memory_space<hbm>>
        %dma_wait3A_159 = arith.constant 0 : i32
        %dma_wait3A_160 = tpu.memref_slice %arg6[%dma_wait3A_159] : memref<1600000xi32, #tpu.memory_space<hbm>> -> memref<128xi32, #tpu.memory_space<hbm>>
        tpu.wait_dma2 semaphore(%arg31 : memref<!tpu.dma_semaphore, #tpu.memory_space<semaphore_mem>>) src(%dma_wait3A_160 : memref<128xi32, #tpu.memory_space<hbm>>) dst(%arg15 : memref<128xi32, #tpu.memory_space<vmem>>)
        %dma_wait3A_161 = arith.constant 0 : i32
        %dma_wait3A_162 = tpu.memref_slice %arg2[%dma_wait3A_161] : memref<1600000xf32, #tpu.memory_space<hbm>> -> memref<128xf32, #tpu.memory_space<hbm>>
        %dma_wait3A_163 = arith.constant 0 : i32
        %dma_wait3A_164 = tpu.memref_slice %arg2[%dma_wait3A_163] : memref<1600000xf32, #tpu.memory_space<hbm>> -> memref<128xf32, #tpu.memory_space<hbm>>
        tpu.wait_dma2 semaphore(%arg31 : memref<!tpu.dma_semaphore, #tpu.memory_space<semaphore_mem>>) src(%dma_wait3A_164 : memref<128xf32, #tpu.memory_space<hbm>>) dst(%arg16 : memref<128xf32, #tpu.memory_space<vmem>>)
        %dma_wait3A_165 = arith.constant 0 : i32
        %dma_wait3A_166 = tpu.memref_slice %arg3[%dma_wait3A_165] : memref<1600000xf32, #tpu.memory_space<hbm>> -> memref<128xf32, #tpu.memory_space<hbm>>
        %dma_wait3A_167 = arith.constant 0 : i32
        %dma_wait3A_168 = tpu.memref_slice %arg3[%dma_wait3A_167] : memref<1600000xf32, #tpu.memory_space<hbm>> -> memref<128xf32, #tpu.memory_space<hbm>>
        tpu.wait_dma2 semaphore(%arg31 : memref<!tpu.dma_semaphore, #tpu.memory_space<semaphore_mem>>) src(%dma_wait3A_168 : memref<128xf32, #tpu.memory_space<hbm>>) dst(%arg17 : memref<128xf32, #tpu.memory_space<vmem>>)
        %dma_wait3A_169 = arith.constant 0 : i32
        %dma_wait3A_170 = tpu.memref_slice %arg4[%dma_wait3A_169] : memref<1600000xf32, #tpu.memory_space<hbm>> -> memref<128xf32, #tpu.memory_space<hbm>>
        %dma_wait3A_171 = arith.constant 0 : i32
        %dma_wait3A_172 = tpu.memref_slice %arg4[%dma_wait3A_171] : memref<1600000xf32, #tpu.memory_space<hbm>> -> memref<128xf32, #tpu.memory_space<hbm>>
        tpu.wait_dma2 semaphore(%arg31 : memref<!tpu.dma_semaphore, #tpu.memory_space<semaphore_mem>>) src(%dma_wait3A_172 : memref<128xf32, #tpu.memory_space<hbm>>) dst(%arg18 : memref<128xf32, #tpu.memory_space<vmem>>)
        %dma_wait3A_173 = arith.constant 0 : i32
        %dma_wait3A_174 = tpu.memref_slice %arg5[%dma_wait3A_173] : memref<1600000xf32, #tpu.memory_space<hbm>> -> memref<128xf32, #tpu.memory_space<hbm>>
        %dma_wait3A_175 = arith.constant 0 : i32
        %dma_wait3A_176 = tpu.memref_slice %arg5[%dma_wait3A_175] : memref<1600000xf32, #tpu.memory_space<hbm>> -> memref<128xf32, #tpu.memory_space<hbm>>
        tpu.wait_dma2 semaphore(%arg31 : memref<!tpu.dma_semaphore, #tpu.memory_space<semaphore_mem>>) src(%dma_wait3A_176 : memref<128xf32, #tpu.memory_space<hbm>>) dst(%arg19 : memref<128xf32, #tpu.memory_space<vmem>>)
      } else {
      }
      %lt3A_127 = arith.cmpi slt, %add3A_121, %add3A_4 : i32
      %convert_element_type3A_128 = arith.extui %lt3A_127 : i1 to i32
      %cond3A_129 = arith.constant 0 : i32
      %cond3A_130 = arith.cmpi ne, %convert_element_type3A_128, %cond3A_129 : i32
      scf.if %cond3A_130 {
        %get3A = arith.constant 0 : index
        %get3A_158 = tpu.vector_load %arg19[%get3A] {strides = array<i32>} : memref<128xf32, #tpu.memory_space<vmem>>, vector<16xf32>,
        %get3A_159 = vector.shape_cast %get3A_158 : vector<16xf32> to vector<16xf32>
        %get3A_160 = arith.constant 0 : index
        %get3A_161 = tpu.vector_load %arg16[%get3A_160] {strides = array<i32>} : memref<128xf32, #tpu.memory_space<vmem>>, vector<16xf32>,
        %get3A_162 = vector.shape_cast %get3A_161 : vector<16xf32> to vector<16xf32>
        %mul3A_163 = arith.mulf %get3A_162, %get3A_159 : vector<16xf32>
        %jit3A_164 = arith.constant -1.000000e+02 : f32
        %jit3A_165 = arith.constant 1.000000e+02 : f32
        %max3A = vector.broadcast %jit3A_164 : f32 to vector<16xf32>
        %max3A_166 = arith.maximumf %max3A, %mul3A_163 : vector<16xf32>
        %min3A = vector.broadcast %jit3A_165 : f32 to vector<16xf32>
        %min3A_167 = arith.minimumf %min3A, %max3A_166 : vector<16xf32>
        %swap3A_168 = arith.constant 0 : index
        %swap3A_169 = tpu.vector_load %arg16[%swap3A_168] {strides = array<i32>} : memref<128xf32, #tpu.memory_space<vmem>>, vector<16xf32>,
        %swap3A_170 = vector.shape_cast %swap3A_169 : vector<16xf32> to vector<16xf32>
        %swap3A_171 = vector.shape_cast %min3A_167 : vector<16xf32> to vector<16xf32>
        tpu.vector_store %arg16[%swap3A_168], %swap3A_171 {strides = array<i32>} : memref<128xf32, #tpu.memory_space<vmem>>, vector<16xf32>,
        %get3A_172 = arith.constant 0 : index
        %get3A_173 = tpu.vector_load %arg17[%get3A_172] {strides = array<i32>} : memref<128xf32, #tpu.memory_space<vmem>>, vector<16xf32>,
        %get3A_174 = vector.shape_cast %get3A_173 : vector<16xf32> to vector<16xf32>
        %mul3A_175 = arith.mulf %get3A_174, %get3A_159 : vector<16xf32>
        %jit3A_176 = arith.constant -1.000000e+02 : f32
        %jit3A_177 = arith.constant 1.000000e+02 : f32
        %max3A_178 = vector.broadcast %jit3A_176 : f32 to vector<16xf32>
        %max3A_179 = arith.maximumf %max3A_178, %mul3A_175 : vector<16xf32>
        %min3A_180 = vector.broadcast %jit3A_177 : f32 to vector<16xf32>
        %min3A_181 = arith.minimumf %min3A_180, %max3A_179 : vector<16xf32>
        %swap3A_182 = arith.constant 0 : index
        %swap3A_183 = tpu.vector_load %arg17[%swap3A_182] {strides = array<i32>} : memref<128xf32, #tpu.memory_space<vmem>>, vector<16xf32>,
        %swap3A_184 = vector.shape_cast %swap3A_183 : vector<16xf32> to vector<16xf32>
        %swap3A_185 = vector.shape_cast %min3A_181 : vector<16xf32> to vector<16xf32>
        tpu.vector_store %arg17[%swap3A_182], %swap3A_185 {strides = array<i32>} : memref<128xf32, #tpu.memory_space<vmem>>, vector<16xf32>,
        %get3A_186 = arith.constant 0 : index
        %get3A_187 = tpu.vector_load %arg18[%get3A_186] {strides = array<i32>} : memref<128xf32, #tpu.memory_space<vmem>>, vector<16xf32>,
        %get3A_188 = vector.shape_cast %get3A_187 : vector<16xf32> to vector<16xf32>
        %mul3A_189 = arith.mulf %get3A_188, %get3A_159 : vector<16xf32>
        %jit3A_190 = arith.constant -1.000000e+02 : f32
        %jit3A_191 = arith.constant 1.000000e+02 : f32
        %max3A_192 = vector.broadcast %jit3A_190 : f32 to vector<16xf32>
        %max3A_193 = arith.maximumf %max3A_192, %mul3A_189 : vector<16xf32>
        %min3A_194 = vector.broadcast %jit3A_191 : f32 to vector<16xf32>
        %min3A_195 = arith.minimumf %min3A_194, %max3A_193 : vector<16xf32>
        %swap3A_196 = arith.constant 0 : index
        %swap3A_197 = tpu.vector_load %arg18[%swap3A_196] {strides = array<i32>} : memref<128xf32, #tpu.memory_space<vmem>>, vector<16xf32>,
        %swap3A_198 = vector.shape_cast %swap3A_197 : vector<16xf32> to vector<16xf32>
        %swap3A_199 = vector.shape_cast %min3A_195 : vector<16xf32> to vector<16xf32>
        tpu.vector_store %arg18[%swap3A_196], %swap3A_199 {strides = array<i32>} : memref<128xf32, #tpu.memory_space<vmem>>, vector<16xf32>,
        %get3A_200 = arith.constant 16 : index
        %get3A_201 = tpu.vector_load %arg19[%get3A_200] {strides = array<i32>} : memref<128xf32, #tpu.memory_space<vmem>>, vector<16xf32>,
        %get3A_202 = vector.shape_cast %get3A_201 : vector<16xf32> to vector<16xf32>
        %get3A_203 = arith.constant 16 : index
        %get3A_204 = tpu.vector_load %arg16[%get3A_203] {strides = array<i32>} : memref<128xf32, #tpu.memory_space<vmem>>, vector<16xf32>,
        %get3A_205 = vector.shape_cast %get3A_204 : vector<16xf32> to vector<16xf32>
        %mul3A_206 = arith.mulf %get3A_205, %get3A_202 : vector<16xf32>
        %jit3A_207 = arith.constant -1.000000e+02 : f32
        %jit3A_208 = arith.constant 1.000000e+02 : f32
        %max3A_209 = vector.broadcast %jit3A_207 : f32 to vector<16xf32>
        %max3A_210 = arith.maximumf %max3A_209, %mul3A_206 : vector<16xf32>
        %min3A_211 = vector.broadcast %jit3A_208 : f32 to vector<16xf32>
        %min3A_212 = arith.minimumf %min3A_211, %max3A_210 : vector<16xf32>
        %swap3A_213 = arith.constant 16 : index
        %swap3A_214 = tpu.vector_load %arg16[%swap3A_213] {strides = array<i32>} : memref<128xf32, #tpu.memory_space<vmem>>, vector<16xf32>,
        %swap3A_215 = vector.shape_cast %swap3A_214 : vector<16xf32> to vector<16xf32>
        %swap3A_216 = vector.shape_cast %min3A_212 : vector<16xf32> to vector<16xf32>
        tpu.vector_store %arg16[%swap3A_213], %swap3A_216 {strides = array<i32>} : memref<128xf32, #tpu.memory_space<vmem>>, vector<16xf32>,
        %get3A_217 = arith.constant 16 : index
        %get3A_218 = tpu.vector_load %arg17[%get3A_217] {strides = array<i32>} : memref<128xf32, #tpu.memory_space<vmem>>, vector<16xf32>,
        %get3A_219 = vector.shape_cast %get3A_218 : vector<16xf32> to vector<16xf32>
        %mul3A_220 = arith.mulf %get3A_219, %get3A_202 : vector<16xf32>
        %jit3A_221 = arith.constant -1.000000e+02 : f32
        %jit3A_222 = arith.constant 1.000000e+02 : f32
        %max3A_223 = vector.broadcast %jit3A_221 : f32 to vector<16xf32>
        %max3A_224 = arith.maximumf %max3A_223, %mul3A_220 : vector<16xf32>
        %min3A_225 = vector.broadcast %jit3A_222 : f32 to vector<16xf32>
        %min3A_226 = arith.minimumf %min3A_225, %max3A_224 : vector<16xf32>
        %swap3A_227 = arith.constant 16 : index
        %swap3A_228 = tpu.vector_load %arg17[%swap3A_227] {strides = array<i32>} : memref<128xf32, #tpu.memory_space<vmem>>, vector<16xf32>,
        %swap3A_229 = vector.shape_cast %swap3A_228 : vector<16xf32> to vector<16xf32>
        %swap3A_230 = vector.shape_cast %min3A_226 : vector<16xf32> to vector<16xf32>
        tpu.vector_store %arg17[%swap3A_227], %swap3A_230 {strides = array<i32>} : memref<128xf32, #tpu.memory_space<vmem>>, vector<16xf32>,
        %get3A_231 = arith.constant 16 : index
        %get3A_232 = tpu.vector_load %arg18[%get3A_231] {strides = array<i32>} : memref<128xf32, #tpu.memory_space<vmem>>, vector<16xf32>,
        %get3A_233 = vector.shape_cast %get3A_232 : vector<16xf32> to vector<16xf32>
        %mul3A_234 = arith.mulf %get3A_233, %get3A_202 : vector<16xf32>
        %jit3A_235 = arith.constant -1.000000e+02 : f32
        %jit3A_236 = arith.constant 1.000000e+02 : f32
        %max3A_237 = vector.broadcast %jit3A_235 : f32 to vector<16xf32>
        %max3A_238 = arith.maximumf %max3A_237, %mul3A_234 : vector<16xf32>
        %min3A_239 = vector.broadcast %jit3A_236 : f32 to vector<16xf32>
        %min3A_240 = arith.minimumf %min3A_239, %max3A_238 : vector<16xf32>
        %swap3A_241 = arith.constant 16 : index
        %swap3A_242 = tpu.vector_load %arg18[%swap3A_241] {strides = array<i32>} : memref<128xf32, #tpu.memory_space<vmem>>, vector<16xf32>,
        %swap3A_243 = vector.shape_cast %swap3A_242 : vector<16xf32> to vector<16xf32>
        %swap3A_244 = vector.shape_cast %min3A_240 : vector<16xf32> to vector<16xf32>
        tpu.vector_store %arg18[%swap3A_241], %swap3A_244 {strides = array<i32>} : memref<128xf32, #tpu.memory_space<vmem>>, vector<16xf32>,
        %get3A_245 = arith.constant 32 : index
        %get3A_246 = tpu.vector_load %arg19[%get3A_245] {strides = array<i32>} : memref<128xf32, #tpu.memory_space<vmem>>, vector<16xf32>,
        %get3A_247 = vector.shape_cast %get3A_246 : vector<16xf32> to vector<16xf32>
        %get3A_248 = arith.constant 32 : index
        %get3A_249 = tpu.vector_load %arg16[%get3A_248] {strides = array<i32>} : memref<128xf32, #tpu.memory_space<vmem>>, vector<16xf32>,
        %get3A_250 = vector.shape_cast %get3A_249 : vector<16xf32> to vector<16xf32>
        %mul3A_251 = arith.mulf %get3A_250, %get3A_247 : vector<16xf32>
        %jit3A_252 = arith.constant -1.000000e+02 : f32
        %jit3A_253 = arith.constant 1.000000e+02 : f32
        %max3A_254 = vector.broadcast %jit3A_252 : f32 to vector<16xf32>
        %max3A_255 = arith.maximumf %max3A_254, %mul3A_251 : vector<16xf32>
        %min3A_256 = vector.broadcast %jit3A_253 : f32 to vector<16xf32>
        %min3A_257 = arith.minimumf %min3A_256, %max3A_255 : vector<16xf32>
        %swap3A_258 = arith.constant 32 : index
        %swap3A_259 = tpu.vector_load %arg16[%swap3A_258] {strides = array<i32>} : memref<128xf32, #tpu.memory_space<vmem>>, vector<16xf32>,
        %swap3A_260 = vector.shape_cast %swap3A_259 : vector<16xf32> to vector<16xf32>
        %swap3A_261 = vector.shape_cast %min3A_257 : vector<16xf32> to vector<16xf32>
        tpu.vector_store %arg16[%swap3A_258], %swap3A_261 {strides = array<i32>} : memref<128xf32, #tpu.memory_space<vmem>>, vector<16xf32>,
        %get3A_262 = arith.constant 32 : index
        %get3A_263 = tpu.vector_load %arg17[%get3A_262] {strides = array<i32>} : memref<128xf32, #tpu.memory_space<vmem>>, vector<16xf32>,
        %get3A_264 = vector.shape_cast %get3A_263 : vector<16xf32> to vector<16xf32>
        %mul3A_265 = arith.mulf %get3A_264, %get3A_247 : vector<16xf32>
        %jit3A_266 = arith.constant -1.000000e+02 : f32
        %jit3A_267 = arith.constant 1.000000e+02 : f32
        %max3A_268 = vector.broadcast %jit3A_266 : f32 to vector<16xf32>
        %max3A_269 = arith.maximumf %max3A_268, %mul3A_265 : vector<16xf32>
        %min3A_270 = vector.broadcast %jit3A_267 : f32 to vector<16xf32>
        %min3A_271 = arith.minimumf %min3A_270, %max3A_269 : vector<16xf32>
        %swap3A_272 = arith.constant 32 : index
        %swap3A_273 = tpu.vector_load %arg17[%swap3A_272] {strides = array<i32>} : memref<128xf32, #tpu.memory_space<vmem>>, vector<16xf32>,
        %swap3A_274 = vector.shape_cast %swap3A_273 : vector<16xf32> to vector<16xf32>
        %swap3A_275 = vector.shape_cast %min3A_271 : vector<16xf32> to vector<16xf32>
        tpu.vector_store %arg17[%swap3A_272], %swap3A_275 {strides = array<i32>} : memref<128xf32, #tpu.memory_space<vmem>>, vector<16xf32>,
        %get3A_276 = arith.constant 32 : index
        %get3A_277 = tpu.vector_load %arg18[%get3A_276] {strides = array<i32>} : memref<128xf32, #tpu.memory_space<vmem>>, vector<16xf32>,
        %get3A_278 = vector.shape_cast %get3A_277 : vector<16xf32> to vector<16xf32>
        %mul3A_279 = arith.mulf %get3A_278, %get3A_247 : vector<16xf32>
        %jit3A_280 = arith.constant -1.000000e+02 : f32
        %jit3A_281 = arith.constant 1.000000e+02 : f32
        %max3A_282 = vector.broadcast %jit3A_280 : f32 to vector<16xf32>
        %max3A_283 = arith.maximumf %max3A_282, %mul3A_279 : vector<16xf32>
        %min3A_284 = vector.broadcast %jit3A_281 : f32 to vector<16xf32>
        %min3A_285 = arith.minimumf %min3A_284, %max3A_283 : vector<16xf32>
        %swap3A_286 = arith.constant 32 : index
        %swap3A_287 = tpu.vector_load %arg18[%swap3A_286] {strides = array<i32>} : memref<128xf32, #tpu.memory_space<vmem>>, vector<16xf32>,
        %swap3A_288 = vector.shape_cast %swap3A_287 : vector<16xf32> to vector<16xf32>
        %swap3A_289 = vector.shape_cast %min3A_285 : vector<16xf32> to vector<16xf32>
        tpu.vector_store %arg18[%swap3A_286], %swap3A_289 {strides = array<i32>} : memref<128xf32, #tpu.memory_space<vmem>>, vector<16xf32>,
        %get3A_290 = arith.constant 48 : index
        %get3A_291 = tpu.vector_load %arg19[%get3A_290] {strides = array<i32>} : memref<128xf32, #tpu.memory_space<vmem>>, vector<16xf32>,
        %get3A_292 = vector.shape_cast %get3A_291 : vector<16xf32> to vector<16xf32>
        %get3A_293 = arith.constant 48 : index
        %get3A_294 = tpu.vector_load %arg16[%get3A_293] {strides = array<i32>} : memref<128xf32, #tpu.memory_space<vmem>>, vector<16xf32>,
        %get3A_295 = vector.shape_cast %get3A_294 : vector<16xf32> to vector<16xf32>
        %mul3A_296 = arith.mulf %get3A_295, %get3A_292 : vector<16xf32>
        %jit3A_297 = arith.constant -1.000000e+02 : f32
        %jit3A_298 = arith.constant 1.000000e+02 : f32
        %max3A_299 = vector.broadcast %jit3A_297 : f32 to vector<16xf32>
        %max3A_300 = arith.maximumf %max3A_299, %mul3A_296 : vector<16xf32>
        %min3A_301 = vector.broadcast %jit3A_298 : f32 to vector<16xf32>
        %min3A_302 = arith.minimumf %min3A_301, %max3A_300 : vector<16xf32>
        %swap3A_303 = arith.constant 48 : index
        %swap3A_304 = tpu.vector_load %arg16[%swap3A_303] {strides = array<i32>} : memref<128xf32, #tpu.memory_space<vmem>>, vector<16xf32>,
        %swap3A_305 = vector.shape_cast %swap3A_304 : vector<16xf32> to vector<16xf32>
        %swap3A_306 = vector.shape_cast %min3A_302 : vector<16xf32> to vector<16xf32>
        tpu.vector_store %arg16[%swap3A_303], %swap3A_306 {strides = array<i32>} : memref<128xf32, #tpu.memory_space<vmem>>, vector<16xf32>,
        %get3A_307 = arith.constant 48 : index
        %get3A_308 = tpu.vector_load %arg17[%get3A_307] {strides = array<i32>} : memref<128xf32, #tpu.memory_space<vmem>>, vector<16xf32>,
        %get3A_309 = vector.shape_cast %get3A_308 : vector<16xf32> to vector<16xf32>
        %mul3A_310 = arith.mulf %get3A_309, %get3A_292 : vector<16xf32>
        %jit3A_311 = arith.constant -1.000000e+02 : f32
        %jit3A_312 = arith.constant 1.000000e+02 : f32
        %max3A_313 = vector.broadcast %jit3A_311 : f32 to vector<16xf32>
        %max3A_314 = arith.maximumf %max3A_313, %mul3A_310 : vector<16xf32>
        %min3A_315 = vector.broadcast %jit3A_312 : f32 to vector<16xf32>
        %min3A_316 = arith.minimumf %min3A_315, %max3A_314 : vector<16xf32>
        %swap3A_317 = arith.constant 48 : index
        %swap3A_318 = tpu.vector_load %arg17[%swap3A_317] {strides = array<i32>} : memref<128xf32, #tpu.memory_space<vmem>>, vector<16xf32>,
        %swap3A_319 = vector.shape_cast %swap3A_318 : vector<16xf32> to vector<16xf32>
        %swap3A_320 = vector.shape_cast %min3A_316 : vector<16xf32> to vector<16xf32>
        tpu.vector_store %arg17[%swap3A_317], %swap3A_320 {strides = array<i32>} : memref<128xf32, #tpu.memory_space<vmem>>, vector<16xf32>,
        %get3A_321 = arith.constant 48 : index
        %get3A_322 = tpu.vector_load %arg18[%get3A_321] {strides = array<i32>} : memref<128xf32, #tpu.memory_space<vmem>>, vector<16xf32>,
        %get3A_323 = vector.shape_cast %get3A_322 : vector<16xf32> to vector<16xf32>
        %mul3A_324 = arith.mulf %get3A_323, %get3A_292 : vector<16xf32>
        %jit3A_325 = arith.constant -1.000000e+02 : f32
        %jit3A_326 = arith.constant 1.000000e+02 : f32
        %max3A_327 = vector.broadcast %jit3A_325 : f32 to vector<16xf32>
        %max3A_328 = arith.maximumf %max3A_327, %mul3A_324 : vector<16xf32>
        %min3A_329 = vector.broadcast %jit3A_326 : f32 to vector<16xf32>
        %min3A_330 = arith.minimumf %min3A_329, %max3A_328 : vector<16xf32>
        %swap3A_331 = arith.constant 48 : index
        %swap3A_332 = tpu.vector_load %arg18[%swap3A_331] {strides = array<i32>} : memref<128xf32, #tpu.memory_space<vmem>>, vector<16xf32>,
        %swap3A_333 = vector.shape_cast %swap3A_332 : vector<16xf32> to vector<16xf32>
        %swap3A_334 = vector.shape_cast %min3A_330 : vector<16xf32> to vector<16xf32>
        tpu.vector_store %arg18[%swap3A_331], %swap3A_334 {strides = array<i32>} : memref<128xf32, #tpu.memory_space<vmem>>, vector<16xf32>,
        %get3A_335 = arith.constant 64 : index
        %get3A_336 = tpu.vector_load %arg19[%get3A_335] {strides = array<i32>} : memref<128xf32, #tpu.memory_space<vmem>>, vector<16xf32>,
        %get3A_337 = vector.shape_cast %get3A_336 : vector<16xf32> to vector<16xf32>
        %get3A_338 = arith.constant 64 : index
        %get3A_339 = tpu.vector_load %arg16[%get3A_338] {strides = array<i32>} : memref<128xf32, #tpu.memory_space<vmem>>, vector<16xf32>,
        %get3A_340 = vector.shape_cast %get3A_339 : vector<16xf32> to vector<16xf32>
        %mul3A_341 = arith.mulf %get3A_340, %get3A_337 : vector<16xf32>
        %jit3A_342 = arith.constant -1.000000e+02 : f32
        %jit3A_343 = arith.constant 1.000000e+02 : f32
        %max3A_344 = vector.broadcast %jit3A_342 : f32 to vector<16xf32>
        %max3A_345 = arith.maximumf %max3A_344, %mul3A_341 : vector<16xf32>
        %min3A_346 = vector.broadcast %jit3A_343 : f32 to vector<16xf32>
        %min3A_347 = arith.minimumf %min3A_346, %max3A_345 : vector<16xf32>
        %swap3A_348 = arith.constant 64 : index
        %swap3A_349 = tpu.vector_load %arg16[%swap3A_348] {strides = array<i32>} : memref<128xf32, #tpu.memory_space<vmem>>, vector<16xf32>,
        %swap3A_350 = vector.shape_cast %swap3A_349 : vector<16xf32> to vector<16xf32>
        %swap3A_351 = vector.shape_cast %min3A_347 : vector<16xf32> to vector<16xf32>
        tpu.vector_store %arg16[%swap3A_348], %swap3A_351 {strides = array<i32>} : memref<128xf32, #tpu.memory_space<vmem>>, vector<16xf32>,
        %get3A_352 = arith.constant 64 : index
        %get3A_353 = tpu.vector_load %arg17[%get3A_352] {strides = array<i32>} : memref<128xf32, #tpu.memory_space<vmem>>, vector<16xf32>,
        %get3A_354 = vector.shape_cast %get3A_353 : vector<16xf32> to vector<16xf32>
        %mul3A_355 = arith.mulf %get3A_354, %get3A_337 : vector<16xf32>
        %jit3A_356 = arith.constant -1.000000e+02 : f32
        %jit3A_357 = arith.constant 1.000000e+02 : f32
        %max3A_358 = vector.broadcast %jit3A_356 : f32 to vector<16xf32>
        %max3A_359 = arith.maximumf %max3A_358, %mul3A_355 : vector<16xf32>
        %min3A_360 = vector.broadcast %jit3A_357 : f32 to vector<16xf32>
        %min3A_361 = arith.minimumf %min3A_360, %max3A_359 : vector<16xf32>
        %swap3A_362 = arith.constant 64 : index
        %swap3A_363 = tpu.vector_load %arg17[%swap3A_362] {strides = array<i32>} : memref<128xf32, #tpu.memory_space<vmem>>, vector<16xf32>,
        %swap3A_364 = vector.shape_cast %swap3A_363 : vector<16xf32> to vector<16xf32>
        %swap3A_365 = vector.shape_cast %min3A_361 : vector<16xf32> to vector<16xf32>
        tpu.vector_store %arg17[%swap3A_362], %swap3A_365 {strides = array<i32>} : memref<128xf32, #tpu.memory_space<vmem>>, vector<16xf32>,
        %get3A_366 = arith.constant 64 : index
        %get3A_367 = tpu.vector_load %arg18[%get3A_366] {strides = array<i32>} : memref<128xf32, #tpu.memory_space<vmem>>, vector<16xf32>,
        %get3A_368 = vector.shape_cast %get3A_367 : vector<16xf32> to vector<16xf32>
        %mul3A_369 = arith.mulf %get3A_368, %get3A_337 : vector<16xf32>
        %jit3A_370 = arith.constant -1.000000e+02 : f32
        %jit3A_371 = arith.constant 1.000000e+02 : f32
        %max3A_372 = vector.broadcast %jit3A_370 : f32 to vector<16xf32>
        %max3A_373 = arith.maximumf %max3A_372, %mul3A_369 : vector<16xf32>
        %min3A_374 = vector.broadcast %jit3A_371 : f32 to vector<16xf32>
        %min3A_375 = arith.minimumf %min3A_374, %max3A_373 : vector<16xf32>
        %swap3A_376 = arith.constant 64 : index
        %swap3A_377 = tpu.vector_load %arg18[%swap3A_376] {strides = array<i32>} : memref<128xf32, #tpu.memory_space<vmem>>, vector<16xf32>,
        %swap3A_378 = vector.shape_cast %swap3A_377 : vector<16xf32> to vector<16xf32>
        %swap3A_379 = vector.shape_cast %min3A_375 : vector<16xf32> to vector<16xf32>
        tpu.vector_store %arg18[%swap3A_376], %swap3A_379 {strides = array<i32>} : memref<128xf32, #tpu.memory_space<vmem>>, vector<16xf32>,
        %get3A_380 = arith.constant 80 : index
        %get3A_381 = tpu.vector_load %arg19[%get3A_380] {strides = array<i32>} : memref<128xf32, #tpu.memory_space<vmem>>, vector<16xf32>,
        %get3A_382 = vector.shape_cast %get3A_381 : vector<16xf32> to vector<16xf32>
        %get3A_383 = arith.constant 80 : index
        %get3A_384 = tpu.vector_load %arg16[%get3A_383] {strides = array<i32>} : memref<128xf32, #tpu.memory_space<vmem>>, vector<16xf32>,
        %get3A_385 = vector.shape_cast %get3A_384 : vector<16xf32> to vector<16xf32>
        %mul3A_386 = arith.mulf %get3A_385, %get3A_382 : vector<16xf32>
        %jit3A_387 = arith.constant -1.000000e+02 : f32
        %jit3A_388 = arith.constant 1.000000e+02 : f32
        %max3A_389 = vector.broadcast %jit3A_387 : f32 to vector<16xf32>
        %max3A_390 = arith.maximumf %max3A_389, %mul3A_386 : vector<16xf32>
        %min3A_391 = vector.broadcast %jit3A_388 : f32 to vector<16xf32>
        %min3A_392 = arith.minimumf %min3A_391, %max3A_390 : vector<16xf32>
        %swap3A_393 = arith.constant 80 : index
        %swap3A_394 = tpu.vector_load %arg16[%swap3A_393] {strides = array<i32>} : memref<128xf32, #tpu.memory_space<vmem>>, vector<16xf32>,
        %swap3A_395 = vector.shape_cast %swap3A_394 : vector<16xf32> to vector<16xf32>
        %swap3A_396 = vector.shape_cast %min3A_392 : vector<16xf32> to vector<16xf32>
        tpu.vector_store %arg16[%swap3A_393], %swap3A_396 {strides = array<i32>} : memref<128xf32, #tpu.memory_space<vmem>>, vector<16xf32>,
        %get3A_397 = arith.constant 80 : index
        %get3A_398 = tpu.vector_load %arg17[%get3A_397] {strides = array<i32>} : memref<128xf32, #tpu.memory_space<vmem>>, vector<16xf32>,
        %get3A_399 = vector.shape_cast %get3A_398 : vector<16xf32> to vector<16xf32>
        %mul3A_400 = arith.mulf %get3A_399, %get3A_382 : vector<16xf32>
        %jit3A_401 = arith.constant -1.000000e+02 : f32
        %jit3A_402 = arith.constant 1.000000e+02 : f32
        %max3A_403 = vector.broadcast %jit3A_401 : f32 to vector<16xf32>
        %max3A_404 = arith.maximumf %max3A_403, %mul3A_400 : vector<16xf32>
        %min3A_405 = vector.broadcast %jit3A_402 : f32 to vector<16xf32>
        %min3A_406 = arith.minimumf %min3A_405, %max3A_404 : vector<16xf32>
        %swap3A_407 = arith.constant 80 : index
        %swap3A_408 = tpu.vector_load %arg17[%swap3A_407] {strides = array<i32>} : memref<128xf32, #tpu.memory_space<vmem>>, vector<16xf32>,
        %swap3A_409 = vector.shape_cast %swap3A_408 : vector<16xf32> to vector<16xf32>
        %swap3A_410 = vector.shape_cast %min3A_406 : vector<16xf32> to vector<16xf32>
        tpu.vector_store %arg17[%swap3A_407], %swap3A_410 {strides = array<i32>} : memref<128xf32, #tpu.memory_space<vmem>>, vector<16xf32>,
        %get3A_411 = arith.constant 80 : index
        %get3A_412 = tpu.vector_load %arg18[%get3A_411] {strides = array<i32>} : memref<128xf32, #tpu.memory_space<vmem>>, vector<16xf32>,
        %get3A_413 = vector.shape_cast %get3A_412 : vector<16xf32> to vector<16xf32>
        %mul3A_414 = arith.mulf %get3A_413, %get3A_382 : vector<16xf32>
        %jit3A_415 = arith.constant -1.000000e+02 : f32
        %jit3A_416 = arith.constant 1.000000e+02 : f32
        %max3A_417 = vector.broadcast %jit3A_415 : f32 to vector<16xf32>
        %max3A_418 = arith.maximumf %max3A_417, %mul3A_414 : vector<16xf32>
        %min3A_419 = vector.broadcast %jit3A_416 : f32 to vector<16xf32>
        %min3A_420 = arith.minimumf %min3A_419, %max3A_418 : vector<16xf32>
        %swap3A_421 = arith.constant 80 : index
        %swap3A_422 = tpu.vector_load %arg18[%swap3A_421] {strides = array<i32>} : memref<128xf32, #tpu.memory_space<vmem>>, vector<16xf32>,
        %swap3A_423 = vector.shape_cast %swap3A_422 : vector<16xf32> to vector<16xf32>
        %swap3A_424 = vector.shape_cast %min3A_420 : vector<16xf32> to vector<16xf32>
        tpu.vector_store %arg18[%swap3A_421], %swap3A_424 {strides = array<i32>} : memref<128xf32, #tpu.memory_space<vmem>>, vector<16xf32>,
        %get3A_425 = arith.constant 96 : index
        %get3A_426 = tpu.vector_load %arg19[%get3A_425] {strides = array<i32>} : memref<128xf32, #tpu.memory_space<vmem>>, vector<16xf32>,
        %get3A_427 = vector.shape_cast %get3A_426 : vector<16xf32> to vector<16xf32>
        %get3A_428 = arith.constant 96 : index
        %get3A_429 = tpu.vector_load %arg16[%get3A_428] {strides = array<i32>} : memref<128xf32, #tpu.memory_space<vmem>>, vector<16xf32>,
        %get3A_430 = vector.shape_cast %get3A_429 : vector<16xf32> to vector<16xf32>
        %mul3A_431 = arith.mulf %get3A_430, %get3A_427 : vector<16xf32>
        %jit3A_432 = arith.constant -1.000000e+02 : f32
        %jit3A_433 = arith.constant 1.000000e+02 : f32
        %max3A_434 = vector.broadcast %jit3A_432 : f32 to vector<16xf32>
        %max3A_435 = arith.maximumf %max3A_434, %mul3A_431 : vector<16xf32>
        %min3A_436 = vector.broadcast %jit3A_433 : f32 to vector<16xf32>
        %min3A_437 = arith.minimumf %min3A_436, %max3A_435 : vector<16xf32>
        %swap3A_438 = arith.constant 96 : index
        %swap3A_439 = tpu.vector_load %arg16[%swap3A_438] {strides = array<i32>} : memref<128xf32, #tpu.memory_space<vmem>>, vector<16xf32>,
        %swap3A_440 = vector.shape_cast %swap3A_439 : vector<16xf32> to vector<16xf32>
        %swap3A_441 = vector.shape_cast %min3A_437 : vector<16xf32> to vector<16xf32>
        tpu.vector_store %arg16[%swap3A_438], %swap3A_441 {strides = array<i32>} : memref<128xf32, #tpu.memory_space<vmem>>, vector<16xf32>,
        %get3A_442 = arith.constant 96 : index
        %get3A_443 = tpu.vector_load %arg17[%get3A_442] {strides = array<i32>} : memref<128xf32, #tpu.memory_space<vmem>>, vector<16xf32>,
        %get3A_444 = vector.shape_cast %get3A_443 : vector<16xf32> to vector<16xf32>
        %mul3A_445 = arith.mulf %get3A_444, %get3A_427 : vector<16xf32>
        %jit3A_446 = arith.constant -1.000000e+02 : f32
        %jit3A_447 = arith.constant 1.000000e+02 : f32
        %max3A_448 = vector.broadcast %jit3A_446 : f32 to vector<16xf32>
        %max3A_449 = arith.maximumf %max3A_448, %mul3A_445 : vector<16xf32>
        %min3A_450 = vector.broadcast %jit3A_447 : f32 to vector<16xf32>
        %min3A_451 = arith.minimumf %min3A_450, %max3A_449 : vector<16xf32>
        %swap3A_452 = arith.constant 96 : index
        %swap3A_453 = tpu.vector_load %arg17[%swap3A_452] {strides = array<i32>} : memref<128xf32, #tpu.memory_space<vmem>>, vector<16xf32>,
        %swap3A_454 = vector.shape_cast %swap3A_453 : vector<16xf32> to vector<16xf32>
        %swap3A_455 = vector.shape_cast %min3A_451 : vector<16xf32> to vector<16xf32>
        tpu.vector_store %arg17[%swap3A_452], %swap3A_455 {strides = array<i32>} : memref<128xf32, #tpu.memory_space<vmem>>, vector<16xf32>,
        %get3A_456 = arith.constant 96 : index
        %get3A_457 = tpu.vector_load %arg18[%get3A_456] {strides = array<i32>} : memref<128xf32, #tpu.memory_space<vmem>>, vector<16xf32>,
        %get3A_458 = vector.shape_cast %get3A_457 : vector<16xf32> to vector<16xf32>
        %mul3A_459 = arith.mulf %get3A_458, %get3A_427 : vector<16xf32>
        %jit3A_460 = arith.constant -1.000000e+02 : f32
        %jit3A_461 = arith.constant 1.000000e+02 : f32
        %max3A_462 = vector.broadcast %jit3A_460 : f32 to vector<16xf32>
        %max3A_463 = arith.maximumf %max3A_462, %mul3A_459 : vector<16xf32>
        %min3A_464 = vector.broadcast %jit3A_461 : f32 to vector<16xf32>
        %min3A_465 = arith.minimumf %min3A_464, %max3A_463 : vector<16xf32>
        %swap3A_466 = arith.constant 96 : index
        %swap3A_467 = tpu.vector_load %arg18[%swap3A_466] {strides = array<i32>} : memref<128xf32, #tpu.memory_space<vmem>>, vector<16xf32>,
        %swap3A_468 = vector.shape_cast %swap3A_467 : vector<16xf32> to vector<16xf32>
        %swap3A_469 = vector.shape_cast %min3A_465 : vector<16xf32> to vector<16xf32>
        tpu.vector_store %arg18[%swap3A_466], %swap3A_469 {strides = array<i32>} : memref<128xf32, #tpu.memory_space<vmem>>, vector<16xf32>,
        %get3A_470 = arith.constant 112 : index
        %get3A_471 = tpu.vector_load %arg19[%get3A_470] {strides = array<i32>} : memref<128xf32, #tpu.memory_space<vmem>>, vector<16xf32>,
        %get3A_472 = vector.shape_cast %get3A_471 : vector<16xf32> to vector<16xf32>
        %get3A_473 = arith.constant 112 : index
        %get3A_474 = tpu.vector_load %arg16[%get3A_473] {strides = array<i32>} : memref<128xf32, #tpu.memory_space<vmem>>, vector<16xf32>,
        %get3A_475 = vector.shape_cast %get3A_474 : vector<16xf32> to vector<16xf32>
        %mul3A_476 = arith.mulf %get3A_475, %get3A_472 : vector<16xf32>
        %jit3A_477 = arith.constant -1.000000e+02 : f32
        %jit3A_478 = arith.constant 1.000000e+02 : f32
        %max3A_479 = vector.broadcast %jit3A_477 : f32 to vector<16xf32>
        %max3A_480 = arith.maximumf %max3A_479, %mul3A_476 : vector<16xf32>
        %min3A_481 = vector.broadcast %jit3A_478 : f32 to vector<16xf32>
        %min3A_482 = arith.minimumf %min3A_481, %max3A_480 : vector<16xf32>
        %swap3A_483 = arith.constant 112 : index
        %swap3A_484 = tpu.vector_load %arg16[%swap3A_483] {strides = array<i32>} : memref<128xf32, #tpu.memory_space<vmem>>, vector<16xf32>,
        %swap3A_485 = vector.shape_cast %swap3A_484 : vector<16xf32> to vector<16xf32>
        %swap3A_486 = vector.shape_cast %min3A_482 : vector<16xf32> to vector<16xf32>
        tpu.vector_store %arg16[%swap3A_483], %swap3A_486 {strides = array<i32>} : memref<128xf32, #tpu.memory_space<vmem>>, vector<16xf32>,
        %get3A_487 = arith.constant 112 : index
        %get3A_488 = tpu.vector_load %arg17[%get3A_487] {strides = array<i32>} : memref<128xf32, #tpu.memory_space<vmem>>, vector<16xf32>,
        %get3A_489 = vector.shape_cast %get3A_488 : vector<16xf32> to vector<16xf32>
        %mul3A_490 = arith.mulf %get3A_489, %get3A_472 : vector<16xf32>
        %jit3A_491 = arith.constant -1.000000e+02 : f32
        %jit3A_492 = arith.constant 1.000000e+02 : f32
        %max3A_493 = vector.broadcast %jit3A_491 : f32 to vector<16xf32>
        %max3A_494 = arith.maximumf %max3A_493, %mul3A_490 : vector<16xf32>
        %min3A_495 = vector.broadcast %jit3A_492 : f32 to vector<16xf32>
        %min3A_496 = arith.minimumf %min3A_495, %max3A_494 : vector<16xf32>
        %swap3A_497 = arith.constant 112 : index
        %swap3A_498 = tpu.vector_load %arg17[%swap3A_497] {strides = array<i32>} : memref<128xf32, #tpu.memory_space<vmem>>, vector<16xf32>,
        %swap3A_499 = vector.shape_cast %swap3A_498 : vector<16xf32> to vector<16xf32>
        %swap3A_500 = vector.shape_cast %min3A_496 : vector<16xf32> to vector<16xf32>
        tpu.vector_store %arg17[%swap3A_497], %swap3A_500 {strides = array<i32>} : memref<128xf32, #tpu.memory_space<vmem>>, vector<16xf32>,
        %get3A_501 = arith.constant 112 : index
        %get3A_502 = tpu.vector_load %arg18[%get3A_501] {strides = array<i32>} : memref<128xf32, #tpu.memory_space<vmem>>, vector<16xf32>,
        %get3A_503 = vector.shape_cast %get3A_502 : vector<16xf32> to vector<16xf32>
        %mul3A_504 = arith.mulf %get3A_503, %get3A_472 : vector<16xf32>
        %jit3A_505 = arith.constant -1.000000e+02 : f32
        %jit3A_506 = arith.constant 1.000000e+02 : f32
        %max3A_507 = vector.broadcast %jit3A_505 : f32 to vector<16xf32>
        %max3A_508 = arith.maximumf %max3A_507, %mul3A_504 : vector<16xf32>
        %min3A_509 = vector.broadcast %jit3A_506 : f32 to vector<16xf32>
        %min3A_510 = arith.minimumf %min3A_509, %max3A_508 : vector<16xf32>
        %swap3A_511 = arith.constant 112 : index
        %swap3A_512 = tpu.vector_load %arg18[%swap3A_511] {strides = array<i32>} : memref<128xf32, #tpu.memory_space<vmem>>, vector<16xf32>,
        %swap3A_513 = vector.shape_cast %swap3A_512 : vector<16xf32> to vector<16xf32>
        %swap3A_514 = vector.shape_cast %min3A_510 : vector<16xf32> to vector<16xf32>
        tpu.vector_store %arg18[%swap3A_511], %swap3A_514 {strides = array<i32>} : memref<128xf32, #tpu.memory_space<vmem>>, vector<16xf32>,
        "tpu.region"() ({
          %run_scoped3A = tpu.sem_alloc : memref<!tpu.dma_semaphore, #tpu.memory_space<semaphore_mem>>
          %dma_start3A_515 = arith.constant 0 : i32
          %dma_start3A_516 = tpu.memref_slice %arg27[%dma_start3A_515] : memref<51200xf32, #tpu.memory_space<vmem_shared>> -> memref<51200xf32, #tpu.memory_space<vmem_shared>>
          tpu.enqueue_indirect_dma source(%arg16 : memref<128xf32, #tpu.memory_space<vmem>>) target(%dma_start3A_516 : memref<51200xf32, #tpu.memory_space<vmem_shared>>) offsets(%arg15 : memref<128xi32, #tpu.memory_space<vmem>>) semaphore(%run_scoped3A : memref<!tpu.dma_semaphore, #tpu.memory_space<semaphore_mem>>) {add = true}
          %dma_wait3A = arith.constant 0 : i32
          %dma_wait3A_517 = tpu.memref_slice %arg27[%dma_wait3A] : memref<51200xf32, #tpu.memory_space<vmem_shared>> -> memref<51200xf32, #tpu.memory_space<vmem_shared>>
          tpu.wait_indirect_dma semaphore(%run_scoped3A : memref<!tpu.dma_semaphore, #tpu.memory_space<semaphore_mem>>) src(%arg16 : memref<128xf32, #tpu.memory_space<vmem>>) dst(%dma_wait3A_517 : memref<51200xf32, #tpu.memory_space<vmem_shared>>)
          tpu.yield
        }) : () -> ()
        "tpu.region"() ({
          %run_scoped3A = tpu.sem_alloc : memref<!tpu.dma_semaphore, #tpu.memory_space<semaphore_mem>>
          %dma_start3A_515 = arith.constant 0 : i32
          %dma_start3A_516 = tpu.memref_slice %arg28[%dma_start3A_515] : memref<51200xf32, #tpu.memory_space<vmem_shared>> -> memref<51200xf32, #tpu.memory_space<vmem_shared>>
          tpu.enqueue_indirect_dma source(%arg17 : memref<128xf32, #tpu.memory_space<vmem>>) target(%dma_start3A_516 : memref<51200xf32, #tpu.memory_space<vmem_shared>>) offsets(%arg15 : memref<128xi32, #tpu.memory_space<vmem>>) semaphore(%run_scoped3A : memref<!tpu.dma_semaphore, #tpu.memory_space<semaphore_mem>>) {add = true}
          %dma_wait3A = arith.constant 0 : i32
          %dma_wait3A_517 = tpu.memref_slice %arg28[%dma_wait3A] : memref<51200xf32, #tpu.memory_space<vmem_shared>> -> memref<51200xf32, #tpu.memory_space<vmem_shared>>
          tpu.wait_indirect_dma semaphore(%run_scoped3A : memref<!tpu.dma_semaphore, #tpu.memory_space<semaphore_mem>>) src(%arg17 : memref<128xf32, #tpu.memory_space<vmem>>) dst(%dma_wait3A_517 : memref<51200xf32, #tpu.memory_space<vmem_shared>>)
          tpu.yield
        }) : () -> ()
        "tpu.region"() ({
          %run_scoped3A = tpu.sem_alloc : memref<!tpu.dma_semaphore, #tpu.memory_space<semaphore_mem>>
          %dma_start3A_515 = arith.constant 0 : i32
          %dma_start3A_516 = tpu.memref_slice %arg29[%dma_start3A_515] : memref<51200xf32, #tpu.memory_space<vmem_shared>> -> memref<51200xf32, #tpu.memory_space<vmem_shared>>
          tpu.enqueue_indirect_dma source(%arg18 : memref<128xf32, #tpu.memory_space<vmem>>) target(%dma_start3A_516 : memref<51200xf32, #tpu.memory_space<vmem_shared>>) offsets(%arg15 : memref<128xi32, #tpu.memory_space<vmem>>) semaphore(%run_scoped3A : memref<!tpu.dma_semaphore, #tpu.memory_space<semaphore_mem>>) {add = true}
          %dma_wait3A = arith.constant 0 : i32
          %dma_wait3A_517 = tpu.memref_slice %arg29[%dma_wait3A] : memref<51200xf32, #tpu.memory_space<vmem_shared>> -> memref<51200xf32, #tpu.memory_space<vmem_shared>>
          tpu.wait_indirect_dma semaphore(%run_scoped3A : memref<!tpu.dma_semaphore, #tpu.memory_space<semaphore_mem>>) src(%arg18 : memref<128xf32, #tpu.memory_space<vmem>>) dst(%dma_wait3A_517 : memref<51200xf32, #tpu.memory_space<vmem_shared>>)
          tpu.yield
        }) : () -> ()
        "tpu.region"() ({
          %run_scoped3A = tpu.sem_alloc : memref<!tpu.dma_semaphore, #tpu.memory_space<semaphore_mem>>
          %dma_start3A_515 = arith.constant 0 : i32
          %dma_start3A_516 = tpu.memref_slice %arg30[%dma_start3A_515] : memref<51200xf32, #tpu.memory_space<vmem_shared>> -> memref<51200xf32, #tpu.memory_space<vmem_shared>>
          tpu.enqueue_indirect_dma source(%arg25 : memref<128xf32, #tpu.memory_space<vmem>>) target(%dma_start3A_516 : memref<51200xf32, #tpu.memory_space<vmem_shared>>) offsets(%arg15 : memref<128xi32, #tpu.memory_space<vmem>>) semaphore(%run_scoped3A : memref<!tpu.dma_semaphore, #tpu.memory_space<semaphore_mem>>) {add = true}
          %dma_wait3A = arith.constant 0 : i32
          %dma_wait3A_517 = tpu.memref_slice %arg30[%dma_wait3A] : memref<51200xf32, #tpu.memory_space<vmem_shared>> -> memref<51200xf32, #tpu.memory_space<vmem_shared>>
          tpu.wait_indirect_dma semaphore(%run_scoped3A : memref<!tpu.dma_semaphore, #tpu.memory_space<semaphore_mem>>) src(%arg25 : memref<128xf32, #tpu.memory_space<vmem>>) dst(%dma_wait3A_517 : memref<51200xf32, #tpu.memory_space<vmem_shared>>)
          tpu.yield
        }) : () -> ()
      } else {
      }
      %add3A_131 = arith.constant 2 : i32
      %add3A_132 = arith.addi %add3A_121, %add3A_131 : i32
      %lt3A_133 = arith.cmpi slt, %add3A_132, %add3A_4 : i32
      %convert_element_type3A_134 = arith.extui %lt3A_133 : i1 to i32
      %cond3A_135 = arith.constant 0 : i32
      %cond3A_136 = arith.cmpi ne, %convert_element_type3A_134, %cond3A_135 : i32
      scf.if %cond3A_136 {
        %add3A_158 = arith.constant 2 : i32
        %add3A_159 = arith.addi %add3A_121, %add3A_158 : i32
        %mul3A_160 = arith.constant 32 : i32
        %mul3A_161 = arith.muli %add3A_159, %mul3A_160 : i32
        %add3A_162 = arith.addi %add3A, %mul3A_161 : i32
        %mul3A_163 = arith.constant 128 : i32
        %mul3A_164 = arith.muli %add3A_162, %mul3A_163 : i32
        %dma_start3A_165 = tpu.memref_slice %arg6[%mul3A_164] : memref<1600000xi32, #tpu.memory_space<hbm>> -> memref<128xi32, #tpu.memory_space<hbm>>
        %dma_start3A_166 = tpu.memref_slice %arg6[%mul3A_164] : memref<1600000xi32, #tpu.memory_space<hbm>> -> memref<128xi32, #tpu.memory_space<hbm>>
        tpu.enqueue_dma source(%dma_start3A_166 : memref<128xi32, #tpu.memory_space<hbm>>) target(%arg15 : memref<128xi32, #tpu.memory_space<vmem>>) target_semaphore(%arg31 : memref<!tpu.dma_semaphore, #tpu.memory_space<semaphore_mem>>)
        %dma_start3A_167 = tpu.memref_slice %arg2[%mul3A_164] : memref<1600000xf32, #tpu.memory_space<hbm>> -> memref<128xf32, #tpu.memory_space<hbm>>
        %dma_start3A_168 = tpu.memref_slice %arg2[%mul3A_164] : memref<1600000xf32, #tpu.memory_space<hbm>> -> memref<128xf32, #tpu.memory_space<hbm>>
        tpu.enqueue_dma source(%dma_start3A_168 : memref<128xf32, #tpu.memory_space<hbm>>) target(%arg16 : memref<128xf32, #tpu.memory_space<vmem>>) target_semaphore(%arg31 : memref<!tpu.dma_semaphore, #tpu.memory_space<semaphore_mem>>)
        %dma_start3A_169 = tpu.memref_slice %arg3[%mul3A_164] : memref<1600000xf32, #tpu.memory_space<hbm>> -> memref<128xf32, #tpu.memory_space<hbm>>
        %dma_start3A_170 = tpu.memref_slice %arg3[%mul3A_164] : memref<1600000xf32, #tpu.memory_space<hbm>> -> memref<128xf32, #tpu.memory_space<hbm>>
        tpu.enqueue_dma source(%dma_start3A_170 : memref<128xf32, #tpu.memory_space<hbm>>) target(%arg17 : memref<128xf32, #tpu.memory_space<vmem>>) target_semaphore(%arg31 : memref<!tpu.dma_semaphore, #tpu.memory_space<semaphore_mem>>)
        %dma_start3A_171 = tpu.memref_slice %arg4[%mul3A_164] : memref<1600000xf32, #tpu.memory_space<hbm>> -> memref<128xf32, #tpu.memory_space<hbm>>
        %dma_start3A_172 = tpu.memref_slice %arg4[%mul3A_164] : memref<1600000xf32, #tpu.memory_space<hbm>> -> memref<128xf32, #tpu.memory_space<hbm>>
        tpu.enqueue_dma source(%dma_start3A_172 : memref<128xf32, #tpu.memory_space<hbm>>) target(%arg18 : memref<128xf32, #tpu.memory_space<vmem>>) target_semaphore(%arg31 : memref<!tpu.dma_semaphore, #tpu.memory_space<semaphore_mem>>)
        %dma_start3A_173 = tpu.memref_slice %arg5[%mul3A_164] : memref<1600000xf32, #tpu.memory_space<hbm>> -> memref<128xf32, #tpu.memory_space<hbm>>
        %dma_start3A_174 = tpu.memref_slice %arg5[%mul3A_164] : memref<1600000xf32, #tpu.memory_space<hbm>> -> memref<128xf32, #tpu.memory_space<hbm>>
        tpu.enqueue_dma source(%dma_start3A_174 : memref<128xf32, #tpu.memory_space<hbm>>) target(%arg19 : memref<128xf32, #tpu.memory_space<vmem>>) target_semaphore(%arg31 : memref<!tpu.dma_semaphore, #tpu.memory_space<semaphore_mem>>)
      } else {
      }
      %mul3A_137 = arith.constant 2 : i32
      %mul3A_138 = arith.muli %scan3A_117, %mul3A_137 : i32
      %add3A_139 = arith.constant 1 : i32
      %add3A_140 = arith.addi %mul3A_138, %add3A_139 : i32
      %ge3A_141 = arith.constant 1 : i32
      %ge3A_142 = arith.cmpi sge, %add3A_140, %ge3A_141 : i32
      %lt3A_143 = arith.cmpi slt, %add3A_140, %add3A_4 : i32
      %and3A_144 = arith.andi %ge3A_142, %lt3A_143 : i1
      %convert_element_type3A_145 = arith.extui %and3A_144 : i1 to i32
      %cond3A_146 = arith.constant 0 : i32
      %cond3A_147 = arith.cmpi ne, %convert_element_type3A_145, %cond3A_146 : i32
      scf.if %cond3A_147 {
        %dma_wait3A = arith.constant 0 : i32
        %dma_wait3A_158 = tpu.memref_slice %arg6[%dma_wait3A] : memref<1600000xi32, #tpu.memory_space<hbm>> -> memref<128xi32, #tpu.memory_space<hbm>>
        %dma_wait3A_159 = arith.constant 0 : i32
        %dma_wait3A_160 = tpu.memref_slice %arg6[%dma_wait3A_159] : memref<1600000xi32, #tpu.memory_space<hbm>> -> memref<128xi32, #tpu.memory_space<hbm>>
        tpu.wait_dma2 semaphore(%arg32 : memref<!tpu.dma_semaphore, #tpu.memory_space<semaphore_mem>>) src(%dma_wait3A_160 : memref<128xi32, #tpu.memory_space<hbm>>) dst(%arg20 : memref<128xi32, #tpu.memory_space<vmem>>)
        %dma_wait3A_161 = arith.constant 0 : i32
        %dma_wait3A_162 = tpu.memref_slice %arg2[%dma_wait3A_161] : memref<1600000xf32, #tpu.memory_space<hbm>> -> memref<128xf32, #tpu.memory_space<hbm>>
        %dma_wait3A_163 = arith.constant 0 : i32
        %dma_wait3A_164 = tpu.memref_slice %arg2[%dma_wait3A_163] : memref<1600000xf32, #tpu.memory_space<hbm>> -> memref<128xf32, #tpu.memory_space<hbm>>
        tpu.wait_dma2 semaphore(%arg32 : memref<!tpu.dma_semaphore, #tpu.memory_space<semaphore_mem>>) src(%dma_wait3A_164 : memref<128xf32, #tpu.memory_space<hbm>>) dst(%arg21 : memref<128xf32, #tpu.memory_space<vmem>>)
        %dma_wait3A_165 = arith.constant 0 : i32
        %dma_wait3A_166 = tpu.memref_slice %arg3[%dma_wait3A_165] : memref<1600000xf32, #tpu.memory_space<hbm>> -> memref<128xf32, #tpu.memory_space<hbm>>
        %dma_wait3A_167 = arith.constant 0 : i32
        %dma_wait3A_168 = tpu.memref_slice %arg3[%dma_wait3A_167] : memref<1600000xf32, #tpu.memory_space<hbm>> -> memref<128xf32, #tpu.memory_space<hbm>>
        tpu.wait_dma2 semaphore(%arg32 : memref<!tpu.dma_semaphore, #tpu.memory_space<semaphore_mem>>) src(%dma_wait3A_168 : memref<128xf32, #tpu.memory_space<hbm>>) dst(%arg22 : memref<128xf32, #tpu.memory_space<vmem>>)
        %dma_wait3A_169 = arith.constant 0 : i32
        %dma_wait3A_170 = tpu.memref_slice %arg4[%dma_wait3A_169] : memref<1600000xf32, #tpu.memory_space<hbm>> -> memref<128xf32, #tpu.memory_space<hbm>>
        %dma_wait3A_171 = arith.constant 0 : i32
        %dma_wait3A_172 = tpu.memref_slice %arg4[%dma_wait3A_171] : memref<1600000xf32, #tpu.memory_space<hbm>> -> memref<128xf32, #tpu.memory_space<hbm>>
        tpu.wait_dma2 semaphore(%arg32 : memref<!tpu.dma_semaphore, #tpu.memory_space<semaphore_mem>>) src(%dma_wait3A_172 : memref<128xf32, #tpu.memory_space<hbm>>) dst(%arg23 : memref<128xf32, #tpu.memory_space<vmem>>)
        %dma_wait3A_173 = arith.constant 0 : i32
        %dma_wait3A_174 = tpu.memref_slice %arg5[%dma_wait3A_173] : memref<1600000xf32, #tpu.memory_space<hbm>> -> memref<128xf32, #tpu.memory_space<hbm>>
        %dma_wait3A_175 = arith.constant 0 : i32
        %dma_wait3A_176 = tpu.memref_slice %arg5[%dma_wait3A_175] : memref<1600000xf32, #tpu.memory_space<hbm>> -> memref<128xf32, #tpu.memory_space<hbm>>
        tpu.wait_dma2 semaphore(%arg32 : memref<!tpu.dma_semaphore, #tpu.memory_space<semaphore_mem>>) src(%dma_wait3A_176 : memref<128xf32, #tpu.memory_space<hbm>>) dst(%arg24 : memref<128xf32, #tpu.memory_space<vmem>>)
      } else {
      }
      %lt3A_148 = arith.cmpi slt, %add3A_140, %add3A_4 : i32
      %convert_element_type3A_149 = arith.extui %lt3A_148 : i1 to i32
      %cond3A_150 = arith.constant 0 : i32
      %cond3A_151 = arith.cmpi ne, %convert_element_type3A_149, %cond3A_150 : i32
      scf.if %cond3A_151 {
        %get3A = arith.constant 0 : index
        %get3A_158 = tpu.vector_load %arg24[%get3A] {strides = array<i32>} : memref<128xf32, #tpu.memory_space<vmem>>, vector<16xf32>,
        %get3A_159 = vector.shape_cast %get3A_158 : vector<16xf32> to vector<16xf32>
        %get3A_160 = arith.constant 0 : index
        %get3A_161 = tpu.vector_load %arg21[%get3A_160] {strides = array<i32>} : memref<128xf32, #tpu.memory_space<vmem>>, vector<16xf32>,
        %get3A_162 = vector.shape_cast %get3A_161 : vector<16xf32> to vector<16xf32>
        %mul3A_163 = arith.mulf %get3A_162, %get3A_159 : vector<16xf32>
        %jit3A_164 = arith.constant -1.000000e+02 : f32
        %jit3A_165 = arith.constant 1.000000e+02 : f32
        %max3A = vector.broadcast %jit3A_164 : f32 to vector<16xf32>
        %max3A_166 = arith.maximumf %max3A, %mul3A_163 : vector<16xf32>
        %min3A = vector.broadcast %jit3A_165 : f32 to vector<16xf32>
        %min3A_167 = arith.minimumf %min3A, %max3A_166 : vector<16xf32>
        %swap3A_168 = arith.constant 0 : index
        %swap3A_169 = tpu.vector_load %arg21[%swap3A_168] {strides = array<i32>} : memref<128xf32, #tpu.memory_space<vmem>>, vector<16xf32>,
        %swap3A_170 = vector.shape_cast %swap3A_169 : vector<16xf32> to vector<16xf32>
        %swap3A_171 = vector.shape_cast %min3A_167 : vector<16xf32> to vector<16xf32>
        tpu.vector_store %arg21[%swap3A_168], %swap3A_171 {strides = array<i32>} : memref<128xf32, #tpu.memory_space<vmem>>, vector<16xf32>,
        %get3A_172 = arith.constant 0 : index
        %get3A_173 = tpu.vector_load %arg22[%get3A_172] {strides = array<i32>} : memref<128xf32, #tpu.memory_space<vmem>>, vector<16xf32>,
        %get3A_174 = vector.shape_cast %get3A_173 : vector<16xf32> to vector<16xf32>
        %mul3A_175 = arith.mulf %get3A_174, %get3A_159 : vector<16xf32>
        %jit3A_176 = arith.constant -1.000000e+02 : f32
        %jit3A_177 = arith.constant 1.000000e+02 : f32
        %max3A_178 = vector.broadcast %jit3A_176 : f32 to vector<16xf32>
        %max3A_179 = arith.maximumf %max3A_178, %mul3A_175 : vector<16xf32>
        %min3A_180 = vector.broadcast %jit3A_177 : f32 to vector<16xf32>
        %min3A_181 = arith.minimumf %min3A_180, %max3A_179 : vector<16xf32>
        %swap3A_182 = arith.constant 0 : index
        %swap3A_183 = tpu.vector_load %arg22[%swap3A_182] {strides = array<i32>} : memref<128xf32, #tpu.memory_space<vmem>>, vector<16xf32>,
        %swap3A_184 = vector.shape_cast %swap3A_183 : vector<16xf32> to vector<16xf32>
        %swap3A_185 = vector.shape_cast %min3A_181 : vector<16xf32> to vector<16xf32>
        tpu.vector_store %arg22[%swap3A_182], %swap3A_185 {strides = array<i32>} : memref<128xf32, #tpu.memory_space<vmem>>, vector<16xf32>,
        %get3A_186 = arith.constant 0 : index
        %get3A_187 = tpu.vector_load %arg23[%get3A_186] {strides = array<i32>} : memref<128xf32, #tpu.memory_space<vmem>>, vector<16xf32>,
        %get3A_188 = vector.shape_cast %get3A_187 : vector<16xf32> to vector<16xf32>
        %mul3A_189 = arith.mulf %get3A_188, %get3A_159 : vector<16xf32>
        %jit3A_190 = arith.constant -1.000000e+02 : f32
        %jit3A_191 = arith.constant 1.000000e+02 : f32
        %max3A_192 = vector.broadcast %jit3A_190 : f32 to vector<16xf32>
        %max3A_193 = arith.maximumf %max3A_192, %mul3A_189 : vector<16xf32>
        %min3A_194 = vector.broadcast %jit3A_191 : f32 to vector<16xf32>
        %min3A_195 = arith.minimumf %min3A_194, %max3A_193 : vector<16xf32>
        %swap3A_196 = arith.constant 0 : index
        %swap3A_197 = tpu.vector_load %arg23[%swap3A_196] {strides = array<i32>} : memref<128xf32, #tpu.memory_space<vmem>>, vector<16xf32>,
        %swap3A_198 = vector.shape_cast %swap3A_197 : vector<16xf32> to vector<16xf32>
        %swap3A_199 = vector.shape_cast %min3A_195 : vector<16xf32> to vector<16xf32>
        tpu.vector_store %arg23[%swap3A_196], %swap3A_199 {strides = array<i32>} : memref<128xf32, #tpu.memory_space<vmem>>, vector<16xf32>,
        %get3A_200 = arith.constant 16 : index
        %get3A_201 = tpu.vector_load %arg24[%get3A_200] {strides = array<i32>} : memref<128xf32, #tpu.memory_space<vmem>>, vector<16xf32>,
        %get3A_202 = vector.shape_cast %get3A_201 : vector<16xf32> to vector<16xf32>
        %get3A_203 = arith.constant 16 : index
        %get3A_204 = tpu.vector_load %arg21[%get3A_203] {strides = array<i32>} : memref<128xf32, #tpu.memory_space<vmem>>, vector<16xf32>,
        %get3A_205 = vector.shape_cast %get3A_204 : vector<16xf32> to vector<16xf32>
        %mul3A_206 = arith.mulf %get3A_205, %get3A_202 : vector<16xf32>
        %jit3A_207 = arith.constant -1.000000e+02 : f32
        %jit3A_208 = arith.constant 1.000000e+02 : f32
        %max3A_209 = vector.broadcast %jit3A_207 : f32 to vector<16xf32>
        %max3A_210 = arith.maximumf %max3A_209, %mul3A_206 : vector<16xf32>
        %min3A_211 = vector.broadcast %jit3A_208 : f32 to vector<16xf32>
        %min3A_212 = arith.minimumf %min3A_211, %max3A_210 : vector<16xf32>
        %swap3A_213 = arith.constant 16 : index
        %swap3A_214 = tpu.vector_load %arg21[%swap3A_213] {strides = array<i32>} : memref<128xf32, #tpu.memory_space<vmem>>, vector<16xf32>,
        %swap3A_215 = vector.shape_cast %swap3A_214 : vector<16xf32> to vector<16xf32>
        %swap3A_216 = vector.shape_cast %min3A_212 : vector<16xf32> to vector<16xf32>
        tpu.vector_store %arg21[%swap3A_213], %swap3A_216 {strides = array<i32>} : memref<128xf32, #tpu.memory_space<vmem>>, vector<16xf32>,
        %get3A_217 = arith.constant 16 : index
        %get3A_218 = tpu.vector_load %arg22[%get3A_217] {strides = array<i32>} : memref<128xf32, #tpu.memory_space<vmem>>, vector<16xf32>,
        %get3A_219 = vector.shape_cast %get3A_218 : vector<16xf32> to vector<16xf32>
        %mul3A_220 = arith.mulf %get3A_219, %get3A_202 : vector<16xf32>
        %jit3A_221 = arith.constant -1.000000e+02 : f32
        %jit3A_222 = arith.constant 1.000000e+02 : f32
        %max3A_223 = vector.broadcast %jit3A_221 : f32 to vector<16xf32>
        %max3A_224 = arith.maximumf %max3A_223, %mul3A_220 : vector<16xf32>
        %min3A_225 = vector.broadcast %jit3A_222 : f32 to vector<16xf32>
        %min3A_226 = arith.minimumf %min3A_225, %max3A_224 : vector<16xf32>
        %swap3A_227 = arith.constant 16 : index
        %swap3A_228 = tpu.vector_load %arg22[%swap3A_227] {strides = array<i32>} : memref<128xf32, #tpu.memory_space<vmem>>, vector<16xf32>,
        %swap3A_229 = vector.shape_cast %swap3A_228 : vector<16xf32> to vector<16xf32>
        %swap3A_230 = vector.shape_cast %min3A_226 : vector<16xf32> to vector<16xf32>
        tpu.vector_store %arg22[%swap3A_227], %swap3A_230 {strides = array<i32>} : memref<128xf32, #tpu.memory_space<vmem>>, vector<16xf32>,
        %get3A_231 = arith.constant 16 : index
        %get3A_232 = tpu.vector_load %arg23[%get3A_231] {strides = array<i32>} : memref<128xf32, #tpu.memory_space<vmem>>, vector<16xf32>,
        %get3A_233 = vector.shape_cast %get3A_232 : vector<16xf32> to vector<16xf32>
        %mul3A_234 = arith.mulf %get3A_233, %get3A_202 : vector<16xf32>
        %jit3A_235 = arith.constant -1.000000e+02 : f32
        %jit3A_236 = arith.constant 1.000000e+02 : f32
        %max3A_237 = vector.broadcast %jit3A_235 : f32 to vector<16xf32>
        %max3A_238 = arith.maximumf %max3A_237, %mul3A_234 : vector<16xf32>
        %min3A_239 = vector.broadcast %jit3A_236 : f32 to vector<16xf32>
        %min3A_240 = arith.minimumf %min3A_239, %max3A_238 : vector<16xf32>
        %swap3A_241 = arith.constant 16 : index
        %swap3A_242 = tpu.vector_load %arg23[%swap3A_241] {strides = array<i32>} : memref<128xf32, #tpu.memory_space<vmem>>, vector<16xf32>,
        %swap3A_243 = vector.shape_cast %swap3A_242 : vector<16xf32> to vector<16xf32>
        %swap3A_244 = vector.shape_cast %min3A_240 : vector<16xf32> to vector<16xf32>
        tpu.vector_store %arg23[%swap3A_241], %swap3A_244 {strides = array<i32>} : memref<128xf32, #tpu.memory_space<vmem>>, vector<16xf32>,
        %get3A_245 = arith.constant 32 : index
        %get3A_246 = tpu.vector_load %arg24[%get3A_245] {strides = array<i32>} : memref<128xf32, #tpu.memory_space<vmem>>, vector<16xf32>,
        %get3A_247 = vector.shape_cast %get3A_246 : vector<16xf32> to vector<16xf32>
        %get3A_248 = arith.constant 32 : index
        %get3A_249 = tpu.vector_load %arg21[%get3A_248] {strides = array<i32>} : memref<128xf32, #tpu.memory_space<vmem>>, vector<16xf32>,
        %get3A_250 = vector.shape_cast %get3A_249 : vector<16xf32> to vector<16xf32>
        %mul3A_251 = arith.mulf %get3A_250, %get3A_247 : vector<16xf32>
        %jit3A_252 = arith.constant -1.000000e+02 : f32
        %jit3A_253 = arith.constant 1.000000e+02 : f32
        %max3A_254 = vector.broadcast %jit3A_252 : f32 to vector<16xf32>
        %max3A_255 = arith.maximumf %max3A_254, %mul3A_251 : vector<16xf32>
        %min3A_256 = vector.broadcast %jit3A_253 : f32 to vector<16xf32>
        %min3A_257 = arith.minimumf %min3A_256, %max3A_255 : vector<16xf32>
        %swap3A_258 = arith.constant 32 : index
        %swap3A_259 = tpu.vector_load %arg21[%swap3A_258] {strides = array<i32>} : memref<128xf32, #tpu.memory_space<vmem>>, vector<16xf32>,
        %swap3A_260 = vector.shape_cast %swap3A_259 : vector<16xf32> to vector<16xf32>
        %swap3A_261 = vector.shape_cast %min3A_257 : vector<16xf32> to vector<16xf32>
        tpu.vector_store %arg21[%swap3A_258], %swap3A_261 {strides = array<i32>} : memref<128xf32, #tpu.memory_space<vmem>>, vector<16xf32>,
        %get3A_262 = arith.constant 32 : index
        %get3A_263 = tpu.vector_load %arg22[%get3A_262] {strides = array<i32>} : memref<128xf32, #tpu.memory_space<vmem>>, vector<16xf32>,
        %get3A_264 = vector.shape_cast %get3A_263 : vector<16xf32> to vector<16xf32>
        %mul3A_265 = arith.mulf %get3A_264, %get3A_247 : vector<16xf32>
        %jit3A_266 = arith.constant -1.000000e+02 : f32
        %jit3A_267 = arith.constant 1.000000e+02 : f32
        %max3A_268 = vector.broadcast %jit3A_266 : f32 to vector<16xf32>
        %max3A_269 = arith.maximumf %max3A_268, %mul3A_265 : vector<16xf32>
        %min3A_270 = vector.broadcast %jit3A_267 : f32 to vector<16xf32>
        %min3A_271 = arith.minimumf %min3A_270, %max3A_269 : vector<16xf32>
        %swap3A_272 = arith.constant 32 : index
        %swap3A_273 = tpu.vector_load %arg22[%swap3A_272] {strides = array<i32>} : memref<128xf32, #tpu.memory_space<vmem>>, vector<16xf32>,
        %swap3A_274 = vector.shape_cast %swap3A_273 : vector<16xf32> to vector<16xf32>
        %swap3A_275 = vector.shape_cast %min3A_271 : vector<16xf32> to vector<16xf32>
        tpu.vector_store %arg22[%swap3A_272], %swap3A_275 {strides = array<i32>} : memref<128xf32, #tpu.memory_space<vmem>>, vector<16xf32>,
        %get3A_276 = arith.constant 32 : index
        %get3A_277 = tpu.vector_load %arg23[%get3A_276] {strides = array<i32>} : memref<128xf32, #tpu.memory_space<vmem>>, vector<16xf32>,
        %get3A_278 = vector.shape_cast %get3A_277 : vector<16xf32> to vector<16xf32>
        %mul3A_279 = arith.mulf %get3A_278, %get3A_247 : vector<16xf32>
        %jit3A_280 = arith.constant -1.000000e+02 : f32
        %jit3A_281 = arith.constant 1.000000e+02 : f32
        %max3A_282 = vector.broadcast %jit3A_280 : f32 to vector<16xf32>
        %max3A_283 = arith.maximumf %max3A_282, %mul3A_279 : vector<16xf32>
        %min3A_284 = vector.broadcast %jit3A_281 : f32 to vector<16xf32>
        %min3A_285 = arith.minimumf %min3A_284, %max3A_283 : vector<16xf32>
        %swap3A_286 = arith.constant 32 : index
        %swap3A_287 = tpu.vector_load %arg23[%swap3A_286] {strides = array<i32>} : memref<128xf32, #tpu.memory_space<vmem>>, vector<16xf32>,
        %swap3A_288 = vector.shape_cast %swap3A_287 : vector<16xf32> to vector<16xf32>
        %swap3A_289 = vector.shape_cast %min3A_285 : vector<16xf32> to vector<16xf32>
        tpu.vector_store %arg23[%swap3A_286], %swap3A_289 {strides = array<i32>} : memref<128xf32, #tpu.memory_space<vmem>>, vector<16xf32>,
        %get3A_290 = arith.constant 48 : index
        %get3A_291 = tpu.vector_load %arg24[%get3A_290] {strides = array<i32>} : memref<128xf32, #tpu.memory_space<vmem>>, vector<16xf32>,
        %get3A_292 = vector.shape_cast %get3A_291 : vector<16xf32> to vector<16xf32>
        %get3A_293 = arith.constant 48 : index
        %get3A_294 = tpu.vector_load %arg21[%get3A_293] {strides = array<i32>} : memref<128xf32, #tpu.memory_space<vmem>>, vector<16xf32>,
        %get3A_295 = vector.shape_cast %get3A_294 : vector<16xf32> to vector<16xf32>
        %mul3A_296 = arith.mulf %get3A_295, %get3A_292 : vector<16xf32>
        %jit3A_297 = arith.constant -1.000000e+02 : f32
        %jit3A_298 = arith.constant 1.000000e+02 : f32
        %max3A_299 = vector.broadcast %jit3A_297 : f32 to vector<16xf32>
        %max3A_300 = arith.maximumf %max3A_299, %mul3A_296 : vector<16xf32>
        %min3A_301 = vector.broadcast %jit3A_298 : f32 to vector<16xf32>
        %min3A_302 = arith.minimumf %min3A_301, %max3A_300 : vector<16xf32>
        %swap3A_303 = arith.constant 48 : index
        %swap3A_304 = tpu.vector_load %arg21[%swap3A_303] {strides = array<i32>} : memref<128xf32, #tpu.memory_space<vmem>>, vector<16xf32>,
        %swap3A_305 = vector.shape_cast %swap3A_304 : vector<16xf32> to vector<16xf32>
        %swap3A_306 = vector.shape_cast %min3A_302 : vector<16xf32> to vector<16xf32>
        tpu.vector_store %arg21[%swap3A_303], %swap3A_306 {strides = array<i32>} : memref<128xf32, #tpu.memory_space<vmem>>, vector<16xf32>,
        %get3A_307 = arith.constant 48 : index
        %get3A_308 = tpu.vector_load %arg22[%get3A_307] {strides = array<i32>} : memref<128xf32, #tpu.memory_space<vmem>>, vector<16xf32>,
        %get3A_309 = vector.shape_cast %get3A_308 : vector<16xf32> to vector<16xf32>
        %mul3A_310 = arith.mulf %get3A_309, %get3A_292 : vector<16xf32>
        %jit3A_311 = arith.constant -1.000000e+02 : f32
        %jit3A_312 = arith.constant 1.000000e+02 : f32
        %max3A_313 = vector.broadcast %jit3A_311 : f32 to vector<16xf32>
        %max3A_314 = arith.maximumf %max3A_313, %mul3A_310 : vector<16xf32>
        %min3A_315 = vector.broadcast %jit3A_312 : f32 to vector<16xf32>
        %min3A_316 = arith.minimumf %min3A_315, %max3A_314 : vector<16xf32>
        %swap3A_317 = arith.constant 48 : index
        %swap3A_318 = tpu.vector_load %arg22[%swap3A_317] {strides = array<i32>} : memref<128xf32, #tpu.memory_space<vmem>>, vector<16xf32>,
        %swap3A_319 = vector.shape_cast %swap3A_318 : vector<16xf32> to vector<16xf32>
        %swap3A_320 = vector.shape_cast %min3A_316 : vector<16xf32> to vector<16xf32>
        tpu.vector_store %arg22[%swap3A_317], %swap3A_320 {strides = array<i32>} : memref<128xf32, #tpu.memory_space<vmem>>, vector<16xf32>,
        %get3A_321 = arith.constant 48 : index
        %get3A_322 = tpu.vector_load %arg23[%get3A_321] {strides = array<i32>} : memref<128xf32, #tpu.memory_space<vmem>>, vector<16xf32>,
        %get3A_323 = vector.shape_cast %get3A_322 : vector<16xf32> to vector<16xf32>
        %mul3A_324 = arith.mulf %get3A_323, %get3A_292 : vector<16xf32>
        %jit3A_325 = arith.constant -1.000000e+02 : f32
        %jit3A_326 = arith.constant 1.000000e+02 : f32
        %max3A_327 = vector.broadcast %jit3A_325 : f32 to vector<16xf32>
        %max3A_328 = arith.maximumf %max3A_327, %mul3A_324 : vector<16xf32>
        %min3A_329 = vector.broadcast %jit3A_326 : f32 to vector<16xf32>
        %min3A_330 = arith.minimumf %min3A_329, %max3A_328 : vector<16xf32>
        %swap3A_331 = arith.constant 48 : index
        %swap3A_332 = tpu.vector_load %arg23[%swap3A_331] {strides = array<i32>} : memref<128xf32, #tpu.memory_space<vmem>>, vector<16xf32>,
        %swap3A_333 = vector.shape_cast %swap3A_332 : vector<16xf32> to vector<16xf32>
        %swap3A_334 = vector.shape_cast %min3A_330 : vector<16xf32> to vector<16xf32>
        tpu.vector_store %arg23[%swap3A_331], %swap3A_334 {strides = array<i32>} : memref<128xf32, #tpu.memory_space<vmem>>, vector<16xf32>,
        %get3A_335 = arith.constant 64 : index
        %get3A_336 = tpu.vector_load %arg24[%get3A_335] {strides = array<i32>} : memref<128xf32, #tpu.memory_space<vmem>>, vector<16xf32>,
        %get3A_337 = vector.shape_cast %get3A_336 : vector<16xf32> to vector<16xf32>
        %get3A_338 = arith.constant 64 : index
        %get3A_339 = tpu.vector_load %arg21[%get3A_338] {strides = array<i32>} : memref<128xf32, #tpu.memory_space<vmem>>, vector<16xf32>,
        %get3A_340 = vector.shape_cast %get3A_339 : vector<16xf32> to vector<16xf32>
        %mul3A_341 = arith.mulf %get3A_340, %get3A_337 : vector<16xf32>
        %jit3A_342 = arith.constant -1.000000e+02 : f32
        %jit3A_343 = arith.constant 1.000000e+02 : f32
        %max3A_344 = vector.broadcast %jit3A_342 : f32 to vector<16xf32>
        %max3A_345 = arith.maximumf %max3A_344, %mul3A_341 : vector<16xf32>
        %min3A_346 = vector.broadcast %jit3A_343 : f32 to vector<16xf32>
        %min3A_347 = arith.minimumf %min3A_346, %max3A_345 : vector<16xf32>
        %swap3A_348 = arith.constant 64 : index
        %swap3A_349 = tpu.vector_load %arg21[%swap3A_348] {strides = array<i32>} : memref<128xf32, #tpu.memory_space<vmem>>, vector<16xf32>,
        %swap3A_350 = vector.shape_cast %swap3A_349 : vector<16xf32> to vector<16xf32>
        %swap3A_351 = vector.shape_cast %min3A_347 : vector<16xf32> to vector<16xf32>
        tpu.vector_store %arg21[%swap3A_348], %swap3A_351 {strides = array<i32>} : memref<128xf32, #tpu.memory_space<vmem>>, vector<16xf32>,
        %get3A_352 = arith.constant 64 : index
        %get3A_353 = tpu.vector_load %arg22[%get3A_352] {strides = array<i32>} : memref<128xf32, #tpu.memory_space<vmem>>, vector<16xf32>,
        %get3A_354 = vector.shape_cast %get3A_353 : vector<16xf32> to vector<16xf32>
        %mul3A_355 = arith.mulf %get3A_354, %get3A_337 : vector<16xf32>
        %jit3A_356 = arith.constant -1.000000e+02 : f32
        %jit3A_357 = arith.constant 1.000000e+02 : f32
        %max3A_358 = vector.broadcast %jit3A_356 : f32 to vector<16xf32>
        %max3A_359 = arith.maximumf %max3A_358, %mul3A_355 : vector<16xf32>
        %min3A_360 = vector.broadcast %jit3A_357 : f32 to vector<16xf32>
        %min3A_361 = arith.minimumf %min3A_360, %max3A_359 : vector<16xf32>
        %swap3A_362 = arith.constant 64 : index
        %swap3A_363 = tpu.vector_load %arg22[%swap3A_362] {strides = array<i32>} : memref<128xf32, #tpu.memory_space<vmem>>, vector<16xf32>,
        %swap3A_364 = vector.shape_cast %swap3A_363 : vector<16xf32> to vector<16xf32>
        %swap3A_365 = vector.shape_cast %min3A_361 : vector<16xf32> to vector<16xf32>
        tpu.vector_store %arg22[%swap3A_362], %swap3A_365 {strides = array<i32>} : memref<128xf32, #tpu.memory_space<vmem>>, vector<16xf32>,
        %get3A_366 = arith.constant 64 : index
        %get3A_367 = tpu.vector_load %arg23[%get3A_366] {strides = array<i32>} : memref<128xf32, #tpu.memory_space<vmem>>, vector<16xf32>,
        %get3A_368 = vector.shape_cast %get3A_367 : vector<16xf32> to vector<16xf32>
        %mul3A_369 = arith.mulf %get3A_368, %get3A_337 : vector<16xf32>
        %jit3A_370 = arith.constant -1.000000e+02 : f32
        %jit3A_371 = arith.constant 1.000000e+02 : f32
        %max3A_372 = vector.broadcast %jit3A_370 : f32 to vector<16xf32>
        %max3A_373 = arith.maximumf %max3A_372, %mul3A_369 : vector<16xf32>
        %min3A_374 = vector.broadcast %jit3A_371 : f32 to vector<16xf32>
        %min3A_375 = arith.minimumf %min3A_374, %max3A_373 : vector<16xf32>
        %swap3A_376 = arith.constant 64 : index
        %swap3A_377 = tpu.vector_load %arg23[%swap3A_376] {strides = array<i32>} : memref<128xf32, #tpu.memory_space<vmem>>, vector<16xf32>,
        %swap3A_378 = vector.shape_cast %swap3A_377 : vector<16xf32> to vector<16xf32>
        %swap3A_379 = vector.shape_cast %min3A_375 : vector<16xf32> to vector<16xf32>
        tpu.vector_store %arg23[%swap3A_376], %swap3A_379 {strides = array<i32>} : memref<128xf32, #tpu.memory_space<vmem>>, vector<16xf32>,
        %get3A_380 = arith.constant 80 : index
        %get3A_381 = tpu.vector_load %arg24[%get3A_380] {strides = array<i32>} : memref<128xf32, #tpu.memory_space<vmem>>, vector<16xf32>,
        %get3A_382 = vector.shape_cast %get3A_381 : vector<16xf32> to vector<16xf32>
        %get3A_383 = arith.constant 80 : index
        %get3A_384 = tpu.vector_load %arg21[%get3A_383] {strides = array<i32>} : memref<128xf32, #tpu.memory_space<vmem>>, vector<16xf32>,
        %get3A_385 = vector.shape_cast %get3A_384 : vector<16xf32> to vector<16xf32>
        %mul3A_386 = arith.mulf %get3A_385, %get3A_382 : vector<16xf32>
        %jit3A_387 = arith.constant -1.000000e+02 : f32
        %jit3A_388 = arith.constant 1.000000e+02 : f32
        %max3A_389 = vector.broadcast %jit3A_387 : f32 to vector<16xf32>
        %max3A_390 = arith.maximumf %max3A_389, %mul3A_386 : vector<16xf32>
        %min3A_391 = vector.broadcast %jit3A_388 : f32 to vector<16xf32>
        %min3A_392 = arith.minimumf %min3A_391, %max3A_390 : vector<16xf32>
        %swap3A_393 = arith.constant 80 : index
        %swap3A_394 = tpu.vector_load %arg21[%swap3A_393] {strides = array<i32>} : memref<128xf32, #tpu.memory_space<vmem>>, vector<16xf32>,
        %swap3A_395 = vector.shape_cast %swap3A_394 : vector<16xf32> to vector<16xf32>
        %swap3A_396 = vector.shape_cast %min3A_392 : vector<16xf32> to vector<16xf32>
        tpu.vector_store %arg21[%swap3A_393], %swap3A_396 {strides = array<i32>} : memref<128xf32, #tpu.memory_space<vmem>>, vector<16xf32>,
        %get3A_397 = arith.constant 80 : index
        %get3A_398 = tpu.vector_load %arg22[%get3A_397] {strides = array<i32>} : memref<128xf32, #tpu.memory_space<vmem>>, vector<16xf32>,
        %get3A_399 = vector.shape_cast %get3A_398 : vector<16xf32> to vector<16xf32>
        %mul3A_400 = arith.mulf %get3A_399, %get3A_382 : vector<16xf32>
        %jit3A_401 = arith.constant -1.000000e+02 : f32
        %jit3A_402 = arith.constant 1.000000e+02 : f32
        %max3A_403 = vector.broadcast %jit3A_401 : f32 to vector<16xf32>
        %max3A_404 = arith.maximumf %max3A_403, %mul3A_400 : vector<16xf32>
        %min3A_405 = vector.broadcast %jit3A_402 : f32 to vector<16xf32>
        %min3A_406 = arith.minimumf %min3A_405, %max3A_404 : vector<16xf32>
        %swap3A_407 = arith.constant 80 : index
        %swap3A_408 = tpu.vector_load %arg22[%swap3A_407] {strides = array<i32>} : memref<128xf32, #tpu.memory_space<vmem>>, vector<16xf32>,
        %swap3A_409 = vector.shape_cast %swap3A_408 : vector<16xf32> to vector<16xf32>
        %swap3A_410 = vector.shape_cast %min3A_406 : vector<16xf32> to vector<16xf32>
        tpu.vector_store %arg22[%swap3A_407], %swap3A_410 {strides = array<i32>} : memref<128xf32, #tpu.memory_space<vmem>>, vector<16xf32>,
        %get3A_411 = arith.constant 80 : index
        %get3A_412 = tpu.vector_load %arg23[%get3A_411] {strides = array<i32>} : memref<128xf32, #tpu.memory_space<vmem>>, vector<16xf32>,
        %get3A_413 = vector.shape_cast %get3A_412 : vector<16xf32> to vector<16xf32>
        %mul3A_414 = arith.mulf %get3A_413, %get3A_382 : vector<16xf32>
        %jit3A_415 = arith.constant -1.000000e+02 : f32
        %jit3A_416 = arith.constant 1.000000e+02 : f32
        %max3A_417 = vector.broadcast %jit3A_415 : f32 to vector<16xf32>
        %max3A_418 = arith.maximumf %max3A_417, %mul3A_414 : vector<16xf32>
        %min3A_419 = vector.broadcast %jit3A_416 : f32 to vector<16xf32>
        %min3A_420 = arith.minimumf %min3A_419, %max3A_418 : vector<16xf32>
        %swap3A_421 = arith.constant 80 : index
        %swap3A_422 = tpu.vector_load %arg23[%swap3A_421] {strides = array<i32>} : memref<128xf32, #tpu.memory_space<vmem>>, vector<16xf32>,
        %swap3A_423 = vector.shape_cast %swap3A_422 : vector<16xf32> to vector<16xf32>
        %swap3A_424 = vector.shape_cast %min3A_420 : vector<16xf32> to vector<16xf32>
        tpu.vector_store %arg23[%swap3A_421], %swap3A_424 {strides = array<i32>} : memref<128xf32, #tpu.memory_space<vmem>>, vector<16xf32>,
        %get3A_425 = arith.constant 96 : index
        %get3A_426 = tpu.vector_load %arg24[%get3A_425] {strides = array<i32>} : memref<128xf32, #tpu.memory_space<vmem>>, vector<16xf32>,
        %get3A_427 = vector.shape_cast %get3A_426 : vector<16xf32> to vector<16xf32>
        %get3A_428 = arith.constant 96 : index
        %get3A_429 = tpu.vector_load %arg21[%get3A_428] {strides = array<i32>} : memref<128xf32, #tpu.memory_space<vmem>>, vector<16xf32>,
        %get3A_430 = vector.shape_cast %get3A_429 : vector<16xf32> to vector<16xf32>
        %mul3A_431 = arith.mulf %get3A_430, %get3A_427 : vector<16xf32>
        %jit3A_432 = arith.constant -1.000000e+02 : f32
        %jit3A_433 = arith.constant 1.000000e+02 : f32
        %max3A_434 = vector.broadcast %jit3A_432 : f32 to vector<16xf32>
        %max3A_435 = arith.maximumf %max3A_434, %mul3A_431 : vector<16xf32>
        %min3A_436 = vector.broadcast %jit3A_433 : f32 to vector<16xf32>
        %min3A_437 = arith.minimumf %min3A_436, %max3A_435 : vector<16xf32>
        %swap3A_438 = arith.constant 96 : index
        %swap3A_439 = tpu.vector_load %arg21[%swap3A_438] {strides = array<i32>} : memref<128xf32, #tpu.memory_space<vmem>>, vector<16xf32>,
        %swap3A_440 = vector.shape_cast %swap3A_439 : vector<16xf32> to vector<16xf32>
        %swap3A_441 = vector.shape_cast %min3A_437 : vector<16xf32> to vector<16xf32>
        tpu.vector_store %arg21[%swap3A_438], %swap3A_441 {strides = array<i32>} : memref<128xf32, #tpu.memory_space<vmem>>, vector<16xf32>,
        %get3A_442 = arith.constant 96 : index
        %get3A_443 = tpu.vector_load %arg22[%get3A_442] {strides = array<i32>} : memref<128xf32, #tpu.memory_space<vmem>>, vector<16xf32>,
        %get3A_444 = vector.shape_cast %get3A_443 : vector<16xf32> to vector<16xf32>
        %mul3A_445 = arith.mulf %get3A_444, %get3A_427 : vector<16xf32>
        %jit3A_446 = arith.constant -1.000000e+02 : f32
        %jit3A_447 = arith.constant 1.000000e+02 : f32
        %max3A_448 = vector.broadcast %jit3A_446 : f32 to vector<16xf32>
        %max3A_449 = arith.maximumf %max3A_448, %mul3A_445 : vector<16xf32>
        %min3A_450 = vector.broadcast %jit3A_447 : f32 to vector<16xf32>
        %min3A_451 = arith.minimumf %min3A_450, %max3A_449 : vector<16xf32>
        %swap3A_452 = arith.constant 96 : index
        %swap3A_453 = tpu.vector_load %arg22[%swap3A_452] {strides = array<i32>} : memref<128xf32, #tpu.memory_space<vmem>>, vector<16xf32>,
        %swap3A_454 = vector.shape_cast %swap3A_453 : vector<16xf32> to vector<16xf32>
        %swap3A_455 = vector.shape_cast %min3A_451 : vector<16xf32> to vector<16xf32>
        tpu.vector_store %arg22[%swap3A_452], %swap3A_455 {strides = array<i32>} : memref<128xf32, #tpu.memory_space<vmem>>, vector<16xf32>,
        %get3A_456 = arith.constant 96 : index
        %get3A_457 = tpu.vector_load %arg23[%get3A_456] {strides = array<i32>} : memref<128xf32, #tpu.memory_space<vmem>>, vector<16xf32>,
        %get3A_458 = vector.shape_cast %get3A_457 : vector<16xf32> to vector<16xf32>
        %mul3A_459 = arith.mulf %get3A_458, %get3A_427 : vector<16xf32>
        %jit3A_460 = arith.constant -1.000000e+02 : f32
        %jit3A_461 = arith.constant 1.000000e+02 : f32
        %max3A_462 = vector.broadcast %jit3A_460 : f32 to vector<16xf32>
        %max3A_463 = arith.maximumf %max3A_462, %mul3A_459 : vector<16xf32>
        %min3A_464 = vector.broadcast %jit3A_461 : f32 to vector<16xf32>
        %min3A_465 = arith.minimumf %min3A_464, %max3A_463 : vector<16xf32>
        %swap3A_466 = arith.constant 96 : index
        %swap3A_467 = tpu.vector_load %arg23[%swap3A_466] {strides = array<i32>} : memref<128xf32, #tpu.memory_space<vmem>>, vector<16xf32>,
        %swap3A_468 = vector.shape_cast %swap3A_467 : vector<16xf32> to vector<16xf32>
        %swap3A_469 = vector.shape_cast %min3A_465 : vector<16xf32> to vector<16xf32>
        tpu.vector_store %arg23[%swap3A_466], %swap3A_469 {strides = array<i32>} : memref<128xf32, #tpu.memory_space<vmem>>, vector<16xf32>,
        %get3A_470 = arith.constant 112 : index
        %get3A_471 = tpu.vector_load %arg24[%get3A_470] {strides = array<i32>} : memref<128xf32, #tpu.memory_space<vmem>>, vector<16xf32>,
        %get3A_472 = vector.shape_cast %get3A_471 : vector<16xf32> to vector<16xf32>
        %get3A_473 = arith.constant 112 : index
        %get3A_474 = tpu.vector_load %arg21[%get3A_473] {strides = array<i32>} : memref<128xf32, #tpu.memory_space<vmem>>, vector<16xf32>,
        %get3A_475 = vector.shape_cast %get3A_474 : vector<16xf32> to vector<16xf32>
        %mul3A_476 = arith.mulf %get3A_475, %get3A_472 : vector<16xf32>
        %jit3A_477 = arith.constant -1.000000e+02 : f32
        %jit3A_478 = arith.constant 1.000000e+02 : f32
        %max3A_479 = vector.broadcast %jit3A_477 : f32 to vector<16xf32>
        %max3A_480 = arith.maximumf %max3A_479, %mul3A_476 : vector<16xf32>
        %min3A_481 = vector.broadcast %jit3A_478 : f32 to vector<16xf32>
        %min3A_482 = arith.minimumf %min3A_481, %max3A_480 : vector<16xf32>
        %swap3A_483 = arith.constant 112 : index
        %swap3A_484 = tpu.vector_load %arg21[%swap3A_483] {strides = array<i32>} : memref<128xf32, #tpu.memory_space<vmem>>, vector<16xf32>,
        %swap3A_485 = vector.shape_cast %swap3A_484 : vector<16xf32> to vector<16xf32>
        %swap3A_486 = vector.shape_cast %min3A_482 : vector<16xf32> to vector<16xf32>
        tpu.vector_store %arg21[%swap3A_483], %swap3A_486 {strides = array<i32>} : memref<128xf32, #tpu.memory_space<vmem>>, vector<16xf32>,
        %get3A_487 = arith.constant 112 : index
        %get3A_488 = tpu.vector_load %arg22[%get3A_487] {strides = array<i32>} : memref<128xf32, #tpu.memory_space<vmem>>, vector<16xf32>,
        %get3A_489 = vector.shape_cast %get3A_488 : vector<16xf32> to vector<16xf32>
        %mul3A_490 = arith.mulf %get3A_489, %get3A_472 : vector<16xf32>
        %jit3A_491 = arith.constant -1.000000e+02 : f32
        %jit3A_492 = arith.constant 1.000000e+02 : f32
        %max3A_493 = vector.broadcast %jit3A_491 : f32 to vector<16xf32>
        %max3A_494 = arith.maximumf %max3A_493, %mul3A_490 : vector<16xf32>
        %min3A_495 = vector.broadcast %jit3A_492 : f32 to vector<16xf32>
        %min3A_496 = arith.minimumf %min3A_495, %max3A_494 : vector<16xf32>
        %swap3A_497 = arith.constant 112 : index
        %swap3A_498 = tpu.vector_load %arg22[%swap3A_497] {strides = array<i32>} : memref<128xf32, #tpu.memory_space<vmem>>, vector<16xf32>,
        %swap3A_499 = vector.shape_cast %swap3A_498 : vector<16xf32> to vector<16xf32>
        %swap3A_500 = vector.shape_cast %min3A_496 : vector<16xf32> to vector<16xf32>
        tpu.vector_store %arg22[%swap3A_497], %swap3A_500 {strides = array<i32>} : memref<128xf32, #tpu.memory_space<vmem>>, vector<16xf32>,
        %get3A_501 = arith.constant 112 : index
        %get3A_502 = tpu.vector_load %arg23[%get3A_501] {strides = array<i32>} : memref<128xf32, #tpu.memory_space<vmem>>, vector<16xf32>,
        %get3A_503 = vector.shape_cast %get3A_502 : vector<16xf32> to vector<16xf32>
        %mul3A_504 = arith.mulf %get3A_503, %get3A_472 : vector<16xf32>
        %jit3A_505 = arith.constant -1.000000e+02 : f32
        %jit3A_506 = arith.constant 1.000000e+02 : f32
        %max3A_507 = vector.broadcast %jit3A_505 : f32 to vector<16xf32>
        %max3A_508 = arith.maximumf %max3A_507, %mul3A_504 : vector<16xf32>
        %min3A_509 = vector.broadcast %jit3A_506 : f32 to vector<16xf32>
        %min3A_510 = arith.minimumf %min3A_509, %max3A_508 : vector<16xf32>
        %swap3A_511 = arith.constant 112 : index
        %swap3A_512 = tpu.vector_load %arg23[%swap3A_511] {strides = array<i32>} : memref<128xf32, #tpu.memory_space<vmem>>, vector<16xf32>,
        %swap3A_513 = vector.shape_cast %swap3A_512 : vector<16xf32> to vector<16xf32>
        %swap3A_514 = vector.shape_cast %min3A_510 : vector<16xf32> to vector<16xf32>
        tpu.vector_store %arg23[%swap3A_511], %swap3A_514 {strides = array<i32>} : memref<128xf32, #tpu.memory_space<vmem>>, vector<16xf32>,
        "tpu.region"() ({
          %run_scoped3A = tpu.sem_alloc : memref<!tpu.dma_semaphore, #tpu.memory_space<semaphore_mem>>
          %dma_start3A_515 = arith.constant 0 : i32
          %dma_start3A_516 = tpu.memref_slice %arg27[%dma_start3A_515] : memref<51200xf32, #tpu.memory_space<vmem_shared>> -> memref<51200xf32, #tpu.memory_space<vmem_shared>>
          tpu.enqueue_indirect_dma source(%arg21 : memref<128xf32, #tpu.memory_space<vmem>>) target(%dma_start3A_516 : memref<51200xf32, #tpu.memory_space<vmem_shared>>) offsets(%arg20 : memref<128xi32, #tpu.memory_space<vmem>>) semaphore(%run_scoped3A : memref<!tpu.dma_semaphore, #tpu.memory_space<semaphore_mem>>) {add = true}
          %dma_wait3A = arith.constant 0 : i32
          %dma_wait3A_517 = tpu.memref_slice %arg27[%dma_wait3A] : memref<51200xf32, #tpu.memory_space<vmem_shared>> -> memref<51200xf32, #tpu.memory_space<vmem_shared>>
          tpu.wait_indirect_dma semaphore(%run_scoped3A : memref<!tpu.dma_semaphore, #tpu.memory_space<semaphore_mem>>) src(%arg21 : memref<128xf32, #tpu.memory_space<vmem>>) dst(%dma_wait3A_517 : memref<51200xf32, #tpu.memory_space<vmem_shared>>)
          tpu.yield
        }) : () -> ()
        "tpu.region"() ({
          %run_scoped3A = tpu.sem_alloc : memref<!tpu.dma_semaphore, #tpu.memory_space<semaphore_mem>>
          %dma_start3A_515 = arith.constant 0 : i32
          %dma_start3A_516 = tpu.memref_slice %arg28[%dma_start3A_515] : memref<51200xf32, #tpu.memory_space<vmem_shared>> -> memref<51200xf32, #tpu.memory_space<vmem_shared>>
          tpu.enqueue_indirect_dma source(%arg22 : memref<128xf32, #tpu.memory_space<vmem>>) target(%dma_start3A_516 : memref<51200xf32, #tpu.memory_space<vmem_shared>>) offsets(%arg20 : memref<128xi32, #tpu.memory_space<vmem>>) semaphore(%run_scoped3A : memref<!tpu.dma_semaphore, #tpu.memory_space<semaphore_mem>>) {add = true}
          %dma_wait3A = arith.constant 0 : i32
          %dma_wait3A_517 = tpu.memref_slice %arg28[%dma_wait3A] : memref<51200xf32, #tpu.memory_space<vmem_shared>> -> memref<51200xf32, #tpu.memory_space<vmem_shared>>
          tpu.wait_indirect_dma semaphore(%run_scoped3A : memref<!tpu.dma_semaphore, #tpu.memory_space<semaphore_mem>>) src(%arg22 : memref<128xf32, #tpu.memory_space<vmem>>) dst(%dma_wait3A_517 : memref<51200xf32, #tpu.memory_space<vmem_shared>>)
          tpu.yield
        }) : () -> ()
        "tpu.region"() ({
          %run_scoped3A = tpu.sem_alloc : memref<!tpu.dma_semaphore, #tpu.memory_space<semaphore_mem>>
          %dma_start3A_515 = arith.constant 0 : i32
          %dma_start3A_516 = tpu.memref_slice %arg29[%dma_start3A_515] : memref<51200xf32, #tpu.memory_space<vmem_shared>> -> memref<51200xf32, #tpu.memory_space<vmem_shared>>
          tpu.enqueue_indirect_dma source(%arg23 : memref<128xf32, #tpu.memory_space<vmem>>) target(%dma_start3A_516 : memref<51200xf32, #tpu.memory_space<vmem_shared>>) offsets(%arg20 : memref<128xi32, #tpu.memory_space<vmem>>) semaphore(%run_scoped3A : memref<!tpu.dma_semaphore, #tpu.memory_space<semaphore_mem>>) {add = true}
          %dma_wait3A = arith.constant 0 : i32
          %dma_wait3A_517 = tpu.memref_slice %arg29[%dma_wait3A] : memref<51200xf32, #tpu.memory_space<vmem_shared>> -> memref<51200xf32, #tpu.memory_space<vmem_shared>>
          tpu.wait_indirect_dma semaphore(%run_scoped3A : memref<!tpu.dma_semaphore, #tpu.memory_space<semaphore_mem>>) src(%arg23 : memref<128xf32, #tpu.memory_space<vmem>>) dst(%dma_wait3A_517 : memref<51200xf32, #tpu.memory_space<vmem_shared>>)
          tpu.yield
        }) : () -> ()
        "tpu.region"() ({
          %run_scoped3A = tpu.sem_alloc : memref<!tpu.dma_semaphore, #tpu.memory_space<semaphore_mem>>
          %dma_start3A_515 = arith.constant 0 : i32
          %dma_start3A_516 = tpu.memref_slice %arg30[%dma_start3A_515] : memref<51200xf32, #tpu.memory_space<vmem_shared>> -> memref<51200xf32, #tpu.memory_space<vmem_shared>>
          tpu.enqueue_indirect_dma source(%arg25 : memref<128xf32, #tpu.memory_space<vmem>>) target(%dma_start3A_516 : memref<51200xf32, #tpu.memory_space<vmem_shared>>) offsets(%arg20 : memref<128xi32, #tpu.memory_space<vmem>>) semaphore(%run_scoped3A : memref<!tpu.dma_semaphore, #tpu.memory_space<semaphore_mem>>) {add = true}
          %dma_wait3A = arith.constant 0 : i32
          %dma_wait3A_517 = tpu.memref_slice %arg30[%dma_wait3A] : memref<51200xf32, #tpu.memory_space<vmem_shared>> -> memref<51200xf32, #tpu.memory_space<vmem_shared>>
          tpu.wait_indirect_dma semaphore(%run_scoped3A : memref<!tpu.dma_semaphore, #tpu.memory_space<semaphore_mem>>) src(%arg25 : memref<128xf32, #tpu.memory_space<vmem>>) dst(%dma_wait3A_517 : memref<51200xf32, #tpu.memory_space<vmem_shared>>)
          tpu.yield
        }) : () -> ()
      } else {
      }
      %add3A_152 = arith.constant 2 : i32
      %add3A_153 = arith.addi %add3A_140, %add3A_152 : i32
      %lt3A_154 = arith.cmpi slt, %add3A_153, %add3A_4 : i32
      %convert_element_type3A_155 = arith.extui %lt3A_154 : i1 to i32
      %cond3A_156 = arith.constant 0 : i32
      %cond3A_157 = arith.cmpi ne, %convert_element_type3A_155, %cond3A_156 : i32
      scf.if %cond3A_157 {
        %add3A_158 = arith.constant 2 : i32
        %add3A_159 = arith.addi %add3A_140, %add3A_158 : i32
        %mul3A_160 = arith.constant 32 : i32
        %mul3A_161 = arith.muli %add3A_159, %mul3A_160 : i32
        %add3A_162 = arith.addi %add3A, %mul3A_161 : i32
        %mul3A_163 = arith.constant 128 : i32
        %mul3A_164 = arith.muli %add3A_162, %mul3A_163 : i32
        %dma_start3A_165 = tpu.memref_slice %arg6[%mul3A_164] : memref<1600000xi32, #tpu.memory_space<hbm>> -> memref<128xi32, #tpu.memory_space<hbm>>
        %dma_start3A_166 = tpu.memref_slice %arg6[%mul3A_164] : memref<1600000xi32, #tpu.memory_space<hbm>> -> memref<128xi32, #tpu.memory_space<hbm>>
        tpu.enqueue_dma source(%dma_start3A_166 : memref<128xi32, #tpu.memory_space<hbm>>) target(%arg20 : memref<128xi32, #tpu.memory_space<vmem>>) target_semaphore(%arg32 : memref<!tpu.dma_semaphore, #tpu.memory_space<semaphore_mem>>)
        %dma_start3A_167 = tpu.memref_slice %arg2[%mul3A_164] : memref<1600000xf32, #tpu.memory_space<hbm>> -> memref<128xf32, #tpu.memory_space<hbm>>
        %dma_start3A_168 = tpu.memref_slice %arg2[%mul3A_164] : memref<1600000xf32, #tpu.memory_space<hbm>> -> memref<128xf32, #tpu.memory_space<hbm>>
        tpu.enqueue_dma source(%dma_start3A_168 : memref<128xf32, #tpu.memory_space<hbm>>) target(%arg21 : memref<128xf32, #tpu.memory_space<vmem>>) target_semaphore(%arg32 : memref<!tpu.dma_semaphore, #tpu.memory_space<semaphore_mem>>)
        %dma_start3A_169 = tpu.memref_slice %arg3[%mul3A_164] : memref<1600000xf32, #tpu.memory_space<hbm>> -> memref<128xf32, #tpu.memory_space<hbm>>
        %dma_start3A_170 = tpu.memref_slice %arg3[%mul3A_164] : memref<1600000xf32, #tpu.memory_space<hbm>> -> memref<128xf32, #tpu.memory_space<hbm>>
        tpu.enqueue_dma source(%dma_start3A_170 : memref<128xf32, #tpu.memory_space<hbm>>) target(%arg22 : memref<128xf32, #tpu.memory_space<vmem>>) target_semaphore(%arg32 : memref<!tpu.dma_semaphore, #tpu.memory_space<semaphore_mem>>)
        %dma_start3A_171 = tpu.memref_slice %arg4[%mul3A_164] : memref<1600000xf32, #tpu.memory_space<hbm>> -> memref<128xf32, #tpu.memory_space<hbm>>
        %dma_start3A_172 = tpu.memref_slice %arg4[%mul3A_164] : memref<1600000xf32, #tpu.memory_space<hbm>> -> memref<128xf32, #tpu.memory_space<hbm>>
        tpu.enqueue_dma source(%dma_start3A_172 : memref<128xf32, #tpu.memory_space<hbm>>) target(%arg23 : memref<128xf32, #tpu.memory_space<vmem>>) target_semaphore(%arg32 : memref<!tpu.dma_semaphore, #tpu.memory_space<semaphore_mem>>)
        %dma_start3A_173 = tpu.memref_slice %arg5[%mul3A_164] : memref<1600000xf32, #tpu.memory_space<hbm>> -> memref<128xf32, #tpu.memory_space<hbm>>
        %dma_start3A_174 = tpu.memref_slice %arg5[%mul3A_164] : memref<1600000xf32, #tpu.memory_space<hbm>> -> memref<128xf32, #tpu.memory_space<hbm>>
        tpu.enqueue_dma source(%dma_start3A_174 : memref<128xf32, #tpu.memory_space<hbm>>) target(%arg24 : memref<128xf32, #tpu.memory_space<vmem>>) target_semaphore(%arg32 : memref<!tpu.dma_semaphore, #tpu.memory_space<semaphore_mem>>)
      } else {
      }
    }
    %scan3A_108 = arith.constant 197 : i32
    %barrier3A_109 = arith.constant 0 : index
    tpu.barrier barrier_id(%barrier3A_109)
    %eq3A = arith.constant 0 : i32
    %eq3A_110 = arith.cmpi eq, %arg0, %eq3A : i32
    %convert_element_type3A = arith.extui %eq3A_110 : i1 to i32
    %cond3A = arith.constant 0 : i32
    %cond3A_111 = arith.cmpi ne, %convert_element_type3A, %cond3A : i32
    scf.if %cond3A_111 {
      %mul3A_117 = arith.constant 3200 : i32
      %mul3A_118 = arith.muli %arg1, %mul3A_117 : i32
      %mul3A_119 = arith.constant 3200 : i32
      %mul3A_120 = arith.muli %arg1, %mul3A_119 : i32
      "tpu.region"() ({
        %run_scoped3A = tpu.sem_alloc : memref<!tpu.dma_semaphore, #tpu.memory_space<semaphore_mem>>
        %dma_start3A_133 = tpu.memref_slice %arg7[%mul3A_120] : memref<51200xf32, #tpu.memory_space<hbm>> -> memref<3200xf32, #tpu.memory_space<hbm>>
        %dma_start3A_134 = tpu.memref_slice %arg27[%mul3A_118] : memref<51200xf32, #tpu.memory_space<vmem_shared>> -> memref<3200xf32, #tpu.memory_space<vmem_shared>>
        tpu.enqueue_dma source(%dma_start3A_134 : memref<3200xf32, #tpu.memory_space<vmem_shared>>) target(%dma_start3A_133 : memref<3200xf32, #tpu.memory_space<hbm>>) target_semaphore(%run_scoped3A : memref<!tpu.dma_semaphore, #tpu.memory_space<semaphore_mem>>)
        %dma_wait3A = tpu.memref_slice %arg7[%mul3A_120] : memref<51200xf32, #tpu.memory_space<hbm>> -> memref<3200xf32, #tpu.memory_space<hbm>>
        %dma_wait3A_135 = tpu.memref_slice %arg27[%mul3A_118] : memref<51200xf32, #tpu.memory_space<vmem_shared>> -> memref<3200xf32, #tpu.memory_space<vmem_shared>>
        tpu.wait_dma2 semaphore(%run_scoped3A : memref<!tpu.dma_semaphore, #tpu.memory_space<semaphore_mem>>) src(%dma_wait3A_135 : memref<3200xf32, #tpu.memory_space<vmem_shared>>) dst(%dma_wait3A : memref<3200xf32, #tpu.memory_space<hbm>>)
        tpu.yield
      }) : () -> ()
      %mul3A_121 = arith.constant 3200 : i32
      %mul3A_122 = arith.muli %arg1, %mul3A_121 : i32
      %mul3A_123 = arith.constant 3200 : i32
      %mul3A_124 = arith.muli %arg1, %mul3A_123 : i32
      "tpu.region"() ({
        %run_scoped3A = tpu.sem_alloc : memref<!tpu.dma_semaphore, #tpu.memory_space<semaphore_mem>>
        %dma_start3A_133 = tpu.memref_slice %arg8[%mul3A_124] : memref<51200xf32, #tpu.memory_space<hbm>> -> memref<3200xf32, #tpu.memory_space<hbm>>
        %dma_start3A_134 = tpu.memref_slice %arg28[%mul3A_122] : memref<51200xf32, #tpu.memory_space<vmem_shared>> -> memref<3200xf32, #tpu.memory_space<vmem_shared>>
        tpu.enqueue_dma source(%dma_start3A_134 : memref<3200xf32, #tpu.memory_space<vmem_shared>>) target(%dma_start3A_133 : memref<3200xf32, #tpu.memory_space<hbm>>) target_semaphore(%run_scoped3A : memref<!tpu.dma_semaphore, #tpu.memory_space<semaphore_mem>>)
        %dma_wait3A = tpu.memref_slice %arg8[%mul3A_124] : memref<51200xf32, #tpu.memory_space<hbm>> -> memref<3200xf32, #tpu.memory_space<hbm>>
        %dma_wait3A_135 = tpu.memref_slice %arg28[%mul3A_122] : memref<51200xf32, #tpu.memory_space<vmem_shared>> -> memref<3200xf32, #tpu.memory_space<vmem_shared>>
        tpu.wait_dma2 semaphore(%run_scoped3A : memref<!tpu.dma_semaphore, #tpu.memory_space<semaphore_mem>>) src(%dma_wait3A_135 : memref<3200xf32, #tpu.memory_space<vmem_shared>>) dst(%dma_wait3A : memref<3200xf32, #tpu.memory_space<hbm>>)
        tpu.yield
      }) : () -> ()
      %mul3A_125 = arith.constant 3200 : i32
      %mul3A_126 = arith.muli %arg1, %mul3A_125 : i32
      %mul3A_127 = arith.constant 3200 : i32
      %mul3A_128 = arith.muli %arg1, %mul3A_127 : i32
      "tpu.region"() ({
        %run_scoped3A = tpu.sem_alloc : memref<!tpu.dma_semaphore, #tpu.memory_space<semaphore_mem>>
        %dma_start3A_133 = tpu.memref_slice %arg9[%mul3A_128] : memref<51200xf32, #tpu.memory_space<hbm>> -> memref<3200xf32, #tpu.memory_space<hbm>>
        %dma_start3A_134 = tpu.memref_slice %arg29[%mul3A_126] : memref<51200xf32, #tpu.memory_space<vmem_shared>> -> memref<3200xf32, #tpu.memory_space<vmem_shared>>
        tpu.enqueue_dma source(%dma_start3A_134 : memref<3200xf32, #tpu.memory_space<vmem_shared>>) target(%dma_start3A_133 : memref<3200xf32, #tpu.memory_space<hbm>>) target_semaphore(%run_scoped3A : memref<!tpu.dma_semaphore, #tpu.memory_space<semaphore_mem>>)
        %dma_wait3A = tpu.memref_slice %arg9[%mul3A_128] : memref<51200xf32, #tpu.memory_space<hbm>> -> memref<3200xf32, #tpu.memory_space<hbm>>
        %dma_wait3A_135 = tpu.memref_slice %arg29[%mul3A_126] : memref<51200xf32, #tpu.memory_space<vmem_shared>> -> memref<3200xf32, #tpu.memory_space<vmem_shared>>
        tpu.wait_dma2 semaphore(%run_scoped3A : memref<!tpu.dma_semaphore, #tpu.memory_space<semaphore_mem>>) src(%dma_wait3A_135 : memref<3200xf32, #tpu.memory_space<vmem_shared>>) dst(%dma_wait3A : memref<3200xf32, #tpu.memory_space<hbm>>)
        tpu.yield
      }) : () -> ()
      %mul3A_129 = arith.constant 3200 : i32
      %mul3A_130 = arith.muli %arg1, %mul3A_129 : i32
      %mul3A_131 = arith.constant 3200 : i32
      %mul3A_132 = arith.muli %arg1, %mul3A_131 : i32
      "tpu.region"() ({
        %run_scoped3A = tpu.sem_alloc : memref<!tpu.dma_semaphore, #tpu.memory_space<semaphore_mem>>
        %dma_start3A_133 = tpu.memref_slice %arg10[%mul3A_132] : memref<51200xf32, #tpu.memory_space<hbm>> -> memref<3200xf32, #tpu.memory_space<hbm>>
        %dma_start3A_134 = tpu.memref_slice %arg30[%mul3A_130] : memref<51200xf32, #tpu.memory_space<vmem_shared>> -> memref<3200xf32, #tpu.memory_space<vmem_shared>>
        tpu.enqueue_dma source(%dma_start3A_134 : memref<3200xf32, #tpu.memory_space<vmem_shared>>) target(%dma_start3A_133 : memref<3200xf32, #tpu.memory_space<hbm>>) target_semaphore(%run_scoped3A : memref<!tpu.dma_semaphore, #tpu.memory_space<semaphore_mem>>)
        %dma_wait3A = tpu.memref_slice %arg10[%mul3A_132] : memref<51200xf32, #tpu.memory_space<hbm>> -> memref<3200xf32, #tpu.memory_space<hbm>>
        %dma_wait3A_135 = tpu.memref_slice %arg30[%mul3A_130] : memref<51200xf32, #tpu.memory_space<vmem_shared>> -> memref<3200xf32, #tpu.memory_space<vmem_shared>>
        tpu.wait_dma2 semaphore(%run_scoped3A : memref<!tpu.dma_semaphore, #tpu.memory_space<semaphore_mem>>) src(%dma_wait3A_135 : memref<3200xf32, #tpu.memory_space<vmem_shared>>) dst(%dma_wait3A : memref<3200xf32, #tpu.memory_space<hbm>>)
        tpu.yield
      }) : () -> ()
    } else {
    }
    %eq3A_112 = arith.constant 1 : i32
    %eq3A_113 = arith.cmpi eq, %arg0, %eq3A_112 : i32
    %convert_element_type3A_114 = arith.extui %eq3A_113 : i1 to i32
    %cond3A_115 = arith.constant 0 : i32
    %cond3A_116 = arith.cmpi ne, %convert_element_type3A_114, %cond3A_115 : i32
    scf.if %cond3A_116 {
      %mul3A_117 = arith.constant 3200 : i32
      %mul3A_118 = arith.muli %arg1, %mul3A_117 : i32
      %mul3A_119 = arith.constant 3200 : i32
      %mul3A_120 = arith.muli %arg1, %mul3A_119 : i32
      "tpu.region"() ({
        %run_scoped3A = tpu.sem_alloc : memref<!tpu.dma_semaphore, #tpu.memory_space<semaphore_mem>>
        %dma_start3A_133 = tpu.memref_slice %arg11[%mul3A_120] : memref<51200xf32, #tpu.memory_space<hbm>> -> memref<3200xf32, #tpu.memory_space<hbm>>
        %dma_start3A_134 = tpu.memref_slice %arg27[%mul3A_118] : memref<51200xf32, #tpu.memory_space<vmem_shared>> -> memref<3200xf32, #tpu.memory_space<vmem_shared>>
        tpu.enqueue_dma source(%dma_start3A_134 : memref<3200xf32, #tpu.memory_space<vmem_shared>>) target(%dma_start3A_133 : memref<3200xf32, #tpu.memory_space<hbm>>) target_semaphore(%run_scoped3A : memref<!tpu.dma_semaphore, #tpu.memory_space<semaphore_mem>>)
        %dma_wait3A = tpu.memref_slice %arg11[%mul3A_120] : memref<51200xf32, #tpu.memory_space<hbm>> -> memref<3200xf32, #tpu.memory_space<hbm>>
        %dma_wait3A_135 = tpu.memref_slice %arg27[%mul3A_118] : memref<51200xf32, #tpu.memory_space<vmem_shared>> -> memref<3200xf32, #tpu.memory_space<vmem_shared>>
        tpu.wait_dma2 semaphore(%run_scoped3A : memref<!tpu.dma_semaphore, #tpu.memory_space<semaphore_mem>>) src(%dma_wait3A_135 : memref<3200xf32, #tpu.memory_space<vmem_shared>>) dst(%dma_wait3A : memref<3200xf32, #tpu.memory_space<hbm>>)
        tpu.yield
      }) : () -> ()
      %mul3A_121 = arith.constant 3200 : i32
      %mul3A_122 = arith.muli %arg1, %mul3A_121 : i32
      %mul3A_123 = arith.constant 3200 : i32
      %mul3A_124 = arith.muli %arg1, %mul3A_123 : i32
      "tpu.region"() ({
        %run_scoped3A = tpu.sem_alloc : memref<!tpu.dma_semaphore, #tpu.memory_space<semaphore_mem>>
        %dma_start3A_133 = tpu.memref_slice %arg12[%mul3A_124] : memref<51200xf32, #tpu.memory_space<hbm>> -> memref<3200xf32, #tpu.memory_space<hbm>>
        %dma_start3A_134 = tpu.memref_slice %arg28[%mul3A_122] : memref<51200xf32, #tpu.memory_space<vmem_shared>> -> memref<3200xf32, #tpu.memory_space<vmem_shared>>
        tpu.enqueue_dma source(%dma_start3A_134 : memref<3200xf32, #tpu.memory_space<vmem_shared>>) target(%dma_start3A_133 : memref<3200xf32, #tpu.memory_space<hbm>>) target_semaphore(%run_scoped3A : memref<!tpu.dma_semaphore, #tpu.memory_space<semaphore_mem>>)
        %dma_wait3A = tpu.memref_slice %arg12[%mul3A_124] : memref<51200xf32, #tpu.memory_space<hbm>> -> memref<3200xf32, #tpu.memory_space<hbm>>
        %dma_wait3A_135 = tpu.memref_slice %arg28[%mul3A_122] : memref<51200xf32, #tpu.memory_space<vmem_shared>> -> memref<3200xf32, #tpu.memory_space<vmem_shared>>
        tpu.wait_dma2 semaphore(%run_scoped3A : memref<!tpu.dma_semaphore, #tpu.memory_space<semaphore_mem>>) src(%dma_wait3A_135 : memref<3200xf32, #tpu.memory_space<vmem_shared>>) dst(%dma_wait3A : memref<3200xf32, #tpu.memory_space<hbm>>)
        tpu.yield
      }) : () -> ()
      %mul3A_125 = arith.constant 3200 : i32
      %mul3A_126 = arith.muli %arg1, %mul3A_125 : i32
      %mul3A_127 = arith.constant 3200 : i32
      %mul3A_128 = arith.muli %arg1, %mul3A_127 : i32
      "tpu.region"() ({
        %run_scoped3A = tpu.sem_alloc : memref<!tpu.dma_semaphore, #tpu.memory_space<semaphore_mem>>
        %dma_start3A_133 = tpu.memref_slice %arg13[%mul3A_128] : memref<51200xf32, #tpu.memory_space<hbm>> -> memref<3200xf32, #tpu.memory_space<hbm>>
        %dma_start3A_134 = tpu.memref_slice %arg29[%mul3A_126] : memref<51200xf32, #tpu.memory_space<vmem_shared>> -> memref<3200xf32, #tpu.memory_space<vmem_shared>>
        tpu.enqueue_dma source(%dma_start3A_134 : memref<3200xf32, #tpu.memory_space<vmem_shared>>) target(%dma_start3A_133 : memref<3200xf32, #tpu.memory_space<hbm>>) target_semaphore(%run_scoped3A : memref<!tpu.dma_semaphore, #tpu.memory_space<semaphore_mem>>)
        %dma_wait3A = tpu.memref_slice %arg13[%mul3A_128] : memref<51200xf32, #tpu.memory_space<hbm>> -> memref<3200xf32, #tpu.memory_space<hbm>>
        %dma_wait3A_135 = tpu.memref_slice %arg29[%mul3A_126] : memref<51200xf32, #tpu.memory_space<vmem_shared>> -> memref<3200xf32, #tpu.memory_space<vmem_shared>>
        tpu.wait_dma2 semaphore(%run_scoped3A : memref<!tpu.dma_semaphore, #tpu.memory_space<semaphore_mem>>) src(%dma_wait3A_135 : memref<3200xf32, #tpu.memory_space<vmem_shared>>) dst(%dma_wait3A : memref<3200xf32, #tpu.memory_space<hbm>>)
        tpu.yield
      }) : () -> ()
      %mul3A_129 = arith.constant 3200 : i32
      %mul3A_130 = arith.muli %arg1, %mul3A_129 : i32
      %mul3A_131 = arith.constant 3200 : i32
      %mul3A_132 = arith.muli %arg1, %mul3A_131 : i32
      "tpu.region"() ({
        %run_scoped3A = tpu.sem_alloc : memref<!tpu.dma_semaphore, #tpu.memory_space<semaphore_mem>>
        %dma_start3A_133 = tpu.memref_slice %arg14[%mul3A_132] : memref<51200xf32, #tpu.memory_space<hbm>> -> memref<3200xf32, #tpu.memory_space<hbm>>
        %dma_start3A_134 = tpu.memref_slice %arg30[%mul3A_130] : memref<51200xf32, #tpu.memory_space<vmem_shared>> -> memref<3200xf32, #tpu.memory_space<vmem_shared>>
        tpu.enqueue_dma source(%dma_start3A_134 : memref<3200xf32, #tpu.memory_space<vmem_shared>>) target(%dma_start3A_133 : memref<3200xf32, #tpu.memory_space<hbm>>) target_semaphore(%run_scoped3A : memref<!tpu.dma_semaphore, #tpu.memory_space<semaphore_mem>>)
        %dma_wait3A = tpu.memref_slice %arg14[%mul3A_132] : memref<51200xf32, #tpu.memory_space<hbm>> -> memref<3200xf32, #tpu.memory_space<hbm>>
        %dma_wait3A_135 = tpu.memref_slice %arg30[%mul3A_130] : memref<51200xf32, #tpu.memory_space<vmem_shared>> -> memref<3200xf32, #tpu.memory_space<vmem_shared>>
        tpu.wait_dma2 semaphore(%run_scoped3A : memref<!tpu.dma_semaphore, #tpu.memory_space<semaphore_mem>>) src(%dma_wait3A_135 : memref<3200xf32, #tpu.memory_space<vmem_shared>>) dst(%dma_wait3A : memref<3200xf32, #tpu.memory_space<hbm>>)
        tpu.yield
      }) : () -> ()
    } else {
    }
    return
  }
}

module attributes {stable_mosaic.version = 14 : i64} {
  func.func @_tc1_body(%arg0: i32, %arg1: memref<32768xf32, #tpu.memory_space<vmem>>, %arg2: memref<32768xf32, #tpu.memory_space<vmem>>, %arg3: memref<32768xf32, #tpu.memory_space<vmem>>, %arg4: memref<32768xf32, #tpu.memory_space<vmem>>, %arg5: memref<8xf32, #tpu.memory_space<smem>>) attributes {dimension_semantics = [#tpu.dimension_semantics<arbitrary>], iteration_bounds = array<i64: 49>, scalar_prefetch = 0 : i64, scratch_operands = 0 : i64, tpu.core_type = #tpu.core_type<tc>, window_params = [{transform_indices = @transform_0, window_bounds = array<i64: 32768>}, {transform_indices = @transform_1, window_bounds = array<i64: 32768>}, {transform_indices = @transform_2, window_bounds = array<i64: 32768>}, {transform_indices = @transform_3, window_bounds = array<i64: 32768>}, {transform_indices = @transform_4, window_bounds = array<i64: 8>}]} {
    %mul3A = arith.constant 32768 : i32
    %mul3A_0 = arith.muli %arg0, %mul3A : i32
    %sub3A = arith.constant 1600000 : i32
    %sub3A_1 = arith.subi %sub3A, %mul3A_0 : i32
    %min3A = arith.constant 32768 : i32
    %min3A_2 = arith.minsi %sub3A_1, %min3A : i32
    %jit3A = arith.constant 128 : i32
    %div3A = arith.divsi %min3A_2, %jit3A : i32
    %sign3A = arith.constant 0 : i32
    %sign3A_3 = arith.cmpi sgt, %min3A_2, %sign3A : i32
    %sign3A_4 = arith.extui %sign3A_3 : i1 to i32
    %sign3A_5 = arith.constant 0 : i32
    %sign3A_6 = arith.cmpi slt, %min3A_2, %sign3A_5 : i32
    %sign3A_7 = arith.extui %sign3A_6 : i1 to i32
    %sign3A_8 = arith.subi %sign3A_4, %sign3A_7 : i32
    %sign3A_9 = arith.constant 0 : i32
    %sign3A_10 = arith.cmpi sgt, %jit3A, %sign3A_9 : i32
    %sign3A_11 = arith.extui %sign3A_10 : i1 to i32
    %sign3A_12 = arith.constant 0 : i32
    %sign3A_13 = arith.cmpi slt, %jit3A, %sign3A_12 : i32
    %sign3A_14 = arith.extui %sign3A_13 : i1 to i32
    %sign3A_15 = arith.subi %sign3A_11, %sign3A_14 : i32
    %ne3A = arith.cmpi ne, %sign3A_8, %sign3A_15 : i32
    %rem3A = arith.remsi %min3A_2, %jit3A : i32
    %ne3A_16 = arith.constant 0 : i32
    %ne3A_17 = arith.cmpi ne, %rem3A, %ne3A_16 : i32
    %and3A = arith.andi %ne3A, %ne3A_17 : i1
    %sub3A_18 = arith.constant 1 : i32
    %sub3A_19 = arith.subi %div3A, %sub3A_18 : i32
    %select_n3A = arith.select %and3A, %sub3A_19, %div3A : i32
    %iota3A = tpu.iota {dimensions = array<i32: 0>} : vector<256x128xi32>
    %lt3A = vector.broadcast %select_n3A : i32 to vector<256x128xi32>
    %lt3A_20 = arith.cmpi slt, %iota3A, %lt3A : vector<256x128xi32>
    %get3A = arith.constant 0 : index
    %get3A_21 = vector.load %arg1[%get3A] : memref<32768xf32, #tpu.memory_space<vmem>>, vector<32768xf32>
    %reshape3A = vector.shape_cast %get3A_21 : vector<32768xf32> to vector<256x128xf32>
    %jit3A_22 = arith.constant 0.000000e+00 : f32
    %broadcast_in_dim3A = vector.broadcast %jit3A_22 : f32 to vector<256x128xf32>
    %select_n3A_23 = arith.select %lt3A_20, %reshape3A, %broadcast_in_dim3A : vector<256x128xi1>, vector<256x128xf32>
    %get3A_24 = arith.constant 0 : index
    %get3A_25 = vector.load %arg2[%get3A_24] : memref<32768xf32, #tpu.memory_space<vmem>>, vector<32768xf32>
    %reshape3A_26 = vector.shape_cast %get3A_25 : vector<32768xf32> to vector<256x128xf32>
    %jit3A_27 = arith.constant 0.000000e+00 : f32
    %broadcast_in_dim3A_28 = vector.broadcast %jit3A_27 : f32 to vector<256x128xf32>
    %select_n3A_29 = arith.select %lt3A_20, %reshape3A_26, %broadcast_in_dim3A_28 : vector<256x128xi1>, vector<256x128xf32>
    %add3A = arith.constant 1.000000e+00 : f32
    %add3A_30 = vector.broadcast %add3A : f32 to vector<256x128xf32>
    %add3A_31 = arith.addf %select_n3A_23, %add3A_30 : vector<256x128xf32>
    %log3A = math.log %add3A_31 : vector<256x128xf32>
    %sign3A_32 = tpu.bitcast %select_n3A_29 : vector<256x128xf32> -> vector<256x128xi32>
    %sign3A_33 = arith.constant -2147483648 : i32
    %sign3A_34 = vector.broadcast %sign3A_33 : i32 to vector<256x128xi32>
    %sign3A_35 = arith.andi %sign3A_32, %sign3A_34 : vector<256x128xi32>
    %sign3A_36 = arith.constant 1065353216 : i32
    %sign3A_37 = vector.broadcast %sign3A_36 : i32 to vector<256x128xi32>
    %sign3A_38 = arith.ori %sign3A_37, %sign3A_35 : vector<256x128xi32>
    %sign3A_39 = tpu.bitcast %sign3A_38 : vector<256x128xi32> -> vector<256x128xf32>
    %sign3A_40 = math.absf %select_n3A_29 : vector<256x128xf32>
    %sign3A_41 = arith.constant 0.000000e+00 : f32
    %sign3A_42 = vector.broadcast %sign3A_41 : f32 to vector<256x128xf32>
    %sign3A_43 = arith.cmpf ogt, %sign3A_40, %sign3A_42 : vector<256x128xf32>
    %sign3A_44 = arith.select %sign3A_43, %sign3A_39, %select_n3A_29 : vector<256x128xi1>, vector<256x128xf32>
    %abs3A = math.absf %select_n3A_29 : vector<256x128xf32>
    %add3A_45 = arith.constant 1.000000e+00 : f32
    %add3A_46 = vector.broadcast %add3A_45 : f32 to vector<256x128xf32>
    %add3A_47 = arith.addf %abs3A, %add3A_46 : vector<256x128xf32>
    %log3A_48 = math.log %add3A_47 : vector<256x128xf32>
    %mul3A_49 = arith.mulf %sign3A_44, %log3A_48 : vector<256x128xf32>
    %reshape3A_50 = vector.shape_cast %log3A : vector<256x128xf32> to vector<32768xf32>
    %swap3A = arith.constant 0 : index
    %swap3A_51 = vector.load %arg3[%swap3A] : memref<32768xf32, #tpu.memory_space<vmem>>, vector<32768xf32>
    tpu.vector_store %arg3[%swap3A], %reshape3A_50 {strides = array<i32>} : memref<32768xf32, #tpu.memory_space<vmem>>, vector<32768xf32>,
    %reshape3A_52 = vector.shape_cast %mul3A_49 : vector<256x128xf32> to vector<32768xf32>
    %swap3A_53 = arith.constant 0 : index
    %swap3A_54 = vector.load %arg4[%swap3A_53] : memref<32768xf32, #tpu.memory_space<vmem>>, vector<32768xf32>
    tpu.vector_store %arg4[%swap3A_53], %reshape3A_52 {strides = array<i32>} : memref<32768xf32, #tpu.memory_space<vmem>>, vector<32768xf32>,
    %eq3A = arith.constant 0 : i32
    %eq3A_55 = arith.cmpi eq, %arg0, %eq3A : i32
    %convert_element_type3A = arith.extui %eq3A_55 : i1 to i32
    %cond3A = arith.constant 0 : i32
    %cond3A_56 = arith.cmpi ne, %convert_element_type3A, %cond3A : i32
    scf.if %cond3A_56 {
      %swap3A_109 = arith.constant 0.000000e+00 : f32
      %swap3A_110 = arith.constant 0 : index
      %swap3A_111 = memref.load %arg5[%swap3A_110] : memref<8xf32, #tpu.memory_space<smem>>
      memref.store %swap3A_109, %arg5[%swap3A_110] : memref<8xf32, #tpu.memory_space<smem>>
      %swap3A_112 = arith.constant 0.000000e+00 : f32
      %swap3A_113 = arith.constant 1 : index
      %swap3A_114 = memref.load %arg5[%swap3A_113] : memref<8xf32, #tpu.memory_space<smem>>
      memref.store %swap3A_112, %arg5[%swap3A_113] : memref<8xf32, #tpu.memory_space<smem>>
      %swap3A_115 = arith.constant 0.000000e+00 : f32
      %swap3A_116 = arith.constant 2 : index
      %swap3A_117 = memref.load %arg5[%swap3A_116] : memref<8xf32, #tpu.memory_space<smem>>
      memref.store %swap3A_115, %arg5[%swap3A_116] : memref<8xf32, #tpu.memory_space<smem>>
      %swap3A_118 = arith.constant 0.000000e+00 : f32
      %swap3A_119 = arith.constant 3 : index
      %swap3A_120 = memref.load %arg5[%swap3A_119] : memref<8xf32, #tpu.memory_space<smem>>
      memref.store %swap3A_118, %arg5[%swap3A_119] : memref<8xf32, #tpu.memory_space<smem>>
      %swap3A_121 = arith.constant 0.000000e+00 : f32
      %swap3A_122 = arith.constant 4 : index
      %swap3A_123 = memref.load %arg5[%swap3A_122] : memref<8xf32, #tpu.memory_space<smem>>
      memref.store %swap3A_121, %arg5[%swap3A_122] : memref<8xf32, #tpu.memory_space<smem>>
      %swap3A_124 = arith.constant 0.000000e+00 : f32
      %swap3A_125 = arith.constant 5 : index
      %swap3A_126 = memref.load %arg5[%swap3A_125] : memref<8xf32, #tpu.memory_space<smem>>
      memref.store %swap3A_124, %arg5[%swap3A_125] : memref<8xf32, #tpu.memory_space<smem>>
      %swap3A_127 = arith.constant 0.000000e+00 : f32
      %swap3A_128 = arith.constant 6 : index
      %swap3A_129 = memref.load %arg5[%swap3A_128] : memref<8xf32, #tpu.memory_space<smem>>
      memref.store %swap3A_127, %arg5[%swap3A_128] : memref<8xf32, #tpu.memory_space<smem>>
      %swap3A_130 = arith.constant 0.000000e+00 : f32
      %swap3A_131 = arith.constant 7 : index
      %swap3A_132 = memref.load %arg5[%swap3A_131] : memref<8xf32, #tpu.memory_space<smem>>
      memref.store %swap3A_130, %arg5[%swap3A_131] : memref<8xf32, #tpu.memory_space<smem>>
    } else {
    }
    %get3A_57 = arith.constant 0 : index
    %get3A_58 = memref.load %arg5[%get3A_57] : memref<8xf32, #tpu.memory_space<smem>>
    %reduce_sum3A = vector.shape_cast %log3A : vector<256x128xf32> to vector<1x256x128xf32>
    %reduce_sum3A_59 = arith.constant dense<0.000000e+00> : vector<1xf32>
    %reduce_sum3A_60 = vector.multi_reduction <add>, %reduce_sum3A, %reduce_sum3A_59 [1, 2] : vector<1x256x128xf32> to vector<1xf32>
    %reduce_sum3A_61 = vector.shape_cast %reduce_sum3A_60 : vector<1xf32> to vector<1x1x1xf32>
    %reduce_sum3A_62 = vector.extract %reduce_sum3A_61[0, 0, 0] : f32 from vector<1x1x1xf32>
    %add3A_63 = arith.addf %get3A_58, %reduce_sum3A_62 : f32
    %swap3A_64 = arith.constant 0 : index
    %swap3A_65 = memref.load %arg5[%swap3A_64] : memref<8xf32, #tpu.memory_space<smem>>
    memref.store %add3A_63, %arg5[%swap3A_64] : memref<8xf32, #tpu.memory_space<smem>>
    %get3A_66 = arith.constant 1 : index
    %get3A_67 = memref.load %arg5[%get3A_66] : memref<8xf32, #tpu.memory_space<smem>>
    %reduce_sum3A_68 = vector.shape_cast %mul3A_49 : vector<256x128xf32> to vector<1x256x128xf32>
    %reduce_sum3A_69 = arith.constant dense<0.000000e+00> : vector<1xf32>
    %reduce_sum3A_70 = vector.multi_reduction <add>, %reduce_sum3A_68, %reduce_sum3A_69 [1, 2] : vector<1x256x128xf32> to vector<1xf32>
    %reduce_sum3A_71 = vector.shape_cast %reduce_sum3A_70 : vector<1xf32> to vector<1x1x1xf32>
    %reduce_sum3A_72 = vector.extract %reduce_sum3A_71[0, 0, 0] : f32 from vector<1x1x1xf32>
    %add3A_73 = arith.addf %get3A_67, %reduce_sum3A_72 : f32
    %swap3A_74 = arith.constant 1 : index
    %swap3A_75 = memref.load %arg5[%swap3A_74] : memref<8xf32, #tpu.memory_space<smem>>
    memref.store %add3A_73, %arg5[%swap3A_74] : memref<8xf32, #tpu.memory_space<smem>>
    %get3A_76 = arith.constant 2 : index
    %get3A_77 = memref.load %arg5[%get3A_76] : memref<8xf32, #tpu.memory_space<smem>>
    %mul3A_78 = arith.mulf %log3A, %log3A : vector<256x128xf32>
    %reduce_sum3A_79 = vector.shape_cast %mul3A_78 : vector<256x128xf32> to vector<1x256x128xf32>
    %reduce_sum3A_80 = arith.constant dense<0.000000e+00> : vector<1xf32>
    %reduce_sum3A_81 = vector.multi_reduction <add>, %reduce_sum3A_79, %reduce_sum3A_80 [1, 2] : vector<1x256x128xf32> to vector<1xf32>
    %reduce_sum3A_82 = vector.shape_cast %reduce_sum3A_81 : vector<1xf32> to vector<1x1x1xf32>
    %reduce_sum3A_83 = vector.extract %reduce_sum3A_82[0, 0, 0] : f32 from vector<1x1x1xf32>
    %add3A_84 = arith.addf %get3A_77, %reduce_sum3A_83 : f32
    %swap3A_85 = arith.constant 2 : index
    %swap3A_86 = memref.load %arg5[%swap3A_85] : memref<8xf32, #tpu.memory_space<smem>>
    memref.store %add3A_84, %arg5[%swap3A_85] : memref<8xf32, #tpu.memory_space<smem>>
    %get3A_87 = arith.constant 3 : index
    %get3A_88 = memref.load %arg5[%get3A_87] : memref<8xf32, #tpu.memory_space<smem>>
    %mul3A_89 = arith.mulf %mul3A_49, %mul3A_49 : vector<256x128xf32>
    %reduce_sum3A_90 = vector.shape_cast %mul3A_89 : vector<256x128xf32> to vector<1x256x128xf32>
    %reduce_sum3A_91 = arith.constant dense<0.000000e+00> : vector<1xf32>
    %reduce_sum3A_92 = vector.multi_reduction <add>, %reduce_sum3A_90, %reduce_sum3A_91 [1, 2] : vector<1x256x128xf32> to vector<1xf32>
    %reduce_sum3A_93 = vector.shape_cast %reduce_sum3A_92 : vector<1xf32> to vector<1x1x1xf32>
    %reduce_sum3A_94 = vector.extract %reduce_sum3A_93[0, 0, 0] : f32 from vector<1x1x1xf32>
    %add3A_95 = arith.addf %get3A_88, %reduce_sum3A_94 : f32
    %swap3A_96 = arith.constant 3 : index
    %swap3A_97 = memref.load %arg5[%swap3A_96] : memref<8xf32, #tpu.memory_space<smem>>
    memref.store %add3A_95, %arg5[%swap3A_96] : memref<8xf32, #tpu.memory_space<smem>>
    %get3A_98 = arith.constant 4 : index
    %get3A_99 = memref.load %arg5[%get3A_98] : memref<8xf32, #tpu.memory_space<smem>>
    %mul3A_100 = arith.mulf %log3A, %mul3A_49 : vector<256x128xf32>
    %reduce_sum3A_101 = vector.shape_cast %mul3A_100 : vector<256x128xf32> to vector<1x256x128xf32>
    %reduce_sum3A_102 = arith.constant dense<0.000000e+00> : vector<1xf32>
    %reduce_sum3A_103 = vector.multi_reduction <add>, %reduce_sum3A_101, %reduce_sum3A_102 [1, 2] : vector<1x256x128xf32> to vector<1xf32>
    %reduce_sum3A_104 = vector.shape_cast %reduce_sum3A_103 : vector<1xf32> to vector<1x1x1xf32>
    %reduce_sum3A_105 = vector.extract %reduce_sum3A_104[0, 0, 0] : f32 from vector<1x1x1xf32>
    %add3A_106 = arith.addf %get3A_99, %reduce_sum3A_105 : f32
    %swap3A_107 = arith.constant 4 : index
    %swap3A_108 = memref.load %arg5[%swap3A_107] : memref<8xf32, #tpu.memory_space<smem>>
    memref.store %add3A_106, %arg5[%swap3A_107] : memref<8xf32, #tpu.memory_space<smem>>
    return
  }
  func.func @transform_0(%arg0: i32) -> i32 {
    %c0_i32 = arith.constant 0 : i32
    return %arg0 : i32
  }
  func.func @transform_1(%arg0: i32) -> i32 {
    %c0_i32 = arith.constant 0 : i32
    return %arg0 : i32
  }
  func.func @transform_2(%arg0: i32) -> i32 {
    %c0_i32 = arith.constant 0 : i32
    return %arg0 : i32
  }
  func.func @transform_3(%arg0: i32) -> i32 {
    %c0_i32 = arith.constant 0 : i32
    return %arg0 : i32
  }
  func.func @transform_4(%arg0: i32) -> i32 {
    %c0_i32 = arith.constant 0 : i32
    %c0_i32_0 = arith.constant 0 : i32
    return %c0_i32 : i32
  }
}

module attributes {stable_mosaic.version = 14 : i64} {
  func.func @_tc2_body(%arg0: i32, %arg1: memref<2048xf32, #tpu.memory_space<vmem>>, %arg2: memref<2048xf32, #tpu.memory_space<vmem>>, %arg3: memref<256x128xf32, #tpu.memory_space<vmem>>, %arg4: memref<128x8xf32, #tpu.memory_space<vmem>>, %arg5: memref<4x128xf32, #tpu.memory_space<vmem>>, %arg6: memref<8x128xf32, #tpu.memory_space<vmem>>, %arg7: memref<512x128xf32, #tpu.memory_space<vmem>>, %arg8: memref<128x128xf32, #tpu.memory_space<vmem>>, %arg9: memref<512x128xf32, #tpu.memory_space<vmem>>, %arg10: memref<512x4xf32, #tpu.memory_space<vmem>>) attributes {dimension_semantics = [#tpu.dimension_semantics<arbitrary>], iteration_bounds = array<i64: 782>, scalar_prefetch = 0 : i64, scratch_operands = 0 : i64, tpu.core_type = #tpu.core_type<tc>, window_params = [{transform_indices = @transform_0, window_bounds = array<i64: 2048>}, {transform_indices = @transform_1, window_bounds = array<i64: 2048>}, {pipeline_mode = #tpu.pipeline_mode<synchronous>, transform_indices = @transform_2, window_bounds = array<i64: 256, 128>}, {pipeline_mode = #tpu.pipeline_mode<synchronous>, transform_indices = @transform_3, window_bounds = array<i64: 128, 8>}, {pipeline_mode = #tpu.pipeline_mode<synchronous>, transform_indices = @transform_4, window_bounds = array<i64: 4, 128>}, {pipeline_mode = #tpu.pipeline_mode<synchronous>, transform_indices = @transform_5, window_bounds = array<i64: 8, 128>}, {pipeline_mode = #tpu.pipeline_mode<synchronous>, transform_indices = @transform_6, window_bounds = array<i64: 512, 128>}, {pipeline_mode = #tpu.pipeline_mode<synchronous>, transform_indices = @transform_7, window_bounds = array<i64: 128, 128>}, {transform_indices = @transform_8, window_bounds = array<i64: 512, 128>}, {transform_indices = @transform_9, window_bounds = array<i64: 512, 4>}]} {
    %mul3A = arith.constant 4 : i32
    %mul3A_0 = arith.muli %arg0, %mul3A : i32
    %mul3A_1 = arith.constant 512 : i32
    %mul3A_2 = arith.muli %mul3A_0, %mul3A_1 : i32
    %sub3A = arith.constant 1600000 : i32
    %sub3A_3 = arith.subi %sub3A, %mul3A_2 : i32
    %min3A = arith.constant 2048 : i32
    %min3A_4 = arith.minsi %sub3A_3, %min3A : i32
    %iota3A = tpu.iota {dimensions = array<i32: 0>} : vector<16x128xi32>
    %mul3A_5 = arith.constant 128 : i32
    %mul3A_6 = vector.broadcast %mul3A_5 : i32 to vector<16x128xi32>
    %mul3A_7 = arith.muli %iota3A, %mul3A_6 : vector<16x128xi32>
    %iota3A_8 = tpu.iota {dimensions = array<i32: 1>} : vector<16x128xi32>
    %add3A = arith.addi %mul3A_7, %iota3A_8 : vector<16x128xi32>
    %lt3A = vector.broadcast %min3A_4 : i32 to vector<16x128xi32>
    %lt3A_9 = arith.cmpi slt, %add3A, %lt3A : vector<16x128xi32>
    %iota3A_10 = tpu.iota {dimensions = array<i32: 0>} : vector<512x16xi32>
    %jit3A = arith.constant 32 : i32
    %div3A = vector.broadcast %jit3A : i32 to vector<512x16xi32>
    %div3A_11 = arith.divsi %iota3A_10, %div3A : vector<512x16xi32>
    %sign3A = arith.constant 0 : i32
    %sign3A_12 = vector.broadcast %sign3A : i32 to vector<512x16xi32>
    %sign3A_13 = arith.cmpi sgt, %iota3A_10, %sign3A_12 : vector<512x16xi32>
    %sign3A_14 = arith.extui %sign3A_13 : vector<512x16xi1> to vector<512x16xi32>
    %sign3A_15 = arith.constant 0 : i32
    %sign3A_16 = vector.broadcast %sign3A_15 : i32 to vector<512x16xi32>
    %sign3A_17 = arith.cmpi slt, %iota3A_10, %sign3A_16 : vector<512x16xi32>
    %sign3A_18 = arith.extui %sign3A_17 : vector<512x16xi1> to vector<512x16xi32>
    %sign3A_19 = arith.subi %sign3A_14, %sign3A_18 : vector<512x16xi32>
    %sign3A_20 = arith.constant 0 : i32
    %sign3A_21 = arith.cmpi sgt, %jit3A, %sign3A_20 : i32
    %sign3A_22 = arith.extui %sign3A_21 : i1 to i32
    %sign3A_23 = arith.constant 0 : i32
    %sign3A_24 = arith.cmpi slt, %jit3A, %sign3A_23 : i32
    %sign3A_25 = arith.extui %sign3A_24 : i1 to i32
    %sign3A_26 = arith.subi %sign3A_22, %sign3A_25 : i32
    %ne3A = vector.broadcast %sign3A_26 : i32 to vector<512x16xi32>
    %ne3A_27 = arith.cmpi ne, %sign3A_19, %ne3A : vector<512x16xi32>
    %rem3A = vector.broadcast %jit3A : i32 to vector<512x16xi32>
    %rem3A_28 = arith.remsi %iota3A_10, %rem3A : vector<512x16xi32>
    %ne3A_29 = arith.constant 0 : i32
    %ne3A_30 = vector.broadcast %ne3A_29 : i32 to vector<512x16xi32>
    %ne3A_31 = arith.cmpi ne, %rem3A_28, %ne3A_30 : vector<512x16xi32>
    %and3A = arith.andi %ne3A_27, %ne3A_31 : vector<512x16xi1>
    %sub3A_32 = arith.constant 1 : i32
    %sub3A_33 = vector.broadcast %sub3A_32 : i32 to vector<512x16xi32>
    %sub3A_34 = arith.subi %div3A_11, %sub3A_33 : vector<512x16xi32>
    %select_n3A = arith.select %and3A, %sub3A_34, %div3A_11 : vector<512x16xi1>, vector<512x16xi32>
    %iota3A_35 = tpu.iota {dimensions = array<i32: 1>} : vector<512x16xi32>
    %eq3A = arith.cmpi eq, %select_n3A, %iota3A_35 : vector<512x16xi32>
    %convert_element_type3A = arith.extui %eq3A : vector<512x16xi1> to vector<512x16xi32>
    %convert_element_type3A_36 = arith.sitofp %convert_element_type3A : vector<512x16xi32> to vector<512x16xf32>
    %get3A = arith.constant 0 : index
    %get3A_37 = arith.constant 0 : index
    %get3A_38 = vector.load %arg7[%get3A, %get3A_37] : memref<512x128xf32, #tpu.memory_space<vmem>>, vector<512x128xf32>
    %get3A_39 = arith.constant 0 : index
    %get3A_40 = arith.constant 0 : index
    %get3A_41 = vector.load %arg8[%get3A_39, %get3A_40] : memref<128x128xf32, #tpu.memory_space<vmem>>, vector<128x128xf32>
    %get3A_42 = arith.constant 0 : index
    %get3A_43 = vector.load %arg1[%get3A_42] : memref<2048xf32, #tpu.memory_space<vmem>>, vector<2048xf32>
    %reshape3A = vector.shape_cast %get3A_43 : vector<2048xf32> to vector<16x128xf32>
    %jit3A_44 = arith.constant 0.000000e+00 : f32
    %broadcast_in_dim3A = vector.broadcast %jit3A_44 : f32 to vector<16x128xf32>
    %select_n3A_45 = arith.select %lt3A_9, %reshape3A, %broadcast_in_dim3A : vector<16x128xi1>, vector<16x128xf32>
    %dot_general3A = arith.constant dense<0.000000e+00> : vector<512x128xf32>
    %dot_general3A_46 = tpu.matmul %convert_element_type3A_36, %select_n3A_45, %dot_general3A {dimension_numbers = #tpu.dot_dimension_numbers<[1], [0], [0], [1], [0, 0, 1, 1], [], []>, transpose_lhs_hint = false} : vector<512x16xf32>, vector<16x128xf32>, vector<512x128xf32> -> vector<512x128xf32>
    %mul3A_47 = arith.mulf %get3A_38, %dot_general3A_46 : vector<512x128xf32>
    %dot_general3A_48 = arith.constant dense<0.000000e+00> : vector<512x128xf32>
    %dot_general3A_49 = tpu.matmul %mul3A_47, %get3A_41, %dot_general3A_48 {dimension_numbers = #tpu.dot_dimension_numbers<[1], [0], [0], [1], [0, 0, 1, 1], [], []>, transpose_lhs_hint = false} : vector<512x128xf32>, vector<128x128xf32>, vector<512x128xf32> -> vector<512x128xf32>
    %get3A_50 = arith.constant 0 : index
    %get3A_51 = vector.load %arg2[%get3A_50] : memref<2048xf32, #tpu.memory_space<vmem>>, vector<2048xf32>
    %reshape3A_52 = vector.shape_cast %get3A_51 : vector<2048xf32> to vector<16x128xf32>
    %jit3A_53 = arith.constant 0.000000e+00 : f32
    %broadcast_in_dim3A_54 = vector.broadcast %jit3A_53 : f32 to vector<16x128xf32>
    %select_n3A_55 = arith.select %lt3A_9, %reshape3A_52, %broadcast_in_dim3A_54 : vector<16x128xi1>, vector<16x128xf32>
    %dot_general3A_56 = arith.constant dense<0.000000e+00> : vector<512x128xf32>
    %dot_general3A_57 = tpu.matmul %convert_element_type3A_36, %select_n3A_55, %dot_general3A_56 {dimension_numbers = #tpu.dot_dimension_numbers<[1], [0], [0], [1], [0, 0, 1, 1], [], []>, transpose_lhs_hint = false} : vector<512x16xf32>, vector<16x128xf32>, vector<512x128xf32> -> vector<512x128xf32>
    %mul3A_58 = arith.mulf %get3A_38, %dot_general3A_57 : vector<512x128xf32>
    %dot_general3A_59 = arith.constant dense<0.000000e+00> : vector<512x128xf32>
    %dot_general3A_60 = tpu.matmul %mul3A_58, %get3A_41, %dot_general3A_59 {dimension_numbers = #tpu.dot_dimension_numbers<[1], [0], [0], [1], [0, 0, 1, 1], [], []>, transpose_lhs_hint = false} : vector<512x128xf32>, vector<128x128xf32>, vector<512x128xf32> -> vector<512x128xf32>
    %get3A_61 = arith.constant 0 : index
    %get3A_62 = arith.constant 0 : index
    %get3A_63 = vector.load %arg5[%get3A_61, %get3A_62] : memref<4x128xf32, #tpu.memory_space<vmem>>, vector<4x128xf32>
    %get3A_64 = arith.constant 0 : index
    %get3A_65 = arith.constant 0 : index
    %get3A_66 = vector.load %arg6[%get3A_64, %get3A_65] : memref<8x128xf32, #tpu.memory_space<vmem>>, vector<1x128xf32>
    %get3A_67 = arith.constant 1 : index
    %get3A_68 = arith.constant 0 : index
    %get3A_69 = vector.load %arg6[%get3A_67, %get3A_68] : memref<8x128xf32, #tpu.memory_space<vmem>>, vector<1x128xf32>
    %get3A_70 = arith.constant 2 : index
    %get3A_71 = arith.constant 0 : index
    %get3A_72 = vector.load %arg6[%get3A_70, %get3A_71] : memref<8x128xf32, #tpu.memory_space<vmem>>, vector<1x128xf32>
    %mul3A_73 = vector.broadcast %get3A_66 : vector<1x128xf32> to vector<512x128xf32>
    %mul3A_74 = arith.mulf %dot_general3A_49, %mul3A_73 : vector<512x128xf32>
    %mul3A_75 = vector.broadcast %get3A_69 : vector<1x128xf32> to vector<512x128xf32>
    %mul3A_76 = arith.mulf %dot_general3A_60, %mul3A_75 : vector<512x128xf32>
    %add3A_77 = arith.addf %mul3A_74, %mul3A_76 : vector<512x128xf32>
    %add3A_78 = vector.broadcast %get3A_72 : vector<1x128xf32> to vector<512x128xf32>
    %add3A_79 = arith.addf %add3A_77, %add3A_78 : vector<512x128xf32>
    %max3A = arith.constant 0.000000e+00 : f32
    %max3A_80 = vector.broadcast %max3A : f32 to vector<512x128xf32>
    %max3A_81 = arith.maximumf %add3A_79, %max3A_80 : vector<512x128xf32>
    %get3A_82 = arith.constant 0 : index
    %get3A_83 = arith.constant 0 : index
    %get3A_84 = vector.load %arg3[%get3A_82, %get3A_83] : memref<256x128xf32, #tpu.memory_space<vmem>>, vector<128x128xf32>
    %dot_general3A_85 = arith.constant dense<0.000000e+00> : vector<512x128xf32>
    %dot_general3A_86 = tpu.matmul %max3A_81, %get3A_84, %dot_general3A_85 {dimension_numbers = #tpu.dot_dimension_numbers<[1], [0], [0], [1], [0, 0, 1, 1], [], []>, transpose_lhs_hint = false} : vector<512x128xf32>, vector<128x128xf32>, vector<512x128xf32> -> vector<512x128xf32>
    %get3A_87 = arith.constant 3 : index
    %get3A_88 = arith.constant 0 : index
    %get3A_89 = vector.load %arg6[%get3A_87, %get3A_88] : memref<8x128xf32, #tpu.memory_space<vmem>>, vector<1x128xf32>
    %add3A_90 = vector.broadcast %get3A_89 : vector<1x128xf32> to vector<512x128xf32>
    %add3A_91 = arith.addf %dot_general3A_86, %add3A_90 : vector<512x128xf32>
    %max3A_92 = arith.constant 0.000000e+00 : f32
    %max3A_93 = vector.broadcast %max3A_92 : f32 to vector<512x128xf32>
    %max3A_94 = arith.maximumf %add3A_91, %max3A_93 : vector<512x128xf32>
    %get3A_95 = arith.constant 6 : index
    %get3A_96 = arith.constant 0 : index
    %get3A_97 = vector.load %arg6[%get3A_95, %get3A_96] : memref<8x128xf32, #tpu.memory_space<vmem>>, vector<1x128xf32>
    %mul3A_98 = vector.broadcast %get3A_97 : vector<1x128xf32> to vector<512x128xf32>
    %mul3A_99 = arith.mulf %max3A_94, %mul3A_98 : vector<512x128xf32>
    %get3A_100 = arith.constant 0 : index
    %get3A_101 = arith.constant 4 : index
    %get3A_102 = vector.load %arg4[%get3A_100, %get3A_101] : memref<128x8xf32, #tpu.memory_space<vmem>>, vector<128x4xf32>
    %dot_general3A_103 = arith.constant dense<0.000000e+00> : vector<512x4xf32>
    %dot_general3A_104 = tpu.matmul %mul3A_99, %get3A_102, %dot_general3A_103 {dimension_numbers = #tpu.dot_dimension_numbers<[1], [0], [0], [1], [0, 0, 1, 1], [], []>, transpose_lhs_hint = false} : vector<512x128xf32>, vector<128x4xf32>, vector<512x4xf32> -> vector<512x4xf32>
    %get3A_105 = arith.constant 5 : index
    %get3A_106 = arith.constant 0 : index
    %get3A_107 = vector.load %arg6[%get3A_105, %get3A_106] : memref<8x128xf32, #tpu.memory_space<vmem>>, vector<1x4xf32>
    %add3A_108 = vector.broadcast %get3A_107 : vector<1x4xf32> to vector<512x4xf32>
    %add3A_109 = arith.addf %dot_general3A_104, %add3A_108 : vector<512x4xf32>
    %neg3A = arith.constant 0.000000e+00 : f32
    %neg3A_110 = vector.broadcast %neg3A : f32 to vector<512x4xf32>
    %neg3A_111 = arith.subf %neg3A_110, %add3A_109 : vector<512x4xf32>
    %exp3A = math.exp %neg3A_111 : vector<512x4xf32>
    %add3A_112 = arith.constant 1.000000e+00 : f32
    %add3A_113 = vector.broadcast %add3A_112 : f32 to vector<512x4xf32>
    %add3A_114 = arith.addf %add3A_113, %exp3A : vector<512x4xf32>
    %div3A_115 = arith.constant 1.000000e+00 : f32
    %div3A_116 = vector.broadcast %div3A_115 : f32 to vector<512x4xf32>
    %div3A_117 = arith.divf %div3A_116, %add3A_114 : vector<512x4xf32>
    %dot_general3A_118 = arith.constant dense<0.000000e+00> : vector<512x128xf32>
    %dot_general3A_119 = tpu.matmul %div3A_117, %get3A_63, %dot_general3A_118 {dimension_numbers = #tpu.dot_dimension_numbers<[1], [0], [0], [1], [0, 0, 1, 1], [], []>, transpose_lhs_hint = false} : vector<512x4xf32>, vector<4x128xf32>, vector<512x128xf32> -> vector<512x128xf32>
    %mul3A_120 = arith.mulf %max3A_94, %dot_general3A_119 : vector<512x128xf32>
    %get3A_121 = arith.constant 128 : index
    %get3A_122 = arith.constant 0 : index
    %get3A_123 = vector.load %arg3[%get3A_121, %get3A_122] : memref<256x128xf32, #tpu.memory_space<vmem>>, vector<128x128xf32>
    %dot_general3A_124 = arith.constant dense<0.000000e+00> : vector<512x128xf32>
    %dot_general3A_125 = tpu.matmul %mul3A_120, %get3A_123, %dot_general3A_124 {dimension_numbers = #tpu.dot_dimension_numbers<[1], [0], [0], [1], [0, 0, 1, 1], [], []>, transpose_lhs_hint = false} : vector<512x128xf32>, vector<128x128xf32>, vector<512x128xf32> -> vector<512x128xf32>
    %get3A_126 = arith.constant 4 : index
    %get3A_127 = arith.constant 0 : index
    %get3A_128 = vector.load %arg6[%get3A_126, %get3A_127] : memref<8x128xf32, #tpu.memory_space<vmem>>, vector<1x128xf32>
    %add3A_129 = vector.broadcast %get3A_128 : vector<1x128xf32> to vector<512x128xf32>
    %add3A_130 = arith.addf %dot_general3A_125, %add3A_129 : vector<512x128xf32>
    %max3A_131 = arith.constant 0.000000e+00 : f32
    %max3A_132 = vector.broadcast %max3A_131 : f32 to vector<512x128xf32>
    %max3A_133 = arith.maximumf %add3A_130, %max3A_132 : vector<512x128xf32>
    %get3A_134 = arith.constant 0 : index
    %get3A_135 = arith.constant 0 : index
    %get3A_136 = vector.load %arg4[%get3A_134, %get3A_135] : memref<128x8xf32, #tpu.memory_space<vmem>>, vector<128x4xf32>
    %dot_general3A_137 = arith.constant dense<0.000000e+00> : vector<512x4xf32>
    %dot_general3A_138 = tpu.matmul %max3A_133, %get3A_136, %dot_general3A_137 {dimension_numbers = #tpu.dot_dimension_numbers<[1], [0], [0], [1], [0, 0, 1, 1], [], []>, transpose_lhs_hint = false} : vector<512x128xf32>, vector<128x4xf32>, vector<512x4xf32> -> vector<512x4xf32>
    %swap3A = arith.constant 0 : index
    %swap3A_139 = arith.constant 0 : index
    %swap3A_140 = vector.load %arg9[%swap3A, %swap3A_139] : memref<512x128xf32, #tpu.memory_space<vmem>>, vector<512x128xf32>
    tpu.vector_store %arg9[%swap3A, %swap3A_139], %mul3A_120 {strides = array<i32>} : memref<512x128xf32, #tpu.memory_space<vmem>>, vector<512x128xf32>,
    %swap3A_141 = arith.constant 0 : index
    %swap3A_142 = arith.constant 0 : index
    %swap3A_143 = vector.load %arg10[%swap3A_141, %swap3A_142] : memref<512x4xf32, #tpu.memory_space<vmem>>, vector<512x4xf32>
    tpu.vector_store %arg10[%swap3A_141, %swap3A_142], %dot_general3A_138 {strides = array<i32>} : memref<512x4xf32, #tpu.memory_space<vmem>>, vector<512x4xf32>,
    return
  }
  func.func @transform_0(%arg0: i32) -> i32 {
    %c0_i32 = arith.constant 0 : i32
    return %arg0 : i32
  }
  func.func @transform_1(%arg0: i32) -> i32 {
    %c0_i32 = arith.constant 0 : i32
    return %arg0 : i32
  }
  func.func @transform_2(%arg0: i32) -> (i32, i32) {
    %c0_i32 = arith.constant 0 : i32
    %c0_i32_0 = arith.constant 0 : i32
    %c0_i32_1 = arith.constant 0 : i32
    return %c0_i32, %c0_i32_0 : i32, i32
  }
  func.func @transform_3(%arg0: i32) -> (i32, i32) {
    %c0_i32 = arith.constant 0 : i32
    %c0_i32_0 = arith.constant 0 : i32
    %c0_i32_1 = arith.constant 0 : i32
    return %c0_i32, %c0_i32_0 : i32, i32
  }
  func.func @transform_4(%arg0: i32) -> (i32, i32) {
    %c0_i32 = arith.constant 0 : i32
    %c0_i32_0 = arith.constant 0 : i32
    %c0_i32_1 = arith.constant 0 : i32
    return %c0_i32, %c0_i32_0 : i32, i32
  }
  func.func @transform_5(%arg0: i32) -> (i32, i32) {
    %c0_i32 = arith.constant 0 : i32
    %c0_i32_0 = arith.constant 0 : i32
    %c0_i32_1 = arith.constant 0 : i32
    return %c0_i32, %c0_i32_0 : i32, i32
  }
  func.func @transform_6(%arg0: i32) -> (i32, i32) {
    %c0_i32 = arith.constant 0 : i32
    %c0_i32_0 = arith.constant 0 : i32
    %c0_i32_1 = arith.constant 0 : i32
    return %c0_i32, %c0_i32_0 : i32, i32
  }
  func.func @transform_7(%arg0: i32) -> (i32, i32) {
    %c0_i32 = arith.constant 0 : i32
    %c0_i32_0 = arith.constant 0 : i32
    %c0_i32_1 = arith.constant 0 : i32
    return %c0_i32, %c0_i32_0 : i32, i32
  }
  func.func @transform_8(%arg0: i32) -> (i32, i32) {
    %c0_i32 = arith.constant 0 : i32
    %c0_i32_0 = arith.constant 0 : i32
    return %arg0, %c0_i32 : i32, i32
  }
  func.func @transform_9(%arg0: i32) -> (i32, i32) {
    %c0_i32 = arith.constant 0 : i32
    %c0_i32_0 = arith.constant 0 : i32
    return %arg0, %c0_i32 : i32, i32
  }
}

module attributes {stable_mosaic.version = 14 : i64} {
  func.func @_tc3_body(%arg0: i32, %arg1: memref<2048xf32, #tpu.memory_space<vmem>>, %arg2: memref<2048xf32, #tpu.memory_space<vmem>>, %arg3: memref<2048xf32, #tpu.memory_space<vmem>>, %arg4: memref<2048xf32, #tpu.memory_space<vmem>>, %arg5: memref<2048xf32, #tpu.memory_space<vmem>>, %arg6: memref<2048xf32, #tpu.memory_space<vmem>>, %arg7: memref<2048xf32, #tpu.memory_space<vmem>>, %arg8: memref<2048xf32, #tpu.memory_space<vmem>>, %arg9: memref<2048xf32, #tpu.memory_space<vmem>>, %arg10: memref<2048xf32, #tpu.memory_space<vmem>>, %arg11: memref<2048xf32, #tpu.memory_space<vmem>>, %arg12: memref<2048xf32, #tpu.memory_space<vmem>>, %arg13: memref<2048xf32, #tpu.memory_space<vmem>>, %arg14: memref<2048xf32, #tpu.memory_space<vmem>>) attributes {dimension_semantics = [#tpu.dimension_semantics<arbitrary>], iteration_bounds = array<i64: 25>, scalar_prefetch = 0 : i64, scratch_operands = 0 : i64, tpu.core_type = #tpu.core_type<tc>, window_params = [{transform_indices = @transform_0, window_bounds = array<i64: 2048>}, {transform_indices = @transform_1, window_bounds = array<i64: 2048>}, {transform_indices = @transform_2, window_bounds = array<i64: 2048>}, {transform_indices = @transform_3, window_bounds = array<i64: 2048>}, {transform_indices = @transform_4, window_bounds = array<i64: 2048>}, {transform_indices = @transform_5, window_bounds = array<i64: 2048>}, {transform_indices = @transform_6, window_bounds = array<i64: 2048>}, {transform_indices = @transform_7, window_bounds = array<i64: 2048>}, {transform_indices = @transform_8, window_bounds = array<i64: 2048>}, {transform_indices = @transform_9, window_bounds = array<i64: 2048>}, {transform_indices = @transform_10, window_bounds = array<i64: 2048>}, {transform_indices = @transform_11, window_bounds = array<i64: 2048>}, {transform_indices = @transform_12, window_bounds = array<i64: 2048>}, {transform_indices = @transform_13, window_bounds = array<i64: 2048>}]} {
    %get3A = arith.constant 0 : index
    %get3A_0 = vector.load %arg7[%get3A] : memref<2048xf32, #tpu.memory_space<vmem>>, vector<2048xf32>
    %reshape3A = vector.shape_cast %get3A_0 : vector<2048xf32> to vector<16x128xf32>
    %get3A_1 = arith.constant 0 : index
    %get3A_2 = vector.load %arg11[%get3A_1] : memref<2048xf32, #tpu.memory_space<vmem>>, vector<2048xf32>
    %reshape3A_3 = vector.shape_cast %get3A_2 : vector<2048xf32> to vector<16x128xf32>
    %add3A = arith.addf %reshape3A, %reshape3A_3 : vector<16x128xf32>
    %max3A = arith.constant 1.000000e+00 : f32
    %max3A_4 = vector.broadcast %max3A : f32 to vector<16x128xf32>
    %max3A_5 = arith.maximumf %add3A, %max3A_4 : vector<16x128xf32>
    %get3A_6 = arith.constant 0 : index
    %get3A_7 = vector.load %arg4[%get3A_6] : memref<2048xf32, #tpu.memory_space<vmem>>, vector<2048xf32>
    %reshape3A_8 = vector.shape_cast %get3A_7 : vector<2048xf32> to vector<16x128xf32>
    %get3A_9 = arith.constant 0 : index
    %get3A_10 = vector.load %arg8[%get3A_9] : memref<2048xf32, #tpu.memory_space<vmem>>, vector<2048xf32>
    %reshape3A_11 = vector.shape_cast %get3A_10 : vector<2048xf32> to vector<16x128xf32>
    %add3A_12 = arith.addf %reshape3A_8, %reshape3A_11 : vector<16x128xf32>
    %div3A = arith.divf %add3A_12, %max3A_5 : vector<16x128xf32>
    %get3A_13 = arith.constant 0 : index
    %get3A_14 = vector.load %arg5[%get3A_13] : memref<2048xf32, #tpu.memory_space<vmem>>, vector<2048xf32>
    %reshape3A_15 = vector.shape_cast %get3A_14 : vector<2048xf32> to vector<16x128xf32>
    %get3A_16 = arith.constant 0 : index
    %get3A_17 = vector.load %arg9[%get3A_16] : memref<2048xf32, #tpu.memory_space<vmem>>, vector<2048xf32>
    %reshape3A_18 = vector.shape_cast %get3A_17 : vector<2048xf32> to vector<16x128xf32>
    %add3A_19 = arith.addf %reshape3A_15, %reshape3A_18 : vector<16x128xf32>
    %div3A_20 = arith.divf %add3A_19, %max3A_5 : vector<16x128xf32>
    %get3A_21 = arith.constant 0 : index
    %get3A_22 = vector.load %arg6[%get3A_21] : memref<2048xf32, #tpu.memory_space<vmem>>, vector<2048xf32>
    %reshape3A_23 = vector.shape_cast %get3A_22 : vector<2048xf32> to vector<16x128xf32>
    %get3A_24 = arith.constant 0 : index
    %get3A_25 = vector.load %arg10[%get3A_24] : memref<2048xf32, #tpu.memory_space<vmem>>, vector<2048xf32>
    %reshape3A_26 = vector.shape_cast %get3A_25 : vector<2048xf32> to vector<16x128xf32>
    %add3A_27 = arith.addf %reshape3A_23, %reshape3A_26 : vector<16x128xf32>
    %div3A_28 = arith.divf %add3A_27, %max3A_5 : vector<16x128xf32>
    %get3A_29 = arith.constant 0 : index
    %get3A_30 = vector.load %arg1[%get3A_29] : memref<2048xf32, #tpu.memory_space<vmem>>, vector<2048xf32>
    %reshape3A_31 = vector.shape_cast %get3A_30 : vector<2048xf32> to vector<16x128xf32>
    %add3A_32 = arith.addf %reshape3A_31, %div3A : vector<16x128xf32>
    %reshape3A_33 = vector.shape_cast %add3A_32 : vector<16x128xf32> to vector<2048xf32>
    %swap3A = arith.constant 0 : index
    %swap3A_34 = vector.load %arg12[%swap3A] : memref<2048xf32, #tpu.memory_space<vmem>>, vector<2048xf32>
    tpu.vector_store %arg12[%swap3A], %reshape3A_33 {strides = array<i32>} : memref<2048xf32, #tpu.memory_space<vmem>>, vector<2048xf32>,
    %get3A_35 = arith.constant 0 : index
    %get3A_36 = vector.load %arg2[%get3A_35] : memref<2048xf32, #tpu.memory_space<vmem>>, vector<2048xf32>
    %reshape3A_37 = vector.shape_cast %get3A_36 : vector<2048xf32> to vector<16x128xf32>
    %add3A_38 = arith.addf %reshape3A_37, %div3A_20 : vector<16x128xf32>
    %reshape3A_39 = vector.shape_cast %add3A_38 : vector<16x128xf32> to vector<2048xf32>
    %swap3A_40 = arith.constant 0 : index
    %swap3A_41 = vector.load %arg13[%swap3A_40] : memref<2048xf32, #tpu.memory_space<vmem>>, vector<2048xf32>
    tpu.vector_store %arg13[%swap3A_40], %reshape3A_39 {strides = array<i32>} : memref<2048xf32, #tpu.memory_space<vmem>>, vector<2048xf32>,
    %get3A_42 = arith.constant 0 : index
    %get3A_43 = vector.load %arg3[%get3A_42] : memref<2048xf32, #tpu.memory_space<vmem>>, vector<2048xf32>
    %reshape3A_44 = vector.shape_cast %get3A_43 : vector<2048xf32> to vector<16x128xf32>
    %add3A_45 = arith.addf %reshape3A_44, %div3A_28 : vector<16x128xf32>
    %reshape3A_46 = vector.shape_cast %add3A_45 : vector<16x128xf32> to vector<2048xf32>
    %swap3A_47 = arith.constant 0 : index
    %swap3A_48 = vector.load %arg14[%swap3A_47] : memref<2048xf32, #tpu.memory_space<vmem>>, vector<2048xf32>
    tpu.vector_store %arg14[%swap3A_47], %reshape3A_46 {strides = array<i32>} : memref<2048xf32, #tpu.memory_space<vmem>>, vector<2048xf32>,
    return
  }
  func.func @transform_0(%arg0: i32) -> i32 {
    %c0_i32 = arith.constant 0 : i32
    return %arg0 : i32
  }
  func.func @transform_1(%arg0: i32) -> i32 {
    %c0_i32 = arith.constant 0 : i32
    return %arg0 : i32
  }
  func.func @transform_2(%arg0: i32) -> i32 {
    %c0_i32 = arith.constant 0 : i32
    return %arg0 : i32
  }
  func.func @transform_3(%arg0: i32) -> i32 {
    %c0_i32 = arith.constant 0 : i32
    return %arg0 : i32
  }
  func.func @transform_4(%arg0: i32) -> i32 {
    %c0_i32 = arith.constant 0 : i32
    return %arg0 : i32
  }
  func.func @transform_5(%arg0: i32) -> i32 {
    %c0_i32 = arith.constant 0 : i32
    return %arg0 : i32
  }
  func.func @transform_6(%arg0: i32) -> i32 {
    %c0_i32 = arith.constant 0 : i32
    return %arg0 : i32
  }
  func.func @transform_7(%arg0: i32) -> i32 {
    %c0_i32 = arith.constant 0 : i32
    return %arg0 : i32
  }
  func.func @transform_8(%arg0: i32) -> i32 {
    %c0_i32 = arith.constant 0 : i32
    return %arg0 : i32
  }
  func.func @transform_9(%arg0: i32) -> i32 {
    %c0_i32 = arith.constant 0 : i32
    return %arg0 : i32
  }
  func.func @transform_10(%arg0: i32) -> i32 {
    %c0_i32 = arith.constant 0 : i32
    return %arg0 : i32
  }
  func.func @transform_11(%arg0: i32) -> i32 {
    %c0_i32 = arith.constant 0 : i32
    return %arg0 : i32
  }
  func.func @transform_12(%arg0: i32) -> i32 {
    %c0_i32 = arith.constant 0 : i32
    return %arg0 : i32
  }
  func.func @transform_13(%arg0: i32) -> i32 {
    %c0_i32 = arith.constant 0 : i32
    return %arg0 : i32
  }
}

</mosaic_0001>

<sc_bundles>
// kernel: kernel.10.cloned.1.call-start
scs
__scs_entry_jumppad:
0x0: {  	(pc) =	sbr.rel $0x88, $3  }
0x1: {  	(tag) =	ssettag $0x0;
	lr =	simm.s32 $0x1  }
0x2: {  	[smem:$0x3F95] =	sst lr;
	_ =	strace $0xD0000000  }
0x3: {  	_ = 	snop  }
0x4: {  	_ = 	snop  }
0x5: {  	_ = 	snop  }
0x6: {  	_ = 	snop  }
0x7: {  	_ = 	snop  }
__scs_overlays_trampoline_lowered:
0x8: {  	[smem:$0x3FA4] =	sst s0  }
0x9: {  	[smem:$0x3FA5] =	sst s1  }
0xa: {  	[smem:$0x3FA6] =	sst s2  }
0xb: {  	[smem:$0x3FA7] =	sst s3  }
0xc: {  	[smem:$0x3FA8] =	sst s4  }
0xd: {  	[smem:$0x3FA9] =	sst s5  }
0xe: {  	[smem:$0x3FAA] =	sst s6  }
0xf: {  	[smem:$0x3FAB] =	sst s7  }
0x10: {  	[smem:$0x3FAC] =	sst s8  }
0x11: {  	[smem:$0x3FAD] =	sst s9;
	s0 =	simm.s32 @!p0 $0x0  }
0x12: {  	s1 =	sld [smem:$0x3F93];
	s0 =	simm.s32 @p0 $0x1  }
0x13: {  	[smem:$0x3FAE] =	sst s0;
	s0 =	simm.s32 @!p1 $0x0  }
0x14: {  	s2 =	sld [smem:$0x3F92];
	s0 =	simm.s32 @p1 $0x1  }
0x15: {  	[smem:$0x3FAF] =	sst s0;
	s0 =	simm.s32 @!p2 $0x0  }
0x16: {  	s3 =	sld [smem:$0x3FDB];
	s0 =	simm.s32 @p2 $0x1  }
0x17: {  	s4 =	simm.s32 $0x1BF5;
	[smem:$0x3FB1] =	sst s0  }
0x18: {  	s0 =	sld [smem:$0x3F94];
	_ =	swait.ge [sflag:s4], $0x0  }
0x19: {  	s7 =	sld [smem:$0x3F95]  }
0x1a: {  	s8 =	sadd.s32 $0xFFFFE003, lr  }
0x1b: {  	s9 =	sadd.s32 $0xFFFFFEF7, lr;
	s5 =	simm.s32 $0xFFFFFFFF;
	p2 =	slt.u32 s8, $0xFFFFF086  }
0x1c: {  	p1 =	slt.u32 s9, $0xF7A;
	s5 =	simm.s32 @!p2 $0x0  }
0x1d: {  	s5 =	simm.s32 @p1 $0x1;
	p0 =	seq.s32 s7, s2  }
0x1e: {  	s7 =	smul.u32 @!p0 $0xF7A, s2;
	p2 =	seq.s32 @!p0 s5, $0x0  }
0x1f: {  	s9 =	smul.u32 $0xF7A, s1;
	s8 =	simm.s32 @!p0 $0x1BF5;
	p2 =	por !p2, p0  }
0x20: {  	[sflag:s8] =	ssyncset.s32 @!p0 $0xFFFFF086;
	s6 =	sadd.s32 @!p0 s3, s7;
	s7 =	simm.s32 @!p0 $0x108  }
0x21: {  	s3 =	sadd.s32 s3, s9;
	s6 =	sadd.s32 @!p0 $0x88, s6;
	s7 =	simm.s32 @p2 $0x1082  }
0x22: {  	[simem:s7], [sflag:s8] =	dma.local @!p0 [hbm:s6], $0xF7A  }
0x23: {  	s9 =	sor.u32 $0xD0000000, s2;
	s6 =	simm.s32 $0x108;
	_ =	swait.ge @!p0 [sflag:s8], $0x0  }
0x24: {  	s3 =	sadd.s32 $0x88, s3;
	s6 =	simm.s32 @!p1 $0x1082;
	[sflag:s4] =	ssyncset.s32 $0xFFFFF086  }
0x25: {  	[simem:s6], [sflag:s4] =	dma.local [hbm:s3], $0xF7A  }
0x26: {  	[smem:$0x3F95] =	sst s1;
	(tag) =	ssettag s2;
	_ =	strace s9  }
0x27: {  	s1 =	sld [smem:$0x3FA5]  }
0x28: {  	s2 =	sld [smem:$0x3FA6]  }
0x29: {  	s4 =	sld [smem:$0x3FA8]  }
0x2a: {  	p0 =	seq.s32 s5, $0x0;
	s5 =	sld [smem:$0x3FA9]  }
0x2b: {  	s6 =	sld [smem:$0x3FAA]  }
0x2c: {  	s7 =	sld [smem:$0x3FAB]  }
0x2d: {  	s3 =	simm.s32 $0x108;
	s8 =	sld [smem:$0x3FAC]  }
0x2e: {  	s3 =	simm.s32 @!p0 $0x1082;
	s9 =	sld [smem:$0x3FAD]  }
0x2f: {  	lr =	sadd.s32 s0, s3;
	s0 =	sld [smem:$0x3FA4]  }
0x30: {  	s3 =	sld [smem:$0x3FA7]  }
0x31: {  	[smem:$0x3FB0] =	sst s10  }
0x32: {  	s10 =	sld [smem:$0x3FAE];
	_ =	sdelay $0x3  }
0x33: {  	p0 =	seq.s32 s10, $0x1;
	s10 =	sld [smem:$0x3FB0];
	_ =	sdelay $0x3  }
0x34: {  	[smem:$0x3FB0] =	sst s10  }
0x35: {  	s10 =	sld [smem:$0x3FAF];
	_ =	sdelay $0x3  }
0x36: {  	p1 =	seq.s32 s10, $0x1;
	s10 =	sld [smem:$0x3FB0];
	_ =	sdelay $0x3  }
0x37: {  	[smem:$0x3FB0] =	sst s10  }
0x38: {  	s10 =	sld [smem:$0x3FB1]  }
0x39: {  	_ = 	snop;
	(pc) =	sbr.ind lr, $3  }
0x3a: {  	_ = 	snop  }
0x3b: {  	_ = 	snop  }
0x3c: {  	p2 =	seq.s32 s10, $0x1;
	s10 =	sld [smem:$0x3FB0]  }
0x3d: {  	_ =	shalt  }
0x3e: {  	_ =	shalt  }
0x3f: {  	_ =	shalt  }
0x40: {  	_ =	shalt  }
0x41: {  	_ =	shalt  }
0x42: {  	_ =	shalt  }
0x43: {  	_ =	shalt  }
0x44: {  	_ =	shalt  }
0x45: {  	_ =	shalt  }
0x46: {  	_ =	shalt  }
0x47: {  	_ =	shalt  }
0x48: {  	_ =	shalt  }
0x49: {  	_ =	shalt  }
0x4a: {  	_ =	shalt  }
0x4b: {  	_ =	shalt  }
0x4c: {  	_ =	shalt  }
0x4d: {  	_ =	shalt  }
0x4e: {  	_ =	shalt  }
0x4f: {  	_ =	shalt  }
0x50: {  	_ =	shalt  }
0x51: {  	_ =	shalt  }
0x52: {  	_ =	shalt  }
0x53: {  	_ =	shalt  }
0x54: {  	_ =	shalt  }
0x55: {  	_ =	shalt  }
0x56: {  	_ =	shalt  }
0x57: {  	_ =	shalt  }
0x58: {  	_ =	shalt  }
0x59: {  	_ =	shalt  }
0x5a: {  	_ =	shalt  }
0x5b: {  	_ =	shalt  }
0x5c: {  	_ =	shalt  }
0x5d: {  	_ =	shalt  }
0x5e: {  	_ =	shalt  }
0x5f: {  	_ =	shalt  }
0x60: {  	_ =	shalt  }
0x61: {  	_ =	shalt  }
0x62: {  	_ =	shalt  }
0x63: {  	_ =	shalt  }
0x64: {  	_ =	shalt  }
0x65: {  	_ =	shalt  }
0x66: {  	_ =	shalt  }
0x67: {  	_ =	shalt  }
0x68: {  	_ =	shalt  }
0x69: {  	_ =	shalt  }
0x6a: {  	_ =	shalt  }
0x6b: {  	_ =	shalt  }
0x6c: {  	_ =	shalt  }
0x6d: {  	_ =	shalt  }
0x6e: {  	_ =	shalt  }
0x6f: {  	_ =	shalt  }
0x70: {  	_ =	shalt  }
0x71: {  	_ =	shalt  }
0x72: {  	_ =	shalt  }
0x73: {  	_ =	shalt  }
0x74: {  	_ =	shalt  }
0x75: {  	_ =	shalt  }
0x76: {  	_ =	shalt  }
0x77: {  	_ =	shalt  }
0x78: {  	_ =	shalt  }
0x79: {  	_ =	shalt  }
0x7a: {  	_ =	shalt  }
0x7b: {  	_ =	shalt  }
0x7c: {  	_ =	shalt  }
0x7d: {  	_ =	shalt  }
0x7e: {  	_ =	shalt  }
0x7f: {  	_ =	shalt  }
0x80: {  	_ =	shalt  }
0x81: {  	_ =	shalt  }
0x82: {  	_ =	shalt  }
0x83: {  	_ =	shalt  }
0x84: {  	_ =	shalt  }
0x85: {  	_ =	shalt  }
0x86: {  	_ =	shalt  }
0x87: {  	_ =	shalt  }
.Lfunc_end0:
.L_simem_size_0:
called_computation.2_lowered:
.L_overlay_start_0:
0x88: {  	s2 =	sld [smem:$0x3FD9]  }
0x89: {  	s3 =	sld [smem:$0x3FFE];
	_ =	sdelay $0x1  }
0x8a: {  	s1 =	srdreg.scid  }
0x8b: {  	s0 =	sand.u32 $0x1, s1  }
0x8c: {  	s14 =	sshll.u32 s0, $0xA;
	s2 =	sadd.s32 s3, s2  }
0x8d: {  	s2 =	sadd.s32 s2, s14  }
0x8e: {  	[smem:$0x3FBC] =	sst s2  }
0x8f: {  	_ = 	snop  }
0x90: {  	s2 =	sld [smem:$0x3FD0];
	_ =	sdelay $0x2  }
0x91: {  	s15 =	simm.s32 $0xB;
	s4 =	simm.s32 $0x10  }
0x92: {  	[smem:s4], [sflag:s15] =	dma.local [hbm:s2], $0x1  }
0x93: {  	_ =	swait.eq [sflag:s15], $0x1  }
0x94: {  	[sflag:s15] =	ssyncset.done $0x0  }
0x95: {  	[sflag:s15] =	ssyncadd.s32 $0xFFFFFFFF  }
0x96: {  	s16 =	sld [smem:$0x10];
	(tm) =	ssettm $0x1  }
0x97: {  	s17 =	sld [smem:$0x3FFB];
	_ =	sdelay $0x3  }
0x98: {  	_ =	strace s17  }
0x99: {  	s3 =	sld [smem:$0x3FFC];
	_ =	sdelay $0x3  }
0x9a: {  	_ =	strace s3  }
0x9b: {  	s3 =	sld [smem:$0x3FFD];
	_ =	sdelay $0x3  }
0x9c: {  	_ =	strace s3  }
0x9d: {  	_ =	strace $0x8FFFFFFF  }
0x9e: {  	s18 =	sld [smem:$0x3FDB];
	_ =	sdelay $0x1  }
0x9f: {  	s19 =	simm.s32 $_scs_section_size  }
0xa0: {  	s5 =	simm.s32 $_size__tile_overlayer_lowered;
	s6 =	simm.s32 $_tile_overlayer_lowered  }
0xa1: {  	s22 =	simm.s32 $0x1BFF;
	s21 =	sshll.u32 s6, $0x1;
	s3 =	sadd.s32 s19, s18  }
0xa2: {  	s7 =	simm.s32 $0x0;
	s20 =	sshll.u32 s5, $0x1;
	s5 =	sadd.s32 s21, s3  }
0xa3: {  	[timem:s7], [sflag:s22] =	dma.local [hbm:s5], s20  }
0xa4: {  	_ =	swait.ge [sflag:s22], s20  }
0xa5: {  	s4 =	ssub.s32 $0x0, s20;
	[sflag:s22] =	ssyncset.done $0x0  }
0xa6: {  	[sflag:s22] =	ssyncadd.s32 s4;
	_ =	sdelay $0x1  }
0xa7: {  	s23 =	simm.s32 $0x1B8B  }
0xa8: {  	_ =	swait.ge [sflag:s23], $0x1  }
0xa9: {  	[sflag:s23] =	ssyncset.done $0x0  }
0xaa: {  	s25 =	simm.s32 $0x1B8E;
	s24 =	sld [smem:$0x3FFE];
	[sflag:s23] =	ssyncadd.s32 $0xFFFFFFFF  }
0xab: {  	s26 =	simm.s32 $execute0_lowered;
	[smem:$0x3FD2] =	sst s25  }
0xac: {  	s5 =	sshll.u32 s26, $0x1;
	_ =	strace $0x80000049;
	[dreg:$0x1] =	wrdreg $0xFFFFFFFF  }
0xad: {  	s28 =	simm.s32 $_size_execute0_lowered;
	s3 =	sadd.s32 s3, s5;
	[dreg:$0x0] =	wrdreg $0x0  }
0xae: {  	s5 =	sshll.u32 s28, $0x1;
	[dreg:$0x2] =	wrdreg s3  }
0xaf: {  	[dreg:$0x3] =	wrdreg s5  }
0xb0: {  	[dreg:$0x4] =	wrdreg $0xC0  }
0xb1: {  	_ =	task [dreg:s7], $0x5FFFF  }
0xb2: {  	[dreg:$0x1] =	wrdreg $0xFFFFFFFF  }
0xb3: {  	[dreg:$0x0] =	wrdreg $0x60  }
0xb4: {  	[dreg:$0x2] =	wrdreg s24  }
0xb5: {  	[dreg:$0x3] =	wrdreg s16  }
0xb6: {  	[dreg:$0x4] =	wrdreg $0x12000  }
0xb7: {  	[dreg:$0x5] =	wrdreg $0x1E800  }
0xb8: {  	[dreg:$0x6] =	wrdreg $0x2B000  }
0xb9: {  	[dreg:$0x7] =	wrdreg $0x37800  }
0xba: {  	[dreg:$0x8] =	wrdreg $0xA  }
0xbb: {  	_ =	task.clear_ibuf [dreg:s7], $0x9FFFF;
	_ =	strace $0x90000049  }
0xbc: {  	s29 =	simm.s32 $0xA;
	_ =	strace $0x8000004B  }
0xbd: {  	_ =	swait.ge [sflag:s29], $0x1  }
0xbe: {  	[sflag:s29] =	ssyncadd.s32 $0xFFFFFFFF  }
0xbf: {  	_ =	strace $0x9000004B  }
0xc0: {  	_ =	sfence  }
0xc1: {  	s30 =	sld [smem:$0x0];
	_ =	sdelay $0x2  }
0xc2: {  	s31 =	sshll.u32 s1, $0xD;
	s1 =	sshrl.u32 s1, $0x2  }
0xc3: {  	s3 =	sand.u32 $0x4000, s31;
	s1 =	sadd.s32 s1, s30  }
0xc4: {  	s0 =	sor.u32 s3, s0;
	s1 =	sshll.u32 s1, $0x11  }
0xc5: {  	s0 =	sor.u32 s1, s0  }
0xc6: {  	s0 =	sadd.s32 $0x8F2B, s0  }
0xc7: {  	[sflag:s0] =	ssyncadd.remote.s32 $0x1  }
0xc8: {  	_ =	sfence.sel $0xFFFF  }
0xc9: {  	[dreg:$0x0] =	wrdreg $0xFFFFFFFF;
	(pc) =	sbr.abs _section_cstart, $3  }
0xca: {  	[dreg:$0x1] =	wrdreg $0xFFFFFFFF  }
0xcb: {  	_ =	task.clear_ibuf [dreg:s7], $0x2FFFF;
	_ =	strace $0x9FFFFFFF  }
0xcc: {  	(tm) =	ssettm $0x7FFFFFFF  }
0xcd: {  	_ =	shalt  }
tec
execute0_lowered:
.L_overlay_start_1:
0x0: {  	(tag) =	ssettag $0x1  }
0x1: {  	s2 =	rddreg [dreg:$0x0]  }
0x2: {  	s3 =	rddreg [dreg:$0x1]  }
0x3: {  	s0 =	rddreg [dreg:$0x2];
	s1 =	simm.s32 $0x0;
	s12 =	srdreg.scid  }
0x4: {  	s26 =	stileid.u32;
	[smem:$0x7FF] =	sst s1  }
0x5: {  	s4 =	sadd.s32 $0x99200, s2;
	s5 =	sadd.s32 $0xCA000, s2;
	s6 =	sadd.s32 $0xFAE00, s2  }
0x6: {  	s7 =	sadd.s32 $0x37600, s2;
	s8 =	sadd.s32 $0x6800, s2;
	s9 =	sadd.s32 $0x3400, s2  }
0x7: {  	s10 =	sadd.s32 $0x68400, s2;
	s11 =	sadd.s32 $0x69E00, s2;
	s13 =	sadd.s32 $0x6B800, s2  }
0x8: {  	s14 =	sadd.s32 $0x6D200, s2;
	s12 =	sand.u32 $0x1, s12;
	s15 =	sadd.s32 $0x6EC00, s2  }
0x9: {  	s18 =	sshll.u32 s26, $0x5;
	s2 =	sadd.s32 $0x70600, s2;
	s31 =	smul.u32 $0xC80, s26  }
0xa: {  	s16 =	ssub.s32 $0x2, s12;
	s19 =	sshll.u32 s12, $0x4;
	p0 =	seq.s32 s12, $0x1  }
0xb: {  	s12 =	simm.s32 $0x500;
	s17 =	sshrl.u32 s16, $0x1;
	s25 =	sor.u32 s19, s18  }
0xc: {  	s3 =	smov.u32 @p0 s13;
	s9 =	smov.u32 @p0 s14;
	s10 =	smov.u32 @p0 s15  }
0xd: {  	s11 =	smov.u32 @p0 s2;
	p0 =	slt.u32 s26, $0xA;
	s20 =	sadd.s32 s8, s25  }
0xe: {  	s26 =	simm.s32 $0x187;
	s29 =	sadd.s32 s4, s25;
	[dreg:$0x7] =	wrdreg s20  }
0xf: {  	s13 =	simm.s32 $0x2;
	s30 =	sadd.s32 s5, s25;
	[dreg:$0x8] =	wrdreg s29  }
0x10: {  	s16 =	ssub.s32 s16, s17;
	s21 =	sadd.s32 s6, s25;
	[dreg:$0x9] =	wrdreg s30  }
0x11: {  	s22 =	sadd.s32 s7, s25;
	s23 =	sor.u32 $0x200, s25;
	[dreg:$0xa] =	wrdreg s21  }
0x12: {  	s26 =	simm.s32 @!p0 $0x186;
	[dreg:$0xb] =	wrdreg s22;
	s24 =	sadd.s32 s8, s23  }
0x13: {  	s25 =	sadd.s32 s4, s23;
	s29 =	sshrl.u32 s31, $0x3;
	s30 =	sadd.s32 s5, s23  }
0x14: {  	s17 =	sadd.s32 s6, s23;
	s20 =	sadd.s32 s7, s23;
	[dreg:$0xc] =	wrdreg s24  }
0x15: {  	s21 =	sadd.s32 s18, s8;
	s22 =	sadd.s32 s18, s4;
	[dreg:$0xd] =	wrdreg s25  }
0x16: {  	s23 =	sadd.s32 s18, s5;
	s2 =	sadd.s32 $0xFFFFFFFF, s26;
	[dreg:$0xe] =	wrdreg s30  }
0x17: {  	s4 =	simm.s32 $0x3;
	s5 =	simm.s32 $0x80;
	[dreg:$0x13] =	wrdreg s17  }
0x18: {  	s8 =	simm.s32 $0x280;
	s3 =	sadd.s32 s3, s29;
	[dreg:$0x14] =	wrdreg s20  }
0x19: {  	s9 =	sadd.s32 s9, s29;
	s24 =	sadd.s32 s18, s6;
	s17 =	rddreg [dreg:$0x3]  }
0x1a: {  	s25 =	sadd.s32 s18, s7;
	s18 =	sadd.s32 s19, s21;
	s20 =	rddreg [dreg:$0x4]  }
0x1b: {  	s21 =	sadd.s32 s19, s22;
	s22 =	sadd.s32 s19, s23;
	s23 =	rddreg [dreg:$0x5]  }
0x1c: {  	s14 =	sadd.s32 s10, s29;
	s15 =	sadd.s32 s11, s29;
	[dreg:$0xf] =	wrdreg s3  }
0x1d: {  	s6 =	simm.s32 $0x100;
	s7 =	simm.s32 $0x180;
	[dreg:$0x10] =	wrdreg s9  }
0x1e: {  	s10 =	simm.s32 $0x380;
	s11 =	simm.s32 $0x400;
	[dreg:$0x11] =	wrdreg s14  }
.Ltmp0:
0x1f: {  	[dreg:$0x12] =	wrdreg s15;
	s24 =	sadd.s32 s19, s24;
	(pc) =	sbr.rel .LBB2_1-.Ltmp0, $4  }
0x20: {  	s25 =	sadd.s32 s19, s25;
	s19 =	sadd.s32 s31, s0;
	s29 =	sadd.s32 s31, s20  }
0x21: {  	s30 =	sadd.s32 s31, s23;
	_ =	strace $0x8000004A;
	[dreg:$0x15] =	wrdreg s29  }
0x22: {  	s28 =	sadd.s32 s31, s17;
	s31 =	smax.u32 s16, $0x1;
	[dreg:$0x16] =	wrdreg s30  }
0x23: {  	v0 =	vimm.f32 $1.000000000e+00;
	v1 =	vimm.f32 $0.0e+00;
	s9 =	simm.s32 $0x300;
	s14 =	simm.s32 $0x0;
	[dreg:$0x17] =	wrdreg s31  }
.LBB2_9:
0x24: {  	s3 =	stileid.u32  }
0x25: {  	[bflag:$0x0] =	sbarrier.arrive $0xFFFF;
	s3 =	sshll.u32 s3, $0x6  }
0x26: {  	s15 =	sshrl.u32 s30, $0x3;
	s16 =	rddreg [dreg:$0xf];
	s3 =	sor.u32 $0x1C03, s3  }
0x27: {  	[hbm:s16], [sflag:s3] =	dma.local [spmem:s15], $0x190  }
0x28: {  	_ =	swait.ge [sflag:s4], $0x190  }
0x29: {  	[sflag:s4] =	ssyncset.done $0x0  }
0x2a: {  	s16 =	sshrl.u32 s31, $0x3;
	s29 =	rddreg [dreg:$0x10];
	[sflag:s4] =	ssyncadd.s32 $0xFFFFFE70  }
0x2b: {  	[hbm:s29], [sflag:s3] =	dma.local [spmem:s16], $0x190  }
0x2c: {  	s19 =	smov.u32 s30;
	_ =	swait.ge [sflag:s4], $0x190  }
0x2d: {  	s28 =	smov.u32 s31;
	[sflag:s4] =	ssyncset.done $0x0;
	s30 =	rddreg [dreg:$0x15]  }
0x2e: {  	s31 =	rddreg [dreg:$0x11];
	[sflag:s4] =	ssyncadd.s32 $0xFFFFFE70;
	s15 =	sshrl.u32 s30, $0x3  }
0x2f: {  	[hbm:s31], [sflag:s3] =	dma.local [spmem:s15], $0x190  }
0x30: {  	_ =	swait.ge [sflag:s4], $0x190  }
0x31: {  	[sflag:s4] =	ssyncset.done $0x0;
	s29 =	rddreg [dreg:$0x16]  }
0x32: {  	s30 =	rddreg [dreg:$0x12];
	[sflag:s4] =	ssyncadd.s32 $0xFFFFFE70;
	s15 =	sshrl.u32 s29, $0x3  }
0x33: {  	[hbm:s30], [sflag:s3] =	dma.local [spmem:s15], $0x190  }
0x34: {  	_ =	swait.ge [sflag:s4], $0x190  }
0x35: {  	s14 =	sadd.s32 $0x1, s14;
	s31 =	rddreg [dreg:$0x17]  }
0x36: {  	p0 =	sne.s32 s14, s31  }
.Ltmp1:
0x37: {  	_ = 	snop;
	(pc) =	sbr.rel @!p0 .LBB2_10-.Ltmp1, $3  }
0x38: {  	_ =	sdelay $0x1  }
0x39: {  	[sflag:s4] =	ssyncset.done $0x0  }
0x3a: {  	[sflag:s4] =	ssyncadd.s32 $0xFFFFFE70  }
.LBB2_1:
0x3b: {  	[tilespmem:$0x500] =	vst v0  }
0x3c: {  	[tilespmem:$0x510] =	vst v0  }
0x3d: {  	[tilespmem:$0x520] =	vst v0  }
0x3e: {  	[tilespmem:$0x530] =	vst v0  }
0x3f: {  	[tilespmem:$0x540] =	vst v0  }
0x40: {  	[tilespmem:$0x550] =	vst v0  }
0x41: {  	[tilespmem:$0x560] =	vst v0  }
0x42: {  	[tilespmem:$0x570] =	vst v0;
	s15 =	simm.s32 $0x40;
	s16 =	simm.s32 $0x0  }
.LBB2_2:
0x43: {  	p0 =	sne.s32 s15, $0x31C0;
	[tilespmem:s16+$0x580] =	vst v1;
	s16 =	smov.u32 s15;
	s15 =	sadd.s32 $0x40, s15  }
.Ltmp2:
0x44: {  	(pc) =	sbr.rel @p0 .LBB2_2-.Ltmp2, $2  }
0x45: {  	_ =	sdelay $0x2  }
0x46: {  	s16 =	sshra.s32 s16, $0x2  }
0x47: {  	[tilespmem:s16+$0x580] =	vst v1;
	s15 =	simm.s32 $0x580  }
0x48: {  	[spmem:s19] =	stream.linear.scatter [tilespmem:s15], [sflag:$0x3], $0xC80, $0x38;
	[tilespmem:$0x4400] =	vst v63  }
0x49: {  	_ =	swait.ge [sflag:s4], $0xC80  }
0x4a: {  	[sflag:s4] =	ssyncset.done $0x0  }
0x4b: {  	[sflag:s4] =	ssyncadd.s32 $0xFFFFF380  }
0x4c: {  	[spmem:s28] =	stream.linear.scatter [tilespmem:s15], [sflag:$0x3], $0xC80, $0x38;
	[tilespmem:$0x4400] =	vst v63  }
0x4d: {  	_ =	swait.ge [sflag:s4], $0xC80  }
0x4e: {  	[sflag:s4] =	ssyncset.done $0x0  }
0x4f: {  	s3 =	rddreg [dreg:$0x15];
	[sflag:s4] =	ssyncadd.s32 $0xFFFFF380  }
0x50: {  	[spmem:s3] =	stream.linear.scatter [tilespmem:s15], [sflag:$0x3], $0xC80, $0x38;
	[tilespmem:$0x4400] =	vst v63  }
0x51: {  	_ =	swait.ge [sflag:s4], $0xC80  }
0x52: {  	[sflag:s4] =	ssyncset.done $0x0  }
0x53: {  	s29 =	rddreg [dreg:$0x16];
	[sflag:s4] =	ssyncadd.s32 $0xFFFFF380  }
0x54: {  	[spmem:s29] =	stream.linear.scatter [tilespmem:s15], [sflag:$0x3], $0xC80, $0x38;
	[tilespmem:$0x4400] =	vst v63  }
0x55: {  	_ =	swait.ge [sflag:s4], $0xC80  }
0x56: {  	[sflag:s4] =	ssyncset.done $0x0  }
0x57: {  	[sflag:s4] =	ssyncadd.s32 $0xFFFFF380  }
0x58: {  	[bflag:$0x0] =	sbarrier.arrive $0xFFFF  }
0x59: {  	s15 =	simm.s32 $0x0;
	s16 =	rddreg [dreg:$0x7]  }
0x5a: {  	[tilespmem:s15], [sflag:$0x3] =	stream.linear.gather [hbm4b:s16+s15], $0x80, $0x38;
	[tilespmem:$0x4400] =	vst v63  }
0x5b: {  	_ =	swait.ge [sflag:s4], $0x80  }
0x5c: {  	[sflag:s4] =	ssyncset.done $0x0  }
0x5d: {  	s30 =	smov.u32 s19;
	s19 =	rddreg [dreg:$0x8];
	[sflag:s4] =	ssyncadd.s32 $0xFFFFFF80  }
0x5e: {  	[tilespmem:s5], [sflag:$0x3] =	stream.linear.gather [hbm4b:s19+s15], $0x80, $0x38;
	[tilespmem:$0x4400] =	vst v63  }
0x5f: {  	_ =	swait.ge [sflag:s4], $0x80  }
0x60: {  	[sflag:s4] =	ssyncset.done $0x0  }
0x61: {  	s31 =	smov.u32 s28;
	s28 =	rddreg [dreg:$0x9];
	[sflag:s4] =	ssyncadd.s32 $0xFFFFFF80  }
0x62: {  	[tilespmem:s6], [sflag:$0x3] =	stream.linear.gather [hbm4b:s28+s15], $0x80, $0x38;
	[tilespmem:$0x4400] =	vst v63  }
0x63: {  	_ =	swait.ge [sflag:s4], $0x80  }
0x64: {  	[sflag:s4] =	ssyncset.done $0x0  }
0x65: {  	s29 =	rddreg [dreg:$0xa];
	[sflag:s4] =	ssyncadd.s32 $0xFFFFFF80  }
0x66: {  	[tilespmem:s7], [sflag:$0x3] =	stream.linear.gather [hbm4b:s29+s15], $0x80, $0x38;
	[tilespmem:$0x4400] =	vst v63  }
0x67: {  	_ =	swait.ge [sflag:s4], $0x80  }
0x68: {  	[sflag:s4] =	ssyncset.done $0x0  }
0x69: {  	s19 =	simm.s32 $0x200;
	s16 =	rddreg [dreg:$0xb];
	[sflag:s4] =	ssyncadd.s32 $0xFFFFFF80  }
0x6a: {  	[tilespmem:s19], [sflag:$0x3] =	stream.linear.gather [hbm4b:s16+s15], $0x80, $0x38;
	[tilespmem:$0x4400] =	vst v63  }
0x6b: {  	_ =	swait.ge [sflag:s4], $0x80  }
0x6c: {  	[sflag:s4] =	ssyncset.done $0x0  }
0x6d: {  	s28 =	rddreg [dreg:$0xc];
	[sflag:s4] =	ssyncadd.s32 $0xFFFFFF80  }
0x6e: {  	[tilespmem:s8], [sflag:$0x2] =	stream.linear.gather [hbm4b:s28+s15], $0x80, $0x38;
	[tilespmem:$0x4400] =	vst v63  }
0x6f: {  	s29 =	rddreg [dreg:$0xd]  }
0x70: {  	[tilespmem:s9], [sflag:$0x2] =	stream.linear.gather [hbm4b:s29+s15], $0x80, $0x38;
	[tilespmem:$0x4400] =	vst v63  }
0x71: {  	s16 =	rddreg [dreg:$0xe]  }
0x72: {  	[tilespmem:s10], [sflag:$0x2] =	stream.linear.gather [hbm4b:s16+s15], $0x80, $0x38;
	[tilespmem:$0x4400] =	vst v63  }
.Ltmp3:
0x73: {  	_ = 	snop;
	(pc) =	sbr.rel .LBB2_4-.Ltmp3, $4  }
0x74: {  	s19 =	rddreg [dreg:$0x13]  }
0x75: {  	[tilespmem:s11], [sflag:$0x2] =	stream.linear.gather [hbm4b:s19+s15], $0x80, $0x38;
	[tilespmem:$0x4400] =	vst v63  }
0x76: {  	s28 =	rddreg [dreg:$0x14];
	s29 =	simm.s32 $0x480;
	s16 =	simm.s32 $0x0  }
0x77: {  	[tilespmem:s29], [sflag:$0x2] =	stream.linear.gather [hbm4b:s28+s15], $0x80, $0x38;
	[tilespmem:$0x4400] =	vst v63  }
.LBB2_8:
0x78: {  	s3 =	sadd.s32 $0x3, s15  }
0x79: {  	p0 =	sge.u32 s3, s26  }
0x7a: {  	s3 =	sadd.s32 @!p0 s16, s18  }
0x7b: {  	s15 =	simm.s32 @!p0 $0x0;
	s28 =	simm.s32 @!p0 $0x280;
	s3 =	sadd.s32 @!p0 $0x600, s3  }
0x7c: {  	[tilespmem:s28], [sflag:$0x2] =	stream.linear.gather @!p0 [hbm4b:s3+s15], $0x80, $0x38;
	[tilespmem:$0x4400] =	vst v63  }
0x7d: {  	s3 =	sadd.s32 @!p0 s16, s21  }
0x7e: {  	s28 =	simm.s32 @!p0 $0x300;
	s3 =	sadd.s32 @!p0 $0x600, s3  }
0x7f: {  	[tilespmem:s28], [sflag:$0x2] =	stream.linear.gather @!p0 [hbm4b:s3+s15], $0x80, $0x38;
	[tilespmem:$0x4400] =	vst v63  }
0x80: {  	s3 =	sadd.s32 @!p0 s16, s22  }
0x81: {  	s28 =	simm.s32 @!p0 $0x380;
	s3 =	sadd.s32 @!p0 $0x600, s3  }
0x82: {  	[tilespmem:s28], [sflag:$0x2] =	stream.linear.gather @!p0 [hbm4b:s3+s15], $0x80, $0x38;
	[tilespmem:$0x4400] =	vst v63  }
0x83: {  	s3 =	sadd.s32 @!p0 s16, s24  }
0x84: {  	s28 =	simm.s32 @!p0 $0x400;
	s3 =	sadd.s32 @!p0 $0x600, s3  }
0x85: {  	[tilespmem:s28], [sflag:$0x2] =	stream.linear.gather @!p0 [hbm4b:s3+s15], $0x80, $0x38;
	[tilespmem:$0x4400] =	vst v63  }
0x86: {  	s3 =	sadd.s32 @!p0 s16, s25  }
0x87: {  	s28 =	simm.s32 @!p0 $0x480;
	s16 =	sadd.s32 $0x400, s16;
	s3 =	sadd.s32 @!p0 $0x600, s3  }
0x88: {  	[tilespmem:s28], [sflag:$0x2] =	stream.linear.gather @!p0 [hbm4b:s3+s15], $0x80, $0x38;
	[tilespmem:$0x4400] =	vst v63  }
0x89: {  	p0 =	sne.s32 s16, $0x31400  }
.Ltmp4:
0x8a: {  	_ = 	snop;
	(pc) =	sbr.rel @!p0 .LBB2_9-.Ltmp4, $2  }
0x8b: {  	_ =	sdelay $0x2  }
0x8c: {  	s15 =	smov.u32 s19  }
.LBB2_4:
0x8d: {  	p0 =	seq.s32 s16, $0x0  }
0x8e: {  	p1 =	sge.u32 @!p0 s15, s26  }
0x8f: {  	p0 =	por p1, p0  }
0x90: {  	s19 =	simm.s32 @!p0 $0x1  }
0x91: {  	_ =	swait.ge @!p0 [sflag:s19], $0x80  }
0x92: {  	[sflag:s19] =	ssyncset.done @!p0 $0x0  }
0x93: {  	[sflag:s19] =	ssyncadd.s32 @!p0 $0xFFFFFF80  }
0x94: {  	_ =	swait.ge @!p0 [sflag:s19], $0x80  }
0x95: {  	[sflag:s19] =	ssyncset.done @!p0 $0x0  }
0x96: {  	[sflag:s19] =	ssyncadd.s32 @!p0 $0xFFFFFF80  }
0x97: {  	_ =	swait.ge @!p0 [sflag:s19], $0x80  }
0x98: {  	[sflag:s19] =	ssyncset.done @!p0 $0x0  }
0x99: {  	[sflag:s19] =	ssyncadd.s32 @!p0 $0xFFFFFF80  }
0x9a: {  	p1 =	sge.u32 s15, s26;
	_ =	swait.ge @!p0 [sflag:s19], $0x80  }
.Ltmp5:
0x9b: {  	[sflag:s19] =	ssyncset.done @!p0 $0x0;
	(pc) =	sbr.rel @p1 .LBB2_6-.Ltmp5, $4  }
0x9c: {  	[sflag:s19] =	ssyncadd.s32 @!p0 $0xFFFFFF80  }
0x9d: {  	_ =	swait.ge @!p0 [sflag:s19], $0x80  }
0x9e: {  	[sflag:s19] =	ssyncset.done @!p0 $0x0  }
0x9f: {  	[sflag:s19] =	ssyncadd.s32 @!p0 $0xFFFFFF80  }
0xa0: {  	v2 =	vld [tilespmem:$0x200]  }
0xa1: {  	v3 =	vld [tilespmem:$0x80]  }
0xa2: {  	v4 =	vld [tilespmem:$0x100]  }
0xa3: {  	v5 =	vld [tilespmem:$0x180]  }
0xa4: {  	v6 =	vld [tilespmem:$0x210]  }
0xa5: {  	v7 =	vld [tilespmem:$0x90]  }
0xa6: {  	v8 =	vld [tilespmem:$0x110]  }
0xa7: {  	v9 =	vld [tilespmem:$0x190]  }
0xa8: {  	v10 =	vld [tilespmem:$0x220]  }
0xa9: {  	v11 =	vld [tilespmem:$0xA0]  }
0xaa: {  	v12 =	vld [tilespmem:$0x120]  }
0xab: {  	v13 =	vld [tilespmem:$0x1A0]  }
0xac: {  	v14 =	vld [tilespmem:$0x230]  }
0xad: {  	v15 =	vld [tilespmem:$0xB0];
	v3 =	vmul.f32 v3, v2  }
0xae: {  	v16 =	vld [tilespmem:$0x130];
	v4 =	vmul.f32 v4, v2  }
0xaf: {  	v31 =	vld [tilespmem:$0x1B0];
	v2 =	vmul.f32 v5, v2;
	v3 =	vmax.f32 v3, $-1.000000000e+02  }
0xb0: {  	v17 =	vld [tilespmem:$0x240];
	v7 =	vmul.f32 v7, v6;
	v4 =	vmax.f32 v4, $-1.000000000e+02;
	v3 =	vmin.f32 v3, $1.000000000e+02  }
0xb1: {  	v33 =	vld [tilespmem:$0xC0];
	v32 =	vmul.f32 v8, v6;
	v2 =	vmax.f32 v2, $-1.000000000e+02;
	[tilespmem:$0x80] =	vst v3;
	v3 =	vmin.f32 v4, $1.000000000e+02  }
0xb2: {  	v34 =	vld [tilespmem:$0x140];
	v6 =	vmul.f32 v9, v6;
	v2 =	vmin.f32 v2, $1.000000000e+02;
	[tilespmem:$0x100] =	vst v3;
	v3 =	vmax.f32 v7, $-1.000000000e+02  }
0xb3: {  	v36 =	vld [tilespmem:$0x1C0];
	v35 =	vmul.f32 v11, v10;
	[tilespmem:$0x180] =	vst v2;
	v2 =	vmin.f32 v3, $1.000000000e+02;
	v3 =	vmax.f32 v32, $-1.000000000e+02  }
0xb4: {  	v38 =	vld [tilespmem:$0x250];
	v37 =	vmul.f32 v12, v10;
	[tilespmem:$0x90] =	vst v2;
	v2 =	vmin.f32 v3, $1.000000000e+02;
	v3 =	vmax.f32 v6, $-1.000000000e+02  }
0xb5: {  	v40 =	vld [tilespmem:$0xD0];
	v39 =	vmul.f32 v13, v10;
	[tilespmem:$0x110] =	vst v2;
	v2 =	vmin.f32 v3, $1.000000000e+02;
	v3 =	vmax.f32 v35, $-1.000000000e+02  }
0xb6: {  	v42 =	vld [tilespmem:$0x150];
	v41 =	vmul.f32 v15, v14;
	[tilespmem:$0x190] =	vst v2;
	v2 =	vmin.f32 v3, $1.000000000e+02;
	v3 =	vmax.f32 v37, $-1.000000000e+02  }
0xb7: {  	v44 =	vld [tilespmem:$0x1D0];
	v43 =	vmul.f32 v16, v14;
	[tilespmem:$0xA0] =	vst v2;
	v2 =	vmin.f32 v3, $1.000000000e+02;
	v3 =	vmax.f32 v39, $-1.000000000e+02  }
0xb8: {  	v45 =	vld [tilespmem:$0x260];
	v5 =	vmul.f32 v31, v14;
	[tilespmem:$0x120] =	vst v2;
	v2 =	vmin.f32 v3, $1.000000000e+02;
	v3 =	vmax.f32 v41, $-1.000000000e+02  }
0xb9: {  	v47 =	vld [tilespmem:$0xE0];
	v46 =	vmul.f32 v33, v17;
	[tilespmem:$0x1A0] =	vst v2;
	v2 =	vmin.f32 v3, $1.000000000e+02;
	v3 =	vmax.f32 v43, $-1.000000000e+02  }
0xba: {  	v49 =	vld [tilespmem:$0x160];
	v48 =	vmul.f32 v34, v17;
	[tilespmem:$0xB0] =	vst v2;
	v2 =	vmin.f32 v3, $1.000000000e+02;
	v3 =	vmax.f32 v5, $-1.000000000e+02  }
0xbb: {  	v51 =	vld [tilespmem:$0x1E0];
	v50 =	vmul.f32 v36, v17;
	[tilespmem:$0x130] =	vst v2;
	v2 =	vmin.f32 v3, $1.000000000e+02;
	v3 =	vmax.f32 v46, $-1.000000000e+02  }
0xbc: {  	v53 =	vld [tilespmem:$0x270];
	v52 =	vmul.f32 v40, v38;
	[tilespmem:$0x1B0] =	vst v2;
	v2 =	vmin.f32 v3, $1.000000000e+02;
	v3 =	vmax.f32 v48, $-1.000000000e+02  }
0xbd: {  	v55 =	vld [tilespmem:$0xF0];
	v54 =	vmul.f32 v42, v38;
	[tilespmem:$0xC0] =	vst v2;
	v2 =	vmin.f32 v3, $1.000000000e+02;
	v3 =	vmax.f32 v50, $-1.000000000e+02  }
0xbe: {  	v57 =	vld [tilespmem:$0x170];
	v56 =	vmul.f32 v44, v38;
	[tilespmem:$0x140] =	vst v2;
	v2 =	vmin.f32 v3, $1.000000000e+02;
	v3 =	vmax.f32 v52, $-1.000000000e+02  }
0xbf: {  	v59 =	vld [tilespmem:$0x1F0];
	v58 =	vmul.f32 v47, v45;
	[tilespmem:$0x1C0] =	vst v2;
	v2 =	vmin.f32 v3, $1.000000000e+02;
	v3 =	vmax.f32 v54, $-1.000000000e+02  }
0xc0: {  	v60 =	vmul.f32 v49, v45;
	[tilespmem:$0xD0] =	vst v2;
	v2 =	vmin.f32 v3, $1.000000000e+02;
	v3 =	vmax.f32 v56, $-1.000000000e+02  }
0xc1: {  	v4 =	vmax.f32 v58, $-1.000000000e+02;
	[tilespmem:$0x150] =	vst v2;
	v2 =	vmul.f32 v51, v45;
	v3 =	vmin.f32 v3, $1.000000000e+02  }
0xc2: {  	v62 =	vmul.f32 v55, v53;
	v61 =	vmax.f32 v60, $-1.000000000e+02;
	[tilespmem:$0x1D0] =	vst v3;
	v3 =	vmin.f32 v4, $1.000000000e+02  }
0xc3: {  	v63 =	vmul.f32 v57, v53;
	[tilespmem:$0xE0] =	vst v3;
	v3 =	vmin.f32 v61, $1.000000000e+02;
	v2 =	vmax.f32 v2, $-1.000000000e+02  }
0xc4: {  	v5 =	vmax.f32 v62, $-1.000000000e+02;
	[tilespmem:$0x160] =	vst v3;
	v3 =	vmul.f32 v59, v53;
	v2 =	vmin.f32 v2, $1.000000000e+02  }
0xc5: {  	v4 =	vmax.f32 v63, $-1.000000000e+02;
	[tilespmem:$0x1E0] =	vst v2;
	v2 =	vmin.f32 v5, $1.000000000e+02  }
0xc6: {  	[tilespmem:$0xF0] =	vst v2;
	v2 =	vmin.f32 v4, $1.000000000e+02;
	v3 =	vmax.f32 v3, $-1.000000000e+02  }
0xc7: {  	[tilespmem:$0x170] =	vst v2;
	v2 =	vmin.f32 v3, $1.000000000e+02  }
0xc8: {  	[tilespmem:$0x1F0] =	vst v2  }
0xc9: {  	[spmem:s0] =	stream.indirect.scatter.add.f32 [tilespmem:s5], [sflag:$0x3], $0x1, s1, s5, $0xb8;
	[tilespmem:$0x4400] =	vst v63  }
0xca: {  	_ =	swait.ge [sflag:s4], $0x80  }
0xcb: {  	[sflag:s4] =	ssyncset.done $0x0  }
0xcc: {  	[sflag:s4] =	ssyncadd.s32 $0xFFFFFF80  }
0xcd: {  	[spmem:s17] =	stream.indirect.scatter.add.f32 [tilespmem:s6], [sflag:$0x3], $0x1, s1, s5, $0xb8;
	[tilespmem:$0x4400] =	vst v63  }
0xce: {  	_ =	swait.ge [sflag:s4], $0x80  }
0xcf: {  	[sflag:s4] =	ssyncset.done $0x0  }
0xd0: {  	[sflag:s4] =	ssyncadd.s32 $0xFFFFFF80  }
0xd1: {  	[spmem:s20] =	stream.indirect.scatter.add.f32 [tilespmem:s7], [sflag:$0x3], $0x1, s1, s5, $0xb8;
	[tilespmem:$0x4400] =	vst v63  }
0xd2: {  	_ =	swait.ge [sflag:s4], $0x80  }
0xd3: {  	[sflag:s4] =	ssyncset.done $0x0  }
0xd4: {  	[sflag:s4] =	ssyncadd.s32 $0xFFFFFF80  }
0xd5: {  	[spmem:s23] =	stream.indirect.scatter.add.f32 [tilespmem:s12], [sflag:$0x3], $0x1, s1, s5, $0xb8;
	[tilespmem:$0x4400] =	vst v63  }
0xd6: {  	_ =	swait.ge [sflag:s4], $0x80  }
0xd7: {  	[sflag:s4] =	ssyncset.done $0x0  }
0xd8: {  	[sflag:s4] =	ssyncadd.s32 $0xFFFFFF80  }
.LBB2_6:
0xd9: {  	s19 =	sadd.s32 $0x2, s15  }
0xda: {  	p0 =	sge.u32 s19, s26  }
0xdb: {  	s28 =	sadd.s32 @!p0 s16, s18  }
0xdc: {  	s29 =	simm.s32 @!p0 $0x0;
	s28 =	sadd.s32 @!p0 $0x400, s28  }
0xdd: {  	[tilespmem:s29], [sflag:$0x1] =	stream.linear.gather @!p0 [hbm4b:s28+s29], $0x80, $0x38;
	[tilespmem:$0x4400] =	vst v63  }
0xde: {  	s28 =	sadd.s32 @!p0 s16, s21  }
0xdf: {  	s3 =	simm.s32 @!p0 $0x80;
	s28 =	sadd.s32 @!p0 $0x400, s28  }
0xe0: {  	[tilespmem:s3], [sflag:$0x1] =	stream.linear.gather @!p0 [hbm4b:s28+s29], $0x80, $0x38;
	[tilespmem:$0x4400] =	vst v63  }
0xe1: {  	s3 =	sadd.s32 @!p0 s16, s22  }
0xe2: {  	s28 =	simm.s32 @!p0 $0x100;
	s3 =	sadd.s32 @!p0 $0x400, s3  }
0xe3: {  	[tilespmem:s28], [sflag:$0x1] =	stream.linear.gather @!p0 [hbm4b:s3+s29], $0x80, $0x38;
	[tilespmem:$0x4400] =	vst v63  }
0xe4: {  	s3 =	sadd.s32 @!p0 s16, s24  }
0xe5: {  	s28 =	simm.s32 @!p0 $0x180;
	s3 =	sadd.s32 @!p0 $0x400, s3  }
0xe6: {  	[tilespmem:s28], [sflag:$0x1] =	stream.linear.gather @!p0 [hbm4b:s3+s29], $0x80, $0x38;
	[tilespmem:$0x4400] =	vst v63  }
0xe7: {  	s3 =	sadd.s32 @!p0 s16, s25  }
0xe8: {  	s28 =	simm.s32 @!p0 $0x200;
	s3 =	sadd.s32 @!p0 $0x400, s3  }
0xe9: {  	[tilespmem:s28], [sflag:$0x1] =	stream.linear.gather @!p0 [hbm4b:s3+s29], $0x80, $0x38;
	[tilespmem:$0x4400] =	vst v63  }
0xea: {  	p0 =	sge.u32 s15, s2  }
.Ltmp6:
0xeb: {  	_ = 	snop;
	(pc) =	sbr.rel @p0 .LBB2_8-.Ltmp6, $1  }
0xec: {  	_ =	sdelay $0x3  }
0xed: {  	_ =	swait.ge [sflag:s13], $0x80  }
0xee: {  	[sflag:s13] =	ssyncset.done $0x0  }
0xef: {  	[sflag:s13] =	ssyncadd.s32 $0xFFFFFF80  }
0xf0: {  	_ =	swait.ge [sflag:s13], $0x80  }
0xf1: {  	[sflag:s13] =	ssyncset.done $0x0  }
0xf2: {  	[sflag:s13] =	ssyncadd.s32 $0xFFFFFF80  }
0xf3: {  	_ =	swait.ge [sflag:s13], $0x80  }
0xf4: {  	[sflag:s13] =	ssyncset.done $0x0  }
0xf5: {  	[sflag:s13] =	ssyncadd.s32 $0xFFFFFF80  }
0xf6: {  	_ =	swait.ge [sflag:s13], $0x80  }
0xf7: {  	[sflag:s13] =	ssyncset.done $0x0  }
0xf8: {  	[sflag:s13] =	ssyncadd.s32 $0xFFFFFF80  }
0xf9: {  	_ =	swait.ge [sflag:s13], $0x80  }
0xfa: {  	[sflag:s13] =	ssyncset.done $0x0  }
0xfb: {  	[sflag:s13] =	ssyncadd.s32 $0xFFFFFF80  }
0xfc: {  	v2 =	vld [tilespmem:$0x480]  }
0xfd: {  	v3 =	vld [tilespmem:$0x300]  }
0xfe: {  	v4 =	vld [tilespmem:$0x380]  }
0xff: {  	v5 =	vld [tilespmem:$0x400]  }
0x100: {  	v6 =	vld [tilespmem:$0x490]  }
0x101: {  	v7 =	vld [tilespmem:$0x310]  }
0x102: {  	v8 =	vld [tilespmem:$0x390]  }
0x103: {  	v9 =	vld [tilespmem:$0x410]  }
0x104: {  	v10 =	vld [tilespmem:$0x4A0]  }
0x105: {  	v11 =	vld [tilespmem:$0x320]  }
0x106: {  	v12 =	vld [tilespmem:$0x3A0]  }
0x107: {  	v13 =	vld [tilespmem:$0x420]  }
0x108: {  	v14 =	vld [tilespmem:$0x4B0]  }
0x109: {  	v15 =	vld [tilespmem:$0x330];
	v3 =	vmul.f32 v3, v2  }
0x10a: {  	v16 =	vld [tilespmem:$0x3B0];
	v4 =	vmul.f32 v4, v2  }
0x10b: {  	v31 =	vld [tilespmem:$0x430];
	v2 =	vmul.f32 v5, v2;
	v3 =	vmax.f32 v3, $-1.000000000e+02  }
0x10c: {  	v17 =	vld [tilespmem:$0x4C0];
	v7 =	vmul.f32 v7, v6;
	v4 =	vmax.f32 v4, $-1.000000000e+02;
	v3 =	vmin.f32 v3, $1.000000000e+02  }
0x10d: {  	v33 =	vld [tilespmem:$0x340];
	v32 =	vmul.f32 v8, v6;
	v2 =	vmax.f32 v2, $-1.000000000e+02;
	[tilespmem:$0x300] =	vst v3;
	v3 =	vmin.f32 v4, $1.000000000e+02  }
0x10e: {  	v34 =	vld [tilespmem:$0x3C0];
	v6 =	vmul.f32 v9, v6;
	v2 =	vmin.f32 v2, $1.000000000e+02;
	[tilespmem:$0x380] =	vst v3;
	v3 =	vmax.f32 v7, $-1.000000000e+02  }
0x10f: {  	v36 =	vld [tilespmem:$0x440];
	v35 =	vmul.f32 v11, v10;
	[tilespmem:$0x400] =	vst v2;
	v2 =	vmin.f32 v3, $1.000000000e+02;
	v3 =	vmax.f32 v32, $-1.000000000e+02  }
0x110: {  	v38 =	vld [tilespmem:$0x4D0];
	v37 =	vmul.f32 v12, v10;
	[tilespmem:$0x310] =	vst v2;
	v2 =	vmin.f32 v3, $1.000000000e+02;
	v3 =	vmax.f32 v6, $-1.000000000e+02  }
0x111: {  	v40 =	vld [tilespmem:$0x350];
	v39 =	vmul.f32 v13, v10;
	[tilespmem:$0x390] =	vst v2;
	v2 =	vmin.f32 v3, $1.000000000e+02;
	v3 =	vmax.f32 v35, $-1.000000000e+02  }
0x112: {  	v42 =	vld [tilespmem:$0x3D0];
	v41 =	vmul.f32 v15, v14;
	[tilespmem:$0x410] =	vst v2;
	v2 =	vmin.f32 v3, $1.000000000e+02;
	v3 =	vmax.f32 v37, $-1.000000000e+02  }
0x113: {  	v44 =	vld [tilespmem:$0x450];
	v43 =	vmul.f32 v16, v14;
	[tilespmem:$0x320] =	vst v2;
	v2 =	vmin.f32 v3, $1.000000000e+02;
	v3 =	vmax.f32 v39, $-1.000000000e+02  }
0x114: {  	v45 =	vld [tilespmem:$0x4E0];
	v5 =	vmul.f32 v31, v14;
	[tilespmem:$0x3A0] =	vst v2;
	v2 =	vmin.f32 v3, $1.000000000e+02;
	v3 =	vmax.f32 v41, $-1.000000000e+02  }
0x115: {  	v47 =	vld [tilespmem:$0x360];
	v46 =	vmul.f32 v33, v17;
	[tilespmem:$0x420] =	vst v2;
	v2 =	vmin.f32 v3, $1.000000000e+02;
	v3 =	vmax.f32 v43, $-1.000000000e+02  }
0x116: {  	v49 =	vld [tilespmem:$0x3E0];
	v48 =	vmul.f32 v34, v17;
	[tilespmem:$0x330] =	vst v2;
	v2 =	vmin.f32 v3, $1.000000000e+02;
	v3 =	vmax.f32 v5, $-1.000000000e+02  }
0x117: {  	v51 =	vld [tilespmem:$0x460];
	v50 =	vmul.f32 v36, v17;
	[tilespmem:$0x3B0] =	vst v2;
	v2 =	vmin.f32 v3, $1.000000000e+02;
	v3 =	vmax.f32 v46, $-1.000000000e+02  }
0x118: {  	v53 =	vld [tilespmem:$0x4F0];
	v52 =	vmul.f32 v40, v38;
	[tilespmem:$0x430] =	vst v2;
	v2 =	vmin.f32 v3, $1.000000000e+02;
	v3 =	vmax.f32 v48, $-1.000000000e+02  }
0x119: {  	v55 =	vld [tilespmem:$0x370];
	v54 =	vmul.f32 v42, v38;
	[tilespmem:$0x340] =	vst v2;
	v2 =	vmin.f32 v3, $1.000000000e+02;
	v3 =	vmax.f32 v50, $-1.000000000e+02  }
0x11a: {  	v57 =	vld [tilespmem:$0x3F0];
	v56 =	vmul.f32 v44, v38;
	[tilespmem:$0x3C0] =	vst v2;
	v2 =	vmin.f32 v3, $1.000000000e+02;
	v3 =	vmax.f32 v52, $-1.000000000e+02  }
0x11b: {  	v59 =	vld [tilespmem:$0x470];
	v58 =	vmul.f32 v47, v45;
	[tilespmem:$0x440] =	vst v2;
	v2 =	vmin.f32 v3, $1.000000000e+02;
	v3 =	vmax.f32 v54, $-1.000000000e+02  }
0x11c: {  	v60 =	vmul.f32 v49, v45;
	[tilespmem:$0x350] =	vst v2;
	v2 =	vmin.f32 v3, $1.000000000e+02;
	v3 =	vmax.f32 v56, $-1.000000000e+02  }
0x11d: {  	v4 =	vmax.f32 v58, $-1.000000000e+02;
	[tilespmem:$0x3D0] =	vst v2;
	v2 =	vmul.f32 v51, v45;
	v3 =	vmin.f32 v3, $1.000000000e+02  }
0x11e: {  	v62 =	vmul.f32 v55, v53;
	v61 =	vmax.f32 v60, $-1.000000000e+02;
	[tilespmem:$0x450] =	vst v3;
	v3 =	vmin.f32 v4, $1.000000000e+02  }
0x11f: {  	v63 =	vmul.f32 v57, v53;
	[tilespmem:$0x360] =	vst v3;
	v3 =	vmin.f32 v61, $1.000000000e+02;
	v2 =	vmax.f32 v2, $-1.000000000e+02  }
0x120: {  	v5 =	vmax.f32 v62, $-1.000000000e+02;
	[tilespmem:$0x3E0] =	vst v3;
	v3 =	vmul.f32 v59, v53;
	v2 =	vmin.f32 v2, $1.000000000e+02  }
0x121: {  	v4 =	vmax.f32 v63, $-1.000000000e+02;
	[tilespmem:$0x460] =	vst v2;
	v2 =	vmin.f32 v5, $1.000000000e+02  }
0x122: {  	[tilespmem:$0x370] =	vst v2;
	v2 =	vmin.f32 v4, $1.000000000e+02;
	v3 =	vmax.f32 v3, $-1.000000000e+02  }
0x123: {  	[tilespmem:$0x3F0] =	vst v2;
	v2 =	vmin.f32 v3, $1.000000000e+02  }
0x124: {  	[tilespmem:$0x470] =	vst v2  }
0x125: {  	[spmem:s0] =	stream.indirect.scatter.add.f32 [tilespmem:s9], [sflag:$0x3], $0x1, s8, s5, $0xb8;
	[tilespmem:$0x4400] =	vst v63  }
0x126: {  	_ =	swait.ge [sflag:s4], $0x80  }
0x127: {  	[sflag:s4] =	ssyncset.done $0x0  }
0x128: {  	[sflag:s4] =	ssyncadd.s32 $0xFFFFFF80  }
0x129: {  	[spmem:s17] =	stream.indirect.scatter.add.f32 [tilespmem:s10], [sflag:$0x3], $0x1, s8, s5, $0xb8;
	[tilespmem:$0x4400] =	vst v63  }
0x12a: {  	_ =	swait.ge [sflag:s4], $0x80  }
0x12b: {  	[sflag:s4] =	ssyncset.done $0x0  }
0x12c: {  	[sflag:s4] =	ssyncadd.s32 $0xFFFFFF80  }
0x12d: {  	[spmem:s20] =	stream.indirect.scatter.add.f32 [tilespmem:s11], [sflag:$0x3], $0x1, s8, s5, $0xb8;
	[tilespmem:$0x4400] =	vst v63  }
0x12e: {  	_ =	swait.ge [sflag:s4], $0x80  }
0x12f: {  	[sflag:s4] =	ssyncset.done $0x0  }
.Ltmp7:
0x130: {  	[sflag:s4] =	ssyncadd.s32 $0xFFFFFF80;
	(pc) =	sbr.rel .LBB2_8-.Ltmp7, $4  }
0x131: {  	[spmem:s23] =	stream.indirect.scatter.add.f32 [tilespmem:s12], [sflag:$0x3], $0x1, s8, s5, $0xb8;
	[tilespmem:$0x4400] =	vst v63  }
0x132: {  	_ =	swait.ge [sflag:s4], $0x80  }
0x133: {  	[sflag:s4] =	ssyncset.done $0x0  }
0x134: {  	[sflag:s4] =	ssyncadd.s32 $0xFFFFFF80  }
.LBB2_10:
0x135: {  	_ =	sfence.sel $0x180000  }
0x136: {  	[bflag:$0x0] =	sbarrier.arrive $0xFFFF  }
0x137: {  	_ =	strace $0x9000004A  }
0x138: {  	s0 =	stileid.u32;
	[bflag:$0x2] =	sbarrier.arrive $0xFFFF  }
0x139: {  	p0 =	sne.s32 s0, $0x0;
	s0 =	rddreg [dreg:$0x6]  }
0x13a: {  	s0 =	sadd.s32 @!p0 $0x100000, s0  }
0x13b: {  	[sflag:s0] =	ssyncadd.tile.s32 @!p0 $0x1;
	_ =	shalt  }
.Lfunc_end2:
_tile_overlayer_lowered:
.L_overlay_start_2:
0x13c: {  	(tag) =	ssettag $0x2  }
0x13d: {  	s0 =	rddreg [dreg:$0x0];
	s2 =	stileid.u32  }
0x13e: {  	s1 =	rddreg [dreg:$0x1];
	p0 =	sne.s32 s2, $0x0  }
0x13f: {  	s3 =	rddreg [dreg:$0x2];
	[bflag:$0x3] =	sbarrier.arrive $0xFFFF;
	s2 =	simm.s32 @!p0 $0x1C03  }
0x140: {  	[timem:s3], [sflag:s2] =	dma.local @!p0 [hbm:s0], s1  }
0x141: {  	s0 =	simm.s32 @!p0 $0x3  }
0x142: {  	_ =	swait.ge @!p0 [sflag:s0], s1  }
0x143: {  	s1 =	ssub.s32 @!p0 $0x0, s1;
	[sflag:s0] =	ssyncset.done @!p0 $0x0  }
0x144: {  	[sflag:s0] =	ssyncadd.s32 @!p0 s1  }
0x145: {  	[bflag:$0x3] =	sbarrier.arrive $0xFFFF  }
0x146: {  	_ =	shalt  }

// kernel: kernel.7.cloned.1.call-start
scs
__scs_entry_jumppad:
0x0: {  	(pc) =	sbr.rel $0x88, $3  }
0x1: {  	(tag) =	ssettag $0x0;
	lr =	simm.s32 $0x1  }
0x2: {  	[smem:$0x3F95] =	sst lr;
	_ =	strace $0xD0000000  }
0x3: {  	_ = 	snop  }
0x4: {  	_ = 	snop  }
0x5: {  	_ = 	snop  }
0x6: {  	_ = 	snop  }
0x7: {  	_ = 	snop  }
__scs_overlays_trampoline_lowered:
0x8: {  	[smem:$0x3FA4] =	sst s0  }
0x9: {  	[smem:$0x3FA5] =	sst s1  }
0xa: {  	[smem:$0x3FA6] =	sst s2  }
0xb: {  	[smem:$0x3FA7] =	sst s3  }
0xc: {  	[smem:$0x3FA8] =	sst s4  }
0xd: {  	[smem:$0x3FA9] =	sst s5  }
0xe: {  	[smem:$0x3FAA] =	sst s6  }
0xf: {  	[smem:$0x3FAB] =	sst s7  }
0x10: {  	[smem:$0x3FAC] =	sst s8  }
0x11: {  	[smem:$0x3FAD] =	sst s9;
	s0 =	simm.s32 @!p0 $0x0  }
0x12: {  	s1 =	sld [smem:$0x3F93];
	s0 =	simm.s32 @p0 $0x1  }
0x13: {  	[smem:$0x3FAE] =	sst s0;
	s0 =	simm.s32 @!p1 $0x0  }
0x14: {  	s2 =	sld [smem:$0x3F92];
	s0 =	simm.s32 @p1 $0x1  }
0x15: {  	[smem:$0x3FAF] =	sst s0;
	s0 =	simm.s32 @!p2 $0x0  }
0x16: {  	s3 =	sld [smem:$0x3FDB];
	s0 =	simm.s32 @p2 $0x1  }
0x17: {  	s4 =	simm.s32 $0x1BF5;
	[smem:$0x3FB1] =	sst s0  }
0x18: {  	s0 =	sld [smem:$0x3F94];
	_ =	swait.ge [sflag:s4], $0x0  }
0x19: {  	s7 =	sld [smem:$0x3F95]  }
0x1a: {  	s8 =	sadd.s32 $0xFFFFE003, lr  }
0x1b: {  	s9 =	sadd.s32 $0xFFFFFEF7, lr;
	s5 =	simm.s32 $0xFFFFFFFF;
	p2 =	slt.u32 s8, $0xFFFFF086  }
0x1c: {  	p1 =	slt.u32 s9, $0xF7A;
	s5 =	simm.s32 @!p2 $0x0  }
0x1d: {  	s5 =	simm.s32 @p1 $0x1;
	p0 =	seq.s32 s7, s2  }
0x1e: {  	s7 =	smul.u32 @!p0 $0xF7A, s2;
	p2 =	seq.s32 @!p0 s5, $0x0  }
0x1f: {  	s9 =	smul.u32 $0xF7A, s1;
	s8 =	simm.s32 @!p0 $0x1BF5;
	p2 =	por !p2, p0  }
0x20: {  	[sflag:s8] =	ssyncset.s32 @!p0 $0xFFFFF086;
	s6 =	sadd.s32 @!p0 s3, s7;
	s7 =	simm.s32 @!p0 $0x108  }
0x21: {  	s3 =	sadd.s32 s3, s9;
	s6 =	sadd.s32 @!p0 $0x88, s6;
	s7 =	simm.s32 @p2 $0x1082  }
0x22: {  	[simem:s7], [sflag:s8] =	dma.local @!p0 [hbm:s6], $0xF7A  }
0x23: {  	s9 =	sor.u32 $0xD0000000, s2;
	s6 =	simm.s32 $0x108;
	_ =	swait.ge @!p0 [sflag:s8], $0x0  }
0x24: {  	s3 =	sadd.s32 $0x88, s3;
	s6 =	simm.s32 @!p1 $0x1082;
	[sflag:s4] =	ssyncset.s32 $0xFFFFF086  }
0x25: {  	[simem:s6], [sflag:s4] =	dma.local [hbm:s3], $0xF7A  }
0x26: {  	[smem:$0x3F95] =	sst s1;
	(tag) =	ssettag s2;
	_ =	strace s9  }
0x27: {  	s1 =	sld [smem:$0x3FA5]  }
0x28: {  	s2 =	sld [smem:$0x3FA6]  }
0x29: {  	s4 =	sld [smem:$0x3FA8]  }
0x2a: {  	p0 =	seq.s32 s5, $0x0;
	s5 =	sld [smem:$0x3FA9]  }
0x2b: {  	s6 =	sld [smem:$0x3FAA]  }
0x2c: {  	s7 =	sld [smem:$0x3FAB]  }
0x2d: {  	s3 =	simm.s32 $0x108;
	s8 =	sld [smem:$0x3FAC]  }
0x2e: {  	s3 =	simm.s32 @!p0 $0x1082;
	s9 =	sld [smem:$0x3FAD]  }
0x2f: {  	lr =	sadd.s32 s0, s3;
	s0 =	sld [smem:$0x3FA4]  }
0x30: {  	s3 =	sld [smem:$0x3FA7]  }
0x31: {  	[smem:$0x3FB0] =	sst s10  }
0x32: {  	s10 =	sld [smem:$0x3FAE];
	_ =	sdelay $0x3  }
0x33: {  	p0 =	seq.s32 s10, $0x1;
	s10 =	sld [smem:$0x3FB0];
	_ =	sdelay $0x3  }
0x34: {  	[smem:$0x3FB0] =	sst s10  }
0x35: {  	s10 =	sld [smem:$0x3FAF];
	_ =	sdelay $0x3  }
0x36: {  	p1 =	seq.s32 s10, $0x1;
	s10 =	sld [smem:$0x3FB0];
	_ =	sdelay $0x3  }
0x37: {  	[smem:$0x3FB0] =	sst s10  }
0x38: {  	s10 =	sld [smem:$0x3FB1]  }
0x39: {  	_ = 	snop;
	(pc) =	sbr.ind lr, $3  }
0x3a: {  	_ = 	snop  }
0x3b: {  	_ = 	snop  }
0x3c: {  	p2 =	seq.s32 s10, $0x1;
	s10 =	sld [smem:$0x3FB0]  }
0x3d: {  	_ =	shalt  }
0x3e: {  	_ =	shalt  }
0x3f: {  	_ =	shalt  }
0x40: {  	_ =	shalt  }
0x41: {  	_ =	shalt  }
0x42: {  	_ =	shalt  }
0x43: {  	_ =	shalt  }
0x44: {  	_ =	shalt  }
0x45: {  	_ =	shalt  }
0x46: {  	_ =	shalt  }
0x47: {  	_ =	shalt  }
0x48: {  	_ =	shalt  }
0x49: {  	_ =	shalt  }
0x4a: {  	_ =	shalt  }
0x4b: {  	_ =	shalt  }
0x4c: {  	_ =	shalt  }
0x4d: {  	_ =	shalt  }
0x4e: {  	_ =	shalt  }
0x4f: {  	_ =	shalt  }
0x50: {  	_ =	shalt  }
0x51: {  	_ =	shalt  }
0x52: {  	_ =	shalt  }
0x53: {  	_ =	shalt  }
0x54: {  	_ =	shalt  }
0x55: {  	_ =	shalt  }
0x56: {  	_ =	shalt  }
0x57: {  	_ =	shalt  }
0x58: {  	_ =	shalt  }
0x59: {  	_ =	shalt  }
0x5a: {  	_ =	shalt  }
0x5b: {  	_ =	shalt  }
0x5c: {  	_ =	shalt  }
0x5d: {  	_ =	shalt  }
0x5e: {  	_ =	shalt  }
0x5f: {  	_ =	shalt  }
0x60: {  	_ =	shalt  }
0x61: {  	_ =	shalt  }
0x62: {  	_ =	shalt  }
0x63: {  	_ =	shalt  }
0x64: {  	_ =	shalt  }
0x65: {  	_ =	shalt  }
0x66: {  	_ =	shalt  }
0x67: {  	_ =	shalt  }
0x68: {  	_ =	shalt  }
0x69: {  	_ =	shalt  }
0x6a: {  	_ =	shalt  }
0x6b: {  	_ =	shalt  }
0x6c: {  	_ =	shalt  }
0x6d: {  	_ =	shalt  }
0x6e: {  	_ =	shalt  }
0x6f: {  	_ =	shalt  }
0x70: {  	_ =	shalt  }
0x71: {  	_ =	shalt  }
0x72: {  	_ =	shalt  }
0x73: {  	_ =	shalt  }
0x74: {  	_ =	shalt  }
0x75: {  	_ =	shalt  }
0x76: {  	_ =	shalt  }
0x77: {  	_ =	shalt  }
0x78: {  	_ =	shalt  }
0x79: {  	_ =	shalt  }
0x7a: {  	_ =	shalt  }
0x7b: {  	_ =	shalt  }
0x7c: {  	_ =	shalt  }
0x7d: {  	_ =	shalt  }
0x7e: {  	_ =	shalt  }
0x7f: {  	_ =	shalt  }
0x80: {  	_ =	shalt  }
0x81: {  	_ =	shalt  }
0x82: {  	_ =	shalt  }
0x83: {  	_ =	shalt  }
0x84: {  	_ =	shalt  }
0x85: {  	_ =	shalt  }
0x86: {  	_ =	shalt  }
0x87: {  	_ =	shalt  }
.Lfunc_end0:
.L_simem_size_0:
called_computation.1_lowered:
.L_overlay_start_0:
0x88: {  	s2 =	sld [smem:$0x3FD9]  }
0x89: {  	s3 =	sld [smem:$0x3FFE];
	_ =	sdelay $0x1  }
0x8a: {  	s1 =	srdreg.scid  }
0x8b: {  	s0 =	sand.u32 $0x1, s1  }
0x8c: {  	s14 =	sshll.u32 s0, $0xA;
	s2 =	sadd.s32 s3, s2  }
0x8d: {  	s2 =	sadd.s32 s2, s14  }
0x8e: {  	[smem:$0x3FBC] =	sst s2  }
0x8f: {  	_ = 	snop  }
0x90: {  	s2 =	sld [smem:$0x3FD0];
	_ =	sdelay $0x2  }
0x91: {  	s15 =	simm.s32 $0xB;
	s4 =	simm.s32 $0x10  }
0x92: {  	[smem:s4], [sflag:s15] =	dma.local [hbm:s2], $0x1  }
0x93: {  	_ =	swait.eq [sflag:s15], $0x1  }
0x94: {  	[sflag:s15] =	ssyncset.done $0x0  }
0x95: {  	s16 =	sld [smem:$0x10];
	[sflag:s15] =	ssyncadd.s32 $0xFFFFFFFF  }
0x96: {  	s17 =	sld [smem:$0x11];
	(tm) =	ssettm $0x1  }
0x97: {  	s18 =	sld [smem:$0x3FFB];
	_ =	sdelay $0x3  }
0x98: {  	_ =	strace s18  }
0x99: {  	s4 =	sld [smem:$0x3FFC];
	_ =	sdelay $0x3  }
0x9a: {  	_ =	strace s4  }
0x9b: {  	s4 =	sld [smem:$0x3FFD];
	_ =	sdelay $0x3  }
0x9c: {  	_ =	strace s4  }
0x9d: {  	_ =	strace $0x8FFFFFFF  }
0x9e: {  	s19 =	sld [smem:$0x3FDB];
	_ =	sdelay $0x1  }
0x9f: {  	s5 =	simm.s32 $_scs_section_size  }
0xa0: {  	s6 =	simm.s32 $_size__tile_overlayer_lowered;
	s7 =	simm.s32 $_tile_overlayer_lowered  }
0xa1: {  	s22 =	simm.s32 $0x1BFF;
	s21 =	sshll.u32 s7, $0x1;
	s4 =	sadd.s32 s5, s19  }
0xa2: {  	s8 =	simm.s32 $0x0;
	s20 =	sshll.u32 s6, $0x1;
	s6 =	sadd.s32 s21, s4  }
0xa3: {  	[timem:s8], [sflag:s22] =	dma.local [hbm:s6], s20  }
0xa4: {  	_ =	swait.ge [sflag:s22], s20  }
0xa5: {  	s5 =	ssub.s32 $0x0, s20;
	[sflag:s22] =	ssyncset.done $0x0  }
0xa6: {  	[sflag:s22] =	ssyncadd.s32 s5;
	_ =	sdelay $0x1  }
0xa7: {  	s23 =	simm.s32 $0x1B8B  }
0xa8: {  	_ =	swait.ge [sflag:s23], $0x1  }
0xa9: {  	[sflag:s23] =	ssyncset.done $0x0  }
0xaa: {  	s25 =	simm.s32 $0x1B8E;
	s24 =	sld [smem:$0x3FFE];
	[sflag:s23] =	ssyncadd.s32 $0xFFFFFFFF  }
0xab: {  	s26 =	simm.s32 $execute0_lowered;
	[smem:$0x3FD2] =	sst s25  }
0xac: {  	s6 =	sshll.u32 s26, $0x1;
	_ =	strace $0x80000046;
	[dreg:$0x1] =	wrdreg $0xFFFFFFFF  }
0xad: {  	s28 =	simm.s32 $_size_execute0_lowered;
	s4 =	sadd.s32 s4, s6;
	[dreg:$0x0] =	wrdreg $0x0  }
0xae: {  	s6 =	sshll.u32 s28, $0x1;
	[dreg:$0x2] =	wrdreg s4  }
0xaf: {  	[dreg:$0x3] =	wrdreg s6  }
0xb0: {  	[dreg:$0x4] =	wrdreg $0xC0  }
0xb1: {  	_ =	task [dreg:s8], $0x5FFFF  }
0xb2: {  	[dreg:$0x1] =	wrdreg $0xFFFFFFFF  }
0xb3: {  	[dreg:$0x0] =	wrdreg $0x60  }
0xb4: {  	[dreg:$0x2] =	wrdreg s24  }
0xb5: {  	[dreg:$0x3] =	wrdreg s16  }
0xb6: {  	[dreg:$0x4] =	wrdreg s17  }
0xb7: {  	[dreg:$0x5] =	wrdreg $0x9  }
0xb8: {  	_ =	task.clear_ibuf [dreg:s8], $0x6FFFF;
	_ =	strace $0x90000046  }
0xb9: {  	s29 =	simm.s32 $0x9;
	_ =	strace $0x80000048  }
0xba: {  	_ =	swait.ge [sflag:s29], $0x1  }
0xbb: {  	[sflag:s29] =	ssyncadd.s32 $0xFFFFFFFF  }
0xbc: {  	_ =	strace $0x90000048  }
0xbd: {  	_ =	sfence  }
0xbe: {  	s30 =	sld [smem:$0x0];
	_ =	sdelay $0x2  }
0xbf: {  	s31 =	sshll.u32 s1, $0xD;
	s1 =	sshrl.u32 s1, $0x2  }
0xc0: {  	s3 =	sand.u32 $0x4000, s31;
	s1 =	sadd.s32 s1, s30  }
0xc1: {  	s0 =	sor.u32 s3, s0;
	s1 =	sshll.u32 s1, $0x11  }
0xc2: {  	s0 =	sor.u32 s1, s0  }
0xc3: {  	s0 =	sadd.s32 $0x8F2B, s0  }
0xc4: {  	[sflag:s0] =	ssyncadd.remote.s32 $0x1  }
0xc5: {  	_ =	sfence.sel $0xFFFF  }
0xc6: {  	[dreg:$0x0] =	wrdreg $0xFFFFFFFF;
	(pc) =	sbr.abs _section_cstart, $3  }
0xc7: {  	[dreg:$0x1] =	wrdreg $0xFFFFFFFF  }
0xc8: {  	_ =	task.clear_ibuf [dreg:s8], $0x2FFFF;
	_ =	strace $0x9FFFFFFF  }
0xc9: {  	(tm) =	ssettm $0x7FFFFFFF  }
tec
execute0_lowered:
.L_overlay_start_1:
0x0: {  	(tag) =	ssettag $0x1  }
0x1: {  	s0 =	rddreg [dreg:$0x0]  }
0x2: {  	s1 =	rddreg [dreg:$0x1]  }
0x3: {  	s3 =	rddreg [dreg:$0x2];
	s2 =	simm.s32 $0x0;
	s5 =	srdreg.scid  }
0x4: {  	s11 =	stileid.u32;
	s31 =	simm.s32 $0x800;
	s28 =	simm.s32 $0xB80  }
0x5: {  	s29 =	simm.s32 $0xC00;
	s30 =	simm.s32 $0xC80;
	[smem:$0x7FF] =	sst s2  }
0x6: {  	s4 =	sadd.s32 $0x4E00, s0;
	s6 =	sand.u32 $0x1, s5;
	s5 =	sadd.s32 $0x3400, s0  }
0x7: {  	s8 =	sadd.s32 $0x6800, s0;
	s9 =	sshll.u32 s11, $0x5;
	p0 =	slt.u32 s11, $0xA  }
0x8: {  	_ =	strace $0x80000047;
	s7 =	ssub.s32 $0x2, s6;
	s0 =	sadd.s32 s9, s0  }
0x9: {  	s21 =	sshll.u32 s6, $0x4;
	s6 =	simm.s32 $0x187;
	s26 =	sadd.s32 s9, s8  }
0xa: {  	s10 =	sshrl.u32 s7, $0x1;
	s22 =	sor.u32 s21, s9;
	s6 =	simm.s32 @!p0 $0x186  }
0xb: {  	s0 =	sadd.s32 s21, s0;
	s18 =	sadd.s32 s21, s26;
	s26 =	simm.s32 $0xB00  }
0xc: {  	s7 =	ssub.s32 s7, s10;
	s12 =	sadd.s32 s8, s22;
	s23 =	sor.u32 $0x200, s22  }
0xd: {  	s11 =	sadd.s32 s3, s22;
	s13 =	sadd.s32 $0x37600, s0;
	s14 =	sadd.s32 $0x68400, s0  }
0xe: {  	s15 =	sadd.s32 $0x99200, s0;
	s16 =	sadd.s32 $0xCA000, s0;
	[dreg:$0x4] =	wrdreg s12  }
0xf: {  	s17 =	sadd.s32 $0xFAE00, s0;
	s0 =	simm.s32 $0x880;
	[dreg:$0x5] =	wrdreg s11  }
.Ltmp0:
0x10: {  	s24 =	sadd.s32 s8, s23;
	s25 =	sadd.s32 s3, s23;
	(pc) =	sbr.rel .LBB2_1-.Ltmp0, $4  }
0x11: {  	s11 =	sadd.s32 $0x2, s6;
	s7 =	smax.u32 s7, $0x1;
	[dreg:$0x6] =	wrdreg s24  }
0x12: {  	s3 =	sadd.s32 s9, s3;
	s23 =	simm.s32 $0x980;
	[dreg:$0x7] =	wrdreg s25  }
0x13: {  	[dreg:$0x8] =	wrdreg s7;
	s19 =	sadd.s32 s21, s3;
	s3 =	simm.s32 $0x900  }
0x14: {  	s24 =	simm.s32 $0xA00;
	s25 =	simm.s32 $0xA80;
	s7 =	simm.s32 $0x0  }
.LBB2_7:
0x15: {  	s7 =	sadd.s32 $0x1, s7;
	s8 =	rddreg [dreg:$0x8]  }
0x16: {  	p0 =	sne.s32 s7, s8  }
.Ltmp1:
0x17: {  	_ = 	snop;
	(pc) =	sbr.rel @!p0 .LBB2_8-.Ltmp1, $1  }
0x18: {  	_ =	sdelay $0x3  }
.LBB2_1:
0x19: {  	s8 =	rddreg [dreg:$0x4];
	s9 =	simm.s32 $0x7  }
0x1a: {  	[tilespmem:s2], [sflag:$0x7] =	stream.linear.gather [hbm4b:s8+s2], $0x80, $0x38;
	[tilespmem:$0xD00] =	vst v63  }
0x1b: {  	_ =	swait.ge [sflag:s9], $0x80  }
0x1c: {  	[sflag:s9] =	ssyncset.done $0x0  }
0x1d: {  	s10 =	simm.s32 $0x100;
	s21 =	rddreg [dreg:$0x5];
	[sflag:s9] =	ssyncadd.s32 $0xFFFFFF80  }
0x1e: {  	[tilespmem:s10], [sflag:$0x7] =	stream.linear.gather [hbm4b:s21+s2], $0x80, $0x38;
	[tilespmem:$0xD00] =	vst v63  }
0x1f: {  	_ =	swait.ge [sflag:s9], $0x80  }
0x20: {  	[sflag:s9] =	ssyncset.done $0x0  }
0x21: {  	s22 =	simm.s32 $0x200;
	[sflag:s9] =	ssyncadd.s32 $0xFFFFFF80;
	s9 =	simm.s32 $0x80  }
0x22: {  	[tilespmem:s22], [sflag:$0x3] =	stream.indirect.gather [hbm4b:s4+s9], $0x1, s2, s9, $0xb8;
	[tilespmem:$0xD00] =	vst v63  }
0x23: {  	s12 =	simm.s32 $0x500  }
0x24: {  	[tilespmem:s12], [sflag:$0x3] =	stream.indirect.gather [hbm4b:s4+s9], $0x1, s10, s9, $0xb8;
	[tilespmem:$0xD00] =	vst v63  }
0x25: {  	s20 =	simm.s32 $0x280  }
0x26: {  	[tilespmem:s20], [sflag:$0x3] =	stream.indirect.gather [hbm4b:s5+s9], $0x1, s2, s9, $0xb8;
	[tilespmem:$0xD00] =	vst v63  }
0x27: {  	s21 =	simm.s32 $0x580  }
0x28: {  	[tilespmem:s21], [sflag:$0x3] =	stream.indirect.gather [hbm4b:s5+s9], $0x1, s10, s9, $0xb8;
	[tilespmem:$0xD00] =	vst v63  }
0x29: {  	s22 =	simm.s32 $0x300  }
0x2a: {  	[tilespmem:s22], [sflag:$0x3] =	stream.indirect.gather [hbm4b:s1+s9], $0x1, s2, s9, $0xb8;
	[tilespmem:$0xD00] =	vst v63  }
0x2b: {  	s12 =	simm.s32 $0x600  }
0x2c: {  	[tilespmem:s12], [sflag:$0x3] =	stream.indirect.gather [hbm4b:s1+s9], $0x1, s10, s9, $0xb8;
	[tilespmem:$0xD00] =	vst v63  }
.Ltmp2:
0x2d: {  	_ = 	snop;
	(pc) =	sbr.rel .LBB2_2-.Ltmp2, $4  }
0x2e: {  	s8 =	simm.s32 $0x0;
	s20 =	rddreg [dreg:$0x6]  }
0x2f: {  	[tilespmem:s9], [sflag:$0x2] =	stream.linear.gather [hbm4b:s20+s2], $0x80, $0x38;
	[tilespmem:$0xD00] =	vst v63  }
0x30: {  	s21 =	rddreg [dreg:$0x7];
	s22 =	simm.s32 $0x180;
	s9 =	simm.s32 $0x0  }
0x31: {  	[tilespmem:s22], [sflag:$0x2] =	stream.linear.gather [hbm4b:s21+s2], $0x80, $0x38;
	[tilespmem:$0xD00] =	vst v63  }
.LBB2_6:
0x32: {  	s8 =	sadd.s32 $0x400, s8  }
0x33: {  	p0 =	sne.s32 s8, $0x31400  }
.Ltmp3:
0x34: {  	_ = 	snop;
	(pc) =	sbr.rel @!p0 .LBB2_7-.Ltmp3, $2  }
0x35: {  	_ =	sdelay $0x2  }
0x36: {  	s9 =	smov.u32 s10  }
.LBB2_2:
0x37: {  	p3 =	sge.u32 s9, s6  }
0x38: {  	s10 =	simm.s32 @!p3 $0x3  }
0x39: {  	_ =	swait.ge @!p3 [sflag:s10], $0x80  }
0x3a: {  	[sflag:s10] =	ssyncset.done @!p3 $0x0  }
0x3b: {  	[sflag:s10] =	ssyncadd.s32 @!p3 $0xFFFFFF80  }
0x3c: {  	_ =	swait.ge @!p3 [sflag:s10], $0x80  }
0x3d: {  	[sflag:s10] =	ssyncset.done @!p3 $0x0  }
0x3e: {  	[sflag:s10] =	ssyncadd.s32 @!p3 $0xFFFFFF80  }
0x3f: {  	_ =	swait.ge @!p3 [sflag:s10], $0x80  }
0x40: {  	[sflag:s10] =	ssyncset.done @!p3 $0x0  }
0x41: {  	[sflag:s10] =	ssyncadd.s32 @!p3 $0xFFFFFF80  }
0x42: {  	_ =	swait.ge @!p3 [sflag:s10], $0x80  }
0x43: {  	[sflag:s10] =	ssyncset.done @!p3 $0x0  }
0x44: {  	[sflag:s10] =	ssyncadd.s32 @!p3 $0xFFFFFF80  }
0x45: {  	_ =	swait.ge @!p3 [sflag:s10], $0x80  }
0x46: {  	[sflag:s10] =	ssyncset.done @!p3 $0x0  }
0x47: {  	p1 =	seq.s32 s8, $0x0;
	[sflag:s10] =	ssyncadd.s32 @!p3 $0xFFFFFF80  }
0x48: {  	p0 =	sge.u32 @!p1 s9, s11;
	_ =	swait.ge @!p3 [sflag:s10], $0x80  }
0x49: {  	p2 =	por p0, p1;
	[sflag:s10] =	ssyncset.done @!p3 $0x0  }
0x4a: {  	[sflag:s10] =	ssyncadd.s32 @!p3 $0xFFFFFF80;
	s10 =	simm.s32 @!p2 $0x5  }
0x4b: {  	_ =	swait.ge @!p2 [sflag:s10], $0x80  }
0x4c: {  	[sflag:s10] =	ssyncset.done @!p2 $0x0  }
0x4d: {  	[sflag:s10] =	ssyncadd.s32 @!p2 $0xFFFFFF80  }
0x4e: {  	_ =	swait.ge @!p2 [sflag:s10], $0x80  }
0x4f: {  	[sflag:s10] =	ssyncset.done @!p2 $0x0  }
0x50: {  	[sflag:s10] =	ssyncadd.s32 @!p2 $0xFFFFFF80  }
0x51: {  	_ =	swait.ge @!p2 [sflag:s10], $0x80  }
0x52: {  	[sflag:s10] =	ssyncset.done @!p2 $0x0  }
0x53: {  	[sflag:s10] =	ssyncadd.s32 @!p2 $0xFFFFFF80  }
0x54: {  	_ =	swait.ge @!p2 [sflag:s10], $0x80  }
0x55: {  	[sflag:s10] =	ssyncset.done @!p2 $0x0  }
0x56: {  	[sflag:s10] =	ssyncadd.s32 @!p2 $0xFFFFFF80  }
0x57: {  	s12 =	sadd.s32 $0x1, s9;
	_ =	swait.ge @!p2 [sflag:s10], $0x80  }
0x58: {  	p0 =	sge.u32 s12, s6;
	[sflag:s10] =	ssyncset.done @!p2 $0x0  }
0x59: {  	[sflag:s10] =	ssyncadd.s32 @!p2 $0xFFFFFF80;
	s10 =	simm.s32 @!p0 $0x2  }
0x5a: {  	_ =	swait.ge @!p0 [sflag:s10], $0x80  }
0x5b: {  	[sflag:s10] =	ssyncset.done @!p0 $0x0  }
0x5c: {  	[sflag:s10] =	ssyncadd.s32 @!p0 $0xFFFFFF80  }
0x5d: {  	_ =	swait.ge @!p0 [sflag:s10], $0x80  }
0x5e: {  	[sflag:s10] =	ssyncset.done @!p0 $0x0  }
0x5f: {  	s12 =	simm.s32 @!p0 $0x380;
	[sflag:s10] =	ssyncadd.s32 @!p0 $0xFFFFFF80;
	s10 =	simm.s32 @!p0 $0x80  }
0x60: {  	[tilespmem:s12], [sflag:$0x4] =	stream.indirect.gather @!p0 [hbm4b:s4+s10], $0x1, s10, s10, $0xb8;
	[tilespmem:$0xD00] =	vst v63  }
0x61: {  	s21 =	simm.s32 @!p0 $0x680;
	s12 =	simm.s32 @!p0 $0x180  }
0x62: {  	[tilespmem:s21], [sflag:$0x4] =	stream.indirect.gather @!p0 [hbm4b:s4+s10], $0x1, s12, s10, $0xb8;
	[tilespmem:$0xD00] =	vst v63  }
0x63: {  	s21 =	simm.s32 @!p0 $0x400  }
0x64: {  	[tilespmem:s21], [sflag:$0x4] =	stream.indirect.gather @!p0 [hbm4b:s5+s10], $0x1, s10, s10, $0xb8;
	[tilespmem:$0xD00] =	vst v63  }
0x65: {  	s21 =	simm.s32 @!p0 $0x700  }
0x66: {  	[tilespmem:s21], [sflag:$0x4] =	stream.indirect.gather @!p0 [hbm4b:s5+s10], $0x1, s12, s10, $0xb8;
	[tilespmem:$0xD00] =	vst v63  }
0x67: {  	s21 =	simm.s32 @!p0 $0x480  }
0x68: {  	[tilespmem:s21], [sflag:$0x4] =	stream.indirect.gather @!p0 [hbm4b:s1+s10], $0x1, s10, s10, $0xb8;
	[tilespmem:$0xD00] =	vst v63  }
0x69: {  	s21 =	simm.s32 @!p0 $0x780  }
0x6a: {  	[tilespmem:s21], [sflag:$0x4] =	stream.indirect.gather @!p0 [hbm4b:s1+s10], $0x1, s12, s10, $0xb8;
	[tilespmem:$0xD00] =	vst v63  }
0x6b: {  	s10 =	sadd.s32 $0x2, s9  }
0x6c: {  	p2 =	sge.u32 s10, s6  }
0x6d: {  	s12 =	sadd.s32 @!p2 s8, s18  }
.Ltmp4:
0x6e: {  	s21 =	sadd.s32 @!p2 $0x400, s12;
	s12 =	simm.s32 @!p2 $0x0;
	(pc) =	sbr.rel @p3 .LBB2_4-.Ltmp4, $4  }
0x6f: {  	[tilespmem:s12], [sflag:$0x1] =	stream.linear.gather @!p2 [hbm4b:s21+s12], $0x80, $0x38;
	[tilespmem:$0xD00] =	vst v63  }
0x70: {  	s21 =	sadd.s32 @!p2 s8, s19  }
0x71: {  	s20 =	sadd.s32 @!p2 $0x400, s21;
	s21 =	simm.s32 @!p2 $0x100  }
0x72: {  	[tilespmem:s21], [sflag:$0x1] =	stream.linear.gather @!p2 [hbm4b:s20+s12], $0x80, $0x38;
	[tilespmem:$0xD00] =	vst v63  }
0x73: {  	v0 =	vld [tilespmem:$0x200]  }
0x74: {  	v1 =	vld [tilespmem:$0x280]  }
0x75: {  	v2 =	vld [tilespmem:$0x300]  }
0x76: {  	v3 =	vld [tilespmem:$0x500]  }
0x77: {  	v4 =	vld [tilespmem:$0x580]  }
0x78: {  	v5 =	vld [tilespmem:$0x600]  }
0x79: {  	v6 =	vld [tilespmem:$0x210]  }
0x7a: {  	v7 =	vld [tilespmem:$0x290]  }
0x7b: {  	v8 =	vld [tilespmem:$0x310]  }
0x7c: {  	v9 =	vld [tilespmem:$0x510]  }
0x7d: {  	v10 =	vld [tilespmem:$0x590]  }
0x7e: {  	v11 =	vld [tilespmem:$0x610]  }
0x7f: {  	v12 =	vld [tilespmem:$0x220]  }
0x80: {  	v15 =	vld [tilespmem:$0x2A0]  }
0x81: {  	v16 =	vld [tilespmem:$0x320]  }
0x82: {  	v19 =	vld [tilespmem:$0x520]  }
0x83: {  	v21 =	vld [tilespmem:$0x5A0]  }
0x84: {  	v52 =	vld [tilespmem:$0x620]  }
0x85: {  	v23 =	vld [tilespmem:$0x230]  }
0x86: {  	v56 =	vld [tilespmem:$0x2B0]  }
0x87: {  	v59 =	vld [tilespmem:$0x330];
	v13 =	vsub.f32 v0, v3  }
0x88: {  	v61 =	vld [tilespmem:$0x530];
	v14 =	vsub.f32 v1, v4  }
0x89: {  	v62 =	vld [tilespmem:$0x5B0];
	v20 =	vsub.f32 v2, v5;
	[tilespmem:$0x900] =	vst v13  }
0x8a: {  	v26 =	vld [tilespmem:$0x630];
	v54 =	vsub.f32 v6, v9;
	[tilespmem:$0x980] =	vst v14  }
0x8b: {  	v29 =	vld [tilespmem:$0x240];
	v0 =	vmul.f32 v3, v0;
	v1 =	vmul.f32 v4, v1;
	v22 =	vsub.f32 v7, v10;
	[tilespmem:$0xA00] =	vst v20  }
0x8c: {  	v38 =	vld [tilespmem:$0x540];
	v55 =	vmul.f32 v5, v2;
	v60 =	vsub.f32 v8, v11;
	v6 =	vmul.f32 v9, v6;
	[tilespmem:$0x910] =	vst v54  }
0x8d: {  	v32 =	vld [tilespmem:$0x2C0];
	v7 =	vmul.f32 v10, v7;
	v24 =	vsub.f32 v12, v19;
	v25 =	vsub.f32 v15, v21;
	[tilespmem:$0x990] =	vst v22  }
0x8e: {  	v34 =	vld [tilespmem:$0x340];
	v28 =	vmul.f32 v11, v8;
	v33 =	vsub.f32 v16, v52;
	v36 =	vmul.f32 v19, v12;
	[tilespmem:$0xA10] =	vst v60  }
0x8f: {  	v42 =	vld [tilespmem:$0x5C0];
	v40 =	vsub.f32 v23, v61;
	v41 =	vsub.f32 v56, v62;
	v3 =	vmul.f32 v52, v16;
	[tilespmem:$0x920] =	vst v24  }
0x90: {  	v44 =	vld [tilespmem:$0x640];
	v48 =	vsub.f32 v59, v26;
	v50 =	vmul.f32 v61, v23;
	v2 =	vmul.f32 v62, v56;
	[tilespmem:$0x9A0] =	vst v25  }
0x91: {  	v47 =	vld [tilespmem:$0x250];
	v52 =	vsub.f32 v29, v38;
	v56 =	vmul.f32 v26, v59;
	v17 =	vmul.f32 v13, v13;
	[tilespmem:$0xA20] =	vst v33  }
0x92: {  	v49 =	vld [tilespmem:$0x2D0];
	v18 =	vmul.f32 v14, v14;
	v53 =	vmul.f32 v20, v20;
	v0 =	vadd.f32 v1, v0;
	[tilespmem:$0x930] =	vst v40  }
0x93: {  	v51 =	vld [tilespmem:$0x350];
	v57 =	vmul.f32 v54, v54;
	v58 =	vmul.f32 v22, v22;
	v2 =	vadd.f32 v2, v50;
	[tilespmem:$0x9B0] =	vst v41  }
0x94: {  	v61 =	vld [tilespmem:$0x650];
	v27 =	vadd.f32 v7, v6;
	v30 =	vmul.f32 v24, v24;
	[tilespmem:$0xA30] =	vst v48;
	v0 =	vadd.f32 v55, v0  }
0x95: {  	v62 =	vld [tilespmem:$0x260];
	v31 =	vmul.f32 v25, v25;
	[tilespmem:$0x940] =	vst v52;
	v17 =	vadd.f32 v18, v17;
	v2 =	vadd.f32 v56, v2  }
0x96: {  	v37 =	vmul.f32 v21, v15;
	v23 =	vld [tilespmem:$0x2E0];
	v5 =	vadd.f32 v58, v57;
	v58 =	vsub.f32 v34, v44;
	[tilespmem:$0x880] =	vst v0  }
0x97: {  	v39 =	vmul.f32 v33, v33;
	v54 =	vld [tilespmem:$0x550];
	v35 =	vadd.f32 v31, v30;
	v4 =	vadd.f32 v53, v17;
	[tilespmem:$0x8B0] =	vst v2  }
0x98: {  	v43 =	vadd.f32 v37, v36;
	v37 =	vld [tilespmem:$0x660];
	v0 =	vadd.f32 v28, v27;
	[tilespmem:$0xA40] =	vst v58  }
0x99: {  	v50 =	vld [tilespmem:$0x670];
	v1 =	vadd.f32 v39, v35;
	[tilespmem:$0x800] =	vst v4  }
0x9a: {  	v63 =	vmul.f32 v60, v60;
	v45 =	vmul.f32 v40, v40;
	v57 =	vld [tilespmem:$0x5D0];
	v53 =	vsub.f32 v32, v42;
	[tilespmem:$0x890] =	vst v0  }
0x9b: {  	v46 =	vmul.f32 v41, v41;
	v59 =	vmul.f32 v52, v52;
	v31 =	vld [tilespmem:$0x5E0];
	v35 =	vsub.f32 v51, v61;
	[tilespmem:$0x820] =	vst v1  }
0x9c: {  	v24 =	vmul.f32 v38, v29;
	v29 =	vmul.f32 v44, v34;
	v34 =	vld [tilespmem:$0x360];
	v26 =	vsub.f32 v47, v54;
	[tilespmem:$0x9C0] =	vst v53  }
0x9d: {  	v25 =	vmul.f32 v42, v32;
	v55 =	vmul.f32 v48, v48;
	v48 =	vld [tilespmem:$0x370];
	v4 =	vadd.f32 v63, v5;
	[tilespmem:$0xA50] =	vst v35  }
0x9e: {  	v41 =	vmul.f32 v61, v51;
	v20 =	vmul.f32 v58, v58;
	v27 =	vld [tilespmem:$0x560];
	v0 =	vadd.f32 v3, v43;
	[tilespmem:$0x950] =	vst v26  }
0x9f: {  	v33 =	vmul.f32 v54, v47;
	v60 =	vmul.f32 v53, v53;
	v30 =	vsub.f32 v49, v57;
	[tilespmem:$0x810] =	vst v4  }
0xa0: {  	v38 =	vld [tilespmem:$0x270];
	v39 =	vmul.f32 v35, v35;
	v32 =	vmul.f32 v26, v26;
	v43 =	vsub.f32 v23, v31;
	[tilespmem:$0x8A0] =	vst v0  }
0xa1: {  	v44 =	vld [tilespmem:$0x570];
	v13 =	vmul.f32 v57, v49;
	v49 =	vsub.f32 v34, v37;
	v6 =	vmul.f32 v31, v23;
	[tilespmem:$0x9D0] =	vst v30  }
0xa2: {  	v40 =	vld [tilespmem:$0x2F0];
	v54 =	vmul.f32 v37, v34;
	v57 =	vsub.f32 v48, v50;
	v4 =	vadd.f32 v46, v45;
	[tilespmem:$0x9E0] =	vst v43  }
0xa3: {  	v63 =	vadd.f32 v60, v59;
	v45 =	vld [tilespmem:$0x5F0];
	v36 =	vmul.f32 v30, v30;
	v42 =	vsub.f32 v62, v27;
	[tilespmem:$0xA60] =	vst v49  }
0xa4: {  	v7 =	vadd.f32 v13, v33;
	v47 =	vmul.f32 v43, v43;
	[tilespmem:$0xA70] =	vst v57;
	v0 =	vadd.f32 v55, v4  }
0xa5: {  	v28 =	vadd.f32 v20, v63;
	v1 =	vadd.f32 v36, v32;
	v46 =	vmul.f32 v42, v42;
	[tilespmem:$0x960] =	vst v42  }
0xa6: {  	v53 =	vmul.f32 v49, v49;
	v55 =	vsub.f32 v38, v44;
	[tilespmem:$0x830] =	vst v0;
	v0 =	vadd.f32 v25, v24  }
0xa7: {  	v4 =	vmul.f32 v27, v62;
	[tilespmem:$0x840] =	vst v28;
	v1 =	vadd.f32 v39, v1;
	v51 =	vadd.f32 v47, v46  }
0xa8: {  	v60 =	vmul.f32 v44, v38;
	[tilespmem:$0x970] =	vst v55;
	v56 =	vsub.f32 v40, v45;
	v0 =	vadd.f32 v29, v0  }
0xa9: {  	v52 =	vadd.f32 v6, v4;
	v2 =	vmul.f32 v45, v40;
	[tilespmem:$0x850] =	vst v1;
	v1 =	vadd.f32 v53, v51  }
0xaa: {  	v58 =	vmul.f32 v55, v55;
	v59 =	vmul.f32 v56, v56;
	[tilespmem:$0x8C0] =	vst v0;
	v0 =	vadd.f32 v41, v7  }
0xab: {  	v63 =	vmul.f32 v50, v48;
	[tilespmem:$0x860] =	vst v1;
	v1 =	vadd.f32 v2, v60  }
0xac: {  	v62 =	vmul.f32 v57, v57;
	v61 =	vadd.f32 v59, v58;
	[tilespmem:$0x8D0] =	vst v0;
	v0 =	vadd.f32 v54, v52  }
0xad: {  	[tilespmem:$0x9F0] =	vst v56;
	v1 =	vadd.f32 v63, v1  }
0xae: {  	[tilespmem:$0x8E0] =	vst v0;
	v0 =	vadd.f32 v62, v61  }
0xaf: {  	[tilespmem:$0x8F0] =	vst v1  }
0xb0: {  	s20 =	sadd.s32 s8, s13;
	[tilespmem:$0x870] =	vst v0  }
0xb1: {  	[hbm4b:s20+s2] =	stream.linear.scatter [tilespmem:s31], [sflag:$0x5], $0x80, $0x38;
	[tilespmem:$0xD00] =	vst v63  }
0xb2: {  	s22 =	sadd.s32 s8, s14  }
0xb3: {  	[hbm4b:s22+s2] =	stream.linear.scatter [tilespmem:s0], [sflag:$0x5], $0x80, $0x38;
	[tilespmem:$0xD00] =	vst v63  }
0xb4: {  	s22 =	sadd.s32 s8, s15  }
0xb5: {  	[hbm4b:s22+s2] =	stream.linear.scatter [tilespmem:s3], [sflag:$0x5], $0x80, $0x38;
	[tilespmem:$0xD00] =	vst v63  }
0xb6: {  	s22 =	sadd.s32 s8, s16  }
0xb7: {  	[hbm4b:s22+s2] =	stream.linear.scatter [tilespmem:s23], [sflag:$0x5], $0x80, $0x38;
	[tilespmem:$0xD00] =	vst v63  }
0xb8: {  	s22 =	sadd.s32 s8, s17  }
0xb9: {  	[hbm4b:s22+s2] =	stream.linear.scatter [tilespmem:s24], [sflag:$0x5], $0x80, $0x38;
	[tilespmem:$0xD00] =	vst v63  }
.LBB2_4:
0xba: {  	s20 =	simm.s32 @!p0 $0x4  }
0xbb: {  	_ =	swait.ge @!p0 [sflag:s20], $0x80  }
0xbc: {  	[sflag:s20] =	ssyncset.done @!p0 $0x0  }
0xbd: {  	[sflag:s20] =	ssyncadd.s32 @!p0 $0xFFFFFF80  }
0xbe: {  	_ =	swait.ge @!p0 [sflag:s20], $0x80  }
0xbf: {  	[sflag:s20] =	ssyncset.done @!p0 $0x0  }
0xc0: {  	[sflag:s20] =	ssyncadd.s32 @!p0 $0xFFFFFF80  }
0xc1: {  	_ =	swait.ge @!p0 [sflag:s20], $0x80  }
0xc2: {  	[sflag:s20] =	ssyncset.done @!p0 $0x0  }
0xc3: {  	[sflag:s20] =	ssyncadd.s32 @!p0 $0xFFFFFF80  }
0xc4: {  	_ =	swait.ge @!p0 [sflag:s20], $0x80  }
0xc5: {  	[sflag:s20] =	ssyncset.done @!p0 $0x0  }
0xc6: {  	[sflag:s20] =	ssyncadd.s32 @!p0 $0xFFFFFF80  }
0xc7: {  	_ =	swait.ge @!p0 [sflag:s20], $0x80  }
0xc8: {  	[sflag:s20] =	ssyncset.done @!p0 $0x0  }
0xc9: {  	[sflag:s20] =	ssyncadd.s32 @!p0 $0xFFFFFF80  }
0xca: {  	p3 =	sgt.u32 @!p1 s9, s6;
	_ =	swait.ge @!p0 [sflag:s20], $0x80  }
0xcb: {  	p1 =	por p3, p1;
	[sflag:s20] =	ssyncset.done @!p0 $0x0  }
0xcc: {  	[sflag:s20] =	ssyncadd.s32 @!p0 $0xFFFFFF80;
	s20 =	simm.s32 @!p1 $0x6  }
0xcd: {  	_ =	swait.ge @!p1 [sflag:s20], $0x80  }
0xce: {  	[sflag:s20] =	ssyncset.done @!p1 $0x0  }
0xcf: {  	[sflag:s20] =	ssyncadd.s32 @!p1 $0xFFFFFF80  }
0xd0: {  	_ =	swait.ge @!p1 [sflag:s20], $0x80  }
0xd1: {  	[sflag:s20] =	ssyncset.done @!p1 $0x0  }
0xd2: {  	[sflag:s20] =	ssyncadd.s32 @!p1 $0xFFFFFF80  }
0xd3: {  	_ =	swait.ge @!p1 [sflag:s20], $0x80  }
0xd4: {  	[sflag:s20] =	ssyncset.done @!p1 $0x0  }
0xd5: {  	[sflag:s20] =	ssyncadd.s32 @!p1 $0xFFFFFF80  }
0xd6: {  	_ =	swait.ge @!p1 [sflag:s20], $0x80  }
0xd7: {  	[sflag:s20] =	ssyncset.done @!p1 $0x0  }
0xd8: {  	[sflag:s20] =	ssyncadd.s32 @!p1 $0xFFFFFF80  }
0xd9: {  	_ =	swait.ge @!p1 [sflag:s20], $0x80  }
0xda: {  	[sflag:s20] =	ssyncset.done @!p1 $0x0  }
0xdb: {  	[sflag:s20] =	ssyncadd.s32 @!p1 $0xFFFFFF80;
	s20 =	simm.s32 @!p2 $0x1  }
0xdc: {  	_ =	swait.ge @!p2 [sflag:s20], $0x80  }
0xdd: {  	[sflag:s20] =	ssyncset.done @!p2 $0x0  }
0xde: {  	[sflag:s20] =	ssyncadd.s32 @!p2 $0xFFFFFF80  }
0xdf: {  	_ =	swait.ge @!p2 [sflag:s20], $0x80  }
0xe0: {  	[sflag:s20] =	ssyncset.done @!p2 $0x0  }
0xe1: {  	s22 =	simm.s32 @!p2 $0x200;
	[sflag:s20] =	ssyncadd.s32 @!p2 $0xFFFFFF80;
	s20 =	simm.s32 @!p2 $0x80  }
0xe2: {  	[tilespmem:s22], [sflag:$0x3] =	stream.indirect.gather @!p2 [hbm4b:s4+s20], $0x1, s12, s20, $0xb8;
	[tilespmem:$0xD00] =	vst v63  }
0xe3: {  	s22 =	simm.s32 @!p2 $0x500  }
0xe4: {  	[tilespmem:s22], [sflag:$0x3] =	stream.indirect.gather @!p2 [hbm4b:s4+s20], $0x1, s21, s20, $0xb8;
	[tilespmem:$0xD00] =	vst v63  }
0xe5: {  	s22 =	simm.s32 @!p2 $0x280  }
0xe6: {  	[tilespmem:s22], [sflag:$0x3] =	stream.indirect.gather @!p2 [hbm4b:s5+s20], $0x1, s12, s20, $0xb8;
	[tilespmem:$0xD00] =	vst v63  }
0xe7: {  	s22 =	simm.s32 @!p2 $0x580  }
0xe8: {  	[tilespmem:s22], [sflag:$0x3] =	stream.indirect.gather @!p2 [hbm4b:s5+s20], $0x1, s21, s20, $0xb8;
	[tilespmem:$0xD00] =	vst v63  }
0xe9: {  	s22 =	simm.s32 @!p2 $0x300  }
0xea: {  	[tilespmem:s22], [sflag:$0x3] =	stream.indirect.gather @!p2 [hbm4b:s1+s20], $0x1, s12, s20, $0xb8;
	[tilespmem:$0xD00] =	vst v63  }
0xeb: {  	s22 =	sadd.s32 $0x3, s9  }
0xec: {  	s12 =	simm.s32 @!p2 $0x600;
	p1 =	sge.u32 s22, s6  }
0xed: {  	[tilespmem:s12], [sflag:$0x3] =	stream.indirect.gather @!p2 [hbm4b:s1+s20], $0x1, s21, s20, $0xb8;
	[tilespmem:$0xD00] =	vst v63  }
0xee: {  	s9 =	sadd.s32 @!p1 s8, s18;
	s12 =	simm.s32 @!p1 $0x0  }
.Ltmp5:
0xef: {  	s20 =	simm.s32 @!p1 $0x80;
	s9 =	sadd.s32 @!p1 $0x600, s9;
	(pc) =	sbr.rel @p0 .LBB2_6-.Ltmp5, $4  }
0xf0: {  	[tilespmem:s20], [sflag:$0x2] =	stream.linear.gather @!p1 [hbm4b:s9+s12], $0x80, $0x38;
	[tilespmem:$0xD00] =	vst v63  }
0xf1: {  	s9 =	sadd.s32 @!p1 s8, s19  }
0xf2: {  	s20 =	simm.s32 @!p1 $0x180;
	s9 =	sadd.s32 @!p1 $0x600, s9  }
0xf3: {  	[tilespmem:s20], [sflag:$0x2] =	stream.linear.gather @!p1 [hbm4b:s9+s12], $0x80, $0x38;
	[tilespmem:$0xD00] =	vst v63  }
0xf4: {  	v0 =	vld [tilespmem:$0x380]  }
0xf5: {  	v1 =	vld [tilespmem:$0x400]  }
0xf6: {  	v2 =	vld [tilespmem:$0x480]  }
0xf7: {  	v3 =	vld [tilespmem:$0x680]  }
0xf8: {  	v4 =	vld [tilespmem:$0x700]  }
0xf9: {  	v5 =	vld [tilespmem:$0x780]  }
0xfa: {  	v6 =	vld [tilespmem:$0x390]  }
0xfb: {  	v7 =	vld [tilespmem:$0x410]  }
0xfc: {  	v8 =	vld [tilespmem:$0x490]  }
0xfd: {  	v9 =	vld [tilespmem:$0x690]  }
0xfe: {  	v10 =	vld [tilespmem:$0x710]  }
0xff: {  	v11 =	vld [tilespmem:$0x790]  }
0x100: {  	v12 =	vld [tilespmem:$0x3A0]  }
0x101: {  	v15 =	vld [tilespmem:$0x420]  }
0x102: {  	v16 =	vld [tilespmem:$0x4A0]  }
0x103: {  	v19 =	vld [tilespmem:$0x6A0]  }
0x104: {  	v21 =	vld [tilespmem:$0x720]  }
0x105: {  	v52 =	vld [tilespmem:$0x7A0]  }
0x106: {  	v23 =	vld [tilespmem:$0x3B0]  }
0x107: {  	v56 =	vld [tilespmem:$0x430]  }
0x108: {  	v59 =	vld [tilespmem:$0x4B0];
	v13 =	vsub.f32 v0, v3  }
0x109: {  	v61 =	vld [tilespmem:$0x6B0];
	v14 =	vsub.f32 v1, v4  }
0x10a: {  	v62 =	vld [tilespmem:$0x730];
	v20 =	vsub.f32 v2, v5;
	[tilespmem:$0xB80] =	vst v13  }
0x10b: {  	v26 =	vld [tilespmem:$0x7B0];
	v54 =	vsub.f32 v6, v9;
	[tilespmem:$0xC00] =	vst v14  }
0x10c: {  	v29 =	vld [tilespmem:$0x3C0];
	v0 =	vmul.f32 v3, v0;
	v1 =	vmul.f32 v4, v1;
	v22 =	vsub.f32 v7, v10;
	[tilespmem:$0xC80] =	vst v20  }
0x10d: {  	v38 =	vld [tilespmem:$0x6C0];
	v55 =	vmul.f32 v5, v2;
	v60 =	vsub.f32 v8, v11;
	v6 =	vmul.f32 v9, v6;
	[tilespmem:$0xB90] =	vst v54  }
0x10e: {  	v32 =	vld [tilespmem:$0x440];
	v7 =	vmul.f32 v10, v7;
	v24 =	vsub.f32 v12, v19;
	v25 =	vsub.f32 v15, v21;
	[tilespmem:$0xC10] =	vst v22  }
0x10f: {  	v34 =	vld [tilespmem:$0x4C0];
	v28 =	vmul.f32 v11, v8;
	v33 =	vsub.f32 v16, v52;
	v36 =	vmul.f32 v19, v12;
	[tilespmem:$0xC90] =	vst v60  }
0x110: {  	v42 =	vld [tilespmem:$0x740];
	v40 =	vsub.f32 v23, v61;
	v41 =	vsub.f32 v56, v62;
	v3 =	vmul.f32 v52, v16;
	[tilespmem:$0xBA0] =	vst v24  }
0x111: {  	v44 =	vld [tilespmem:$0x7C0];
	v48 =	vsub.f32 v59, v26;
	v50 =	vmul.f32 v61, v23;
	v2 =	vmul.f32 v62, v56;
	[tilespmem:$0xC20] =	vst v25  }
0x112: {  	v47 =	vld [tilespmem:$0x3D0];
	v52 =	vsub.f32 v29, v38;
	v56 =	vmul.f32 v26, v59;
	v17 =	vmul.f32 v13, v13;
	[tilespmem:$0xCA0] =	vst v33  }
0x113: {  	v49 =	vld [tilespmem:$0x450];
	v18 =	vmul.f32 v14, v14;
	v53 =	vmul.f32 v20, v20;
	v0 =	vadd.f32 v1, v0;
	[tilespmem:$0xBB0] =	vst v40  }
0x114: {  	v51 =	vld [tilespmem:$0x4D0];
	v57 =	vmul.f32 v54, v54;
	v58 =	vmul.f32 v22, v22;
	v2 =	vadd.f32 v2, v50;
	[tilespmem:$0xC30] =	vst v41  }
0x115: {  	v61 =	vld [tilespmem:$0x7D0];
	v27 =	vadd.f32 v7, v6;
	v30 =	vmul.f32 v24, v24;
	[tilespmem:$0xCB0] =	vst v48;
	v0 =	vadd.f32 v55, v0  }
0x116: {  	v62 =	vld [tilespmem:$0x3E0];
	v31 =	vmul.f32 v25, v25;
	[tilespmem:$0xBC0] =	vst v52;
	v17 =	vadd.f32 v18, v17;
	v2 =	vadd.f32 v56, v2  }
0x117: {  	v37 =	vmul.f32 v21, v15;
	v23 =	vld [tilespmem:$0x460];
	v5 =	vadd.f32 v58, v57;
	v58 =	vsub.f32 v34, v44;
	[tilespmem:$0xB00] =	vst v0  }
0x118: {  	v39 =	vmul.f32 v33, v33;
	v54 =	vld [tilespmem:$0x6D0];
	v35 =	vadd.f32 v31, v30;
	v4 =	vadd.f32 v53, v17;
	[tilespmem:$0xB30] =	vst v2  }
0x119: {  	v43 =	vadd.f32 v37, v36;
	v37 =	vld [tilespmem:$0x7E0];
	v0 =	vadd.f32 v28, v27;
	[tilespmem:$0xCC0] =	vst v58  }
0x11a: {  	v50 =	vld [tilespmem:$0x7F0];
	v1 =	vadd.f32 v39, v35;
	[tilespmem:$0xA80] =	vst v4  }
0x11b: {  	v63 =	vmul.f32 v60, v60;
	v45 =	vmul.f32 v40, v40;
	v57 =	vld [tilespmem:$0x750];
	v53 =	vsub.f32 v32, v42;
	[tilespmem:$0xB10] =	vst v0  }
0x11c: {  	v46 =	vmul.f32 v41, v41;
	v59 =	vmul.f32 v52, v52;
	v31 =	vld [tilespmem:$0x760];
	v35 =	vsub.f32 v51, v61;
	[tilespmem:$0xAA0] =	vst v1  }
0x11d: {  	v24 =	vmul.f32 v38, v29;
	v29 =	vmul.f32 v44, v34;
	v34 =	vld [tilespmem:$0x4E0];
	v26 =	vsub.f32 v47, v54;
	[tilespmem:$0xC40] =	vst v53  }
0x11e: {  	v25 =	vmul.f32 v42, v32;
	v55 =	vmul.f32 v48, v48;
	v48 =	vld [tilespmem:$0x4F0];
	v4 =	vadd.f32 v63, v5;
	[tilespmem:$0xCD0] =	vst v35  }
0x11f: {  	v41 =	vmul.f32 v61, v51;
	v20 =	vmul.f32 v58, v58;
	v27 =	vld [tilespmem:$0x6E0];
	v0 =	vadd.f32 v3, v43;
	[tilespmem:$0xBD0] =	vst v26  }
0x120: {  	v33 =	vmul.f32 v54, v47;
	v60 =	vmul.f32 v53, v53;
	v30 =	vsub.f32 v49, v57;
	[tilespmem:$0xA90] =	vst v4  }
0x121: {  	v38 =	vld [tilespmem:$0x3F0];
	v39 =	vmul.f32 v35, v35;
	v32 =	vmul.f32 v26, v26;
	v43 =	vsub.f32 v23, v31;
	[tilespmem:$0xB20] =	vst v0  }
0x122: {  	v44 =	vld [tilespmem:$0x6F0];
	v13 =	vmul.f32 v57, v49;
	v49 =	vsub.f32 v34, v37;
	v6 =	vmul.f32 v31, v23;
	[tilespmem:$0xC50] =	vst v30  }
0x123: {  	v40 =	vld [tilespmem:$0x470];
	v54 =	vmul.f32 v37, v34;
	v57 =	vsub.f32 v48, v50;
	v4 =	vadd.f32 v46, v45;
	[tilespmem:$0xC60] =	vst v43  }
0x124: {  	v63 =	vadd.f32 v60, v59;
	v45 =	vld [tilespmem:$0x770];
	v36 =	vmul.f32 v30, v30;
	v42 =	vsub.f32 v62, v27;
	[tilespmem:$0xCE0] =	vst v49  }
0x125: {  	v7 =	vadd.f32 v13, v33;
	v47 =	vmul.f32 v43, v43;
	[tilespmem:$0xCF0] =	vst v57;
	v0 =	vadd.f32 v55, v4  }
0x126: {  	v28 =	vadd.f32 v20, v63;
	v1 =	vadd.f32 v36, v32;
	v46 =	vmul.f32 v42, v42;
	[tilespmem:$0xBE0] =	vst v42  }
0x127: {  	v53 =	vmul.f32 v49, v49;
	v55 =	vsub.f32 v38, v44;
	[tilespmem:$0xAB0] =	vst v0;
	v0 =	vadd.f32 v25, v24  }
0x128: {  	v4 =	vmul.f32 v27, v62;
	[tilespmem:$0xAC0] =	vst v28;
	v1 =	vadd.f32 v39, v1;
	v51 =	vadd.f32 v47, v46  }
0x129: {  	v60 =	vmul.f32 v44, v38;
	[tilespmem:$0xBF0] =	vst v55;
	v56 =	vsub.f32 v40, v45;
	v0 =	vadd.f32 v29, v0  }
0x12a: {  	v52 =	vadd.f32 v6, v4;
	v2 =	vmul.f32 v45, v40;
	[tilespmem:$0xAD0] =	vst v1;
	v1 =	vadd.f32 v53, v51  }
0x12b: {  	v58 =	vmul.f32 v55, v55;
	v59 =	vmul.f32 v56, v56;
	[tilespmem:$0xB40] =	vst v0;
	v0 =	vadd.f32 v41, v7  }
0x12c: {  	v63 =	vmul.f32 v50, v48;
	[tilespmem:$0xAE0] =	vst v1;
	v1 =	vadd.f32 v2, v60  }
0x12d: {  	v62 =	vmul.f32 v57, v57;
	v61 =	vadd.f32 v59, v58;
	[tilespmem:$0xB50] =	vst v0;
	v0 =	vadd.f32 v54, v52  }
0x12e: {  	[tilespmem:$0xC70] =	vst v56;
	v1 =	vadd.f32 v63, v1  }
0x12f: {  	[tilespmem:$0xB60] =	vst v0;
	v0 =	vadd.f32 v62, v61  }
0x130: {  	s9 =	sadd.s32 s8, s13;
	[tilespmem:$0xB70] =	vst v1  }
0x131: {  	s12 =	sadd.s32 s8, s14;
	s9 =	sadd.s32 $0x200, s9;
	[tilespmem:$0xAF0] =	vst v0  }
0x132: {  	[hbm4b:s9+s2] =	stream.linear.scatter [tilespmem:s25], [sflag:$0x6], $0x80, $0x38;
	[tilespmem:$0xD00] =	vst v63  }
0x133: {  	s20 =	sadd.s32 s8, s15;
	s9 =	sadd.s32 $0x200, s12  }
0x134: {  	[hbm4b:s9+s2] =	stream.linear.scatter [tilespmem:s26], [sflag:$0x6], $0x80, $0x38;
	[tilespmem:$0xD00] =	vst v63  }
0x135: {  	s9 =	sadd.s32 $0x200, s20  }
0x136: {  	[hbm4b:s9+s2] =	stream.linear.scatter [tilespmem:s28], [sflag:$0x6], $0x80, $0x38;
	[tilespmem:$0xD00] =	vst v63  }
.Ltmp6:
0x137: {  	s21 =	sadd.s32 s8, s16;
	(pc) =	sbr.rel .LBB2_6-.Ltmp6, $4  }
0x138: {  	s22 =	sadd.s32 s8, s17;
	s9 =	sadd.s32 $0x200, s21  }
0x139: {  	[hbm4b:s9+s2] =	stream.linear.scatter [tilespmem:s29], [sflag:$0x6], $0x80, $0x38;
	[tilespmem:$0xD00] =	vst v63  }
0x13a: {  	s9 =	sadd.s32 $0x200, s22  }
0x13b: {  	[hbm4b:s9+s2] =	stream.linear.scatter [tilespmem:s30], [sflag:$0x6], $0x80, $0x38;
	[tilespmem:$0xD00] =	vst v63  }
.LBB2_8:
0x13c: {  	_ =	sfence.sel $0x180000  }
0x13d: {  	[bflag:$0x0] =	sbarrier.arrive $0xFFFF  }
0x13e: {  	_ =	strace $0x90000047  }
0x13f: {  	s0 =	stileid.u32;
	[bflag:$0x2] =	sbarrier.arrive $0xFFFF  }
0x140: {  	p0 =	sne.s32 s0, $0x0;
	s0 =	rddreg [dreg:$0x3]  }
0x141: {  	s0 =	sadd.s32 @!p0 $0x100000, s0  }
0x142: {  	[sflag:s0] =	ssyncadd.tile.s32 @!p0 $0x1;
	_ =	shalt  }
.Lfunc_end2:
_tile_overlayer_lowered:
.L_overlay_start_2:
0x143: {  	(tag) =	ssettag $0x2  }
0x144: {  	s0 =	rddreg [dreg:$0x0];
	s2 =	stileid.u32  }
0x145: {  	s1 =	rddreg [dreg:$0x1];
	p0 =	sne.s32 s2, $0x0  }
0x146: {  	s3 =	rddreg [dreg:$0x2];
	[bflag:$0x3] =	sbarrier.arrive $0xFFFF;
	s2 =	simm.s32 @!p0 $0x1C07  }
0x147: {  	[timem:s3], [sflag:s2] =	dma.local @!p0 [hbm:s0], s1  }
0x148: {  	s0 =	simm.s32 @!p0 $0x7  }
0x149: {  	_ =	swait.ge @!p0 [sflag:s0], s1  }
0x14a: {  	s1 =	ssub.s32 @!p0 $0x0, s1;
	[sflag:s0] =	ssyncset.done @!p0 $0x0  }
0x14b: {  	[sflag:s0] =	ssyncadd.s32 @!p0 s1  }
0x14c: {  	[bflag:$0x3] =	sbarrier.arrive $0xFFFF  }
0x14d: {  	_ =	shalt  }

// kernel: sparse-core-data-format-call.cloned.1.call-start
scs
called_computation_lowered:
.L_overlay_start_0:
0x0: {  	s2 =	sld [smem:$0x3FD9]  }
0x1: {  	s3 =	sld [smem:$0x3FFE];
	_ =	sdelay $0x1  }
0x2: {  	s1 =	srdreg.scid  }
0x3: {  	s0 =	sand.u32 $0x1, s1  }
0x4: {  	s16 =	sshll.u32 s0, $0xA;
	s2 =	sadd.s32 s3, s2  }
0x5: {  	s2 =	sadd.s32 s2, s16  }
0x6: {  	[smem:$0x3FBC] =	sst s2  }
0x7: {  	_ = 	snop  }
0x8: {  	s2 =	sld [smem:$0x3FD0];
	_ =	sdelay $0x2  }
0x9: {  	s17 =	simm.s32 $0xB;
	s4 =	simm.s32 $0x10  }
0xa: {  	[smem:s4], [sflag:s17] =	dma.local [hbm:s2], $0x1  }
0xb: {  	_ =	swait.eq [sflag:s17], $0x1  }
0xc: {  	[sflag:s17] =	ssyncset.done $0x0  }
0xd: {  	[sflag:s17] =	ssyncadd.s32 $0xFFFFFFFF  }
0xe: {  	s18 =	sld [smem:$0x11];
	(tm) =	ssettm $0x1  }
0xf: {  	s19 =	sld [smem:$0x3FFB];
	_ =	sdelay $0x3  }
0x10: {  	_ =	strace s19  }
0x11: {  	s2 =	sld [smem:$0x3FFC];
	_ =	sdelay $0x3  }
0x12: {  	_ =	strace s2  }
0x13: {  	s2 =	sld [smem:$0x3FFD];
	_ =	sdelay $0x3  }
0x14: {  	_ =	strace s2  }
0x15: {  	_ =	strace $0x8FFFFFFF  }
0x16: {  	s20 =	sld [smem:$0x3FDB];
	_ =	sdelay $0x1  }
0x17: {  	s21 =	simm.s32 $_scs_section_size  }
0x18: {  	s5 =	simm.s32 $_size__tile_overlayer_lowered;
	s6 =	simm.s32 $_tile_overlayer_lowered  }
0x19: {  	s7 =	simm.s32 $0x1BFF;
	s22 =	sshll.u32 s6, $0x1;
	s4 =	sadd.s32 s21, s20  }
0x1a: {  	s23 =	simm.s32 $0x0;
	s5 =	sshll.u32 s5, $0x1;
	s6 =	sadd.s32 s22, s4  }
0x1b: {  	[timem:s23], [sflag:s7] =	dma.local [hbm:s6], s5  }
0x1c: {  	_ =	swait.ge [sflag:s7], s5  }
0x1d: {  	s5 =	ssub.s32 $0x0, s5;
	[sflag:s7] =	ssyncset.done $0x0  }
0x1e: {  	[sflag:s7] =	ssyncadd.s32 s5;
	_ =	sdelay $0x1  }
0x1f: {  	s24 =	simm.s32 $0x1B8B  }
0x20: {  	_ =	swait.ge [sflag:s24], $0x1  }
0x21: {  	[sflag:s24] =	ssyncset.done $0x0  }
0x22: {  	[sflag:s24] =	ssyncadd.s32 $0xFFFFFFFF  }
0x23: {  	s5 =	sld [smem:$0x0]  }
0x24: {  	s6 =	sand.u32 $0xFFFFFFFE, s1  }
0x25: {  	p0 =	sne.s32 s1, s6  }
0x26: {  	s6 =	sshll.u32 @p0 s6, $0xE  }
0x27: {  	s6 =	sadd.s32 @p0 $0x11B8D, s6;
	s7 =	sshll.u32 @p0 s5, $0x11  }
0x28: {  	s6 =	sor.u32 @p0 s7, s6  }
0x29: {  	[sflag:s6] =	ssyncadd.remote.s32 @p0 $0x1;
	_ =	sdelay $0x1  }
0x2a: {  	s6 =	simm.s32 @p0 $0x1B8D  }
0x2b: {  	_ =	swait.eq @p0 [sflag:s6], $0x1  }
0x2c: {  	[sflag:s6] =	ssyncadd.s32 @p0 $0xFFFFFFFF  }
0x2d: {  	s7 =	sshll.u32 @!p0 s1, $0xE  }
0x2e: {  	s7 =	sor.u32 @!p0 $0x4000, s7;
	s6 =	simm.s32 @!p0 $0x1B8D  }
0x2f: {  	s5 =	sshll.u32 @!p0 s5, $0x11;
	s7 =	sadd.s32 @!p0 $0x11B8D, s7;
	_ =	swait.eq @!p0 [sflag:s6], $0x1  }
0x30: {  	s5 =	sor.u32 @!p0 s5, s7;
	[sflag:s6] =	ssyncadd.s32 @!p0 $0xFFFFFFFF  }
0x31: {  	s26 =	simm.s32 $0x1B8E;
	s25 =	sld [smem:$0x3FFE];
	[sflag:s5] =	ssyncadd.remote.s32 @!p0 $0x1  }
0x32: {  	s27 =	simm.s32 $execute0_lowered;
	[smem:$0x3FD2] =	sst s26  }
0x33: {  	s6 =	sshll.u32 s27, $0x1;
	_ =	strace $0x8000004C;
	[dreg:$0x1] =	wrdreg $0xFFFFFFFF  }
0x34: {  	s28 =	simm.s32 $_size_execute0_lowered;
	s4 =	sadd.s32 s4, s6;
	[dreg:$0x0] =	wrdreg $0x0  }
0x35: {  	s6 =	sshll.u32 s28, $0x1;
	[dreg:$0x2] =	wrdreg s4  }
0x36: {  	[dreg:$0x3] =	wrdreg s6  }
0x37: {  	[dreg:$0x4] =	wrdreg $0xC0  }
0x38: {  	_ =	task [dreg:s23], $0x5FFFF  }
0x39: {  	[dreg:$0x1] =	wrdreg $0xFFFFFFFF  }
0x3a: {  	[dreg:$0x0] =	wrdreg $0x60  }
0x3b: {  	[dreg:$0x2] =	wrdreg s25  }
0x3c: {  	[dreg:$0x3] =	wrdreg s18  }
0x3d: {  	[dreg:$0x4] =	wrdreg $0x9  }
0x3e: {  	_ =	task.clear_ibuf [dreg:s23], $0x5FFFF;
	_ =	strace $0x9000004C  }
0x3f: {  	s29 =	simm.s32 $0x9;
	_ =	strace $0x8000004E  }
0x40: {  	_ =	swait.ge [sflag:s29], $0x1  }
0x41: {  	[sflag:s29] =	ssyncadd.s32 $0xFFFFFFFF  }
0x42: {  	_ =	strace $0x9000004E  }
0x43: {  	_ =	sfence  }
0x44: {  	s30 =	sld [smem:$0x0];
	_ =	sdelay $0x2  }
0x45: {  	s31 =	sshll.u32 s1, $0xD;
	s1 =	sshrl.u32 s1, $0x2  }
0x46: {  	s4 =	sand.u32 $0x4000, s31;
	s1 =	sadd.s32 s1, s30  }
0x47: {  	s0 =	sor.u32 s4, s0;
	s1 =	sshll.u32 s1, $0x11  }
0x48: {  	s0 =	sor.u32 s1, s0  }
0x49: {  	s0 =	sadd.s32 $0x8F2B, s0  }
0x4a: {  	[sflag:s0] =	ssyncadd.remote.s32 $0x1  }
0x4b: {  	_ =	sfence.sel $0xFFFF  }
0x4c: {  	[dreg:$0x0] =	wrdreg $0xFFFFFFFF;
	(pc) =	sbr.abs _section_cstart, $3  }
0x4d: {  	[dreg:$0x1] =	wrdreg $0xFFFFFFFF  }
0x4e: {  	_ =	task.clear_ibuf [dreg:s23], $0x2FFFF;
	_ =	strace $0x9FFFFFFF  }
0x4f: {  	(tm) =	ssettm $0x7FFFFFFF  }
tec
execute0_lowered:
.L_overlay_start_1:
0x0: {  	(tag) =	ssettag $0x1  }
0x1: {  	s0 =	srdreg.scid  }
0x2: {  	s1 =	sshll.u32 s0, $0x4  }
0x3: {  	s4 =	rddreg [dreg:$0x0];
	s0 =	stileid.u32;
	s1 =	sand.u32 $0x10, s1  }
0x4: {  	s2 =	rddreg [dreg:$0x1];
	s7 =	simm.s32 $0x1;
	s1 =	sor.u32 s0, s1  }
0x5: {  	s8 =	simm.s32 $0x2;
	s11 =	simm.s32 $0x0;
	s3 =	sshll.u32 s1, $0x7  }
0x6: {  	s10 =	simm.s32 $0x0;
	s4 =	sadd.s32 $0x12BC00, s4;
	s6 =	ssub.s32 $0x186A00, s3  }
.Ltmp0:
0x7: {  	s1 =	rddreg [dreg:$0x2];
	s5 =	sand.u32 $0xF80, s6;
	(pc) =	sbr.rel .LBB1_1-.Ltmp0, $4  }
0x8: {  	_ =	strace $0x8000004D;
	s9 =	smov.u32 s3;
	p0 =	sne.s32 s5, $0x0  }
0x9: {  	s6 =	sshrl.u32 s6, $0xC;
	s5 =	simm.s32 $0x1;
	s7 =	simm.s32 @!p0 $0x0  }
0xa: {  	[sflag:s5] =	ssyncpa.u1 $0x0;
	p0 =	por $0x0, $0x0;
	s6 =	sadd.s32 s7, s6  }
0xb: {  	[sflag:s8] =	ssyncpa.u1 $0x0;
	s8 =	simm.s32 $0xC35000;
	s7 =	sadd.s32 $0x1, s6  }
.LBB1_4:
0xc: {  	s14 =	sshll.u32 s11, $0x3  }
0xd: {  	s14 =	sand.u32 $0xFFFFFC00, s14  }
0xe: {  	s15 =	sshrl.u32 s14, $0x9  }
0xf: {  	s15 =	smulhi.u32 $0xA7C5AD, s15;
	_ =	sdelay $0x1  }
0x10: {  	s15 =	sshrl.u32 s15, $0x3  }
0x11: {  	s28 =	sand.u32 $0x7F, s11;
	s16 =	smul.u32 $0x186A00, s15  }
0x12: {  	s11 =	sor.u32 s28, s14  }
0x13: {  	s29 =	sand.u32 $0x1F, s15;
	s11 =	ssub.s32 s11, s16  }
0x14: {  	s14 =	smul.u32 $0x30D40, s29;
	s30 =	sshrl.u32 s11, $0x3;
	s11 =	sand.u32 $0x7, s11  }
0x15: {  	s15 =	sadd.s32 s2, s30;
	s11 =	sshll.u32 s11, $0x12  }
0x16: {  	[tilespmem:s13+$0x0 ss:$0x81] =	vst.msk $0xffff, v0;
	s31 =	sadd.s32 s14, s15;
	s11 =	sor.u32 $0x400, s11  }
0x17: {  	[hbm4b:s31+s11] =	stream.strided.scatter [tilespmem:s12], [sflag:$0x2], $0x1000, s8, s11, $0x20;
	[tilespmem:$0x4040] =	vst v63  }
.LBB1_5:
0x18: {  	s13 =	sadd.s32 $0x1000, s9  }
0x19: {  	p2 =	sgt.s32 s13, $0x1869FF  }
0x1a: {  	s13 =	smov.u32 @p2 s3;
	p2 =	sne.s32 s10, s7  }
.Ltmp1:
0x1b: {  	p1 =	slt.u32 s10, $0x2;
	(pc) =	sbr.rel @!p2 .LBB1_6-.Ltmp1, $4  }
0x1c: {  	s12 =	simm.s32 @!p1 $0x2  }
0x1d: {  	s14 =	sadd.s32 $0x1, s10;
	_ =	swait.ge @!p1 [sflag:s12], $0x1000  }
0x1e: {  	s11 =	smov.u32 s9;
	p0 =	por !p0, !p0;
	[sflag:s12] =	ssyncset.done @!p1 $0x0  }
0x1f: {  	s10 =	smov.u32 s14;
	s9 =	smov.u32 s13;
	[sflag:s12] =	ssyncadd.s32 @!p1 $0xFFFFF000  }
.LBB1_1:
0x20: {  	p1 =	sge.u32 s10, s6  }
0x21: {  	s12 =	sand.u32 @!p1 $0x1FFFFFF, s9  }
0x22: {  	s13 =	smulhi.u32 @!p1 $0x14F8B59, s12;
	_ =	sdelay $0x1  }
0x23: {  	s13 =	sshrl.u32 @!p1 s13, $0xD  }
0x24: {  	s13 =	smul.u32 @!p1 $0x186A00, s13;
	_ =	sdelay $0x1  }
0x25: {  	s31 =	sadd.s32 $0xFFFFFFFF, s10;
	s14 =	sxor.u32 @!p1 $0xFFFFFFFF, s10;
	s12 =	ssub.s32 @!p1 s12, s13  }
0x26: {  	s15 =	simm.s32 @!p1 $0x80;
	s14 =	sshll.u32 @!p1 s14, $0xC;
	s12 =	sshll.u32 @!p1 s12, $0x4  }
0x27: {  	s13 =	sand.u32 @!p1 $0x1000, s14;
	s14 =	simm.s32 @!p1 $0x20;
	s12 =	sadd.s32 @!p1 s4, s12  }
0x28: {  	[tilespmem:s13], [sflag:$0x1] =	stream.strided.gather @!p1 [hbm4b:s12+s14], $0x1000, s15, s14, $0x38;
	[tilespmem:$0x4040] =	vst v63  }
0x29: {  	p1 =	sge.u32 s31, s6  }
.Ltmp2:
0x2a: {  	_ = 	snop;
	(pc) =	sbr.rel @p1 .LBB1_5-.Ltmp2, $1  }
0x2b: {  	_ =	sdelay $0x3  }
0x2c: {  	s12 =	simm.s32 $0x1  }
0x2d: {  	_ =	swait.ge [sflag:s5], $0x1000;
	s12 =	simm.s32 @!p0 $0x0  }
0x2e: {  	[sflag:s5] =	ssyncset.done $0x0;
	s13 =	sshll.u32 s12, $0xC  }
0x2f: {  	[sflag:s5] =	ssyncadd.s32 $0xFFFFF000;
	s16 =	sor.u32 $0x10, s13  }
0x30: {  	s12 =	smul.u32 $0x4080, s12;
	v1 =	vld [tilespmem:s16+$0x0]  }
0x31: {  	s30 =	sand.u32 $0x1, s10;
	v0 =	vld [tilespmem:s16+$0xFFFFFFF0]  }
0x32: {  	s13 =	smul.u32 $0x4080, s30;
	s12 =	sshrl.u32 s12, $0x2  }
0x33: {  	s14 =	sor.u32 $0x2000, s12  }
0x34: {  	s31 =	sshrl.u32 s13, $0x2;
	s13 =	sadd.s32 $0x0, s14  }
0x35: {  	s15 =	simm.s32 $0x4;
	s16 =	sadd.s32 $0x20, s16;
	s12 =	sor.u32 $0x2000, s31;
	[tilespmem:s13+$0x810 ss:$0x81] =	vst.msk $0xffff, v1  }
.LBB1_3:
0x36: {  	v1 =	vld [tilespmem:s16+$0x0];
	p1 =	sne.s32 s15, $0x1FC;
	[tilespmem:s13+$0x0 ss:$0x81] =	vst.msk $0xffff, v0;
	s13 =	smov.u32 s15;
	s15 =	sadd.s32 $0x4, s15  }
.Ltmp3:
0x37: {  	v0 =	vld [tilespmem:s16+$0xFFFFFFF0];
	(pc) =	sbr.rel @p1 .LBB1_3-.Ltmp3, $4  }
0x38: {  	_ = 	snop  }
0x39: {  	s13 =	sshra.s32 s13, $0x2  }
0x3a: {  	s13 =	sadd.s32 s13, s14  }
0x3b: {  	s16 =	sadd.s32 $0x20, s16;
	[tilespmem:s13+$0x810 ss:$0x81] =	vst.msk $0xffff, v1  }
.Ltmp4:
0x3c: {  	_ = 	snop;
	(pc) =	sbr.rel .LBB1_4-.Ltmp4, $1  }
0x3d: {  	_ =	sdelay $0x3  }
.LBB1_6:
0x3e: {  	_ =	sfence.sel $0x180000  }
0x3f: {  	s2 =	simm.s32 $0x1;
	[bflag:$0x0] =	sbarrier.arrive $0xFFFF  }
0x40: {  	s31 =	simm.s32 $0x2;
	[sflag:s2] =	ssyncpa.u1 $0x1  }
0x41: {  	[sflag:s31] =	ssyncpa.u1 $0x1  }
0x42: {  	p0 =	sne.s32 s0, $0x0;
	_ =	strace $0x9000004D  }
0x43: {  	s0 =	sadd.s32 @!p0 $0x100000, s1;
	[bflag:$0x2] =	sbarrier.arrive $0xFFFF  }
0x44: {  	[sflag:s0] =	ssyncadd.tile.s32 @!p0 $0x1;
	_ =	shalt  }
.Lfunc_end1:
_tile_overlayer_lowered:
.L_overlay_start_2:
0x45: {  	(tag) =	ssettag $0x2  }
0x46: {  	s0 =	rddreg [dreg:$0x0];
	s2 =	stileid.u32  }
0x47: {  	s1 =	rddreg [dreg:$0x1];
	p0 =	sne.s32 s2, $0x0  }
0x48: {  	s3 =	rddreg [dreg:$0x2];
	[bflag:$0x3] =	sbarrier.arrive $0xFFFF;
	s2 =	simm.s32 @!p0 $0x1C01  }
0x49: {  	[timem:s3], [sflag:s2] =	dma.local @!p0 [hbm:s0], s1  }
0x4a: {  	s0 =	simm.s32 @!p0 $0x1  }
0x4b: {  	_ =	swait.ge @!p0 [sflag:s0], s1  }
0x4c: {  	s1 =	ssub.s32 @!p0 $0x0, s1;
	[sflag:s0] =	ssyncset.done @!p0 $0x0  }
0x4d: {  	[sflag:s0] =	ssyncadd.s32 @!p0 s1  }
0x4e: {  	[bflag:$0x3] =	sbarrier.arrive $0xFFFF  }
0x4f: {  	_ =	shalt  }

</sc_bundles>
